<compile_context>
chip_gen: v7x
topology: tpu7x:2x2x1
jax: 0.10.2.dev20260603
libtpu: 0.0.44.dev20260713+nightly
codegen_flags: <defaults>
</compile_context>

<pallas_src>
import functools

import jax
import jax.numpy as jnp
import numpy as np
from jax import lax
from jax.experimental import pallas as pl
from jax.experimental.pallas import tpu as pltpu
from jax.experimental.pallas import tpu_sc as plsc

N = 10000
E = 160000
FEAT = 128
HID = 128
RATIO = 0.5

NW = 32
EP = 163840
EPW = EP // NW
DEGB = 10240

def _sc_mesh():
    return plsc.VectorSubcoreMesh(core_axis_name="c", subcore_axis_name="s")


def _sc_wid():
    return lax.axis_index("c") * 16 + lax.axis_index("s")


def _deg_sc_kernel(dst_hbm, out_hbm, dstv, onesv, zbuf, degsh):
    c = lax.axis_index("c")
    s = lax.axis_index("s")
    wid = c * 16 + s

    def zfill(i, _):
        zbuf[pl.ds(i * 16, 16)] = jnp.zeros((16,), jnp.float32)
        return 0
    lax.fori_loop(0, zbuf.shape[0] // 16, zfill, 0)

    def ofill(i, _):
        onesv[pl.ds(i * 16, 16)] = jnp.ones((16,), jnp.float32)
        return 0
    lax.fori_loop(0, EPW // 16, ofill, 0)

    sl = DEGB // 16
    pltpu.sync_copy(zbuf, degsh.at[pl.ds(s * sl, sl)])
    pltpu.sync_copy(dst_hbm.at[wid], dstv)
    plsc.subcore_barrier()
    pltpu.sync_copy(onesv, degsh.at[dstv], add=True)
    plsc.subcore_barrier()
    pltpu.sync_copy(degsh.at[pl.ds(s * sl, sl)], out_hbm.at[c, pl.ds(s * sl, sl)])


def _deg_partials(dst_pad):
    k = pl.kernel(
        _deg_sc_kernel,
        out_type=jax.ShapeDtypeStruct((2, DEGB), jnp.float32),
        mesh=_sc_mesh(),
        scratch_types=[
            pltpu.VMEM((EPW,), jnp.int32),
            pltpu.VMEM((EPW,), jnp.float32),
            pltpu.VMEM((DEGB // 16,), jnp.float32),
            pltpu.VMEM_SHARED((DEGB,), jnp.float32),
        ],
    )
    return k(dst_pad.reshape(NW, EPW))


def _eprod_sc_kernel(src_hbm, dst_hbm, tab_hbm, out_hbm, sv, dv, av, bv, ov,
                     tabsh):
    wid = _sc_wid()
    s = lax.axis_index("s")
    sl = DEGB // 16
    pltpu.sync_copy(tab_hbm.at[pl.ds(s * sl, sl)], tabsh.at[pl.ds(s * sl, sl)])
    pltpu.sync_copy(src_hbm.at[wid], sv)
    pltpu.sync_copy(dst_hbm.at[wid], dv)
    plsc.subcore_barrier()
    pltpu.sync_copy(tabsh.at[sv], av)
    pltpu.sync_copy(tabsh.at[dv], bv)

    def body(i, _):
        sl = pl.ds(i * 16, 16)
        ov[sl] = av[sl] * bv[sl]
        return 0
    lax.fori_loop(0, EPW // 16, body, 0)
    pltpu.sync_copy(ov, out_hbm.at[wid])


def _edge_products(src_pad, dst_pad, table):
    k = pl.kernel(
        _eprod_sc_kernel,
        out_type=jax.ShapeDtypeStruct((NW, EPW), jnp.float32),
        mesh=_sc_mesh(),
        scratch_types=[
            pltpu.VMEM((EPW,), jnp.int32),
            pltpu.VMEM((EPW,), jnp.int32),
            pltpu.VMEM((EPW,), jnp.float32),
            pltpu.VMEM((EPW,), jnp.float32),
            pltpu.VMEM((EPW,), jnp.float32),
            pltpu.VMEM_SHARED((DEGB,), jnp.float32),
        ],
    )
    return k(src_pad.reshape(NW, EPW), dst_pad.reshape(NW, EPW), table)


def _permvals_sc_kernel(rank_hbm, s_hbm, nid_hbm, perm_hbm, vals_hbm,
                        rv, sv, nv, iv):
    wid = _sc_wid()
    kslots = perm_hbm.shape[0] - 120
    pltpu.sync_copy(rank_hbm.at[wid], rv)
    pltpu.sync_copy(s_hbm.at[wid], sv)
    pltpu.sync_copy(nid_hbm.at[wid], nv)

    def body(i, _):
        sl = pl.ds(i * 16, 16)
        r = rv[sl]
        nid = nv[sl]
        idx = jnp.where(r < kslots, r, kslots + lax.rem(nid, 120))
        rv[sl] = idx
        return 0
    lax.fori_loop(0, rv.shape[0] // 16, body, 0)
    pltpu.sync_copy(nv, perm_hbm.at[rv])
    pltpu.sync_copy(sv, vals_hbm.at[rv])


def _perm_and_vals(rank, s, k):
    chunk = DEGB // NW
    rank_p = jnp.concatenate(
        [rank, jnp.full((DEGB - rank.shape[0],), 2 * DEGB, jnp.int32)])
    s_p = jnp.concatenate(
        [s, jnp.zeros((DEGB - s.shape[0],), jnp.float32)])
    nid = jnp.arange(DEGB, dtype=jnp.int32)
    kp = pl.kernel(
        _permvals_sc_kernel,
        out_type=(jax.ShapeDtypeStruct((k + 120,), jnp.int32),
                  jax.ShapeDtypeStruct((k + 120,), jnp.float32)),
        mesh=_sc_mesh(),
        scratch_types=[
            pltpu.VMEM((chunk,), jnp.int32),
            pltpu.VMEM((chunk,), jnp.float32),
            pltpu.VMEM((chunk,), jnp.int32),
            pltpu.VMEM((chunk,), jnp.int32),
        ],
    )
    perm_p, vals_p = kp(rank_p.reshape(NW, chunk), s_p.reshape(NW, chunk),
                        nid.reshape(NW, chunk))
    return perm_p[:k], vals_p[:k]


def _relabel_sc_kernel(src_hbm, dst_hbm, keptm_hbm, m0z_hbm,
                       w1_hbm, src1_hbm, dst1_hbm, degout_hbm,
                       sv, dv, ks, kd, ms, md, wv, zbuf, degsh, keptsh, mzsh):
    c = lax.axis_index("c")
    s = lax.axis_index("s")
    wid = c * 16 + s

    def zfill(i, _):
        zbuf[pl.ds(i * 16, 16)] = jnp.zeros((16,), jnp.float32)
        return 0
    lax.fori_loop(0, zbuf.shape[0] // 16, zfill, 0)
    sl = DEGB // 16
    pltpu.sync_copy(zbuf, degsh.at[pl.ds(s * sl, sl)])
    pltpu.sync_copy(keptm_hbm.at[pl.ds(s * sl, sl)],
                    keptsh.at[pl.ds(s * sl, sl)])
    pltpu.sync_copy(m0z_hbm.at[pl.ds(s * sl, sl)], mzsh.at[pl.ds(s * sl, sl)])

    pltpu.sync_copy(src_hbm.at[wid], sv)
    pltpu.sync_copy(dst_hbm.at[wid], dv)
    plsc.subcore_barrier()
    pltpu.sync_copy(keptsh.at[sv], ks)
    pltpu.sync_copy(keptsh.at[dv], kd)
    pltpu.sync_copy(mzsh.at[sv], ms)
    pltpu.sync_copy(mzsh.at[dv], md)

    def body(i, _):
        q = pl.ds(i * 16, 16)
        wv[q] = ks[q] * kd[q]
        return 0
    lax.fori_loop(0, EPW // 16, body, 0)
    plsc.subcore_barrier()
    pltpu.sync_copy(wv, degsh.at[md], add=True)
    pltpu.sync_copy(wv, w1_hbm.at[wid])
    pltpu.sync_copy(ms, src1_hbm.at[wid])
    pltpu.sync_copy(md, dst1_hbm.at[wid])
    plsc.subcore_barrier()
    pltpu.sync_copy(degsh.at[pl.ds(s * sl, sl)], degout_hbm.at[c, pl.ds(s * sl, sl)])


def _relabel_edges(src_pad, dst_pad, keptm_ext, m0z_ext):
    k = pl.kernel(
        _relabel_sc_kernel,
        out_type=(jax.ShapeDtypeStruct((NW, EPW), jnp.float32),
                  jax.ShapeDtypeStruct((NW, EPW), jnp.int32),
                  jax.ShapeDtypeStruct((NW, EPW), jnp.int32),
                  jax.ShapeDtypeStruct((2, DEGB), jnp.float32)),
        mesh=_sc_mesh(),
        scratch_types=[
            pltpu.VMEM((EPW,), jnp.int32),
            pltpu.VMEM((EPW,), jnp.int32),
            pltpu.VMEM((EPW,), jnp.float32),
            pltpu.VMEM((EPW,), jnp.float32),
            pltpu.VMEM((EPW,), jnp.int32),
            pltpu.VMEM((EPW,), jnp.int32),
            pltpu.VMEM((EPW,), jnp.float32),
            pltpu.VMEM((DEGB // 16,), jnp.float32),
            pltpu.VMEM_SHARED((DEGB,), jnp.float32),
            pltpu.VMEM_SHARED((DEGB,), jnp.float32),
            pltpu.VMEM_SHARED((DEGB,), jnp.int32),
        ],
    )
    return k(src_pad.reshape(NW, EPW), dst_pad.reshape(NW, EPW),
             keptm_ext, m0z_ext)


def _gather_rows_sc_kernel(tab_hbm, idx_hbm, out_hbm, iv, rows, sem):
    wid = _sc_wid()
    chunk = iv.shape[0]
    pltpu.sync_copy(idx_hbm.at[wid], iv)
    pltpu.async_copy(tab_hbm.at[iv], rows, sem).wait()
    pltpu.sync_copy(rows, out_hbm.at[pl.ds(wid * chunk, chunk)])


def _gather_rows(tab, idx_ext):
    chunk = idx_ext.shape[0] // NW
    k = pl.kernel(
        _gather_rows_sc_kernel,
        out_type=jax.ShapeDtypeStruct((idx_ext.shape[0], HID), jnp.float32),
        mesh=_sc_mesh(),
        scratch_types=[
            pltpu.VMEM((chunk,), jnp.int32),
            pltpu.VMEM((chunk, HID), jnp.float32),
            pltpu.SemaphoreType.DMA,
        ],
    )
    return k(tab, idx_ext.reshape(NW, chunk))


def _rowagg_sc_kernel(h_hbm, src_hbm, dst_hbm, out_hbm,
                      srcv, dstv, rows, zbuf, accsh):
    c = lax.axis_index("c")
    s = lax.axis_index("s")
    wid = c * 16 + s

    def zfill(i, _):
        zbuf[i // 8, pl.ds((i % 8) * 16, 16)] = jnp.zeros((16,), jnp.float32)
        return 0
    lax.fori_loop(0, 16 * 8, zfill, 0)

    def zcopy(i, _):
        pltpu.sync_copy(zbuf, accsh.at[pl.ds(s * 640 + i * 16, 16)])
        return 0
    lax.fori_loop(0, 40, zcopy, 0)

    pltpu.sync_copy(src_hbm.at[wid], srcv)
    pltpu.sync_copy(dst_hbm.at[wid], dstv)
    plsc.subcore_barrier()

    def chunk(i, _):
        pltpu.sync_copy(h_hbm.at[srcv.at[i]], rows)
        pltpu.sync_copy(rows, accsh.at[dstv.at[i]], add=True)
        return 0
    lax.fori_loop(0, srcv.shape[0], chunk, 0)
    plsc.subcore_barrier()
    pltpu.sync_copy(accsh.at[pl.ds(s * 640, 640)],
                    out_hbm.at[c, pl.ds(s * 640, 640)])


def _row_scatter_sum(h_ext, src_pad, dst_pad):
    nchunk, csz = 40, 128
    k = pl.kernel(
        _rowagg_sc_kernel,
        out_type=jax.ShapeDtypeStruct((2, DEGB, HID), jnp.float32),
        mesh=_sc_mesh(),
        scratch_types=[
            pltpu.VMEM((nchunk, csz), jnp.int32),
            pltpu.VMEM((nchunk, csz), jnp.int32),
            pltpu.VMEM((csz, HID), jnp.float32),
            pltpu.VMEM((16, HID), jnp.float32),
            pltpu.VMEM_SHARED((DEGB, HID), jnp.float32),
        ],
    )
    return k(h_ext, src_pad.reshape(NW, nchunk, csz),
             dst_pad.reshape(NW, nchunk, csz))


def _merge_kernel(e1_ref, e2u_ref, wl_ref, invs_ref, alpha_ref,
                  h2p_ref, lp_ref):
    a0 = alpha_ref[0]
    a1 = alpha_ref[1]
    e1b = e1_ref[...]
    emb = a0 * e1b + a1 * e2u_ref[...]
    lp_ref[...] = jnp.sum(1.0 + e1b - emb * emb - jnp.exp(e1b), axis=0,
                          keepdims=True).reshape(1, 1, HID)
    h2 = jnp.dot(emb, wl_ref[...], preferred_element_type=jnp.float32)
    h2p_ref[...] = h2 * invs_ref[0, 0, :].reshape(e1b.shape[0], 1)


def _merge_scale(e1, e2_up, Wl, invs, alpha, blk=400):
    grid = N // blk
    h2p, lp = pl.pallas_call(
        _merge_kernel,
        grid=(grid,),
        in_specs=[pl.BlockSpec((blk, HID), lambda i: (i, 0)),
                  pl.BlockSpec((blk, HID), lambda i: (i, 0)),
                  pl.BlockSpec((HID, HID), lambda i: (0, 0)),
                  pl.BlockSpec((1, 1, blk), lambda i: (i, 0, 0)),
                  pl.BlockSpec(memory_space=pltpu.SMEM)],
        out_specs=[pl.BlockSpec((blk, HID), lambda i: (i, 0)),
                   pl.BlockSpec((1, 1, HID), lambda i: (i, 0, 0))],
        out_shape=[jax.ShapeDtypeStruct((N, HID), jnp.float32),
                   jax.ShapeDtypeStruct((grid, 1, HID), jnp.float32)],
    )(e1, e2_up, Wl, invs.reshape(grid, 1, blk), alpha)
    return h2p, lp


def _finalize_kernel(pa_ref, pb_ref, invs_ref, bl_ref, o_ref):
    blk = o_ref.shape[0]
    v = ((pa_ref[...] + pb_ref[...]) * invs_ref[0, 0, :].reshape(blk, 1)
         + bl_ref[...])
    n = jnp.sqrt(jnp.sum(v * v, axis=1, keepdims=True))
    o_ref[...] = v / jnp.maximum(n, 1e-12)


def _finalize(pa, pb, invs, bl, blk=400):
    grid = N // blk
    return pl.pallas_call(
        _finalize_kernel,
        grid=(grid,),
        in_specs=[pl.BlockSpec((blk, HID), lambda i: (i, 0)),
                  pl.BlockSpec((blk, HID), lambda i: (i, 0)),
                  pl.BlockSpec((1, 1, blk), lambda i: (i, 0, 0)),
                  pl.BlockSpec((1, HID), lambda i: (0, 0))],
        out_specs=pl.BlockSpec((blk, HID), lambda i: (i, 0)),
        out_shape=jax.ShapeDtypeStruct((N, HID), jnp.float32),
    )(pa, pb, invs.reshape(grid, 1, blk), bl.reshape(1, HID))


def _normalize(x, axis=-1, eps=1e-12):
    n = jnp.linalg.norm(x, axis=axis, keepdims=True)
    return x / jnp.maximum(n, eps)


def _rank_kernel(sfull_ref, srow_ref, o_ref):
    i = pl.program_id(0)
    s_r = srow_ref[0, 0, :].reshape(128, 1)
    rowid = i * 128 + lax.broadcasted_iota(jnp.int32, (128, 1), 0)
    npts = sfull_ref.shape[1]
    acc = jnp.zeros((128, 1), jnp.float32)
    for c in range(npts // 1280):
        sc = sfull_ref[0, c * 1280:(c + 1) * 1280].reshape(1, 1280)
        colid = c * 1280 + lax.broadcasted_iota(jnp.int32, (128, 1280), 1)
        gt = (sc > s_r).astype(jnp.float32)
        eq = jnp.logical_and(sc == s_r, colid < rowid).astype(jnp.float32)
        acc = acc + jnp.sum(gt + eq, axis=1, keepdims=True)
    o_ref[...] = acc.reshape(1, 1, 128)


def _rank_all(s, npad):
    s_pad = jnp.concatenate([s, jnp.full((npad - s.shape[0],), -1.0, jnp.float32)])
    nr = npad // 128
    out = pl.pallas_call(
        _rank_kernel,
        grid=(nr,),
        in_specs=[pl.BlockSpec((1, npad), lambda i: (0, 0)),
                  pl.BlockSpec((1, 1, 128), lambda i: (i, 0, 0))],
        out_specs=pl.BlockSpec((1, 1, 128), lambda i: (i, 0, 0)),
        out_shape=jax.ShapeDtypeStruct((nr, 1, 128), jnp.float32),
    )(s_pad.reshape(1, npad), s_pad.reshape(nr, 1, 128))
    return out.reshape(npad)[:s.shape[0]].astype(jnp.int32)


def _onehot_rows_kernel(m_ref, o_ref):
    blk_r, width = o_ref.shape
    m = m_ref[0, 0, :]
    cols = jax.lax.broadcasted_iota(jnp.int32, (blk_r, width), 1)
    o_ref[...] = (cols == m[:, None]).astype(jnp.float32)


def _emit_onehot(m, n_rows, n_cols, blk_r):
    grid = n_rows // blk_r
    return pl.pallas_call(
        _onehot_rows_kernel,
        grid=(grid,),
        in_specs=[pl.BlockSpec((1, 1, blk_r), lambda i: (i, 0, 0))],
        out_specs=pl.BlockSpec((blk_r, n_cols), lambda i: (i, 0)),
        out_shape=jax.ShapeDtypeStruct((n_rows, n_cols), jnp.float32),
    )(m.reshape(grid, 1, blk_r))


def kernel(x, edge_index, batch, epoch_id, W0, b0, W1, b1, p0, p1, gate, Wl, bl):
    src = jnp.concatenate([edge_index[0], jnp.array([N - 1], dtype=edge_index.dtype)])
    dst = jnp.concatenate([edge_index[1], jnp.array([N - 1], dtype=edge_index.dtype)])
    w = jnp.ones((src.shape[0],), jnp.float32)

    npad = EP - src.shape[0]
    padbins = (N + (jnp.arange(npad, dtype=jnp.int32) % 240)).astype(jnp.int32)
    src_pad = jnp.concatenate([src, padbins])
    dst_pad = jnp.concatenate([dst, padbins])

    degp = _deg_partials(dst_pad)
    deg0 = jnp.clip(degp[0, :N] + degp[1, :N], 1.0, None)
    deg0_ext = jnp.concatenate([deg0, jnp.ones((DEGB - N,), jnp.float32)])
    prod0 = _edge_products(src_pad, dst_pad, deg0_ext).reshape(EP)[:src.shape[0]]
    norm0 = w / jnp.sqrt(prod0)

    h0 = x @ W0
    agg0 = jax.ops.segment_sum(h0[src] * norm0[:, None], dst, num_segments=N)
    e1 = jax.nn.relu(agg0 + b0)

    k0, k1 = 5000, 2500
    score0 = jax.nn.sigmoid(e1 @ p0)
    rank0 = _rank_all(score0, DEGB)
    perm0, vals0 = _perm_and_vals(rank0, score0, k0)
    x1 = e1[perm0] * vals0[:, None]
    x1 = _normalize(x1, axis=1)
    x1 = x1 / jnp.clip(x1.sum(1, keepdims=True), 1.0, None)

    keptm = (rank0 < k0).astype(jnp.float32)
    m0z = jnp.where(rank0 < k0, rank0, 0).astype(jnp.int32)
    keptm_ext = jnp.concatenate([keptm, jnp.zeros((DEGB - N,), jnp.float32)])
    m0z_ext = jnp.concatenate(
        [m0z, jnp.full((DEGB - N,), k0 + 1, jnp.int32)])
    w1p, src1p, dst1p, deg1p = _relabel_edges(src_pad, dst_pad, keptm_ext,
                                              m0z_ext)
    ne = src.shape[0]
    w1 = w1p.reshape(EP)[:ne]
    src1 = src1p.reshape(EP)[:ne]
    dst1 = dst1p.reshape(EP)[:ne]
    deg1 = jnp.clip(deg1p[0, :k0] + deg1p[1, :k0], 1.0, None)
    deg1_ext = jnp.concatenate([deg1, jnp.ones((DEGB - k0,), jnp.float32)])
    prod1 = _edge_products(src1p.reshape(EP), dst1p.reshape(EP),
                           deg1_ext).reshape(EP)[:ne]
    norm1 = w1 / jnp.sqrt(prod1)

    h1 = x1 @ W1
    agg1 = jax.ops.segment_sum(h1[src1] * norm1[:, None], dst1,
                               num_segments=k0)
    e2 = jax.nn.relu(agg1 + b1)

    score1 = jax.nn.sigmoid(e2 @ p1)
    rank1 = _rank_all(score1, 5120)

    m0 = jnp.where(rank0 < k0, rank0, -1).astype(jnp.int32)
    rec0 = _emit_onehot(m0, N, k0, 200)
    m1 = jnp.where(rank1 < k1, rank1, -1).astype(jnp.int32)
    rec1 = _emit_onehot(m1, k0, k1, 200)

    e2z = jnp.concatenate([e2, jnp.zeros((8, HID), jnp.float32)], axis=0)
    nid = jnp.arange(DEGB, dtype=jnp.int32)
    m0g_ext = jnp.where(
        jnp.concatenate([rank0, jnp.full((DEGB - N,), 2 * DEGB, jnp.int32)])
        < k0,
        jnp.concatenate([rank0, jnp.zeros((DEGB - N,), jnp.int32)]),
        k0 + (nid & 7))
    e2_up = _gather_rows(e2z, m0g_ext)[:N]

    alpha = jax.nn.softmax(gate)
    invs = 1.0 / jnp.sqrt(deg0)
    h2p, lp = _merge_scale(e1, e2_up, Wl, invs, alpha)
    loss_kl = -0.5 * (jnp.sum(lp) / N)
    h2p_ext = jnp.concatenate(
        [h2p, jnp.zeros((DEGB - N, HID), jnp.float32)], axis=0)
    aggp = _row_scatter_sum(h2p_ext, src_pad, dst_pad)
    out = _finalize(aggp[0, :N], aggp[1, :N], invs, bl)
    return out, loss_kl, rec0, rec1, alpha

# --- scband reference (transcript-rebuilt; emitter-appended) ---
"""Pipeline reference for scband-ahgnn-79714593014137 (READ-ONLY COPY).

The authoritative reference and input builder live on the scoring server;
editing this copy changes nothing except your own understanding.
"""

import jax, jax.numpy as jnp
import numpy as np

N = 10000
E = 160000
FEAT = 128
HID = 128
RATIO = 0.5


def _normalize(x, axis=-1, eps=1e-12):
    n = jnp.linalg.norm(x, axis=axis, keepdims=True)
    return x / jnp.maximum(n, eps)


def _gcn(x, W, b, src, dst, w, n):
    h = x @ W
    deg = jax.ops.segment_sum(w, dst, num_segments=n)
    deg = jnp.clip(deg, 1.0, None)
    norm = w / jnp.sqrt(deg[src] * deg[dst])
    agg = jax.ops.segment_sum(h[src] * norm[:, None], dst, num_segments=n)
    return agg + b


def _pool(emb, src, dst, w, p, n, ratio):
    score = jax.nn.sigmoid(emb @ p)
    k = int(np.ceil(ratio * n))
    vals, perm = jax.lax.top_k(score, k)
    x_pool = emb[perm] * vals[:, None]
    kept = jnp.zeros((n,), jnp.float32).at[perm].set(1.0)
    mapping = jnp.zeros((n,), jnp.int32).at[perm].set(jnp.arange(k, dtype=jnp.int32))
    new_w = w * kept[src] * kept[dst]
    new_src = mapping[src]
    new_dst = mapping[dst]
    recover = jnp.zeros((n, k), jnp.float32).at[perm, jnp.arange(k)].set(1.0)
    return x_pool, new_src, new_dst, new_w, recover, k


def setup_inputs(seed: int = 0):
    key = jax.random.key(seed)
    ks = jax.random.split(key, 12)
    x = jax.random.normal(ks[0], (N, FEAT), jnp.float32)
    edge_index = jax.random.randint(ks[1], (2, E), 0, N, dtype=jnp.int32)
    batch = jnp.zeros((N,), jnp.int32)
    s = 1.0 / np.sqrt(HID)
    W0 = jax.random.normal(ks[2], (FEAT, HID), jnp.float32) * s
    b0 = jnp.zeros((HID,), jnp.float32)
    W1 = jax.random.normal(ks[3], (HID, HID), jnp.float32) * s
    b1 = jnp.zeros((HID,), jnp.float32)
    p0 = jax.random.normal(ks[4], (HID,), jnp.float32) * s
    p1 = jax.random.normal(ks[5], (HID,), jnp.float32) * s
    gate = jax.random.normal(ks[6], (2,), jnp.float32)
    Wl = jax.random.normal(ks[7], (HID, HID), jnp.float32) * s
    bl = jnp.zeros((HID,), jnp.float32)
    return {"x": x, "edge_index": edge_index, "batch": batch, "epoch_id": 0,
            "W0": W0, "b0": b0, "W1": W1, "b1": b1, "p0": p0, "p1": p1,
            "gate": gate, "Wl": Wl, "bl": bl}


def reference(x, edge_index, batch, epoch_id, W0, b0, W1, b1, p0, p1, gate, Wl, bl):
    # torch code appends a self-loop on the last node (condition always true here)
    src = jnp.concatenate([edge_index[0], jnp.array([N - 1], dtype=edge_index.dtype)])
    dst = jnp.concatenate([edge_index[1], jnp.array([N - 1], dtype=edge_index.dtype)])
    w = jnp.ones((src.shape[0],), jnp.float32)
    # level 0 encoder
    e1 = jax.nn.relu(_gcn(x, W0, b0, src, dst, w, N))
    emb_gnn = e1
    # level 0 adaptive pooling
    x1, src1, dst1, w1, rec0, k0 = _pool(e1, src, dst, w, p0, N, RATIO)
    x1 = _normalize(x1, axis=1)
    x1 = x1 / jnp.clip(x1.sum(1, keepdims=True), 1.0, None)
    # level 1 encoder
    e2 = jax.nn.relu(_gcn(x1, W1, b1, src1, dst1, w1, k0))
    # level 1 pooling (performed as in the original loop, outputs unused downstream)
    x2, src2, dst2, w2, rec1, k1 = _pool(e2, src1, dst1, w1, p1, k0, RATIO)
    x2 = _normalize(x2, axis=1)
    x2 = x2 / jnp.clip(x2.sum(1, keepdims=True), 1.0, None)
    # recover level-1 embedding to original node space (torch.mm(recover, embedding))
    e2_up = jnp.matmul(rec0, e2)
    # merge levels (Merge_xs): learned softmax gates over levels
    alpha = jax.nn.softmax(gate)
    emb = alpha[0] * e1 + alpha[1] * e2_up
    # kl_loss(mu=emb, logvar=emb_gnn)
    loss_kl = -0.5 * jnp.mean(jnp.sum(1.0 + emb_gnn - emb ** 2 - jnp.exp(emb_gnn), axis=1))
    # last GCN on original graph
    emb2 = _gcn(emb, Wl, bl, src, dst, w, N)
    out = _normalize(emb2, axis=-1)
    return out, loss_kl, rec0, rec1, alpha

if __name__ == "__main__":
    import jax
    _d = setup_inputs()
    print(jax.jit(kernel)(*tuple(_d.values())))

</pallas_src>

<mosaic_0001>
#map = affine_map<(d0, d1) -> (0, 0)>
#map1 = affine_map<(d0, d1) -> (0)>
module attributes {stable_mosaic.version = 14 : i64} {
  func.func @_permvals_sc_kernel(%arg0: i32, %arg1: i32, %arg2: memref<32x320xi32, #tpu.memory_space<hbm>>, %arg3: memref<32x320xf32, #tpu.memory_space<hbm>>, %arg4: memref<32x320xi32, #tpu.memory_space<hbm>>, %arg5: memref<5120xi32, #tpu.memory_space<hbm>>, %arg6: memref<5120xf32, #tpu.memory_space<hbm>>, %arg7: memref<320xi32, #tpu.memory_space<vmem>>, %arg8: memref<320xf32, #tpu.memory_space<vmem>>, %arg9: memref<320xi32, #tpu.memory_space<vmem>>, %arg10: memref<320xi32, #tpu.memory_space<vmem>>) attributes {dimension_semantics = [#tpu.dimension_semantics<core_parallel>, #tpu.dimension_semantics<subcore_parallel>], iteration_bounds = array<i64: 2, 16>, scalar_prefetch = 0 : i64, scratch_operands = 4 : i64, tpu.core_type = #tpu.core_type<sc_vector_subcore>, window_params = [{transform_indices = #map}, {transform_indices = #map}, {transform_indices = #map}, {transform_indices = #map1}, {transform_indices = #map1}]} {
    %mul3A = arith.constant 16 : i32
    %mul3A_0 = arith.muli %arg0, %mul3A : i32
    %add3A = arith.addi %mul3A_0, %arg1 : i32
    "tpu.region"() ({
      %run_scoped3A = tpu.sem_alloc : memref<!tpu.dma_semaphore, #tpu.memory_space<semaphore_mem>>
      %dma_start3A = arith.constant 0 : i32
      %dma_start3A_7 = tpu.memref_slice %arg2[%add3A, %dma_start3A] : memref<32x320xi32, #tpu.memory_space<hbm>> -> memref<1x320xi32, #tpu.memory_space<hbm>>
      %dma_start3A_8 = tpu.memref_squeeze %dma_start3A_7 : memref<1x320xi32, #tpu.memory_space<hbm>> -> memref<320xi32, #tpu.memory_space<hbm>>
      %dma_start3A_9 = arith.constant 0 : i32
      %dma_start3A_10 = tpu.memref_slice %arg2[%add3A, %dma_start3A_9] : memref<32x320xi32, #tpu.memory_space<hbm>> -> memref<1x320xi32, #tpu.memory_space<hbm>>
      %dma_start3A_11 = tpu.memref_squeeze %dma_start3A_10 : memref<1x320xi32, #tpu.memory_space<hbm>> -> memref<320xi32, #tpu.memory_space<hbm>>
      tpu.enqueue_dma source(%dma_start3A_11 : memref<320xi32, #tpu.memory_space<hbm>>) target(%arg7 : memref<320xi32, #tpu.memory_space<vmem>>) target_semaphore(%run_scoped3A : memref<!tpu.dma_semaphore, #tpu.memory_space<semaphore_mem>>)
      %dma_wait3A = arith.constant 0 : i32
      %dma_wait3A_12 = tpu.memref_slice %arg2[%add3A, %dma_wait3A] : memref<32x320xi32, #tpu.memory_space<hbm>> -> memref<1x320xi32, #tpu.memory_space<hbm>>
      %dma_wait3A_13 = tpu.memref_squeeze %dma_wait3A_12 : memref<1x320xi32, #tpu.memory_space<hbm>> -> memref<320xi32, #tpu.memory_space<hbm>>
      %dma_wait3A_14 = arith.constant 0 : i32
      %dma_wait3A_15 = tpu.memref_slice %arg2[%add3A, %dma_wait3A_14] : memref<32x320xi32, #tpu.memory_space<hbm>> -> memref<1x320xi32, #tpu.memory_space<hbm>>
      %dma_wait3A_16 = tpu.memref_squeeze %dma_wait3A_15 : memref<1x320xi32, #tpu.memory_space<hbm>> -> memref<320xi32, #tpu.memory_space<hbm>>
      tpu.wait_dma2 semaphore(%run_scoped3A : memref<!tpu.dma_semaphore, #tpu.memory_space<semaphore_mem>>) src(%dma_wait3A_16 : memref<320xi32, #tpu.memory_space<hbm>>) dst(%arg7 : memref<320xi32, #tpu.memory_space<vmem>>)
      tpu.yield
    }) : () -> ()
    "tpu.region"() ({
      %run_scoped3A = tpu.sem_alloc : memref<!tpu.dma_semaphore, #tpu.memory_space<semaphore_mem>>
      %dma_start3A = arith.constant 0 : i32
      %dma_start3A_7 = tpu.memref_slice %arg3[%add3A, %dma_start3A] : memref<32x320xf32, #tpu.memory_space<hbm>> -> memref<1x320xf32, #tpu.memory_space<hbm>>
      %dma_start3A_8 = tpu.memref_squeeze %dma_start3A_7 : memref<1x320xf32, #tpu.memory_space<hbm>> -> memref<320xf32, #tpu.memory_space<hbm>>
      %dma_start3A_9 = arith.constant 0 : i32
      %dma_start3A_10 = tpu.memref_slice %arg3[%add3A, %dma_start3A_9] : memref<32x320xf32, #tpu.memory_space<hbm>> -> memref<1x320xf32, #tpu.memory_space<hbm>>
      %dma_start3A_11 = tpu.memref_squeeze %dma_start3A_10 : memref<1x320xf32, #tpu.memory_space<hbm>> -> memref<320xf32, #tpu.memory_space<hbm>>
      tpu.enqueue_dma source(%dma_start3A_11 : memref<320xf32, #tpu.memory_space<hbm>>) target(%arg8 : memref<320xf32, #tpu.memory_space<vmem>>) target_semaphore(%run_scoped3A : memref<!tpu.dma_semaphore, #tpu.memory_space<semaphore_mem>>)
      %dma_wait3A = arith.constant 0 : i32
      %dma_wait3A_12 = tpu.memref_slice %arg3[%add3A, %dma_wait3A] : memref<32x320xf32, #tpu.memory_space<hbm>> -> memref<1x320xf32, #tpu.memory_space<hbm>>
      %dma_wait3A_13 = tpu.memref_squeeze %dma_wait3A_12 : memref<1x320xf32, #tpu.memory_space<hbm>> -> memref<320xf32, #tpu.memory_space<hbm>>
      %dma_wait3A_14 = arith.constant 0 : i32
      %dma_wait3A_15 = tpu.memref_slice %arg3[%add3A, %dma_wait3A_14] : memref<32x320xf32, #tpu.memory_space<hbm>> -> memref<1x320xf32, #tpu.memory_space<hbm>>
      %dma_wait3A_16 = tpu.memref_squeeze %dma_wait3A_15 : memref<1x320xf32, #tpu.memory_space<hbm>> -> memref<320xf32, #tpu.memory_space<hbm>>
      tpu.wait_dma2 semaphore(%run_scoped3A : memref<!tpu.dma_semaphore, #tpu.memory_space<semaphore_mem>>) src(%dma_wait3A_16 : memref<320xf32, #tpu.memory_space<hbm>>) dst(%arg8 : memref<320xf32, #tpu.memory_space<vmem>>)
      tpu.yield
    }) : () -> ()
    "tpu.region"() ({
      %run_scoped3A = tpu.sem_alloc : memref<!tpu.dma_semaphore, #tpu.memory_space<semaphore_mem>>
      %dma_start3A = arith.constant 0 : i32
      %dma_start3A_7 = tpu.memref_slice %arg4[%add3A, %dma_start3A] : memref<32x320xi32, #tpu.memory_space<hbm>> -> memref<1x320xi32, #tpu.memory_space<hbm>>
      %dma_start3A_8 = tpu.memref_squeeze %dma_start3A_7 : memref<1x320xi32, #tpu.memory_space<hbm>> -> memref<320xi32, #tpu.memory_space<hbm>>
      %dma_start3A_9 = arith.constant 0 : i32
      %dma_start3A_10 = tpu.memref_slice %arg4[%add3A, %dma_start3A_9] : memref<32x320xi32, #tpu.memory_space<hbm>> -> memref<1x320xi32, #tpu.memory_space<hbm>>
      %dma_start3A_11 = tpu.memref_squeeze %dma_start3A_10 : memref<1x320xi32, #tpu.memory_space<hbm>> -> memref<320xi32, #tpu.memory_space<hbm>>
      tpu.enqueue_dma source(%dma_start3A_11 : memref<320xi32, #tpu.memory_space<hbm>>) target(%arg9 : memref<320xi32, #tpu.memory_space<vmem>>) target_semaphore(%run_scoped3A : memref<!tpu.dma_semaphore, #tpu.memory_space<semaphore_mem>>)
      %dma_wait3A = arith.constant 0 : i32
      %dma_wait3A_12 = tpu.memref_slice %arg4[%add3A, %dma_wait3A] : memref<32x320xi32, #tpu.memory_space<hbm>> -> memref<1x320xi32, #tpu.memory_space<hbm>>
      %dma_wait3A_13 = tpu.memref_squeeze %dma_wait3A_12 : memref<1x320xi32, #tpu.memory_space<hbm>> -> memref<320xi32, #tpu.memory_space<hbm>>
      %dma_wait3A_14 = arith.constant 0 : i32
      %dma_wait3A_15 = tpu.memref_slice %arg4[%add3A, %dma_wait3A_14] : memref<32x320xi32, #tpu.memory_space<hbm>> -> memref<1x320xi32, #tpu.memory_space<hbm>>
      %dma_wait3A_16 = tpu.memref_squeeze %dma_wait3A_15 : memref<1x320xi32, #tpu.memory_space<hbm>> -> memref<320xi32, #tpu.memory_space<hbm>>
      tpu.wait_dma2 semaphore(%run_scoped3A : memref<!tpu.dma_semaphore, #tpu.memory_space<semaphore_mem>>) src(%dma_wait3A_16 : memref<320xi32, #tpu.memory_space<hbm>>) dst(%arg9 : memref<320xi32, #tpu.memory_space<vmem>>)
      tpu.yield
    }) : () -> ()
    %scan3A = arith.constant 0 : i32
    %scan3A_1 = arith.constant 0 : i32
    %scan3A_2 = arith.constant 20 : i32
    %scan3A_3 = arith.addi %scan3A_1, %scan3A_2 : i32
    %scan3A_4 = arith.constant 1 : i32
    %scan3A_5 = scf.for %scan3A_7 = %scan3A_1 to %scan3A_3 step %scan3A_4 iter_args(%scan3A_8 = %scan3A) -> (i32)  : i32 {
      %mul3A_9 = arith.constant 16 : i32
      %mul3A_10 = arith.muli %scan3A_7, %mul3A_9 : i32
      %get3A = arith.index_cast %mul3A_10 : i32 to index
      %get3A_11 = tpu.vector_load %arg7[%get3A] {strides = array<i32>} : memref<320xi32, #tpu.memory_space<vmem>>, vector<16xi32>,
      %get3A_12 = vector.shape_cast %get3A_11 : vector<16xi32> to vector<16xi32>
      %get3A_13 = arith.index_cast %mul3A_10 : i32 to index
      %get3A_14 = tpu.vector_load %arg9[%get3A_13] {strides = array<i32>} : memref<320xi32, #tpu.memory_space<vmem>>, vector<16xi32>,
      %get3A_15 = vector.shape_cast %get3A_14 : vector<16xi32> to vector<16xi32>
      %lt3A = arith.constant 5000 : i32
      %lt3A_16 = vector.broadcast %lt3A : i32 to vector<16xi32>
      %lt3A_17 = arith.cmpi slt, %get3A_12, %lt3A_16 : vector<16xi32>
      %rem3A = arith.constant 120 : i32
      %rem3A_18 = vector.broadcast %rem3A : i32 to vector<16xi32>
      %rem3A_19 = arith.remsi %get3A_15, %rem3A_18 : vector<16xi32>
      %add3A_20 = arith.constant 5000 : i32
      %add3A_21 = vector.broadcast %add3A_20 : i32 to vector<16xi32>
      %add3A_22 = arith.addi %add3A_21, %rem3A_19 : vector<16xi32>
      %select_n3A = arith.select %lt3A_17, %get3A_12, %add3A_22 : vector<16xi1>, vector<16xi32>
      %swap3A = arith.index_cast %mul3A_10 : i32 to index
      %swap3A_23 = tpu.vector_load %arg7[%swap3A] {strides = array<i32>} : memref<320xi32, #tpu.memory_space<vmem>>, vector<16xi32>,
      %swap3A_24 = vector.shape_cast %swap3A_23 : vector<16xi32> to vector<16xi32>
      %swap3A_25 = vector.shape_cast %select_n3A : vector<16xi32> to vector<16xi32>
      tpu.vector_store %arg7[%swap3A], %swap3A_25 {strides = array<i32>} : memref<320xi32, #tpu.memory_space<vmem>>, vector<16xi32>,
      %scan3A_26 = arith.constant 0 : i32
      scf.yield %scan3A_26 : i32
    }
    %scan3A_6 = arith.constant 20 : i32
    "tpu.region"() ({
      %run_scoped3A = tpu.sem_alloc : memref<!tpu.dma_semaphore, #tpu.memory_space<semaphore_mem>>
      %dma_start3A = arith.constant 0 : i32
      %dma_start3A_7 = tpu.memref_slice %arg5[%dma_start3A] : memref<5120xi32, #tpu.memory_space<hbm>> -> memref<5120xi32, #tpu.memory_space<hbm>>
      tpu.enqueue_indirect_dma source(%arg9 : memref<320xi32, #tpu.memory_space<vmem>>) target(%dma_start3A_7 : memref<5120xi32, #tpu.memory_space<hbm>>) offsets(%arg7 : memref<320xi32, #tpu.memory_space<vmem>>) semaphore(%run_scoped3A : memref<!tpu.dma_semaphore, #tpu.memory_space<semaphore_mem>>)
      %dma_wait3A = arith.constant 0 : i32
      %dma_wait3A_8 = tpu.memref_slice %arg5[%dma_wait3A] : memref<5120xi32, #tpu.memory_space<hbm>> -> memref<5120xi32, #tpu.memory_space<hbm>>
      tpu.wait_indirect_dma semaphore(%run_scoped3A : memref<!tpu.dma_semaphore, #tpu.memory_space<semaphore_mem>>) src(%arg9 : memref<320xi32, #tpu.memory_space<vmem>>) dst(%dma_wait3A_8 : memref<5120xi32, #tpu.memory_space<hbm>>)
      tpu.yield
    }) : () -> ()
    "tpu.region"() ({
      %run_scoped3A = tpu.sem_alloc : memref<!tpu.dma_semaphore, #tpu.memory_space<semaphore_mem>>
      %dma_start3A = arith.constant 0 : i32
      %dma_start3A_7 = tpu.memref_slice %arg6[%dma_start3A] : memref<5120xf32, #tpu.memory_space<hbm>> -> memref<5120xf32, #tpu.memory_space<hbm>>
      tpu.enqueue_indirect_dma source(%arg8 : memref<320xf32, #tpu.memory_space<vmem>>) target(%dma_start3A_7 : memref<5120xf32, #tpu.memory_space<hbm>>) offsets(%arg7 : memref<320xi32, #tpu.memory_space<vmem>>) semaphore(%run_scoped3A : memref<!tpu.dma_semaphore, #tpu.memory_space<semaphore_mem>>)
      %dma_wait3A = arith.constant 0 : i32
      %dma_wait3A_8 = tpu.memref_slice %arg6[%dma_wait3A] : memref<5120xf32, #tpu.memory_space<hbm>> -> memref<5120xf32, #tpu.memory_space<hbm>>
      tpu.wait_indirect_dma semaphore(%run_scoped3A : memref<!tpu.dma_semaphore, #tpu.memory_space<semaphore_mem>>) src(%arg8 : memref<320xf32, #tpu.memory_space<vmem>>) dst(%dma_wait3A_8 : memref<5120xf32, #tpu.memory_space<hbm>>)
      tpu.yield
    }) : () -> ()
    return
  }
}

#map = affine_map<(d0, d1) -> (0, 0)>
module attributes {stable_mosaic.version = 14 : i64} {
  func.func @_deg_sc_kernel(%arg0: i32, %arg1: i32, %arg2: memref<32x5120xi32, #tpu.memory_space<hbm>>, %arg3: memref<2x10240xf32, #tpu.memory_space<hbm>>, %arg4: memref<5120xi32, #tpu.memory_space<vmem>>, %arg5: memref<5120xf32, #tpu.memory_space<vmem>>, %arg6: memref<640xf32, #tpu.memory_space<vmem>>, %arg7: memref<10240xf32, #tpu.memory_space<vmem_shared>>) attributes {dimension_semantics = [#tpu.dimension_semantics<core_parallel>, #tpu.dimension_semantics<subcore_parallel>], iteration_bounds = array<i64: 2, 16>, scalar_prefetch = 0 : i64, scratch_operands = 4 : i64, tpu.core_type = #tpu.core_type<sc_vector_subcore>, window_params = [{transform_indices = #map}, {transform_indices = #map}]} {
    %mul3A = arith.constant 16 : i32
    %mul3A_0 = arith.muli %arg0, %mul3A : i32
    %add3A = arith.addi %mul3A_0, %arg1 : i32
    %scan3A = arith.constant 0 : i32
    %scan3A_1 = arith.constant 0 : i32
    %scan3A_2 = arith.constant 40 : i32
    %scan3A_3 = arith.addi %scan3A_1, %scan3A_2 : i32
    %scan3A_4 = arith.constant 1 : i32
    %scan3A_5 = scf.for %scan3A_21 = %scan3A_1 to %scan3A_3 step %scan3A_4 iter_args(%scan3A_22 = %scan3A) -> (i32)  : i32 {
      %broadcast_in_dim3A = arith.constant 0.000000e+00 : f32
      %broadcast_in_dim3A_23 = vector.broadcast %broadcast_in_dim3A : f32 to vector<16xf32>
      %mul3A_24 = arith.constant 16 : i32
      %mul3A_25 = arith.muli %scan3A_21, %mul3A_24 : i32
      %swap3A = arith.index_cast %mul3A_25 : i32 to index
      %swap3A_26 = tpu.vector_load %arg6[%swap3A] {strides = array<i32>} : memref<640xf32, #tpu.memory_space<vmem>>, vector<16xf32>,
      %swap3A_27 = vector.shape_cast %swap3A_26 : vector<16xf32> to vector<16xf32>
      %swap3A_28 = vector.shape_cast %broadcast_in_dim3A_23 : vector<16xf32> to vector<16xf32>
      tpu.vector_store %arg6[%swap3A], %swap3A_28 {strides = array<i32>} : memref<640xf32, #tpu.memory_space<vmem>>, vector<16xf32>,
      %scan3A_29 = arith.constant 0 : i32
      scf.yield %scan3A_29 : i32
    }
    %scan3A_6 = arith.constant 40 : i32
    %scan3A_7 = arith.constant 0 : i32
    %scan3A_8 = arith.constant 0 : i32
    %scan3A_9 = arith.constant 320 : i32
    %scan3A_10 = arith.addi %scan3A_8, %scan3A_9 : i32
    %scan3A_11 = arith.constant 1 : i32
    %scan3A_12 = scf.for %scan3A_21 = %scan3A_8 to %scan3A_10 step %scan3A_11 iter_args(%scan3A_22 = %scan3A_7) -> (i32)  : i32 {
      %broadcast_in_dim3A = arith.constant 1.000000e+00 : f32
      %broadcast_in_dim3A_23 = vector.broadcast %broadcast_in_dim3A : f32 to vector<16xf32>
      %mul3A_24 = arith.constant 16 : i32
      %mul3A_25 = arith.muli %scan3A_21, %mul3A_24 : i32
      %swap3A = arith.index_cast %mul3A_25 : i32 to index
      %swap3A_26 = tpu.vector_load %arg5[%swap3A] {strides = array<i32>} : memref<5120xf32, #tpu.memory_space<vmem>>, vector<16xf32>,
      %swap3A_27 = vector.shape_cast %swap3A_26 : vector<16xf32> to vector<16xf32>
      %swap3A_28 = vector.shape_cast %broadcast_in_dim3A_23 : vector<16xf32> to vector<16xf32>
      tpu.vector_store %arg5[%swap3A], %swap3A_28 {strides = array<i32>} : memref<5120xf32, #tpu.memory_space<vmem>>, vector<16xf32>,
      %scan3A_29 = arith.constant 0 : i32
      scf.yield %scan3A_29 : i32
    }
    %scan3A_13 = arith.constant 320 : i32
    %mul3A_14 = arith.constant 640 : i32
    %mul3A_15 = arith.muli %arg1, %mul3A_14 : i32
    "tpu.region"() ({
      %run_scoped3A = tpu.sem_alloc : memref<!tpu.dma_semaphore, #tpu.memory_space<semaphore_mem>>
      %dma_start3A = tpu.memref_slice %arg7[%mul3A_15] : memref<10240xf32, #tpu.memory_space<vmem_shared>> -> memref<640xf32, #tpu.memory_space<vmem_shared>>
      %dma_start3A_21 = tpu.memref_slice %arg7[%mul3A_15] : memref<10240xf32, #tpu.memory_space<vmem_shared>> -> memref<640xf32, #tpu.memory_space<vmem_shared>>
      tpu.enqueue_dma source(%arg6 : memref<640xf32, #tpu.memory_space<vmem>>) target(%dma_start3A_21 : memref<640xf32, #tpu.memory_space<vmem_shared>>) target_semaphore(%run_scoped3A : memref<!tpu.dma_semaphore, #tpu.memory_space<semaphore_mem>>)
      %dma_wait3A = tpu.memref_slice %arg7[%mul3A_15] : memref<10240xf32, #tpu.memory_space<vmem_shared>> -> memref<640xf32, #tpu.memory_space<vmem_shared>>
      %dma_wait3A_22 = tpu.memref_slice %arg7[%mul3A_15] : memref<10240xf32, #tpu.memory_space<vmem_shared>> -> memref<640xf32, #tpu.memory_space<vmem_shared>>
      tpu.wait_dma2 semaphore(%run_scoped3A : memref<!tpu.dma_semaphore, #tpu.memory_space<semaphore_mem>>) src(%arg6 : memref<640xf32, #tpu.memory_space<vmem>>) dst(%dma_wait3A_22 : memref<640xf32, #tpu.memory_space<vmem_shared>>)
      tpu.yield
    }) : () -> ()
    "tpu.region"() ({
      %run_scoped3A = tpu.sem_alloc : memref<!tpu.dma_semaphore, #tpu.memory_space<semaphore_mem>>
      %dma_start3A = arith.constant 0 : i32
      %dma_start3A_21 = tpu.memref_slice %arg2[%add3A, %dma_start3A] : memref<32x5120xi32, #tpu.memory_space<hbm>> -> memref<1x5120xi32, #tpu.memory_space<hbm>>
      %dma_start3A_22 = tpu.memref_squeeze %dma_start3A_21 : memref<1x5120xi32, #tpu.memory_space<hbm>> -> memref<5120xi32, #tpu.memory_space<hbm>>
      %dma_start3A_23 = arith.constant 0 : i32
      %dma_start3A_24 = tpu.memref_slice %arg2[%add3A, %dma_start3A_23] : memref<32x5120xi32, #tpu.memory_space<hbm>> -> memref<1x5120xi32, #tpu.memory_space<hbm>>
      %dma_start3A_25 = tpu.memref_squeeze %dma_start3A_24 : memref<1x5120xi32, #tpu.memory_space<hbm>> -> memref<5120xi32, #tpu.memory_space<hbm>>
      tpu.enqueue_dma source(%dma_start3A_25 : memref<5120xi32, #tpu.memory_space<hbm>>) target(%arg4 : memref<5120xi32, #tpu.memory_space<vmem>>) target_semaphore(%run_scoped3A : memref<!tpu.dma_semaphore, #tpu.memory_space<semaphore_mem>>)
      %dma_wait3A = arith.constant 0 : i32
      %dma_wait3A_26 = tpu.memref_slice %arg2[%add3A, %dma_wait3A] : memref<32x5120xi32, #tpu.memory_space<hbm>> -> memref<1x5120xi32, #tpu.memory_space<hbm>>
      %dma_wait3A_27 = tpu.memref_squeeze %dma_wait3A_26 : memref<1x5120xi32, #tpu.memory_space<hbm>> -> memref<5120xi32, #tpu.memory_space<hbm>>
      %dma_wait3A_28 = arith.constant 0 : i32
      %dma_wait3A_29 = tpu.memref_slice %arg2[%add3A, %dma_wait3A_28] : memref<32x5120xi32, #tpu.memory_space<hbm>> -> memref<1x5120xi32, #tpu.memory_space<hbm>>
      %dma_wait3A_30 = tpu.memref_squeeze %dma_wait3A_29 : memref<1x5120xi32, #tpu.memory_space<hbm>> -> memref<5120xi32, #tpu.memory_space<hbm>>
      tpu.wait_dma2 semaphore(%run_scoped3A : memref<!tpu.dma_semaphore, #tpu.memory_space<semaphore_mem>>) src(%dma_wait3A_30 : memref<5120xi32, #tpu.memory_space<hbm>>) dst(%arg4 : memref<5120xi32, #tpu.memory_space<vmem>>)
      tpu.yield
    }) : () -> ()
    %barrier3A = arith.constant 0 : index
    tpu.barrier barrier_id(%barrier3A)
    "tpu.region"() ({
      %run_scoped3A = tpu.sem_alloc : memref<!tpu.dma_semaphore, #tpu.memory_space<semaphore_mem>>
      %dma_start3A = arith.constant 0 : i32
      %dma_start3A_21 = tpu.memref_slice %arg7[%dma_start3A] : memref<10240xf32, #tpu.memory_space<vmem_shared>> -> memref<10240xf32, #tpu.memory_space<vmem_shared>>
      tpu.enqueue_indirect_dma source(%arg5 : memref<5120xf32, #tpu.memory_space<vmem>>) target(%dma_start3A_21 : memref<10240xf32, #tpu.memory_space<vmem_shared>>) offsets(%arg4 : memref<5120xi32, #tpu.memory_space<vmem>>) semaphore(%run_scoped3A : memref<!tpu.dma_semaphore, #tpu.memory_space<semaphore_mem>>) {add = true}
      %dma_wait3A = arith.constant 0 : i32
      %dma_wait3A_22 = tpu.memref_slice %arg7[%dma_wait3A] : memref<10240xf32, #tpu.memory_space<vmem_shared>> -> memref<10240xf32, #tpu.memory_space<vmem_shared>>
      tpu.wait_indirect_dma semaphore(%run_scoped3A : memref<!tpu.dma_semaphore, #tpu.memory_space<semaphore_mem>>) src(%arg5 : memref<5120xf32, #tpu.memory_space<vmem>>) dst(%dma_wait3A_22 : memref<10240xf32, #tpu.memory_space<vmem_shared>>)
      tpu.yield
    }) : () -> ()
    %barrier3A_16 = arith.constant 0 : index
    tpu.barrier barrier_id(%barrier3A_16)
    %mul3A_17 = arith.constant 640 : i32
    %mul3A_18 = arith.muli %arg1, %mul3A_17 : i32
    %mul3A_19 = arith.constant 640 : i32
    %mul3A_20 = arith.muli %arg1, %mul3A_19 : i32
    "tpu.region"() ({
      %run_scoped3A = tpu.sem_alloc : memref<!tpu.dma_semaphore, #tpu.memory_space<semaphore_mem>>
      %dma_start3A = tpu.memref_slice %arg3[%arg0, %mul3A_20] : memref<2x10240xf32, #tpu.memory_space<hbm>> -> memref<1x640xf32, #tpu.memory_space<hbm>>
      %dma_start3A_21 = tpu.memref_squeeze %dma_start3A : memref<1x640xf32, #tpu.memory_space<hbm>> -> memref<640xf32, #tpu.memory_space<hbm>>
      %dma_start3A_22 = tpu.memref_slice %arg7[%mul3A_18] : memref<10240xf32, #tpu.memory_space<vmem_shared>> -> memref<640xf32, #tpu.memory_space<vmem_shared>>
      tpu.enqueue_dma source(%dma_start3A_22 : memref<640xf32, #tpu.memory_space<vmem_shared>>) target(%dma_start3A_21 : memref<640xf32, #tpu.memory_space<hbm>>) target_semaphore(%run_scoped3A : memref<!tpu.dma_semaphore, #tpu.memory_space<semaphore_mem>>)
      %dma_wait3A = tpu.memref_slice %arg3[%arg0, %mul3A_20] : memref<2x10240xf32, #tpu.memory_space<hbm>> -> memref<1x640xf32, #tpu.memory_space<hbm>>
      %dma_wait3A_23 = tpu.memref_squeeze %dma_wait3A : memref<1x640xf32, #tpu.memory_space<hbm>> -> memref<640xf32, #tpu.memory_space<hbm>>
      %dma_wait3A_24 = tpu.memref_slice %arg7[%mul3A_18] : memref<10240xf32, #tpu.memory_space<vmem_shared>> -> memref<640xf32, #tpu.memory_space<vmem_shared>>
      tpu.wait_dma2 semaphore(%run_scoped3A : memref<!tpu.dma_semaphore, #tpu.memory_space<semaphore_mem>>) src(%dma_wait3A_24 : memref<640xf32, #tpu.memory_space<vmem_shared>>) dst(%dma_wait3A_23 : memref<640xf32, #tpu.memory_space<hbm>>)
      tpu.yield
    }) : () -> ()
    return
  }
}

#map = affine_map<(d0, d1) -> (0, 0)>
#map1 = affine_map<(d0, d1) -> (0)>
module attributes {stable_mosaic.version = 14 : i64} {
  func.func @_eprod_sc_kernel(%arg0: i32, %arg1: i32, %arg2: memref<32x5120xi32, #tpu.memory_space<hbm>>, %arg3: memref<32x5120xi32, #tpu.memory_space<hbm>>, %arg4: memref<10240xf32, #tpu.memory_space<hbm>>, %arg5: memref<32x5120xf32, #tpu.memory_space<hbm>>, %arg6: memref<5120xi32, #tpu.memory_space<vmem>>, %arg7: memref<5120xi32, #tpu.memory_space<vmem>>, %arg8: memref<5120xf32, #tpu.memory_space<vmem>>, %arg9: memref<5120xf32, #tpu.memory_space<vmem>>, %arg10: memref<5120xf32, #tpu.memory_space<vmem>>, %arg11: memref<10240xf32, #tpu.memory_space<vmem_shared>>) attributes {dimension_semantics = [#tpu.dimension_semantics<core_parallel>, #tpu.dimension_semantics<subcore_parallel>], iteration_bounds = array<i64: 2, 16>, scalar_prefetch = 0 : i64, scratch_operands = 6 : i64, tpu.core_type = #tpu.core_type<sc_vector_subcore>, window_params = [{transform_indices = #map}, {transform_indices = #map}, {transform_indices = #map1}, {transform_indices = #map}]} {
    %mul3A = arith.constant 16 : i32
    %mul3A_0 = arith.muli %arg0, %mul3A : i32
    %add3A = arith.addi %mul3A_0, %arg1 : i32
    %mul3A_1 = arith.constant 640 : i32
    %mul3A_2 = arith.muli %arg1, %mul3A_1 : i32
    %mul3A_3 = arith.constant 640 : i32
    %mul3A_4 = arith.muli %arg1, %mul3A_3 : i32
    "tpu.region"() ({
      %run_scoped3A = tpu.sem_alloc : memref<!tpu.dma_semaphore, #tpu.memory_space<semaphore_mem>>
      %dma_start3A = tpu.memref_slice %arg11[%mul3A_4] : memref<10240xf32, #tpu.memory_space<vmem_shared>> -> memref<640xf32, #tpu.memory_space<vmem_shared>>
      %dma_start3A_11 = tpu.memref_slice %arg4[%mul3A_2] : memref<10240xf32, #tpu.memory_space<hbm>> -> memref<640xf32, #tpu.memory_space<hbm>>
      tpu.enqueue_dma source(%dma_start3A_11 : memref<640xf32, #tpu.memory_space<hbm>>) target(%dma_start3A : memref<640xf32, #tpu.memory_space<vmem_shared>>) target_semaphore(%run_scoped3A : memref<!tpu.dma_semaphore, #tpu.memory_space<semaphore_mem>>)
      %dma_wait3A = tpu.memref_slice %arg11[%mul3A_4] : memref<10240xf32, #tpu.memory_space<vmem_shared>> -> memref<640xf32, #tpu.memory_space<vmem_shared>>
      %dma_wait3A_12 = tpu.memref_slice %arg4[%mul3A_2] : memref<10240xf32, #tpu.memory_space<hbm>> -> memref<640xf32, #tpu.memory_space<hbm>>
      tpu.wait_dma2 semaphore(%run_scoped3A : memref<!tpu.dma_semaphore, #tpu.memory_space<semaphore_mem>>) src(%dma_wait3A_12 : memref<640xf32, #tpu.memory_space<hbm>>) dst(%dma_wait3A : memref<640xf32, #tpu.memory_space<vmem_shared>>)
      tpu.yield
    }) : () -> ()
    "tpu.region"() ({
      %run_scoped3A = tpu.sem_alloc : memref<!tpu.dma_semaphore, #tpu.memory_space<semaphore_mem>>
      %dma_start3A = arith.constant 0 : i32
      %dma_start3A_11 = tpu.memref_slice %arg2[%add3A, %dma_start3A] : memref<32x5120xi32, #tpu.memory_space<hbm>> -> memref<1x5120xi32, #tpu.memory_space<hbm>>
      %dma_start3A_12 = tpu.memref_squeeze %dma_start3A_11 : memref<1x5120xi32, #tpu.memory_space<hbm>> -> memref<5120xi32, #tpu.memory_space<hbm>>
      %dma_start3A_13 = arith.constant 0 : i32
      %dma_start3A_14 = tpu.memref_slice %arg2[%add3A, %dma_start3A_13] : memref<32x5120xi32, #tpu.memory_space<hbm>> -> memref<1x5120xi32, #tpu.memory_space<hbm>>
      %dma_start3A_15 = tpu.memref_squeeze %dma_start3A_14 : memref<1x5120xi32, #tpu.memory_space<hbm>> -> memref<5120xi32, #tpu.memory_space<hbm>>
      tpu.enqueue_dma source(%dma_start3A_15 : memref<5120xi32, #tpu.memory_space<hbm>>) target(%arg6 : memref<5120xi32, #tpu.memory_space<vmem>>) target_semaphore(%run_scoped3A : memref<!tpu.dma_semaphore, #tpu.memory_space<semaphore_mem>>)
      %dma_wait3A = arith.constant 0 : i32
      %dma_wait3A_16 = tpu.memref_slice %arg2[%add3A, %dma_wait3A] : memref<32x5120xi32, #tpu.memory_space<hbm>> -> memref<1x5120xi32, #tpu.memory_space<hbm>>
      %dma_wait3A_17 = tpu.memref_squeeze %dma_wait3A_16 : memref<1x5120xi32, #tpu.memory_space<hbm>> -> memref<5120xi32, #tpu.memory_space<hbm>>
      %dma_wait3A_18 = arith.constant 0 : i32
      %dma_wait3A_19 = tpu.memref_slice %arg2[%add3A, %dma_wait3A_18] : memref<32x5120xi32, #tpu.memory_space<hbm>> -> memref<1x5120xi32, #tpu.memory_space<hbm>>
      %dma_wait3A_20 = tpu.memref_squeeze %dma_wait3A_19 : memref<1x5120xi32, #tpu.memory_space<hbm>> -> memref<5120xi32, #tpu.memory_space<hbm>>
      tpu.wait_dma2 semaphore(%run_scoped3A : memref<!tpu.dma_semaphore, #tpu.memory_space<semaphore_mem>>) src(%dma_wait3A_20 : memref<5120xi32, #tpu.memory_space<hbm>>) dst(%arg6 : memref<5120xi32, #tpu.memory_space<vmem>>)
      tpu.yield
    }) : () -> ()
    "tpu.region"() ({
      %run_scoped3A = tpu.sem_alloc : memref<!tpu.dma_semaphore, #tpu.memory_space<semaphore_mem>>
      %dma_start3A = arith.constant 0 : i32
      %dma_start3A_11 = tpu.memref_slice %arg3[%add3A, %dma_start3A] : memref<32x5120xi32, #tpu.memory_space<hbm>> -> memref<1x5120xi32, #tpu.memory_space<hbm>>
      %dma_start3A_12 = tpu.memref_squeeze %dma_start3A_11 : memref<1x5120xi32, #tpu.memory_space<hbm>> -> memref<5120xi32, #tpu.memory_space<hbm>>
      %dma_start3A_13 = arith.constant 0 : i32
      %dma_start3A_14 = tpu.memref_slice %arg3[%add3A, %dma_start3A_13] : memref<32x5120xi32, #tpu.memory_space<hbm>> -> memref<1x5120xi32, #tpu.memory_space<hbm>>
      %dma_start3A_15 = tpu.memref_squeeze %dma_start3A_14 : memref<1x5120xi32, #tpu.memory_space<hbm>> -> memref<5120xi32, #tpu.memory_space<hbm>>
      tpu.enqueue_dma source(%dma_start3A_15 : memref<5120xi32, #tpu.memory_space<hbm>>) target(%arg7 : memref<5120xi32, #tpu.memory_space<vmem>>) target_semaphore(%run_scoped3A : memref<!tpu.dma_semaphore, #tpu.memory_space<semaphore_mem>>)
      %dma_wait3A = arith.constant 0 : i32
      %dma_wait3A_16 = tpu.memref_slice %arg3[%add3A, %dma_wait3A] : memref<32x5120xi32, #tpu.memory_space<hbm>> -> memref<1x5120xi32, #tpu.memory_space<hbm>>
      %dma_wait3A_17 = tpu.memref_squeeze %dma_wait3A_16 : memref<1x5120xi32, #tpu.memory_space<hbm>> -> memref<5120xi32, #tpu.memory_space<hbm>>
      %dma_wait3A_18 = arith.constant 0 : i32
      %dma_wait3A_19 = tpu.memref_slice %arg3[%add3A, %dma_wait3A_18] : memref<32x5120xi32, #tpu.memory_space<hbm>> -> memref<1x5120xi32, #tpu.memory_space<hbm>>
      %dma_wait3A_20 = tpu.memref_squeeze %dma_wait3A_19 : memref<1x5120xi32, #tpu.memory_space<hbm>> -> memref<5120xi32, #tpu.memory_space<hbm>>
      tpu.wait_dma2 semaphore(%run_scoped3A : memref<!tpu.dma_semaphore, #tpu.memory_space<semaphore_mem>>) src(%dma_wait3A_20 : memref<5120xi32, #tpu.memory_space<hbm>>) dst(%arg7 : memref<5120xi32, #tpu.memory_space<vmem>>)
      tpu.yield
    }) : () -> ()
    %barrier3A = arith.constant 0 : index
    tpu.barrier barrier_id(%barrier3A)
    "tpu.region"() ({
      %run_scoped3A = tpu.sem_alloc : memref<!tpu.dma_semaphore, #tpu.memory_space<semaphore_mem>>
      %dma_start3A = arith.constant 0 : i32
      %dma_start3A_11 = tpu.memref_slice %arg11[%dma_start3A] : memref<10240xf32, #tpu.memory_space<vmem_shared>> -> memref<10240xf32, #tpu.memory_space<vmem_shared>>
      tpu.enqueue_indirect_dma source(%dma_start3A_11 : memref<10240xf32, #tpu.memory_space<vmem_shared>>) target(%arg8 : memref<5120xf32, #tpu.memory_space<vmem>>) offsets(%arg6 : memref<5120xi32, #tpu.memory_space<vmem>>) semaphore(%run_scoped3A : memref<!tpu.dma_semaphore, #tpu.memory_space<semaphore_mem>>)
      %dma_wait3A = arith.constant 0 : i32
      %dma_wait3A_12 = tpu.memref_slice %arg11[%dma_wait3A] : memref<10240xf32, #tpu.memory_space<vmem_shared>> -> memref<10240xf32, #tpu.memory_space<vmem_shared>>
      tpu.wait_indirect_dma semaphore(%run_scoped3A : memref<!tpu.dma_semaphore, #tpu.memory_space<semaphore_mem>>) src(%dma_wait3A_12 : memref<10240xf32, #tpu.memory_space<vmem_shared>>) dst(%arg8 : memref<5120xf32, #tpu.memory_space<vmem>>)
      tpu.yield
    }) : () -> ()
    "tpu.region"() ({
      %run_scoped3A = tpu.sem_alloc : memref<!tpu.dma_semaphore, #tpu.memory_space<semaphore_mem>>
      %dma_start3A = arith.constant 0 : i32
      %dma_start3A_11 = tpu.memref_slice %arg11[%dma_start3A] : memref<10240xf32, #tpu.memory_space<vmem_shared>> -> memref<10240xf32, #tpu.memory_space<vmem_shared>>
      tpu.enqueue_indirect_dma source(%dma_start3A_11 : memref<10240xf32, #tpu.memory_space<vmem_shared>>) target(%arg9 : memref<5120xf32, #tpu.memory_space<vmem>>) offsets(%arg7 : memref<5120xi32, #tpu.memory_space<vmem>>) semaphore(%run_scoped3A : memref<!tpu.dma_semaphore, #tpu.memory_space<semaphore_mem>>)
      %dma_wait3A = arith.constant 0 : i32
      %dma_wait3A_12 = tpu.memref_slice %arg11[%dma_wait3A] : memref<10240xf32, #tpu.memory_space<vmem_shared>> -> memref<10240xf32, #tpu.memory_space<vmem_shared>>
      tpu.wait_indirect_dma semaphore(%run_scoped3A : memref<!tpu.dma_semaphore, #tpu.memory_space<semaphore_mem>>) src(%dma_wait3A_12 : memref<10240xf32, #tpu.memory_space<vmem_shared>>) dst(%arg9 : memref<5120xf32, #tpu.memory_space<vmem>>)
      tpu.yield
    }) : () -> ()
    %scan3A = arith.constant 0 : i32
    %scan3A_5 = arith.constant 0 : i32
    %scan3A_6 = arith.constant 320 : i32
    %scan3A_7 = arith.addi %scan3A_5, %scan3A_6 : i32
    %scan3A_8 = arith.constant 1 : i32
    %scan3A_9 = scf.for %scan3A_11 = %scan3A_5 to %scan3A_7 step %scan3A_8 iter_args(%scan3A_12 = %scan3A) -> (i32)  : i32 {
      %mul3A_13 = arith.constant 16 : i32
      %mul3A_14 = arith.muli %scan3A_11, %mul3A_13 : i32
      %get3A = arith.index_cast %mul3A_14 : i32 to index
      %get3A_15 = tpu.vector_load %arg8[%get3A] {strides = array<i32>} : memref<5120xf32, #tpu.memory_space<vmem>>, vector<16xf32>,
      %get3A_16 = vector.shape_cast %get3A_15 : vector<16xf32> to vector<16xf32>
      %get3A_17 = arith.index_cast %mul3A_14 : i32 to index
      %get3A_18 = tpu.vector_load %arg9[%get3A_17] {strides = array<i32>} : memref<5120xf32, #tpu.memory_space<vmem>>, vector<16xf32>,
      %get3A_19 = vector.shape_cast %get3A_18 : vector<16xf32> to vector<16xf32>
      %mul3A_20 = arith.mulf %get3A_16, %get3A_19 : vector<16xf32>
      %swap3A = arith.index_cast %mul3A_14 : i32 to index
      %swap3A_21 = tpu.vector_load %arg10[%swap3A] {strides = array<i32>} : memref<5120xf32, #tpu.memory_space<vmem>>, vector<16xf32>,
      %swap3A_22 = vector.shape_cast %swap3A_21 : vector<16xf32> to vector<16xf32>
      %swap3A_23 = vector.shape_cast %mul3A_20 : vector<16xf32> to vector<16xf32>
      tpu.vector_store %arg10[%swap3A], %swap3A_23 {strides = array<i32>} : memref<5120xf32, #tpu.memory_space<vmem>>, vector<16xf32>,
      %scan3A_24 = arith.constant 0 : i32
      scf.yield %scan3A_24 : i32
    }
    %scan3A_10 = arith.constant 320 : i32
    "tpu.region"() ({
      %run_scoped3A = tpu.sem_alloc : memref<!tpu.dma_semaphore, #tpu.memory_space<semaphore_mem>>
      %dma_start3A = arith.constant 0 : i32
      %dma_start3A_11 = tpu.memref_slice %arg5[%add3A, %dma_start3A] : memref<32x5120xf32, #tpu.memory_space<hbm>> -> memref<1x5120xf32, #tpu.memory_space<hbm>>
      %dma_start3A_12 = tpu.memref_squeeze %dma_start3A_11 : memref<1x5120xf32, #tpu.memory_space<hbm>> -> memref<5120xf32, #tpu.memory_space<hbm>>
      %dma_start3A_13 = arith.constant 0 : i32
      %dma_start3A_14 = tpu.memref_slice %arg5[%add3A, %dma_start3A_13] : memref<32x5120xf32, #tpu.memory_space<hbm>> -> memref<1x5120xf32, #tpu.memory_space<hbm>>
      %dma_start3A_15 = tpu.memref_squeeze %dma_start3A_14 : memref<1x5120xf32, #tpu.memory_space<hbm>> -> memref<5120xf32, #tpu.memory_space<hbm>>
      tpu.enqueue_dma source(%arg10 : memref<5120xf32, #tpu.memory_space<vmem>>) target(%dma_start3A_15 : memref<5120xf32, #tpu.memory_space<hbm>>) target_semaphore(%run_scoped3A : memref<!tpu.dma_semaphore, #tpu.memory_space<semaphore_mem>>)
      %dma_wait3A = arith.constant 0 : i32
      %dma_wait3A_16 = tpu.memref_slice %arg5[%add3A, %dma_wait3A] : memref<32x5120xf32, #tpu.memory_space<hbm>> -> memref<1x5120xf32, #tpu.memory_space<hbm>>
      %dma_wait3A_17 = tpu.memref_squeeze %dma_wait3A_16 : memref<1x5120xf32, #tpu.memory_space<hbm>> -> memref<5120xf32, #tpu.memory_space<hbm>>
      %dma_wait3A_18 = arith.constant 0 : i32
      %dma_wait3A_19 = tpu.memref_slice %arg5[%add3A, %dma_wait3A_18] : memref<32x5120xf32, #tpu.memory_space<hbm>> -> memref<1x5120xf32, #tpu.memory_space<hbm>>
      %dma_wait3A_20 = tpu.memref_squeeze %dma_wait3A_19 : memref<1x5120xf32, #tpu.memory_space<hbm>> -> memref<5120xf32, #tpu.memory_space<hbm>>
      tpu.wait_dma2 semaphore(%run_scoped3A : memref<!tpu.dma_semaphore, #tpu.memory_space<semaphore_mem>>) src(%arg10 : memref<5120xf32, #tpu.memory_space<vmem>>) dst(%dma_wait3A_20 : memref<5120xf32, #tpu.memory_space<hbm>>)
      tpu.yield
    }) : () -> ()
    return
  }
}

#map = affine_map<(d0, d1) -> (0, 0)>
#map1 = affine_map<(d0, d1) -> (0)>
module attributes {stable_mosaic.version = 14 : i64} {
  func.func @_relabel_sc_kernel(%arg0: i32, %arg1: i32, %arg2: memref<32x5120xi32, #tpu.memory_space<hbm>>, %arg3: memref<32x5120xi32, #tpu.memory_space<hbm>>, %arg4: memref<10240xf32, #tpu.memory_space<hbm>>, %arg5: memref<10240xi32, #tpu.memory_space<hbm>>, %arg6: memref<32x5120xf32, #tpu.memory_space<hbm>>, %arg7: memref<32x5120xi32, #tpu.memory_space<hbm>>, %arg8: memref<32x5120xi32, #tpu.memory_space<hbm>>, %arg9: memref<2x10240xf32, #tpu.memory_space<hbm>>, %arg10: memref<5120xi32, #tpu.memory_space<vmem>>, %arg11: memref<5120xi32, #tpu.memory_space<vmem>>, %arg12: memref<5120xf32, #tpu.memory_space<vmem>>, %arg13: memref<5120xf32, #tpu.memory_space<vmem>>, %arg14: memref<5120xi32, #tpu.memory_space<vmem>>, %arg15: memref<5120xi32, #tpu.memory_space<vmem>>, %arg16: memref<5120xf32, #tpu.memory_space<vmem>>, %arg17: memref<640xf32, #tpu.memory_space<vmem>>, %arg18: memref<10240xf32, #tpu.memory_space<vmem_shared>>, %arg19: memref<10240xf32, #tpu.memory_space<vmem_shared>>, %arg20: memref<10240xi32, #tpu.memory_space<vmem_shared>>) attributes {dimension_semantics = [#tpu.dimension_semantics<core_parallel>, #tpu.dimension_semantics<subcore_parallel>], iteration_bounds = array<i64: 2, 16>, scalar_prefetch = 0 : i64, scratch_operands = 11 : i64, tpu.core_type = #tpu.core_type<sc_vector_subcore>, window_params = [{transform_indices = #map}, {transform_indices = #map}, {transform_indices = #map1}, {transform_indices = #map1}, {transform_indices = #map}, {transform_indices = #map}, {transform_indices = #map}, {transform_indices = #map}]} {
    %mul3A = arith.constant 16 : i32
    %mul3A_0 = arith.muli %arg0, %mul3A : i32
    %add3A = arith.addi %mul3A_0, %arg1 : i32
    %scan3A = arith.constant 0 : i32
    %scan3A_1 = arith.constant 0 : i32
    %scan3A_2 = arith.constant 40 : i32
    %scan3A_3 = arith.addi %scan3A_1, %scan3A_2 : i32
    %scan3A_4 = arith.constant 1 : i32
    %scan3A_5 = scf.for %scan3A_30 = %scan3A_1 to %scan3A_3 step %scan3A_4 iter_args(%scan3A_31 = %scan3A) -> (i32)  : i32 {
      %broadcast_in_dim3A = arith.constant 0.000000e+00 : f32
      %broadcast_in_dim3A_32 = vector.broadcast %broadcast_in_dim3A : f32 to vector<16xf32>
      %mul3A_33 = arith.constant 16 : i32
      %mul3A_34 = arith.muli %scan3A_30, %mul3A_33 : i32
      %swap3A = arith.index_cast %mul3A_34 : i32 to index
      %swap3A_35 = tpu.vector_load %arg17[%swap3A] {strides = array<i32>} : memref<640xf32, #tpu.memory_space<vmem>>, vector<16xf32>,
      %swap3A_36 = vector.shape_cast %swap3A_35 : vector<16xf32> to vector<16xf32>
      %swap3A_37 = vector.shape_cast %broadcast_in_dim3A_32 : vector<16xf32> to vector<16xf32>
      tpu.vector_store %arg17[%swap3A], %swap3A_37 {strides = array<i32>} : memref<640xf32, #tpu.memory_space<vmem>>, vector<16xf32>,
      %scan3A_38 = arith.constant 0 : i32
      scf.yield %scan3A_38 : i32
    }
    %scan3A_6 = arith.constant 40 : i32
    %mul3A_7 = arith.constant 640 : i32
    %mul3A_8 = arith.muli %arg1, %mul3A_7 : i32
    "tpu.region"() ({
      %run_scoped3A = tpu.sem_alloc : memref<!tpu.dma_semaphore, #tpu.memory_space<semaphore_mem>>
      %dma_start3A = tpu.memref_slice %arg18[%mul3A_8] : memref<10240xf32, #tpu.memory_space<vmem_shared>> -> memref<640xf32, #tpu.memory_space<vmem_shared>>
      %dma_start3A_30 = tpu.memref_slice %arg18[%mul3A_8] : memref<10240xf32, #tpu.memory_space<vmem_shared>> -> memref<640xf32, #tpu.memory_space<vmem_shared>>
      tpu.enqueue_dma source(%arg17 : memref<640xf32, #tpu.memory_space<vmem>>) target(%dma_start3A_30 : memref<640xf32, #tpu.memory_space<vmem_shared>>) target_semaphore(%run_scoped3A : memref<!tpu.dma_semaphore, #tpu.memory_space<semaphore_mem>>)
      %dma_wait3A = tpu.memref_slice %arg18[%mul3A_8] : memref<10240xf32, #tpu.memory_space<vmem_shared>> -> memref<640xf32, #tpu.memory_space<vmem_shared>>
      %dma_wait3A_31 = tpu.memref_slice %arg18[%mul3A_8] : memref<10240xf32, #tpu.memory_space<vmem_shared>> -> memref<640xf32, #tpu.memory_space<vmem_shared>>
      tpu.wait_dma2 semaphore(%run_scoped3A : memref<!tpu.dma_semaphore, #tpu.memory_space<semaphore_mem>>) src(%arg17 : memref<640xf32, #tpu.memory_space<vmem>>) dst(%dma_wait3A_31 : memref<640xf32, #tpu.memory_space<vmem_shared>>)
      tpu.yield
    }) : () -> ()
    %mul3A_9 = arith.constant 640 : i32
    %mul3A_10 = arith.muli %arg1, %mul3A_9 : i32
    %mul3A_11 = arith.constant 640 : i32
    %mul3A_12 = arith.muli %arg1, %mul3A_11 : i32
    "tpu.region"() ({
      %run_scoped3A = tpu.sem_alloc : memref<!tpu.dma_semaphore, #tpu.memory_space<semaphore_mem>>
      %dma_start3A = tpu.memref_slice %arg19[%mul3A_12] : memref<10240xf32, #tpu.memory_space<vmem_shared>> -> memref<640xf32, #tpu.memory_space<vmem_shared>>
      %dma_start3A_30 = tpu.memref_slice %arg4[%mul3A_10] : memref<10240xf32, #tpu.memory_space<hbm>> -> memref<640xf32, #tpu.memory_space<hbm>>
      tpu.enqueue_dma source(%dma_start3A_30 : memref<640xf32, #tpu.memory_space<hbm>>) target(%dma_start3A : memref<640xf32, #tpu.memory_space<vmem_shared>>) target_semaphore(%run_scoped3A : memref<!tpu.dma_semaphore, #tpu.memory_space<semaphore_mem>>)
      %dma_wait3A = tpu.memref_slice %arg19[%mul3A_12] : memref<10240xf32, #tpu.memory_space<vmem_shared>> -> memref<640xf32, #tpu.memory_space<vmem_shared>>
      %dma_wait3A_31 = tpu.memref_slice %arg4[%mul3A_10] : memref<10240xf32, #tpu.memory_space<hbm>> -> memref<640xf32, #tpu.memory_space<hbm>>
      tpu.wait_dma2 semaphore(%run_scoped3A : memref<!tpu.dma_semaphore, #tpu.memory_space<semaphore_mem>>) src(%dma_wait3A_31 : memref<640xf32, #tpu.memory_space<hbm>>) dst(%dma_wait3A : memref<640xf32, #tpu.memory_space<vmem_shared>>)
      tpu.yield
    }) : () -> ()
    %mul3A_13 = arith.constant 640 : i32
    %mul3A_14 = arith.muli %arg1, %mul3A_13 : i32
    %mul3A_15 = arith.constant 640 : i32
    %mul3A_16 = arith.muli %arg1, %mul3A_15 : i32
    "tpu.region"() ({
      %run_scoped3A = tpu.sem_alloc : memref<!tpu.dma_semaphore, #tpu.memory_space<semaphore_mem>>
      %dma_start3A = tpu.memref_slice %arg20[%mul3A_16] : memref<10240xi32, #tpu.memory_space<vmem_shared>> -> memref<640xi32, #tpu.memory_space<vmem_shared>>
      %dma_start3A_30 = tpu.memref_slice %arg5[%mul3A_14] : memref<10240xi32, #tpu.memory_space<hbm>> -> memref<640xi32, #tpu.memory_space<hbm>>
      tpu.enqueue_dma source(%dma_start3A_30 : memref<640xi32, #tpu.memory_space<hbm>>) target(%dma_start3A : memref<640xi32, #tpu.memory_space<vmem_shared>>) target_semaphore(%run_scoped3A : memref<!tpu.dma_semaphore, #tpu.memory_space<semaphore_mem>>)
      %dma_wait3A = tpu.memref_slice %arg20[%mul3A_16] : memref<10240xi32, #tpu.memory_space<vmem_shared>> -> memref<640xi32, #tpu.memory_space<vmem_shared>>
      %dma_wait3A_31 = tpu.memref_slice %arg5[%mul3A_14] : memref<10240xi32, #tpu.memory_space<hbm>> -> memref<640xi32, #tpu.memory_space<hbm>>
      tpu.wait_dma2 semaphore(%run_scoped3A : memref<!tpu.dma_semaphore, #tpu.memory_space<semaphore_mem>>) src(%dma_wait3A_31 : memref<640xi32, #tpu.memory_space<hbm>>) dst(%dma_wait3A : memref<640xi32, #tpu.memory_space<vmem_shared>>)
      tpu.yield
    }) : () -> ()
    "tpu.region"() ({
      %run_scoped3A = tpu.sem_alloc : memref<!tpu.dma_semaphore, #tpu.memory_space<semaphore_mem>>
      %dma_start3A = arith.constant 0 : i32
      %dma_start3A_30 = tpu.memref_slice %arg2[%add3A, %dma_start3A] : memref<32x5120xi32, #tpu.memory_space<hbm>> -> memref<1x5120xi32, #tpu.memory_space<hbm>>
      %dma_start3A_31 = tpu.memref_squeeze %dma_start3A_30 : memref<1x5120xi32, #tpu.memory_space<hbm>> -> memref<5120xi32, #tpu.memory_space<hbm>>
      %dma_start3A_32 = arith.constant 0 : i32
      %dma_start3A_33 = tpu.memref_slice %arg2[%add3A, %dma_start3A_32] : memref<32x5120xi32, #tpu.memory_space<hbm>> -> memref<1x5120xi32, #tpu.memory_space<hbm>>
      %dma_start3A_34 = tpu.memref_squeeze %dma_start3A_33 : memref<1x5120xi32, #tpu.memory_space<hbm>> -> memref<5120xi32, #tpu.memory_space<hbm>>
      tpu.enqueue_dma source(%dma_start3A_34 : memref<5120xi32, #tpu.memory_space<hbm>>) target(%arg10 : memref<5120xi32, #tpu.memory_space<vmem>>) target_semaphore(%run_scoped3A : memref<!tpu.dma_semaphore, #tpu.memory_space<semaphore_mem>>)
      %dma_wait3A = arith.constant 0 : i32
      %dma_wait3A_35 = tpu.memref_slice %arg2[%add3A, %dma_wait3A] : memref<32x5120xi32, #tpu.memory_space<hbm>> -> memref<1x5120xi32, #tpu.memory_space<hbm>>
      %dma_wait3A_36 = tpu.memref_squeeze %dma_wait3A_35 : memref<1x5120xi32, #tpu.memory_space<hbm>> -> memref<5120xi32, #tpu.memory_space<hbm>>
      %dma_wait3A_37 = arith.constant 0 : i32
      %dma_wait3A_38 = tpu.memref_slice %arg2[%add3A, %dma_wait3A_37] : memref<32x5120xi32, #tpu.memory_space<hbm>> -> memref<1x5120xi32, #tpu.memory_space<hbm>>
      %dma_wait3A_39 = tpu.memref_squeeze %dma_wait3A_38 : memref<1x5120xi32, #tpu.memory_space<hbm>> -> memref<5120xi32, #tpu.memory_space<hbm>>
      tpu.wait_dma2 semaphore(%run_scoped3A : memref<!tpu.dma_semaphore, #tpu.memory_space<semaphore_mem>>) src(%dma_wait3A_39 : memref<5120xi32, #tpu.memory_space<hbm>>) dst(%arg10 : memref<5120xi32, #tpu.memory_space<vmem>>)
      tpu.yield
    }) : () -> ()
    "tpu.region"() ({
      %run_scoped3A = tpu.sem_alloc : memref<!tpu.dma_semaphore, #tpu.memory_space<semaphore_mem>>
      %dma_start3A = arith.constant 0 : i32
      %dma_start3A_30 = tpu.memref_slice %arg3[%add3A, %dma_start3A] : memref<32x5120xi32, #tpu.memory_space<hbm>> -> memref<1x5120xi32, #tpu.memory_space<hbm>>
      %dma_start3A_31 = tpu.memref_squeeze %dma_start3A_30 : memref<1x5120xi32, #tpu.memory_space<hbm>> -> memref<5120xi32, #tpu.memory_space<hbm>>
      %dma_start3A_32 = arith.constant 0 : i32
      %dma_start3A_33 = tpu.memref_slice %arg3[%add3A, %dma_start3A_32] : memref<32x5120xi32, #tpu.memory_space<hbm>> -> memref<1x5120xi32, #tpu.memory_space<hbm>>
      %dma_start3A_34 = tpu.memref_squeeze %dma_start3A_33 : memref<1x5120xi32, #tpu.memory_space<hbm>> -> memref<5120xi32, #tpu.memory_space<hbm>>
      tpu.enqueue_dma source(%dma_start3A_34 : memref<5120xi32, #tpu.memory_space<hbm>>) target(%arg11 : memref<5120xi32, #tpu.memory_space<vmem>>) target_semaphore(%run_scoped3A : memref<!tpu.dma_semaphore, #tpu.memory_space<semaphore_mem>>)
      %dma_wait3A = arith.constant 0 : i32
      %dma_wait3A_35 = tpu.memref_slice %arg3[%add3A, %dma_wait3A] : memref<32x5120xi32, #tpu.memory_space<hbm>> -> memref<1x5120xi32, #tpu.memory_space<hbm>>
      %dma_wait3A_36 = tpu.memref_squeeze %dma_wait3A_35 : memref<1x5120xi32, #tpu.memory_space<hbm>> -> memref<5120xi32, #tpu.memory_space<hbm>>
      %dma_wait3A_37 = arith.constant 0 : i32
      %dma_wait3A_38 = tpu.memref_slice %arg3[%add3A, %dma_wait3A_37] : memref<32x5120xi32, #tpu.memory_space<hbm>> -> memref<1x5120xi32, #tpu.memory_space<hbm>>
      %dma_wait3A_39 = tpu.memref_squeeze %dma_wait3A_38 : memref<1x5120xi32, #tpu.memory_space<hbm>> -> memref<5120xi32, #tpu.memory_space<hbm>>
      tpu.wait_dma2 semaphore(%run_scoped3A : memref<!tpu.dma_semaphore, #tpu.memory_space<semaphore_mem>>) src(%dma_wait3A_39 : memref<5120xi32, #tpu.memory_space<hbm>>) dst(%arg11 : memref<5120xi32, #tpu.memory_space<vmem>>)
      tpu.yield
    }) : () -> ()
    %barrier3A = arith.constant 0 : index
    tpu.barrier barrier_id(%barrier3A)
    "tpu.region"() ({
      %run_scoped3A = tpu.sem_alloc : memref<!tpu.dma_semaphore, #tpu.memory_space<semaphore_mem>>
      %dma_start3A = arith.constant 0 : i32
      %dma_start3A_30 = tpu.memref_slice %arg19[%dma_start3A] : memref<10240xf32, #tpu.memory_space<vmem_shared>> -> memref<10240xf32, #tpu.memory_space<vmem_shared>>
      tpu.enqueue_indirect_dma source(%dma_start3A_30 : memref<10240xf32, #tpu.memory_space<vmem_shared>>) target(%arg12 : memref<5120xf32, #tpu.memory_space<vmem>>) offsets(%arg10 : memref<5120xi32, #tpu.memory_space<vmem>>) semaphore(%run_scoped3A : memref<!tpu.dma_semaphore, #tpu.memory_space<semaphore_mem>>)
      %dma_wait3A = arith.constant 0 : i32
      %dma_wait3A_31 = tpu.memref_slice %arg19[%dma_wait3A] : memref<10240xf32, #tpu.memory_space<vmem_shared>> -> memref<10240xf32, #tpu.memory_space<vmem_shared>>
      tpu.wait_indirect_dma semaphore(%run_scoped3A : memref<!tpu.dma_semaphore, #tpu.memory_space<semaphore_mem>>) src(%dma_wait3A_31 : memref<10240xf32, #tpu.memory_space<vmem_shared>>) dst(%arg12 : memref<5120xf32, #tpu.memory_space<vmem>>)
      tpu.yield
    }) : () -> ()
    "tpu.region"() ({
      %run_scoped3A = tpu.sem_alloc : memref<!tpu.dma_semaphore, #tpu.memory_space<semaphore_mem>>
      %dma_start3A = arith.constant 0 : i32
      %dma_start3A_30 = tpu.memref_slice %arg19[%dma_start3A] : memref<10240xf32, #tpu.memory_space<vmem_shared>> -> memref<10240xf32, #tpu.memory_space<vmem_shared>>
      tpu.enqueue_indirect_dma source(%dma_start3A_30 : memref<10240xf32, #tpu.memory_space<vmem_shared>>) target(%arg13 : memref<5120xf32, #tpu.memory_space<vmem>>) offsets(%arg11 : memref<5120xi32, #tpu.memory_space<vmem>>) semaphore(%run_scoped3A : memref<!tpu.dma_semaphore, #tpu.memory_space<semaphore_mem>>)
      %dma_wait3A = arith.constant 0 : i32
      %dma_wait3A_31 = tpu.memref_slice %arg19[%dma_wait3A] : memref<10240xf32, #tpu.memory_space<vmem_shared>> -> memref<10240xf32, #tpu.memory_space<vmem_shared>>
      tpu.wait_indirect_dma semaphore(%run_scoped3A : memref<!tpu.dma_semaphore, #tpu.memory_space<semaphore_mem>>) src(%dma_wait3A_31 : memref<10240xf32, #tpu.memory_space<vmem_shared>>) dst(%arg13 : memref<5120xf32, #tpu.memory_space<vmem>>)
      tpu.yield
    }) : () -> ()
    "tpu.region"() ({
      %run_scoped3A = tpu.sem_alloc : memref<!tpu.dma_semaphore, #tpu.memory_space<semaphore_mem>>
      %dma_start3A = arith.constant 0 : i32
      %dma_start3A_30 = tpu.memref_slice %arg20[%dma_start3A] : memref<10240xi32, #tpu.memory_space<vmem_shared>> -> memref<10240xi32, #tpu.memory_space<vmem_shared>>
      tpu.enqueue_indirect_dma source(%dma_start3A_30 : memref<10240xi32, #tpu.memory_space<vmem_shared>>) target(%arg14 : memref<5120xi32, #tpu.memory_space<vmem>>) offsets(%arg10 : memref<5120xi32, #tpu.memory_space<vmem>>) semaphore(%run_scoped3A : memref<!tpu.dma_semaphore, #tpu.memory_space<semaphore_mem>>)
      %dma_wait3A = arith.constant 0 : i32
      %dma_wait3A_31 = tpu.memref_slice %arg20[%dma_wait3A] : memref<10240xi32, #tpu.memory_space<vmem_shared>> -> memref<10240xi32, #tpu.memory_space<vmem_shared>>
      tpu.wait_indirect_dma semaphore(%run_scoped3A : memref<!tpu.dma_semaphore, #tpu.memory_space<semaphore_mem>>) src(%dma_wait3A_31 : memref<10240xi32, #tpu.memory_space<vmem_shared>>) dst(%arg14 : memref<5120xi32, #tpu.memory_space<vmem>>)
      tpu.yield
    }) : () -> ()
    "tpu.region"() ({
      %run_scoped3A = tpu.sem_alloc : memref<!tpu.dma_semaphore, #tpu.memory_space<semaphore_mem>>
      %dma_start3A = arith.constant 0 : i32
      %dma_start3A_30 = tpu.memref_slice %arg20[%dma_start3A] : memref<10240xi32, #tpu.memory_space<vmem_shared>> -> memref<10240xi32, #tpu.memory_space<vmem_shared>>
      tpu.enqueue_indirect_dma source(%dma_start3A_30 : memref<10240xi32, #tpu.memory_space<vmem_shared>>) target(%arg15 : memref<5120xi32, #tpu.memory_space<vmem>>) offsets(%arg11 : memref<5120xi32, #tpu.memory_space<vmem>>) semaphore(%run_scoped3A : memref<!tpu.dma_semaphore, #tpu.memory_space<semaphore_mem>>)
      %dma_wait3A = arith.constant 0 : i32
      %dma_wait3A_31 = tpu.memref_slice %arg20[%dma_wait3A] : memref<10240xi32, #tpu.memory_space<vmem_shared>> -> memref<10240xi32, #tpu.memory_space<vmem_shared>>
      tpu.wait_indirect_dma semaphore(%run_scoped3A : memref<!tpu.dma_semaphore, #tpu.memory_space<semaphore_mem>>) src(%dma_wait3A_31 : memref<10240xi32, #tpu.memory_space<vmem_shared>>) dst(%arg15 : memref<5120xi32, #tpu.memory_space<vmem>>)
      tpu.yield
    }) : () -> ()
    %scan3A_17 = arith.constant 0 : i32
    %scan3A_18 = arith.constant 0 : i32
    %scan3A_19 = arith.constant 320 : i32
    %scan3A_20 = arith.addi %scan3A_18, %scan3A_19 : i32
    %scan3A_21 = arith.constant 1 : i32
    %scan3A_22 = scf.for %scan3A_30 = %scan3A_18 to %scan3A_20 step %scan3A_21 iter_args(%scan3A_31 = %scan3A_17) -> (i32)  : i32 {
      %mul3A_32 = arith.constant 16 : i32
      %mul3A_33 = arith.muli %scan3A_30, %mul3A_32 : i32
      %get3A = arith.index_cast %mul3A_33 : i32 to index
      %get3A_34 = tpu.vector_load %arg12[%get3A] {strides = array<i32>} : memref<5120xf32, #tpu.memory_space<vmem>>, vector<16xf32>,
      %get3A_35 = vector.shape_cast %get3A_34 : vector<16xf32> to vector<16xf32>
      %get3A_36 = arith.index_cast %mul3A_33 : i32 to index
      %get3A_37 = tpu.vector_load %arg13[%get3A_36] {strides = array<i32>} : memref<5120xf32, #tpu.memory_space<vmem>>, vector<16xf32>,
      %get3A_38 = vector.shape_cast %get3A_37 : vector<16xf32> to vector<16xf32>
      %mul3A_39 = arith.mulf %get3A_35, %get3A_38 : vector<16xf32>
      %swap3A = arith.index_cast %mul3A_33 : i32 to index
      %swap3A_40 = tpu.vector_load %arg16[%swap3A] {strides = array<i32>} : memref<5120xf32, #tpu.memory_space<vmem>>, vector<16xf32>,
      %swap3A_41 = vector.shape_cast %swap3A_40 : vector<16xf32> to vector<16xf32>
      %swap3A_42 = vector.shape_cast %mul3A_39 : vector<16xf32> to vector<16xf32>
      tpu.vector_store %arg16[%swap3A], %swap3A_42 {strides = array<i32>} : memref<5120xf32, #tpu.memory_space<vmem>>, vector<16xf32>,
      %scan3A_43 = arith.constant 0 : i32
      scf.yield %scan3A_43 : i32
    }
    %scan3A_23 = arith.constant 320 : i32
    %barrier3A_24 = arith.constant 0 : index
    tpu.barrier barrier_id(%barrier3A_24)
    "tpu.region"() ({
      %run_scoped3A = tpu.sem_alloc : memref<!tpu.dma_semaphore, #tpu.memory_space<semaphore_mem>>
      %dma_start3A = arith.constant 0 : i32
      %dma_start3A_30 = tpu.memref_slice %arg18[%dma_start3A] : memref<10240xf32, #tpu.memory_space<vmem_shared>> -> memref<10240xf32, #tpu.memory_space<vmem_shared>>
      tpu.enqueue_indirect_dma source(%arg16 : memref<5120xf32, #tpu.memory_space<vmem>>) target(%dma_start3A_30 : memref<10240xf32, #tpu.memory_space<vmem_shared>>) offsets(%arg15 : memref<5120xi32, #tpu.memory_space<vmem>>) semaphore(%run_scoped3A : memref<!tpu.dma_semaphore, #tpu.memory_space<semaphore_mem>>) {add = true}
      %dma_wait3A = arith.constant 0 : i32
      %dma_wait3A_31 = tpu.memref_slice %arg18[%dma_wait3A] : memref<10240xf32, #tpu.memory_space<vmem_shared>> -> memref<10240xf32, #tpu.memory_space<vmem_shared>>
      tpu.wait_indirect_dma semaphore(%run_scoped3A : memref<!tpu.dma_semaphore, #tpu.memory_space<semaphore_mem>>) src(%arg16 : memref<5120xf32, #tpu.memory_space<vmem>>) dst(%dma_wait3A_31 : memref<10240xf32, #tpu.memory_space<vmem_shared>>)
      tpu.yield
    }) : () -> ()
    "tpu.region"() ({
      %run_scoped3A = tpu.sem_alloc : memref<!tpu.dma_semaphore, #tpu.memory_space<semaphore_mem>>
      %dma_start3A = arith.constant 0 : i32
      %dma_start3A_30 = tpu.memref_slice %arg6[%add3A, %dma_start3A] : memref<32x5120xf32, #tpu.memory_space<hbm>> -> memref<1x5120xf32, #tpu.memory_space<hbm>>
      %dma_start3A_31 = tpu.memref_squeeze %dma_start3A_30 : memref<1x5120xf32, #tpu.memory_space<hbm>> -> memref<5120xf32, #tpu.memory_space<hbm>>
      %dma_start3A_32 = arith.constant 0 : i32
      %dma_start3A_33 = tpu.memref_slice %arg6[%add3A, %dma_start3A_32] : memref<32x5120xf32, #tpu.memory_space<hbm>> -> memref<1x5120xf32, #tpu.memory_space<hbm>>
      %dma_start3A_34 = tpu.memref_squeeze %dma_start3A_33 : memref<1x5120xf32, #tpu.memory_space<hbm>> -> memref<5120xf32, #tpu.memory_space<hbm>>
      tpu.enqueue_dma source(%arg16 : memref<5120xf32, #tpu.memory_space<vmem>>) target(%dma_start3A_34 : memref<5120xf32, #tpu.memory_space<hbm>>) target_semaphore(%run_scoped3A : memref<!tpu.dma_semaphore, #tpu.memory_space<semaphore_mem>>)
      %dma_wait3A = arith.constant 0 : i32
      %dma_wait3A_35 = tpu.memref_slice %arg6[%add3A, %dma_wait3A] : memref<32x5120xf32, #tpu.memory_space<hbm>> -> memref<1x5120xf32, #tpu.memory_space<hbm>>
      %dma_wait3A_36 = tpu.memref_squeeze %dma_wait3A_35 : memref<1x5120xf32, #tpu.memory_space<hbm>> -> memref<5120xf32, #tpu.memory_space<hbm>>
      %dma_wait3A_37 = arith.constant 0 : i32
      %dma_wait3A_38 = tpu.memref_slice %arg6[%add3A, %dma_wait3A_37] : memref<32x5120xf32, #tpu.memory_space<hbm>> -> memref<1x5120xf32, #tpu.memory_space<hbm>>
      %dma_wait3A_39 = tpu.memref_squeeze %dma_wait3A_38 : memref<1x5120xf32, #tpu.memory_space<hbm>> -> memref<5120xf32, #tpu.memory_space<hbm>>
      tpu.wait_dma2 semaphore(%run_scoped3A : memref<!tpu.dma_semaphore, #tpu.memory_space<semaphore_mem>>) src(%arg16 : memref<5120xf32, #tpu.memory_space<vmem>>) dst(%dma_wait3A_39 : memref<5120xf32, #tpu.memory_space<hbm>>)
      tpu.yield
    }) : () -> ()
    "tpu.region"() ({
      %run_scoped3A = tpu.sem_alloc : memref<!tpu.dma_semaphore, #tpu.memory_space<semaphore_mem>>
      %dma_start3A = arith.constant 0 : i32
      %dma_start3A_30 = tpu.memref_slice %arg7[%add3A, %dma_start3A] : memref<32x5120xi32, #tpu.memory_space<hbm>> -> memref<1x5120xi32, #tpu.memory_space<hbm>>
      %dma_start3A_31 = tpu.memref_squeeze %dma_start3A_30 : memref<1x5120xi32, #tpu.memory_space<hbm>> -> memref<5120xi32, #tpu.memory_space<hbm>>
      %dma_start3A_32 = arith.constant 0 : i32
      %dma_start3A_33 = tpu.memref_slice %arg7[%add3A, %dma_start3A_32] : memref<32x5120xi32, #tpu.memory_space<hbm>> -> memref<1x5120xi32, #tpu.memory_space<hbm>>
      %dma_start3A_34 = tpu.memref_squeeze %dma_start3A_33 : memref<1x5120xi32, #tpu.memory_space<hbm>> -> memref<5120xi32, #tpu.memory_space<hbm>>
      tpu.enqueue_dma source(%arg14 : memref<5120xi32, #tpu.memory_space<vmem>>) target(%dma_start3A_34 : memref<5120xi32, #tpu.memory_space<hbm>>) target_semaphore(%run_scoped3A : memref<!tpu.dma_semaphore, #tpu.memory_space<semaphore_mem>>)
      %dma_wait3A = arith.constant 0 : i32
      %dma_wait3A_35 = tpu.memref_slice %arg7[%add3A, %dma_wait3A] : memref<32x5120xi32, #tpu.memory_space<hbm>> -> memref<1x5120xi32, #tpu.memory_space<hbm>>
      %dma_wait3A_36 = tpu.memref_squeeze %dma_wait3A_35 : memref<1x5120xi32, #tpu.memory_space<hbm>> -> memref<5120xi32, #tpu.memory_space<hbm>>
      %dma_wait3A_37 = arith.constant 0 : i32
      %dma_wait3A_38 = tpu.memref_slice %arg7[%add3A, %dma_wait3A_37] : memref<32x5120xi32, #tpu.memory_space<hbm>> -> memref<1x5120xi32, #tpu.memory_space<hbm>>
      %dma_wait3A_39 = tpu.memref_squeeze %dma_wait3A_38 : memref<1x5120xi32, #tpu.memory_space<hbm>> -> memref<5120xi32, #tpu.memory_space<hbm>>
      tpu.wait_dma2 semaphore(%run_scoped3A : memref<!tpu.dma_semaphore, #tpu.memory_space<semaphore_mem>>) src(%arg14 : memref<5120xi32, #tpu.memory_space<vmem>>) dst(%dma_wait3A_39 : memref<5120xi32, #tpu.memory_space<hbm>>)
      tpu.yield
    }) : () -> ()
    "tpu.region"() ({
      %run_scoped3A = tpu.sem_alloc : memref<!tpu.dma_semaphore, #tpu.memory_space<semaphore_mem>>
      %dma_start3A = arith.constant 0 : i32
      %dma_start3A_30 = tpu.memref_slice %arg8[%add3A, %dma_start3A] : memref<32x5120xi32, #tpu.memory_space<hbm>> -> memref<1x5120xi32, #tpu.memory_space<hbm>>
      %dma_start3A_31 = tpu.memref_squeeze %dma_start3A_30 : memref<1x5120xi32, #tpu.memory_space<hbm>> -> memref<5120xi32, #tpu.memory_space<hbm>>
      %dma_start3A_32 = arith.constant 0 : i32
      %dma_start3A_33 = tpu.memref_slice %arg8[%add3A, %dma_start3A_32] : memref<32x5120xi32, #tpu.memory_space<hbm>> -> memref<1x5120xi32, #tpu.memory_space<hbm>>
      %dma_start3A_34 = tpu.memref_squeeze %dma_start3A_33 : memref<1x5120xi32, #tpu.memory_space<hbm>> -> memref<5120xi32, #tpu.memory_space<hbm>>
      tpu.enqueue_dma source(%arg15 : memref<5120xi32, #tpu.memory_space<vmem>>) target(%dma_start3A_34 : memref<5120xi32, #tpu.memory_space<hbm>>) target_semaphore(%run_scoped3A : memref<!tpu.dma_semaphore, #tpu.memory_space<semaphore_mem>>)
      %dma_wait3A = arith.constant 0 : i32
      %dma_wait3A_35 = tpu.memref_slice %arg8[%add3A, %dma_wait3A] : memref<32x5120xi32, #tpu.memory_space<hbm>> -> memref<1x5120xi32, #tpu.memory_space<hbm>>
      %dma_wait3A_36 = tpu.memref_squeeze %dma_wait3A_35 : memref<1x5120xi32, #tpu.memory_space<hbm>> -> memref<5120xi32, #tpu.memory_space<hbm>>
      %dma_wait3A_37 = arith.constant 0 : i32
      %dma_wait3A_38 = tpu.memref_slice %arg8[%add3A, %dma_wait3A_37] : memref<32x5120xi32, #tpu.memory_space<hbm>> -> memref<1x5120xi32, #tpu.memory_space<hbm>>
      %dma_wait3A_39 = tpu.memref_squeeze %dma_wait3A_38 : memref<1x5120xi32, #tpu.memory_space<hbm>> -> memref<5120xi32, #tpu.memory_space<hbm>>
      tpu.wait_dma2 semaphore(%run_scoped3A : memref<!tpu.dma_semaphore, #tpu.memory_space<semaphore_mem>>) src(%arg15 : memref<5120xi32, #tpu.memory_space<vmem>>) dst(%dma_wait3A_39 : memref<5120xi32, #tpu.memory_space<hbm>>)
      tpu.yield
    }) : () -> ()
    %barrier3A_25 = arith.constant 0 : index
    tpu.barrier barrier_id(%barrier3A_25)
    %mul3A_26 = arith.constant 640 : i32
    %mul3A_27 = arith.muli %arg1, %mul3A_26 : i32
    %mul3A_28 = arith.constant 640 : i32
    %mul3A_29 = arith.muli %arg1, %mul3A_28 : i32
    "tpu.region"() ({
      %run_scoped3A = tpu.sem_alloc : memref<!tpu.dma_semaphore, #tpu.memory_space<semaphore_mem>>
      %dma_start3A = tpu.memref_slice %arg9[%arg0, %mul3A_29] : memref<2x10240xf32, #tpu.memory_space<hbm>> -> memref<1x640xf32, #tpu.memory_space<hbm>>
      %dma_start3A_30 = tpu.memref_squeeze %dma_start3A : memref<1x640xf32, #tpu.memory_space<hbm>> -> memref<640xf32, #tpu.memory_space<hbm>>
      %dma_start3A_31 = tpu.memref_slice %arg18[%mul3A_27] : memref<10240xf32, #tpu.memory_space<vmem_shared>> -> memref<640xf32, #tpu.memory_space<vmem_shared>>
      tpu.enqueue_dma source(%dma_start3A_31 : memref<640xf32, #tpu.memory_space<vmem_shared>>) target(%dma_start3A_30 : memref<640xf32, #tpu.memory_space<hbm>>) target_semaphore(%run_scoped3A : memref<!tpu.dma_semaphore, #tpu.memory_space<semaphore_mem>>)
      %dma_wait3A = tpu.memref_slice %arg9[%arg0, %mul3A_29] : memref<2x10240xf32, #tpu.memory_space<hbm>> -> memref<1x640xf32, #tpu.memory_space<hbm>>
      %dma_wait3A_32 = tpu.memref_squeeze %dma_wait3A : memref<1x640xf32, #tpu.memory_space<hbm>> -> memref<640xf32, #tpu.memory_space<hbm>>
      %dma_wait3A_33 = tpu.memref_slice %arg18[%mul3A_27] : memref<10240xf32, #tpu.memory_space<vmem_shared>> -> memref<640xf32, #tpu.memory_space<vmem_shared>>
      tpu.wait_dma2 semaphore(%run_scoped3A : memref<!tpu.dma_semaphore, #tpu.memory_space<semaphore_mem>>) src(%dma_wait3A_33 : memref<640xf32, #tpu.memory_space<vmem_shared>>) dst(%dma_wait3A_32 : memref<640xf32, #tpu.memory_space<hbm>>)
      tpu.yield
    }) : () -> ()
    return
  }
}

#map = affine_map<(d0, d1) -> (0, 0)>
#map1 = affine_map<(d0, d1) -> (0)>
module attributes {stable_mosaic.version = 14 : i64} {
  func.func @_eprod_sc_kernel(%arg0: i32, %arg1: i32, %arg2: memref<32x5120xi32, #tpu.memory_space<hbm>>, %arg3: memref<32x5120xi32, #tpu.memory_space<hbm>>, %arg4: memref<10240xf32, #tpu.memory_space<hbm>>, %arg5: memref<32x5120xf32, #tpu.memory_space<hbm>>, %arg6: memref<5120xi32, #tpu.memory_space<vmem>>, %arg7: memref<5120xi32, #tpu.memory_space<vmem>>, %arg8: memref<5120xf32, #tpu.memory_space<vmem>>, %arg9: memref<5120xf32, #tpu.memory_space<vmem>>, %arg10: memref<5120xf32, #tpu.memory_space<vmem>>, %arg11: memref<10240xf32, #tpu.memory_space<vmem_shared>>) attributes {dimension_semantics = [#tpu.dimension_semantics<core_parallel>, #tpu.dimension_semantics<subcore_parallel>], iteration_bounds = array<i64: 2, 16>, scalar_prefetch = 0 : i64, scratch_operands = 6 : i64, tpu.core_type = #tpu.core_type<sc_vector_subcore>, window_params = [{transform_indices = #map}, {transform_indices = #map}, {transform_indices = #map1}, {transform_indices = #map}]} {
    %mul3A = arith.constant 16 : i32
    %mul3A_0 = arith.muli %arg0, %mul3A : i32
    %add3A = arith.addi %mul3A_0, %arg1 : i32
    %mul3A_1 = arith.constant 640 : i32
    %mul3A_2 = arith.muli %arg1, %mul3A_1 : i32
    %mul3A_3 = arith.constant 640 : i32
    %mul3A_4 = arith.muli %arg1, %mul3A_3 : i32
    "tpu.region"() ({
      %run_scoped3A = tpu.sem_alloc : memref<!tpu.dma_semaphore, #tpu.memory_space<semaphore_mem>>
      %dma_start3A = tpu.memref_slice %arg11[%mul3A_4] : memref<10240xf32, #tpu.memory_space<vmem_shared>> -> memref<640xf32, #tpu.memory_space<vmem_shared>>
      %dma_start3A_11 = tpu.memref_slice %arg4[%mul3A_2] : memref<10240xf32, #tpu.memory_space<hbm>> -> memref<640xf32, #tpu.memory_space<hbm>>
      tpu.enqueue_dma source(%dma_start3A_11 : memref<640xf32, #tpu.memory_space<hbm>>) target(%dma_start3A : memref<640xf32, #tpu.memory_space<vmem_shared>>) target_semaphore(%run_scoped3A : memref<!tpu.dma_semaphore, #tpu.memory_space<semaphore_mem>>)
      %dma_wait3A = tpu.memref_slice %arg11[%mul3A_4] : memref<10240xf32, #tpu.memory_space<vmem_shared>> -> memref<640xf32, #tpu.memory_space<vmem_shared>>
      %dma_wait3A_12 = tpu.memref_slice %arg4[%mul3A_2] : memref<10240xf32, #tpu.memory_space<hbm>> -> memref<640xf32, #tpu.memory_space<hbm>>
      tpu.wait_dma2 semaphore(%run_scoped3A : memref<!tpu.dma_semaphore, #tpu.memory_space<semaphore_mem>>) src(%dma_wait3A_12 : memref<640xf32, #tpu.memory_space<hbm>>) dst(%dma_wait3A : memref<640xf32, #tpu.memory_space<vmem_shared>>)
      tpu.yield
    }) : () -> ()
    "tpu.region"() ({
      %run_scoped3A = tpu.sem_alloc : memref<!tpu.dma_semaphore, #tpu.memory_space<semaphore_mem>>
      %dma_start3A = arith.constant 0 : i32
      %dma_start3A_11 = tpu.memref_slice %arg2[%add3A, %dma_start3A] : memref<32x5120xi32, #tpu.memory_space<hbm>> -> memref<1x5120xi32, #tpu.memory_space<hbm>>
      %dma_start3A_12 = tpu.memref_squeeze %dma_start3A_11 : memref<1x5120xi32, #tpu.memory_space<hbm>> -> memref<5120xi32, #tpu.memory_space<hbm>>
      %dma_start3A_13 = arith.constant 0 : i32
      %dma_start3A_14 = tpu.memref_slice %arg2[%add3A, %dma_start3A_13] : memref<32x5120xi32, #tpu.memory_space<hbm>> -> memref<1x5120xi32, #tpu.memory_space<hbm>>
      %dma_start3A_15 = tpu.memref_squeeze %dma_start3A_14 : memref<1x5120xi32, #tpu.memory_space<hbm>> -> memref<5120xi32, #tpu.memory_space<hbm>>
      tpu.enqueue_dma source(%dma_start3A_15 : memref<5120xi32, #tpu.memory_space<hbm>>) target(%arg6 : memref<5120xi32, #tpu.memory_space<vmem>>) target_semaphore(%run_scoped3A : memref<!tpu.dma_semaphore, #tpu.memory_space<semaphore_mem>>)
      %dma_wait3A = arith.constant 0 : i32
      %dma_wait3A_16 = tpu.memref_slice %arg2[%add3A, %dma_wait3A] : memref<32x5120xi32, #tpu.memory_space<hbm>> -> memref<1x5120xi32, #tpu.memory_space<hbm>>
      %dma_wait3A_17 = tpu.memref_squeeze %dma_wait3A_16 : memref<1x5120xi32, #tpu.memory_space<hbm>> -> memref<5120xi32, #tpu.memory_space<hbm>>
      %dma_wait3A_18 = arith.constant 0 : i32
      %dma_wait3A_19 = tpu.memref_slice %arg2[%add3A, %dma_wait3A_18] : memref<32x5120xi32, #tpu.memory_space<hbm>> -> memref<1x5120xi32, #tpu.memory_space<hbm>>
      %dma_wait3A_20 = tpu.memref_squeeze %dma_wait3A_19 : memref<1x5120xi32, #tpu.memory_space<hbm>> -> memref<5120xi32, #tpu.memory_space<hbm>>
      tpu.wait_dma2 semaphore(%run_scoped3A : memref<!tpu.dma_semaphore, #tpu.memory_space<semaphore_mem>>) src(%dma_wait3A_20 : memref<5120xi32, #tpu.memory_space<hbm>>) dst(%arg6 : memref<5120xi32, #tpu.memory_space<vmem>>)
      tpu.yield
    }) : () -> ()
    "tpu.region"() ({
      %run_scoped3A = tpu.sem_alloc : memref<!tpu.dma_semaphore, #tpu.memory_space<semaphore_mem>>
      %dma_start3A = arith.constant 0 : i32
      %dma_start3A_11 = tpu.memref_slice %arg3[%add3A, %dma_start3A] : memref<32x5120xi32, #tpu.memory_space<hbm>> -> memref<1x5120xi32, #tpu.memory_space<hbm>>
      %dma_start3A_12 = tpu.memref_squeeze %dma_start3A_11 : memref<1x5120xi32, #tpu.memory_space<hbm>> -> memref<5120xi32, #tpu.memory_space<hbm>>
      %dma_start3A_13 = arith.constant 0 : i32
      %dma_start3A_14 = tpu.memref_slice %arg3[%add3A, %dma_start3A_13] : memref<32x5120xi32, #tpu.memory_space<hbm>> -> memref<1x5120xi32, #tpu.memory_space<hbm>>
      %dma_start3A_15 = tpu.memref_squeeze %dma_start3A_14 : memref<1x5120xi32, #tpu.memory_space<hbm>> -> memref<5120xi32, #tpu.memory_space<hbm>>
      tpu.enqueue_dma source(%dma_start3A_15 : memref<5120xi32, #tpu.memory_space<hbm>>) target(%arg7 : memref<5120xi32, #tpu.memory_space<vmem>>) target_semaphore(%run_scoped3A : memref<!tpu.dma_semaphore, #tpu.memory_space<semaphore_mem>>)
      %dma_wait3A = arith.constant 0 : i32
      %dma_wait3A_16 = tpu.memref_slice %arg3[%add3A, %dma_wait3A] : memref<32x5120xi32, #tpu.memory_space<hbm>> -> memref<1x5120xi32, #tpu.memory_space<hbm>>
      %dma_wait3A_17 = tpu.memref_squeeze %dma_wait3A_16 : memref<1x5120xi32, #tpu.memory_space<hbm>> -> memref<5120xi32, #tpu.memory_space<hbm>>
      %dma_wait3A_18 = arith.constant 0 : i32
      %dma_wait3A_19 = tpu.memref_slice %arg3[%add3A, %dma_wait3A_18] : memref<32x5120xi32, #tpu.memory_space<hbm>> -> memref<1x5120xi32, #tpu.memory_space<hbm>>
      %dma_wait3A_20 = tpu.memref_squeeze %dma_wait3A_19 : memref<1x5120xi32, #tpu.memory_space<hbm>> -> memref<5120xi32, #tpu.memory_space<hbm>>
      tpu.wait_dma2 semaphore(%run_scoped3A : memref<!tpu.dma_semaphore, #tpu.memory_space<semaphore_mem>>) src(%dma_wait3A_20 : memref<5120xi32, #tpu.memory_space<hbm>>) dst(%arg7 : memref<5120xi32, #tpu.memory_space<vmem>>)
      tpu.yield
    }) : () -> ()
    %barrier3A = arith.constant 0 : index
    tpu.barrier barrier_id(%barrier3A)
    "tpu.region"() ({
      %run_scoped3A = tpu.sem_alloc : memref<!tpu.dma_semaphore, #tpu.memory_space<semaphore_mem>>
      %dma_start3A = arith.constant 0 : i32
      %dma_start3A_11 = tpu.memref_slice %arg11[%dma_start3A] : memref<10240xf32, #tpu.memory_space<vmem_shared>> -> memref<10240xf32, #tpu.memory_space<vmem_shared>>
      tpu.enqueue_indirect_dma source(%dma_start3A_11 : memref<10240xf32, #tpu.memory_space<vmem_shared>>) target(%arg8 : memref<5120xf32, #tpu.memory_space<vmem>>) offsets(%arg6 : memref<5120xi32, #tpu.memory_space<vmem>>) semaphore(%run_scoped3A : memref<!tpu.dma_semaphore, #tpu.memory_space<semaphore_mem>>)
      %dma_wait3A = arith.constant 0 : i32
      %dma_wait3A_12 = tpu.memref_slice %arg11[%dma_wait3A] : memref<10240xf32, #tpu.memory_space<vmem_shared>> -> memref<10240xf32, #tpu.memory_space<vmem_shared>>
      tpu.wait_indirect_dma semaphore(%run_scoped3A : memref<!tpu.dma_semaphore, #tpu.memory_space<semaphore_mem>>) src(%dma_wait3A_12 : memref<10240xf32, #tpu.memory_space<vmem_shared>>) dst(%arg8 : memref<5120xf32, #tpu.memory_space<vmem>>)
      tpu.yield
    }) : () -> ()
    "tpu.region"() ({
      %run_scoped3A = tpu.sem_alloc : memref<!tpu.dma_semaphore, #tpu.memory_space<semaphore_mem>>
      %dma_start3A = arith.constant 0 : i32
      %dma_start3A_11 = tpu.memref_slice %arg11[%dma_start3A] : memref<10240xf32, #tpu.memory_space<vmem_shared>> -> memref<10240xf32, #tpu.memory_space<vmem_shared>>
      tpu.enqueue_indirect_dma source(%dma_start3A_11 : memref<10240xf32, #tpu.memory_space<vmem_shared>>) target(%arg9 : memref<5120xf32, #tpu.memory_space<vmem>>) offsets(%arg7 : memref<5120xi32, #tpu.memory_space<vmem>>) semaphore(%run_scoped3A : memref<!tpu.dma_semaphore, #tpu.memory_space<semaphore_mem>>)
      %dma_wait3A = arith.constant 0 : i32
      %dma_wait3A_12 = tpu.memref_slice %arg11[%dma_wait3A] : memref<10240xf32, #tpu.memory_space<vmem_shared>> -> memref<10240xf32, #tpu.memory_space<vmem_shared>>
      tpu.wait_indirect_dma semaphore(%run_scoped3A : memref<!tpu.dma_semaphore, #tpu.memory_space<semaphore_mem>>) src(%dma_wait3A_12 : memref<10240xf32, #tpu.memory_space<vmem_shared>>) dst(%arg9 : memref<5120xf32, #tpu.memory_space<vmem>>)
      tpu.yield
    }) : () -> ()
    %scan3A = arith.constant 0 : i32
    %scan3A_5 = arith.constant 0 : i32
    %scan3A_6 = arith.constant 320 : i32
    %scan3A_7 = arith.addi %scan3A_5, %scan3A_6 : i32
    %scan3A_8 = arith.constant 1 : i32
    %scan3A_9 = scf.for %scan3A_11 = %scan3A_5 to %scan3A_7 step %scan3A_8 iter_args(%scan3A_12 = %scan3A) -> (i32)  : i32 {
      %mul3A_13 = arith.constant 16 : i32
      %mul3A_14 = arith.muli %scan3A_11, %mul3A_13 : i32
      %get3A = arith.index_cast %mul3A_14 : i32 to index
      %get3A_15 = tpu.vector_load %arg8[%get3A] {strides = array<i32>} : memref<5120xf32, #tpu.memory_space<vmem>>, vector<16xf32>,
      %get3A_16 = vector.shape_cast %get3A_15 : vector<16xf32> to vector<16xf32>
      %get3A_17 = arith.index_cast %mul3A_14 : i32 to index
      %get3A_18 = tpu.vector_load %arg9[%get3A_17] {strides = array<i32>} : memref<5120xf32, #tpu.memory_space<vmem>>, vector<16xf32>,
      %get3A_19 = vector.shape_cast %get3A_18 : vector<16xf32> to vector<16xf32>
      %mul3A_20 = arith.mulf %get3A_16, %get3A_19 : vector<16xf32>
      %swap3A = arith.index_cast %mul3A_14 : i32 to index
      %swap3A_21 = tpu.vector_load %arg10[%swap3A] {strides = array<i32>} : memref<5120xf32, #tpu.memory_space<vmem>>, vector<16xf32>,
      %swap3A_22 = vector.shape_cast %swap3A_21 : vector<16xf32> to vector<16xf32>
      %swap3A_23 = vector.shape_cast %mul3A_20 : vector<16xf32> to vector<16xf32>
      tpu.vector_store %arg10[%swap3A], %swap3A_23 {strides = array<i32>} : memref<5120xf32, #tpu.memory_space<vmem>>, vector<16xf32>,
      %scan3A_24 = arith.constant 0 : i32
      scf.yield %scan3A_24 : i32
    }
    %scan3A_10 = arith.constant 320 : i32
    "tpu.region"() ({
      %run_scoped3A = tpu.sem_alloc : memref<!tpu.dma_semaphore, #tpu.memory_space<semaphore_mem>>
      %dma_start3A = arith.constant 0 : i32
      %dma_start3A_11 = tpu.memref_slice %arg5[%add3A, %dma_start3A] : memref<32x5120xf32, #tpu.memory_space<hbm>> -> memref<1x5120xf32, #tpu.memory_space<hbm>>
      %dma_start3A_12 = tpu.memref_squeeze %dma_start3A_11 : memref<1x5120xf32, #tpu.memory_space<hbm>> -> memref<5120xf32, #tpu.memory_space<hbm>>
      %dma_start3A_13 = arith.constant 0 : i32
      %dma_start3A_14 = tpu.memref_slice %arg5[%add3A, %dma_start3A_13] : memref<32x5120xf32, #tpu.memory_space<hbm>> -> memref<1x5120xf32, #tpu.memory_space<hbm>>
      %dma_start3A_15 = tpu.memref_squeeze %dma_start3A_14 : memref<1x5120xf32, #tpu.memory_space<hbm>> -> memref<5120xf32, #tpu.memory_space<hbm>>
      tpu.enqueue_dma source(%arg10 : memref<5120xf32, #tpu.memory_space<vmem>>) target(%dma_start3A_15 : memref<5120xf32, #tpu.memory_space<hbm>>) target_semaphore(%run_scoped3A : memref<!tpu.dma_semaphore, #tpu.memory_space<semaphore_mem>>)
      %dma_wait3A = arith.constant 0 : i32
      %dma_wait3A_16 = tpu.memref_slice %arg5[%add3A, %dma_wait3A] : memref<32x5120xf32, #tpu.memory_space<hbm>> -> memref<1x5120xf32, #tpu.memory_space<hbm>>
      %dma_wait3A_17 = tpu.memref_squeeze %dma_wait3A_16 : memref<1x5120xf32, #tpu.memory_space<hbm>> -> memref<5120xf32, #tpu.memory_space<hbm>>
      %dma_wait3A_18 = arith.constant 0 : i32
      %dma_wait3A_19 = tpu.memref_slice %arg5[%add3A, %dma_wait3A_18] : memref<32x5120xf32, #tpu.memory_space<hbm>> -> memref<1x5120xf32, #tpu.memory_space<hbm>>
      %dma_wait3A_20 = tpu.memref_squeeze %dma_wait3A_19 : memref<1x5120xf32, #tpu.memory_space<hbm>> -> memref<5120xf32, #tpu.memory_space<hbm>>
      tpu.wait_dma2 semaphore(%run_scoped3A : memref<!tpu.dma_semaphore, #tpu.memory_space<semaphore_mem>>) src(%arg10 : memref<5120xf32, #tpu.memory_space<vmem>>) dst(%dma_wait3A_20 : memref<5120xf32, #tpu.memory_space<hbm>>)
      tpu.yield
    }) : () -> ()
    return
  }
}

#map = affine_map<(d0, d1) -> (0, 0)>
module attributes {stable_mosaic.version = 14 : i64} {
  func.func @_gather_rows_sc_kernel(%arg0: i32, %arg1: i32, %arg2: memref<5008x128xf32, #tpu.memory_space<hbm>>, %arg3: memref<32x320xi32, #tpu.memory_space<hbm>>, %arg4: memref<10240x128xf32, #tpu.memory_space<hbm>>, %arg5: memref<320xi32, #tpu.memory_space<vmem>>, %arg6: memref<320x128xf32, #tpu.memory_space<vmem>>, %arg7: memref<!tpu.dma_semaphore, #tpu.memory_space<semaphore_mem>>) attributes {dimension_semantics = [#tpu.dimension_semantics<core_parallel>, #tpu.dimension_semantics<subcore_parallel>], iteration_bounds = array<i64: 2, 16>, scalar_prefetch = 0 : i64, scratch_operands = 3 : i64, tpu.core_type = #tpu.core_type<sc_vector_subcore>, window_params = [{transform_indices = #map}, {transform_indices = #map}, {transform_indices = #map}]} {
    %mul3A = arith.constant 16 : i32
    %mul3A_0 = arith.muli %arg0, %mul3A : i32
    %add3A = arith.addi %mul3A_0, %arg1 : i32
    "tpu.region"() ({
      %run_scoped3A = tpu.sem_alloc : memref<!tpu.dma_semaphore, #tpu.memory_space<semaphore_mem>>
      %dma_start3A_7 = arith.constant 0 : i32
      %dma_start3A_8 = tpu.memref_slice %arg3[%add3A, %dma_start3A_7] : memref<32x320xi32, #tpu.memory_space<hbm>> -> memref<1x320xi32, #tpu.memory_space<hbm>>
      %dma_start3A_9 = tpu.memref_squeeze %dma_start3A_8 : memref<1x320xi32, #tpu.memory_space<hbm>> -> memref<320xi32, #tpu.memory_space<hbm>>
      %dma_start3A_10 = arith.constant 0 : i32
      %dma_start3A_11 = tpu.memref_slice %arg3[%add3A, %dma_start3A_10] : memref<32x320xi32, #tpu.memory_space<hbm>> -> memref<1x320xi32, #tpu.memory_space<hbm>>
      %dma_start3A_12 = tpu.memref_squeeze %dma_start3A_11 : memref<1x320xi32, #tpu.memory_space<hbm>> -> memref<320xi32, #tpu.memory_space<hbm>>
      tpu.enqueue_dma source(%dma_start3A_12 : memref<320xi32, #tpu.memory_space<hbm>>) target(%arg5 : memref<320xi32, #tpu.memory_space<vmem>>) target_semaphore(%run_scoped3A : memref<!tpu.dma_semaphore, #tpu.memory_space<semaphore_mem>>)
      %dma_wait3A_13 = arith.constant 0 : i32
      %dma_wait3A_14 = tpu.memref_slice %arg3[%add3A, %dma_wait3A_13] : memref<32x320xi32, #tpu.memory_space<hbm>> -> memref<1x320xi32, #tpu.memory_space<hbm>>
      %dma_wait3A_15 = tpu.memref_squeeze %dma_wait3A_14 : memref<1x320xi32, #tpu.memory_space<hbm>> -> memref<320xi32, #tpu.memory_space<hbm>>
      %dma_wait3A_16 = arith.constant 0 : i32
      %dma_wait3A_17 = tpu.memref_slice %arg3[%add3A, %dma_wait3A_16] : memref<32x320xi32, #tpu.memory_space<hbm>> -> memref<1x320xi32, #tpu.memory_space<hbm>>
      %dma_wait3A_18 = tpu.memref_squeeze %dma_wait3A_17 : memref<1x320xi32, #tpu.memory_space<hbm>> -> memref<320xi32, #tpu.memory_space<hbm>>
      tpu.wait_dma2 semaphore(%run_scoped3A : memref<!tpu.dma_semaphore, #tpu.memory_space<semaphore_mem>>) src(%dma_wait3A_18 : memref<320xi32, #tpu.memory_space<hbm>>) dst(%arg5 : memref<320xi32, #tpu.memory_space<vmem>>)
      tpu.yield
    }) : () -> ()
    %dma_start3A = arith.constant 0 : i32
    %dma_start3A_1 = arith.constant 0 : i32
    %dma_start3A_2 = tpu.memref_slice %arg2[%dma_start3A, %dma_start3A_1] : memref<5008x128xf32, #tpu.memory_space<hbm>> -> memref<5008x128xf32, #tpu.memory_space<hbm>>
    tpu.enqueue_indirect_dma source(%dma_start3A_2 : memref<5008x128xf32, #tpu.memory_space<hbm>>) target(%arg6 : memref<320x128xf32, #tpu.memory_space<vmem>>) offsets(%arg5 : memref<320xi32, #tpu.memory_space<vmem>>) semaphore(%arg7 : memref<!tpu.dma_semaphore, #tpu.memory_space<semaphore_mem>>)
    %dma_wait3A = arith.constant 0 : i32
    %dma_wait3A_3 = arith.constant 0 : i32
    %dma_wait3A_4 = tpu.memref_slice %arg2[%dma_wait3A, %dma_wait3A_3] : memref<5008x128xf32, #tpu.memory_space<hbm>> -> memref<5008x128xf32, #tpu.memory_space<hbm>>
    tpu.wait_indirect_dma semaphore(%arg7 : memref<!tpu.dma_semaphore, #tpu.memory_space<semaphore_mem>>) src(%dma_wait3A_4 : memref<5008x128xf32, #tpu.memory_space<hbm>>) dst(%arg6 : memref<320x128xf32, #tpu.memory_space<vmem>>)
    %mul3A_5 = arith.constant 320 : i32
    %mul3A_6 = arith.muli %add3A, %mul3A_5 : i32
    "tpu.region"() ({
      %run_scoped3A = tpu.sem_alloc : memref<!tpu.dma_semaphore, #tpu.memory_space<semaphore_mem>>
      %dma_start3A_7 = arith.constant 0 : i32
      %dma_start3A_8 = tpu.memref_slice %arg4[%mul3A_6, %dma_start3A_7] : memref<10240x128xf32, #tpu.memory_space<hbm>> -> memref<320x128xf32, #tpu.memory_space<hbm>>
      %dma_start3A_9 = arith.constant 0 : i32
      %dma_start3A_10 = tpu.memref_slice %arg4[%mul3A_6, %dma_start3A_9] : memref<10240x128xf32, #tpu.memory_space<hbm>> -> memref<320x128xf32, #tpu.memory_space<hbm>>
      tpu.enqueue_dma source(%arg6 : memref<320x128xf32, #tpu.memory_space<vmem>>) target(%dma_start3A_10 : memref<320x128xf32, #tpu.memory_space<hbm>>) target_semaphore(%run_scoped3A : memref<!tpu.dma_semaphore, #tpu.memory_space<semaphore_mem>>)
      %dma_wait3A_11 = arith.constant 0 : i32
      %dma_wait3A_12 = tpu.memref_slice %arg4[%mul3A_6, %dma_wait3A_11] : memref<10240x128xf32, #tpu.memory_space<hbm>> -> memref<320x128xf32, #tpu.memory_space<hbm>>
      %dma_wait3A_13 = arith.constant 0 : i32
      %dma_wait3A_14 = tpu.memref_slice %arg4[%mul3A_6, %dma_wait3A_13] : memref<10240x128xf32, #tpu.memory_space<hbm>> -> memref<320x128xf32, #tpu.memory_space<hbm>>
      tpu.wait_dma2 semaphore(%run_scoped3A : memref<!tpu.dma_semaphore, #tpu.memory_space<semaphore_mem>>) src(%arg6 : memref<320x128xf32, #tpu.memory_space<vmem>>) dst(%dma_wait3A_14 : memref<320x128xf32, #tpu.memory_space<hbm>>)
      tpu.yield
    }) : () -> ()
    return
  }
}

#map = affine_map<(d0, d1) -> (0, 0)>
#map1 = affine_map<(d0, d1) -> (0, 0, 0)>
module attributes {stable_mosaic.version = 14 : i64} {
  func.func @_rowagg_sc_kernel(%arg0: i32, %arg1: i32, %arg2: memref<10240x128xf32, #tpu.memory_space<hbm>>, %arg3: memref<32x40x128xi32, #tpu.memory_space<hbm>>, %arg4: memref<32x40x128xi32, #tpu.memory_space<hbm>>, %arg5: memref<2x10240x128xf32, #tpu.memory_space<hbm>>, %arg6: memref<40x128xi32, #tpu.memory_space<vmem>>, %arg7: memref<40x128xi32, #tpu.memory_space<vmem>>, %arg8: memref<128x128xf32, #tpu.memory_space<vmem>>, %arg9: memref<16x128xf32, #tpu.memory_space<vmem>>, %arg10: memref<10240x128xf32, #tpu.memory_space<vmem_shared>>) attributes {dimension_semantics = [#tpu.dimension_semantics<core_parallel>, #tpu.dimension_semantics<subcore_parallel>], iteration_bounds = array<i64: 2, 16>, scalar_prefetch = 0 : i64, scratch_operands = 5 : i64, tpu.core_type = #tpu.core_type<sc_vector_subcore>, window_params = [{transform_indices = #map}, {transform_indices = #map1}, {transform_indices = #map1}, {transform_indices = #map1}]} {
    %mul3A = arith.constant 16 : i32
    %mul3A_0 = arith.muli %arg0, %mul3A : i32
    %add3A = arith.addi %mul3A_0, %arg1 : i32
    %scan3A = arith.constant 0 : i32
    %scan3A_1 = arith.constant 0 : i32
    %scan3A_2 = arith.constant 128 : i32
    %scan3A_3 = arith.addi %scan3A_1, %scan3A_2 : i32
    %scan3A_4 = arith.constant 1 : i32
    %scan3A_5 = scf.for %scan3A_26 = %scan3A_1 to %scan3A_3 step %scan3A_4 iter_args(%scan3A_27 = %scan3A) -> (i32)  : i32 {
      %broadcast_in_dim3A = arith.constant 0.000000e+00 : f32
      %broadcast_in_dim3A_28 = vector.broadcast %broadcast_in_dim3A : f32 to vector<16xf32>
      %jit3A = arith.constant 8 : i32
      %div3A = arith.divsi %scan3A_26, %jit3A : i32
      %sign3A = arith.constant 0 : i32
      %sign3A_29 = arith.cmpi sgt, %scan3A_26, %sign3A : i32
      %sign3A_30 = arith.extui %sign3A_29 : i1 to i32
      %sign3A_31 = arith.constant 0 : i32
      %sign3A_32 = arith.cmpi slt, %scan3A_26, %sign3A_31 : i32
      %sign3A_33 = arith.extui %sign3A_32 : i1 to i32
      %sign3A_34 = arith.subi %sign3A_30, %sign3A_33 : i32
      %sign3A_35 = arith.constant 0 : i32
      %sign3A_36 = arith.cmpi sgt, %jit3A, %sign3A_35 : i32
      %sign3A_37 = arith.extui %sign3A_36 : i1 to i32
      %sign3A_38 = arith.constant 0 : i32
      %sign3A_39 = arith.cmpi slt, %jit3A, %sign3A_38 : i32
      %sign3A_40 = arith.extui %sign3A_39 : i1 to i32
      %sign3A_41 = arith.subi %sign3A_37, %sign3A_40 : i32
      %ne3A = arith.cmpi ne, %sign3A_34, %sign3A_41 : i32
      %rem3A = arith.remsi %scan3A_26, %jit3A : i32
      %ne3A_42 = arith.constant 0 : i32
      %ne3A_43 = arith.cmpi ne, %rem3A, %ne3A_42 : i32
      %and3A = arith.andi %ne3A, %ne3A_43 : i1
      %sub3A = arith.constant 1 : i32
      %sub3A_44 = arith.subi %div3A, %sub3A : i32
      %select_n3A = arith.select %and3A, %sub3A_44, %div3A : i32
      %jit3A_45 = arith.constant 8 : i32
      %eq3A = arith.constant 0 : i32
      %eq3A_46 = arith.cmpi eq, %jit3A_45, %eq3A : i32
      %jit3A_47 = arith.constant 1 : i32
      %select_n3A_48 = arith.select %eq3A_46, %jit3A_47, %jit3A_45 : i32
      %rem3A_49 = arith.remsi %scan3A_26, %select_n3A_48 : i32
      %ne3A_50 = arith.constant 0 : i32
      %ne3A_51 = arith.cmpi ne, %rem3A_49, %ne3A_50 : i32
      %lt3A = arith.constant 0 : i32
      %lt3A_52 = arith.cmpi slt, %rem3A_49, %lt3A : i32
      %lt3A_53 = arith.constant 0 : i32
      %lt3A_54 = arith.cmpi slt, %select_n3A_48, %lt3A_53 : i32
      %ne3A_55 = arith.xori %lt3A_52, %lt3A_54 : i1
      %and3A_56 = arith.andi %ne3A_55, %ne3A_51 : i1
      %add3A_57 = arith.addi %rem3A_49, %select_n3A_48 : i32
      %select_n3A_58 = arith.select %and3A_56, %add3A_57, %rem3A_49 : i32
      %mul3A_59 = arith.constant 16 : i32
      %mul3A_60 = arith.muli %select_n3A_58, %mul3A_59 : i32
      %swap3A = arith.index_cast %select_n3A : i32 to index
      %swap3A_61 = arith.index_cast %mul3A_60 : i32 to index
      %swap3A_62 = tpu.vector_load %arg9[%swap3A, %swap3A_61] {strides = array<i32>} : memref<16x128xf32, #tpu.memory_space<vmem>>, vector<1x16xf32>,
      %swap3A_63 = vector.shape_cast %swap3A_62 : vector<1x16xf32> to vector<16xf32>
      %swap3A_64 = vector.shape_cast %broadcast_in_dim3A_28 : vector<16xf32> to vector<1x16xf32>
      tpu.vector_store %arg9[%swap3A, %swap3A_61], %swap3A_64 {strides = array<i32>} : memref<16x128xf32, #tpu.memory_space<vmem>>, vector<1x16xf32>,
      %scan3A_65 = arith.constant 0 : i32
      scf.yield %scan3A_65 : i32
    }
    %scan3A_6 = arith.constant 128 : i32
    %scan3A_7 = arith.constant 0 : i32
    %scan3A_8 = arith.constant 0 : i32
    %scan3A_9 = arith.constant 40 : i32
    %scan3A_10 = arith.addi %scan3A_8, %scan3A_9 : i32
    %scan3A_11 = arith.constant 1 : i32
    %scan3A_12 = scf.for %scan3A_26 = %scan3A_8 to %scan3A_10 step %scan3A_11 iter_args(%scan3A_27 = %scan3A_7) -> (i32)  : i32 {
      %mul3A_28 = arith.constant 640 : i32
      %mul3A_29 = arith.muli %arg1, %mul3A_28 : i32
      %mul3A_30 = arith.constant 16 : i32
      %mul3A_31 = arith.muli %scan3A_26, %mul3A_30 : i32
      %add3A_32 = arith.addi %mul3A_29, %mul3A_31 : i32
      "tpu.region"() ({
        %run_scoped3A = tpu.sem_alloc : memref<!tpu.dma_semaphore, #tpu.memory_space<semaphore_mem>>
        %dma_start3A = arith.constant 0 : i32
        %dma_start3A_34 = tpu.memref_slice %arg10[%add3A_32, %dma_start3A] : memref<10240x128xf32, #tpu.memory_space<vmem_shared>> -> memref<16x128xf32, #tpu.memory_space<vmem_shared>>
        %dma_start3A_35 = arith.constant 0 : i32
        %dma_start3A_36 = tpu.memref_slice %arg10[%add3A_32, %dma_start3A_35] : memref<10240x128xf32, #tpu.memory_space<vmem_shared>> -> memref<16x128xf32, #tpu.memory_space<vmem_shared>>
        tpu.enqueue_dma source(%arg9 : memref<16x128xf32, #tpu.memory_space<vmem>>) target(%dma_start3A_36 : memref<16x128xf32, #tpu.memory_space<vmem_shared>>) target_semaphore(%run_scoped3A : memref<!tpu.dma_semaphore, #tpu.memory_space<semaphore_mem>>)
        %dma_wait3A = arith.constant 0 : i32
        %dma_wait3A_37 = tpu.memref_slice %arg10[%add3A_32, %dma_wait3A] : memref<10240x128xf32, #tpu.memory_space<vmem_shared>> -> memref<16x128xf32, #tpu.memory_space<vmem_shared>>
        %dma_wait3A_38 = arith.constant 0 : i32
        %dma_wait3A_39 = tpu.memref_slice %arg10[%add3A_32, %dma_wait3A_38] : memref<10240x128xf32, #tpu.memory_space<vmem_shared>> -> memref<16x128xf32, #tpu.memory_space<vmem_shared>>
        tpu.wait_dma2 semaphore(%run_scoped3A : memref<!tpu.dma_semaphore, #tpu.memory_space<semaphore_mem>>) src(%arg9 : memref<16x128xf32, #tpu.memory_space<vmem>>) dst(%dma_wait3A_39 : memref<16x128xf32, #tpu.memory_space<vmem_shared>>)
        tpu.yield
      }) : () -> ()
      %scan3A_33 = arith.constant 0 : i32
      scf.yield %scan3A_33 : i32
    }
    %scan3A_13 = arith.constant 40 : i32
    "tpu.region"() ({
      %run_scoped3A = tpu.sem_alloc : memref<!tpu.dma_semaphore, #tpu.memory_space<semaphore_mem>>
      %dma_start3A = arith.constant 0 : i32
      %dma_start3A_26 = arith.constant 0 : i32
      %dma_start3A_27 = tpu.memref_slice %arg3[%add3A, %dma_start3A, %dma_start3A_26] : memref<32x40x128xi32, #tpu.memory_space<hbm>> -> memref<1x40x128xi32, #tpu.memory_space<hbm>>
      %dma_start3A_28 = tpu.memref_squeeze %dma_start3A_27 : memref<1x40x128xi32, #tpu.memory_space<hbm>> -> memref<40x128xi32, #tpu.memory_space<hbm>>
      %dma_start3A_29 = arith.constant 0 : i32
      %dma_start3A_30 = arith.constant 0 : i32
      %dma_start3A_31 = tpu.memref_slice %arg3[%add3A, %dma_start3A_29, %dma_start3A_30] : memref<32x40x128xi32, #tpu.memory_space<hbm>> -> memref<1x40x128xi32, #tpu.memory_space<hbm>>
      %dma_start3A_32 = tpu.memref_squeeze %dma_start3A_31 : memref<1x40x128xi32, #tpu.memory_space<hbm>> -> memref<40x128xi32, #tpu.memory_space<hbm>>
      tpu.enqueue_dma source(%dma_start3A_32 : memref<40x128xi32, #tpu.memory_space<hbm>>) target(%arg6 : memref<40x128xi32, #tpu.memory_space<vmem>>) target_semaphore(%run_scoped3A : memref<!tpu.dma_semaphore, #tpu.memory_space<semaphore_mem>>)
      %dma_wait3A = arith.constant 0 : i32
      %dma_wait3A_33 = arith.constant 0 : i32
      %dma_wait3A_34 = tpu.memref_slice %arg3[%add3A, %dma_wait3A, %dma_wait3A_33] : memref<32x40x128xi32, #tpu.memory_space<hbm>> -> memref<1x40x128xi32, #tpu.memory_space<hbm>>
      %dma_wait3A_35 = tpu.memref_squeeze %dma_wait3A_34 : memref<1x40x128xi32, #tpu.memory_space<hbm>> -> memref<40x128xi32, #tpu.memory_space<hbm>>
      %dma_wait3A_36 = arith.constant 0 : i32
      %dma_wait3A_37 = arith.constant 0 : i32
      %dma_wait3A_38 = tpu.memref_slice %arg3[%add3A, %dma_wait3A_36, %dma_wait3A_37] : memref<32x40x128xi32, #tpu.memory_space<hbm>> -> memref<1x40x128xi32, #tpu.memory_space<hbm>>
      %dma_wait3A_39 = tpu.memref_squeeze %dma_wait3A_38 : memref<1x40x128xi32, #tpu.memory_space<hbm>> -> memref<40x128xi32, #tpu.memory_space<hbm>>
      tpu.wait_dma2 semaphore(%run_scoped3A : memref<!tpu.dma_semaphore, #tpu.memory_space<semaphore_mem>>) src(%dma_wait3A_39 : memref<40x128xi32, #tpu.memory_space<hbm>>) dst(%arg6 : memref<40x128xi32, #tpu.memory_space<vmem>>)
      tpu.yield
    }) : () -> ()
    "tpu.region"() ({
      %run_scoped3A = tpu.sem_alloc : memref<!tpu.dma_semaphore, #tpu.memory_space<semaphore_mem>>
      %dma_start3A = arith.constant 0 : i32
      %dma_start3A_26 = arith.constant 0 : i32
      %dma_start3A_27 = tpu.memref_slice %arg4[%add3A, %dma_start3A, %dma_start3A_26] : memref<32x40x128xi32, #tpu.memory_space<hbm>> -> memref<1x40x128xi32, #tpu.memory_space<hbm>>
      %dma_start3A_28 = tpu.memref_squeeze %dma_start3A_27 : memref<1x40x128xi32, #tpu.memory_space<hbm>> -> memref<40x128xi32, #tpu.memory_space<hbm>>
      %dma_start3A_29 = arith.constant 0 : i32
      %dma_start3A_30 = arith.constant 0 : i32
      %dma_start3A_31 = tpu.memref_slice %arg4[%add3A, %dma_start3A_29, %dma_start3A_30] : memref<32x40x128xi32, #tpu.memory_space<hbm>> -> memref<1x40x128xi32, #tpu.memory_space<hbm>>
      %dma_start3A_32 = tpu.memref_squeeze %dma_start3A_31 : memref<1x40x128xi32, #tpu.memory_space<hbm>> -> memref<40x128xi32, #tpu.memory_space<hbm>>
      tpu.enqueue_dma source(%dma_start3A_32 : memref<40x128xi32, #tpu.memory_space<hbm>>) target(%arg7 : memref<40x128xi32, #tpu.memory_space<vmem>>) target_semaphore(%run_scoped3A : memref<!tpu.dma_semaphore, #tpu.memory_space<semaphore_mem>>)
      %dma_wait3A = arith.constant 0 : i32
      %dma_wait3A_33 = arith.constant 0 : i32
      %dma_wait3A_34 = tpu.memref_slice %arg4[%add3A, %dma_wait3A, %dma_wait3A_33] : memref<32x40x128xi32, #tpu.memory_space<hbm>> -> memref<1x40x128xi32, #tpu.memory_space<hbm>>
      %dma_wait3A_35 = tpu.memref_squeeze %dma_wait3A_34 : memref<1x40x128xi32, #tpu.memory_space<hbm>> -> memref<40x128xi32, #tpu.memory_space<hbm>>
      %dma_wait3A_36 = arith.constant 0 : i32
      %dma_wait3A_37 = arith.constant 0 : i32
      %dma_wait3A_38 = tpu.memref_slice %arg4[%add3A, %dma_wait3A_36, %dma_wait3A_37] : memref<32x40x128xi32, #tpu.memory_space<hbm>> -> memref<1x40x128xi32, #tpu.memory_space<hbm>>
      %dma_wait3A_39 = tpu.memref_squeeze %dma_wait3A_38 : memref<1x40x128xi32, #tpu.memory_space<hbm>> -> memref<40x128xi32, #tpu.memory_space<hbm>>
      tpu.wait_dma2 semaphore(%run_scoped3A : memref<!tpu.dma_semaphore, #tpu.memory_space<semaphore_mem>>) src(%dma_wait3A_39 : memref<40x128xi32, #tpu.memory_space<hbm>>) dst(%arg7 : memref<40x128xi32, #tpu.memory_space<vmem>>)
      tpu.yield
    }) : () -> ()
    %barrier3A = arith.constant 0 : index
    tpu.barrier barrier_id(%barrier3A)
    %scan3A_14 = arith.constant 0 : i32
    %scan3A_15 = arith.constant 0 : i32
    %scan3A_16 = arith.constant 40 : i32
    %scan3A_17 = arith.addi %scan3A_15, %scan3A_16 : i32
    %scan3A_18 = arith.constant 1 : i32
    %scan3A_19 = scf.for %scan3A_26 = %scan3A_15 to %scan3A_17 step %scan3A_18 iter_args(%scan3A_27 = %scan3A_14) -> (i32)  : i32 {
      "tpu.region"() ({
        %run_scoped3A = tpu.sem_alloc : memref<!tpu.dma_semaphore, #tpu.memory_space<semaphore_mem>>
        %dma_start3A = arith.constant 0 : i32
        %dma_start3A_29 = tpu.memref_slice %arg6[%scan3A_26, %dma_start3A] : memref<40x128xi32, #tpu.memory_space<vmem>> -> memref<1x128xi32, #tpu.memory_space<vmem>>
        %dma_start3A_30 = tpu.memref_squeeze %dma_start3A_29 : memref<1x128xi32, #tpu.memory_space<vmem>> -> memref<128xi32, #tpu.memory_space<vmem>>
        %dma_start3A_31 = arith.constant 0 : i32
        %dma_start3A_32 = arith.constant 0 : i32
        %dma_start3A_33 = tpu.memref_slice %arg2[%dma_start3A_31, %dma_start3A_32] : memref<10240x128xf32, #tpu.memory_space<hbm>> -> memref<10240x128xf32, #tpu.memory_space<hbm>>
        tpu.enqueue_indirect_dma source(%dma_start3A_33 : memref<10240x128xf32, #tpu.memory_space<hbm>>) target(%arg8 : memref<128x128xf32, #tpu.memory_space<vmem>>) offsets(%dma_start3A_30 : memref<128xi32, #tpu.memory_space<vmem>>) semaphore(%run_scoped3A : memref<!tpu.dma_semaphore, #tpu.memory_space<semaphore_mem>>)
        %dma_wait3A = arith.constant 0 : i32
        %dma_wait3A_34 = tpu.memref_slice %arg6[%scan3A_26, %dma_wait3A] : memref<40x128xi32, #tpu.memory_space<vmem>> -> memref<1x128xi32, #tpu.memory_space<vmem>>
        %dma_wait3A_35 = tpu.memref_squeeze %dma_wait3A_34 : memref<1x128xi32, #tpu.memory_space<vmem>> -> memref<128xi32, #tpu.memory_space<vmem>>
        %dma_wait3A_36 = arith.constant 0 : i32
        %dma_wait3A_37 = arith.constant 0 : i32
        %dma_wait3A_38 = tpu.memref_slice %arg2[%dma_wait3A_36, %dma_wait3A_37] : memref<10240x128xf32, #tpu.memory_space<hbm>> -> memref<10240x128xf32, #tpu.memory_space<hbm>>
        tpu.wait_indirect_dma semaphore(%run_scoped3A : memref<!tpu.dma_semaphore, #tpu.memory_space<semaphore_mem>>) src(%dma_wait3A_38 : memref<10240x128xf32, #tpu.memory_space<hbm>>) dst(%arg8 : memref<128x128xf32, #tpu.memory_space<vmem>>)
        tpu.yield
      }) : () -> ()
      "tpu.region"() ({
        %run_scoped3A = tpu.sem_alloc : memref<!tpu.dma_semaphore, #tpu.memory_space<semaphore_mem>>
        %dma_start3A = arith.constant 0 : i32
        %dma_start3A_29 = tpu.memref_slice %arg7[%scan3A_26, %dma_start3A] : memref<40x128xi32, #tpu.memory_space<vmem>> -> memref<1x128xi32, #tpu.memory_space<vmem>>
        %dma_start3A_30 = tpu.memref_squeeze %dma_start3A_29 : memref<1x128xi32, #tpu.memory_space<vmem>> -> memref<128xi32, #tpu.memory_space<vmem>>
        %dma_start3A_31 = arith.constant 0 : i32
        %dma_start3A_32 = arith.constant 0 : i32
        %dma_start3A_33 = tpu.memref_slice %arg10[%dma_start3A_31, %dma_start3A_32] : memref<10240x128xf32, #tpu.memory_space<vmem_shared>> -> memref<10240x128xf32, #tpu.memory_space<vmem_shared>>
        tpu.enqueue_indirect_dma source(%arg8 : memref<128x128xf32, #tpu.memory_space<vmem>>) target(%dma_start3A_33 : memref<10240x128xf32, #tpu.memory_space<vmem_shared>>) offsets(%dma_start3A_30 : memref<128xi32, #tpu.memory_space<vmem>>) semaphore(%run_scoped3A : memref<!tpu.dma_semaphore, #tpu.memory_space<semaphore_mem>>) {add = true}
        %dma_wait3A = arith.constant 0 : i32
        %dma_wait3A_34 = tpu.memref_slice %arg7[%scan3A_26, %dma_wait3A] : memref<40x128xi32, #tpu.memory_space<vmem>> -> memref<1x128xi32, #tpu.memory_space<vmem>>
        %dma_wait3A_35 = tpu.memref_squeeze %dma_wait3A_34 : memref<1x128xi32, #tpu.memory_space<vmem>> -> memref<128xi32, #tpu.memory_space<vmem>>
        %dma_wait3A_36 = arith.constant 0 : i32
        %dma_wait3A_37 = arith.constant 0 : i32
        %dma_wait3A_38 = tpu.memref_slice %arg10[%dma_wait3A_36, %dma_wait3A_37] : memref<10240x128xf32, #tpu.memory_space<vmem_shared>> -> memref<10240x128xf32, #tpu.memory_space<vmem_shared>>
        tpu.wait_indirect_dma semaphore(%run_scoped3A : memref<!tpu.dma_semaphore, #tpu.memory_space<semaphore_mem>>) src(%arg8 : memref<128x128xf32, #tpu.memory_space<vmem>>) dst(%dma_wait3A_38 : memref<10240x128xf32, #tpu.memory_space<vmem_shared>>)
        tpu.yield
      }) : () -> ()
      %scan3A_28 = arith.constant 0 : i32
      scf.yield %scan3A_28 : i32
    }
    %scan3A_20 = arith.constant 40 : i32
    %barrier3A_21 = arith.constant 0 : index
    tpu.barrier barrier_id(%barrier3A_21)
    %mul3A_22 = arith.constant 640 : i32
    %mul3A_23 = arith.muli %arg1, %mul3A_22 : i32
    %mul3A_24 = arith.constant 640 : i32
    %mul3A_25 = arith.muli %arg1, %mul3A_24 : i32
    "tpu.region"() ({
      %run_scoped3A = tpu.sem_alloc : memref<!tpu.dma_semaphore, #tpu.memory_space<semaphore_mem>>
      %dma_start3A = arith.constant 0 : i32
      %dma_start3A_26 = tpu.memref_slice %arg5[%arg0, %mul3A_25, %dma_start3A] : memref<2x10240x128xf32, #tpu.memory_space<hbm>> -> memref<1x640x128xf32, #tpu.memory_space<hbm>>
      %dma_start3A_27 = tpu.memref_squeeze %dma_start3A_26 : memref<1x640x128xf32, #tpu.memory_space<hbm>> -> memref<640x128xf32, #tpu.memory_space<hbm>>
      %dma_start3A_28 = arith.constant 0 : i32
      %dma_start3A_29 = tpu.memref_slice %arg10[%mul3A_23, %dma_start3A_28] : memref<10240x128xf32, #tpu.memory_space<vmem_shared>> -> memref<640x128xf32, #tpu.memory_space<vmem_shared>>
      tpu.enqueue_dma source(%dma_start3A_29 : memref<640x128xf32, #tpu.memory_space<vmem_shared>>) target(%dma_start3A_27 : memref<640x128xf32, #tpu.memory_space<hbm>>) target_semaphore(%run_scoped3A : memref<!tpu.dma_semaphore, #tpu.memory_space<semaphore_mem>>)
      %dma_wait3A = arith.constant 0 : i32
      %dma_wait3A_30 = tpu.memref_slice %arg5[%arg0, %mul3A_25, %dma_wait3A] : memref<2x10240x128xf32, #tpu.memory_space<hbm>> -> memref<1x640x128xf32, #tpu.memory_space<hbm>>
      %dma_wait3A_31 = tpu.memref_squeeze %dma_wait3A_30 : memref<1x640x128xf32, #tpu.memory_space<hbm>> -> memref<640x128xf32, #tpu.memory_space<hbm>>
      %dma_wait3A_32 = arith.constant 0 : i32
      %dma_wait3A_33 = tpu.memref_slice %arg10[%mul3A_23, %dma_wait3A_32] : memref<10240x128xf32, #tpu.memory_space<vmem_shared>> -> memref<640x128xf32, #tpu.memory_space<vmem_shared>>
      tpu.wait_dma2 semaphore(%run_scoped3A : memref<!tpu.dma_semaphore, #tpu.memory_space<semaphore_mem>>) src(%dma_wait3A_33 : memref<640x128xf32, #tpu.memory_space<vmem_shared>>) dst(%dma_wait3A_31 : memref<640x128xf32, #tpu.memory_space<hbm>>)
      tpu.yield
    }) : () -> ()
    return
  }
}

module attributes {stable_mosaic.version = 14 : i64} {
  func.func @_rank_kernel(%arg0: i32, %arg1: memref<1x10240xf32, #tpu.memory_space<vmem>>, %arg2: memref<1x1x128xf32, #tpu.memory_space<vmem>>, %arg3: memref<1x1x128xf32, #tpu.memory_space<vmem>>) attributes {dimension_semantics = [#tpu.dimension_semantics<arbitrary>], iteration_bounds = array<i64: 80>, scalar_prefetch = 0 : i64, scratch_operands = 0 : i64, tpu.core_type = #tpu.core_type<tc>, window_params = [{pipeline_mode = #tpu.pipeline_mode<synchronous>, transform_indices = @transform_0, window_bounds = array<i64: 1, 10240>}, {transform_indices = @transform_1, window_bounds = array<i64: 1, 1, 128>}, {transform_indices = @transform_2, window_bounds = array<i64: 1, 1, 128>}]} {
    %get3A = arith.constant 0 : index
    %get3A_0 = arith.constant 0 : index
    %get3A_1 = arith.constant 0 : index
    %get3A_2 = vector.load %arg2[%get3A, %get3A_0, %get3A_1] : memref<1x1x128xf32, #tpu.memory_space<vmem>>, vector<1x1x128xf32>
    %get3A_3 = vector.shape_cast %get3A_2 : vector<1x1x128xf32> to vector<128xf32>
    %reshape3A = vector.shape_cast %get3A_3 : vector<128xf32> to vector<128x1xf32>
    %mul3A = arith.constant 128 : i32
    %mul3A_4 = arith.muli %arg0, %mul3A : i32
    %iota3A = tpu.iota {dimensions = array<i32: 0>} : vector<128x1xi32>
    %add3A = vector.broadcast %mul3A_4 : i32 to vector<128x1xi32>
    %add3A_5 = arith.addi %add3A, %iota3A : vector<128x1xi32>
    %broadcast_in_dim3A = arith.constant 0.000000e+00 : f32
    %broadcast_in_dim3A_6 = vector.broadcast %broadcast_in_dim3A : f32 to vector<128x1xf32>
    %get3A_7 = arith.constant 0 : index
    %get3A_8 = arith.constant 0 : index
    %get3A_9 = vector.load %arg1[%get3A_7, %get3A_8] : memref<1x10240xf32, #tpu.memory_space<vmem>>, vector<1x1280xf32>
    %get3A_10 = vector.shape_cast %get3A_9 : vector<1x1280xf32> to vector<1280xf32>
    %reshape3A_11 = vector.shape_cast %get3A_10 : vector<1280xf32> to vector<1x1280xf32>
    %iota3A_12 = tpu.iota {dimensions = array<i32: 1>} : vector<128x1280xi32>
    %add3A_13 = arith.constant 0 : i32
    %add3A_14 = vector.broadcast %add3A_13 : i32 to vector<128x1280xi32>
    %add3A_15 = arith.addi %add3A_14, %iota3A_12 : vector<128x1280xi32>
    %gt3A = vector.broadcast %reshape3A_11 : vector<1x1280xf32> to vector<128x1280xf32>
    %gt3A_16 = vector.broadcast %reshape3A : vector<128x1xf32> to vector<128x1280xf32>
    %gt3A_17 = arith.cmpf ogt, %gt3A, %gt3A_16 : vector<128x1280xf32>
    %convert_element_type3A = arith.extui %gt3A_17 : vector<128x1280xi1> to vector<128x1280xi32>
    %convert_element_type3A_18 = arith.sitofp %convert_element_type3A : vector<128x1280xi32> to vector<128x1280xf32>
    %eq3A = vector.broadcast %reshape3A_11 : vector<1x1280xf32> to vector<128x1280xf32>
    %eq3A_19 = vector.broadcast %reshape3A : vector<128x1xf32> to vector<128x1280xf32>
    %eq3A_20 = arith.cmpf oeq, %eq3A, %eq3A_19 : vector<128x1280xf32>
    %lt3A = vector.broadcast %add3A_5 : vector<128x1xi32> to vector<128x1280xi32>
    %lt3A_21 = arith.cmpi slt, %add3A_15, %lt3A : vector<128x1280xi32>
    %and3A = arith.andi %eq3A_20, %lt3A_21 : vector<128x1280xi1>
    %convert_element_type3A_22 = arith.extui %and3A : vector<128x1280xi1> to vector<128x1280xi32>
    %convert_element_type3A_23 = arith.sitofp %convert_element_type3A_22 : vector<128x1280xi32> to vector<128x1280xf32>
    %add3A_24 = arith.addf %convert_element_type3A_18, %convert_element_type3A_23 : vector<128x1280xf32>
    %reduce_sum3A = arith.constant dense<0.000000e+00> : vector<128xf32>
    %reduce_sum3A_25 = vector.multi_reduction <add>, %add3A_24, %reduce_sum3A [1] : vector<128x1280xf32> to vector<128xf32>
    %broadcast_in_dim3A_26 = vector.shape_cast %reduce_sum3A_25 : vector<128xf32> to vector<128x1xf32>
    %add3A_27 = arith.addf %broadcast_in_dim3A_6, %broadcast_in_dim3A_26 : vector<128x1xf32>
    %get3A_28 = arith.constant 0 : index
    %get3A_29 = arith.constant 1280 : index
    %get3A_30 = vector.load %arg1[%get3A_28, %get3A_29] : memref<1x10240xf32, #tpu.memory_space<vmem>>, vector<1x1280xf32>
    %get3A_31 = vector.shape_cast %get3A_30 : vector<1x1280xf32> to vector<1280xf32>
    %reshape3A_32 = vector.shape_cast %get3A_31 : vector<1280xf32> to vector<1x1280xf32>
    %iota3A_33 = tpu.iota {dimensions = array<i32: 1>} : vector<128x1280xi32>
    %add3A_34 = arith.constant 1280 : i32
    %add3A_35 = vector.broadcast %add3A_34 : i32 to vector<128x1280xi32>
    %add3A_36 = arith.addi %add3A_35, %iota3A_33 : vector<128x1280xi32>
    %gt3A_37 = vector.broadcast %reshape3A_32 : vector<1x1280xf32> to vector<128x1280xf32>
    %gt3A_38 = vector.broadcast %reshape3A : vector<128x1xf32> to vector<128x1280xf32>
    %gt3A_39 = arith.cmpf ogt, %gt3A_37, %gt3A_38 : vector<128x1280xf32>
    %convert_element_type3A_40 = arith.extui %gt3A_39 : vector<128x1280xi1> to vector<128x1280xi32>
    %convert_element_type3A_41 = arith.sitofp %convert_element_type3A_40 : vector<128x1280xi32> to vector<128x1280xf32>
    %eq3A_42 = vector.broadcast %reshape3A_32 : vector<1x1280xf32> to vector<128x1280xf32>
    %eq3A_43 = vector.broadcast %reshape3A : vector<128x1xf32> to vector<128x1280xf32>
    %eq3A_44 = arith.cmpf oeq, %eq3A_42, %eq3A_43 : vector<128x1280xf32>
    %lt3A_45 = vector.broadcast %add3A_5 : vector<128x1xi32> to vector<128x1280xi32>
    %lt3A_46 = arith.cmpi slt, %add3A_36, %lt3A_45 : vector<128x1280xi32>
    %and3A_47 = arith.andi %eq3A_44, %lt3A_46 : vector<128x1280xi1>
    %convert_element_type3A_48 = arith.extui %and3A_47 : vector<128x1280xi1> to vector<128x1280xi32>
    %convert_element_type3A_49 = arith.sitofp %convert_element_type3A_48 : vector<128x1280xi32> to vector<128x1280xf32>
    %add3A_50 = arith.addf %convert_element_type3A_41, %convert_element_type3A_49 : vector<128x1280xf32>
    %reduce_sum3A_51 = arith.constant dense<0.000000e+00> : vector<128xf32>
    %reduce_sum3A_52 = vector.multi_reduction <add>, %add3A_50, %reduce_sum3A_51 [1] : vector<128x1280xf32> to vector<128xf32>
    %broadcast_in_dim3A_53 = vector.shape_cast %reduce_sum3A_52 : vector<128xf32> to vector<128x1xf32>
    %add3A_54 = arith.addf %add3A_27, %broadcast_in_dim3A_53 : vector<128x1xf32>
    %get3A_55 = arith.constant 0 : index
    %get3A_56 = arith.constant 2560 : index
    %get3A_57 = vector.load %arg1[%get3A_55, %get3A_56] : memref<1x10240xf32, #tpu.memory_space<vmem>>, vector<1x1280xf32>
    %get3A_58 = vector.shape_cast %get3A_57 : vector<1x1280xf32> to vector<1280xf32>
    %reshape3A_59 = vector.shape_cast %get3A_58 : vector<1280xf32> to vector<1x1280xf32>
    %iota3A_60 = tpu.iota {dimensions = array<i32: 1>} : vector<128x1280xi32>
    %add3A_61 = arith.constant 2560 : i32
    %add3A_62 = vector.broadcast %add3A_61 : i32 to vector<128x1280xi32>
    %add3A_63 = arith.addi %add3A_62, %iota3A_60 : vector<128x1280xi32>
    %gt3A_64 = vector.broadcast %reshape3A_59 : vector<1x1280xf32> to vector<128x1280xf32>
    %gt3A_65 = vector.broadcast %reshape3A : vector<128x1xf32> to vector<128x1280xf32>
    %gt3A_66 = arith.cmpf ogt, %gt3A_64, %gt3A_65 : vector<128x1280xf32>
    %convert_element_type3A_67 = arith.extui %gt3A_66 : vector<128x1280xi1> to vector<128x1280xi32>
    %convert_element_type3A_68 = arith.sitofp %convert_element_type3A_67 : vector<128x1280xi32> to vector<128x1280xf32>
    %eq3A_69 = vector.broadcast %reshape3A_59 : vector<1x1280xf32> to vector<128x1280xf32>
    %eq3A_70 = vector.broadcast %reshape3A : vector<128x1xf32> to vector<128x1280xf32>
    %eq3A_71 = arith.cmpf oeq, %eq3A_69, %eq3A_70 : vector<128x1280xf32>
    %lt3A_72 = vector.broadcast %add3A_5 : vector<128x1xi32> to vector<128x1280xi32>
    %lt3A_73 = arith.cmpi slt, %add3A_63, %lt3A_72 : vector<128x1280xi32>
    %and3A_74 = arith.andi %eq3A_71, %lt3A_73 : vector<128x1280xi1>
    %convert_element_type3A_75 = arith.extui %and3A_74 : vector<128x1280xi1> to vector<128x1280xi32>
    %convert_element_type3A_76 = arith.sitofp %convert_element_type3A_75 : vector<128x1280xi32> to vector<128x1280xf32>
    %add3A_77 = arith.addf %convert_element_type3A_68, %convert_element_type3A_76 : vector<128x1280xf32>
    %reduce_sum3A_78 = arith.constant dense<0.000000e+00> : vector<128xf32>
    %reduce_sum3A_79 = vector.multi_reduction <add>, %add3A_77, %reduce_sum3A_78 [1] : vector<128x1280xf32> to vector<128xf32>
    %broadcast_in_dim3A_80 = vector.shape_cast %reduce_sum3A_79 : vector<128xf32> to vector<128x1xf32>
    %add3A_81 = arith.addf %add3A_54, %broadcast_in_dim3A_80 : vector<128x1xf32>
    %get3A_82 = arith.constant 0 : index
    %get3A_83 = arith.constant 3840 : index
    %get3A_84 = vector.load %arg1[%get3A_82, %get3A_83] : memref<1x10240xf32, #tpu.memory_space<vmem>>, vector<1x1280xf32>
    %get3A_85 = vector.shape_cast %get3A_84 : vector<1x1280xf32> to vector<1280xf32>
    %reshape3A_86 = vector.shape_cast %get3A_85 : vector<1280xf32> to vector<1x1280xf32>
    %iota3A_87 = tpu.iota {dimensions = array<i32: 1>} : vector<128x1280xi32>
    %add3A_88 = arith.constant 3840 : i32
    %add3A_89 = vector.broadcast %add3A_88 : i32 to vector<128x1280xi32>
    %add3A_90 = arith.addi %add3A_89, %iota3A_87 : vector<128x1280xi32>
    %gt3A_91 = vector.broadcast %reshape3A_86 : vector<1x1280xf32> to vector<128x1280xf32>
    %gt3A_92 = vector.broadcast %reshape3A : vector<128x1xf32> to vector<128x1280xf32>
    %gt3A_93 = arith.cmpf ogt, %gt3A_91, %gt3A_92 : vector<128x1280xf32>
    %convert_element_type3A_94 = arith.extui %gt3A_93 : vector<128x1280xi1> to vector<128x1280xi32>
    %convert_element_type3A_95 = arith.sitofp %convert_element_type3A_94 : vector<128x1280xi32> to vector<128x1280xf32>
    %eq3A_96 = vector.broadcast %reshape3A_86 : vector<1x1280xf32> to vector<128x1280xf32>
    %eq3A_97 = vector.broadcast %reshape3A : vector<128x1xf32> to vector<128x1280xf32>
    %eq3A_98 = arith.cmpf oeq, %eq3A_96, %eq3A_97 : vector<128x1280xf32>
    %lt3A_99 = vector.broadcast %add3A_5 : vector<128x1xi32> to vector<128x1280xi32>
    %lt3A_100 = arith.cmpi slt, %add3A_90, %lt3A_99 : vector<128x1280xi32>
    %and3A_101 = arith.andi %eq3A_98, %lt3A_100 : vector<128x1280xi1>
    %convert_element_type3A_102 = arith.extui %and3A_101 : vector<128x1280xi1> to vector<128x1280xi32>
    %convert_element_type3A_103 = arith.sitofp %convert_element_type3A_102 : vector<128x1280xi32> to vector<128x1280xf32>
    %add3A_104 = arith.addf %convert_element_type3A_95, %convert_element_type3A_103 : vector<128x1280xf32>
    %reduce_sum3A_105 = arith.constant dense<0.000000e+00> : vector<128xf32>
    %reduce_sum3A_106 = vector.multi_reduction <add>, %add3A_104, %reduce_sum3A_105 [1] : vector<128x1280xf32> to vector<128xf32>
    %broadcast_in_dim3A_107 = vector.shape_cast %reduce_sum3A_106 : vector<128xf32> to vector<128x1xf32>
    %add3A_108 = arith.addf %add3A_81, %broadcast_in_dim3A_107 : vector<128x1xf32>
    %get3A_109 = arith.constant 0 : index
    %get3A_110 = arith.constant 5120 : index
    %get3A_111 = vector.load %arg1[%get3A_109, %get3A_110] : memref<1x10240xf32, #tpu.memory_space<vmem>>, vector<1x1280xf32>
    %get3A_112 = vector.shape_cast %get3A_111 : vector<1x1280xf32> to vector<1280xf32>
    %reshape3A_113 = vector.shape_cast %get3A_112 : vector<1280xf32> to vector<1x1280xf32>
    %iota3A_114 = tpu.iota {dimensions = array<i32: 1>} : vector<128x1280xi32>
    %add3A_115 = arith.constant 5120 : i32
    %add3A_116 = vector.broadcast %add3A_115 : i32 to vector<128x1280xi32>
    %add3A_117 = arith.addi %add3A_116, %iota3A_114 : vector<128x1280xi32>
    %gt3A_118 = vector.broadcast %reshape3A_113 : vector<1x1280xf32> to vector<128x1280xf32>
    %gt3A_119 = vector.broadcast %reshape3A : vector<128x1xf32> to vector<128x1280xf32>
    %gt3A_120 = arith.cmpf ogt, %gt3A_118, %gt3A_119 : vector<128x1280xf32>
    %convert_element_type3A_121 = arith.extui %gt3A_120 : vector<128x1280xi1> to vector<128x1280xi32>
    %convert_element_type3A_122 = arith.sitofp %convert_element_type3A_121 : vector<128x1280xi32> to vector<128x1280xf32>
    %eq3A_123 = vector.broadcast %reshape3A_113 : vector<1x1280xf32> to vector<128x1280xf32>
    %eq3A_124 = vector.broadcast %reshape3A : vector<128x1xf32> to vector<128x1280xf32>
    %eq3A_125 = arith.cmpf oeq, %eq3A_123, %eq3A_124 : vector<128x1280xf32>
    %lt3A_126 = vector.broadcast %add3A_5 : vector<128x1xi32> to vector<128x1280xi32>
    %lt3A_127 = arith.cmpi slt, %add3A_117, %lt3A_126 : vector<128x1280xi32>
    %and3A_128 = arith.andi %eq3A_125, %lt3A_127 : vector<128x1280xi1>
    %convert_element_type3A_129 = arith.extui %and3A_128 : vector<128x1280xi1> to vector<128x1280xi32>
    %convert_element_type3A_130 = arith.sitofp %convert_element_type3A_129 : vector<128x1280xi32> to vector<128x1280xf32>
    %add3A_131 = arith.addf %convert_element_type3A_122, %convert_element_type3A_130 : vector<128x1280xf32>
    %reduce_sum3A_132 = arith.constant dense<0.000000e+00> : vector<128xf32>
    %reduce_sum3A_133 = vector.multi_reduction <add>, %add3A_131, %reduce_sum3A_132 [1] : vector<128x1280xf32> to vector<128xf32>
    %broadcast_in_dim3A_134 = vector.shape_cast %reduce_sum3A_133 : vector<128xf32> to vector<128x1xf32>
    %add3A_135 = arith.addf %add3A_108, %broadcast_in_dim3A_134 : vector<128x1xf32>
    %get3A_136 = arith.constant 0 : index
    %get3A_137 = arith.constant 6400 : index
    %get3A_138 = vector.load %arg1[%get3A_136, %get3A_137] : memref<1x10240xf32, #tpu.memory_space<vmem>>, vector<1x1280xf32>
    %get3A_139 = vector.shape_cast %get3A_138 : vector<1x1280xf32> to vector<1280xf32>
    %reshape3A_140 = vector.shape_cast %get3A_139 : vector<1280xf32> to vector<1x1280xf32>
    %iota3A_141 = tpu.iota {dimensions = array<i32: 1>} : vector<128x1280xi32>
    %add3A_142 = arith.constant 6400 : i32
    %add3A_143 = vector.broadcast %add3A_142 : i32 to vector<128x1280xi32>
    %add3A_144 = arith.addi %add3A_143, %iota3A_141 : vector<128x1280xi32>
    %gt3A_145 = vector.broadcast %reshape3A_140 : vector<1x1280xf32> to vector<128x1280xf32>
    %gt3A_146 = vector.broadcast %reshape3A : vector<128x1xf32> to vector<128x1280xf32>
    %gt3A_147 = arith.cmpf ogt, %gt3A_145, %gt3A_146 : vector<128x1280xf32>
    %convert_element_type3A_148 = arith.extui %gt3A_147 : vector<128x1280xi1> to vector<128x1280xi32>
    %convert_element_type3A_149 = arith.sitofp %convert_element_type3A_148 : vector<128x1280xi32> to vector<128x1280xf32>
    %eq3A_150 = vector.broadcast %reshape3A_140 : vector<1x1280xf32> to vector<128x1280xf32>
    %eq3A_151 = vector.broadcast %reshape3A : vector<128x1xf32> to vector<128x1280xf32>
    %eq3A_152 = arith.cmpf oeq, %eq3A_150, %eq3A_151 : vector<128x1280xf32>
    %lt3A_153 = vector.broadcast %add3A_5 : vector<128x1xi32> to vector<128x1280xi32>
    %lt3A_154 = arith.cmpi slt, %add3A_144, %lt3A_153 : vector<128x1280xi32>
    %and3A_155 = arith.andi %eq3A_152, %lt3A_154 : vector<128x1280xi1>
    %convert_element_type3A_156 = arith.extui %and3A_155 : vector<128x1280xi1> to vector<128x1280xi32>
    %convert_element_type3A_157 = arith.sitofp %convert_element_type3A_156 : vector<128x1280xi32> to vector<128x1280xf32>
    %add3A_158 = arith.addf %convert_element_type3A_149, %convert_element_type3A_157 : vector<128x1280xf32>
    %reduce_sum3A_159 = arith.constant dense<0.000000e+00> : vector<128xf32>
    %reduce_sum3A_160 = vector.multi_reduction <add>, %add3A_158, %reduce_sum3A_159 [1] : vector<128x1280xf32> to vector<128xf32>
    %broadcast_in_dim3A_161 = vector.shape_cast %reduce_sum3A_160 : vector<128xf32> to vector<128x1xf32>
    %add3A_162 = arith.addf %add3A_135, %broadcast_in_dim3A_161 : vector<128x1xf32>
    %get3A_163 = arith.constant 0 : index
    %get3A_164 = arith.constant 7680 : index
    %get3A_165 = vector.load %arg1[%get3A_163, %get3A_164] : memref<1x10240xf32, #tpu.memory_space<vmem>>, vector<1x1280xf32>
    %get3A_166 = vector.shape_cast %get3A_165 : vector<1x1280xf32> to vector<1280xf32>
    %reshape3A_167 = vector.shape_cast %get3A_166 : vector<1280xf32> to vector<1x1280xf32>
    %iota3A_168 = tpu.iota {dimensions = array<i32: 1>} : vector<128x1280xi32>
    %add3A_169 = arith.constant 7680 : i32
    %add3A_170 = vector.broadcast %add3A_169 : i32 to vector<128x1280xi32>
    %add3A_171 = arith.addi %add3A_170, %iota3A_168 : vector<128x1280xi32>
    %gt3A_172 = vector.broadcast %reshape3A_167 : vector<1x1280xf32> to vector<128x1280xf32>
    %gt3A_173 = vector.broadcast %reshape3A : vector<128x1xf32> to vector<128x1280xf32>
    %gt3A_174 = arith.cmpf ogt, %gt3A_172, %gt3A_173 : vector<128x1280xf32>
    %convert_element_type3A_175 = arith.extui %gt3A_174 : vector<128x1280xi1> to vector<128x1280xi32>
    %convert_element_type3A_176 = arith.sitofp %convert_element_type3A_175 : vector<128x1280xi32> to vector<128x1280xf32>
    %eq3A_177 = vector.broadcast %reshape3A_167 : vector<1x1280xf32> to vector<128x1280xf32>
    %eq3A_178 = vector.broadcast %reshape3A : vector<128x1xf32> to vector<128x1280xf32>
    %eq3A_179 = arith.cmpf oeq, %eq3A_177, %eq3A_178 : vector<128x1280xf32>
    %lt3A_180 = vector.broadcast %add3A_5 : vector<128x1xi32> to vector<128x1280xi32>
    %lt3A_181 = arith.cmpi slt, %add3A_171, %lt3A_180 : vector<128x1280xi32>
    %and3A_182 = arith.andi %eq3A_179, %lt3A_181 : vector<128x1280xi1>
    %convert_element_type3A_183 = arith.extui %and3A_182 : vector<128x1280xi1> to vector<128x1280xi32>
    %convert_element_type3A_184 = arith.sitofp %convert_element_type3A_183 : vector<128x1280xi32> to vector<128x1280xf32>
    %add3A_185 = arith.addf %convert_element_type3A_176, %convert_element_type3A_184 : vector<128x1280xf32>
    %reduce_sum3A_186 = arith.constant dense<0.000000e+00> : vector<128xf32>
    %reduce_sum3A_187 = vector.multi_reduction <add>, %add3A_185, %reduce_sum3A_186 [1] : vector<128x1280xf32> to vector<128xf32>
    %broadcast_in_dim3A_188 = vector.shape_cast %reduce_sum3A_187 : vector<128xf32> to vector<128x1xf32>
    %add3A_189 = arith.addf %add3A_162, %broadcast_in_dim3A_188 : vector<128x1xf32>
    %get3A_190 = arith.constant 0 : index
    %get3A_191 = arith.constant 8960 : index
    %get3A_192 = vector.load %arg1[%get3A_190, %get3A_191] : memref<1x10240xf32, #tpu.memory_space<vmem>>, vector<1x1280xf32>
    %get3A_193 = vector.shape_cast %get3A_192 : vector<1x1280xf32> to vector<1280xf32>
    %reshape3A_194 = vector.shape_cast %get3A_193 : vector<1280xf32> to vector<1x1280xf32>
    %iota3A_195 = tpu.iota {dimensions = array<i32: 1>} : vector<128x1280xi32>
    %add3A_196 = arith.constant 8960 : i32
    %add3A_197 = vector.broadcast %add3A_196 : i32 to vector<128x1280xi32>
    %add3A_198 = arith.addi %add3A_197, %iota3A_195 : vector<128x1280xi32>
    %gt3A_199 = vector.broadcast %reshape3A_194 : vector<1x1280xf32> to vector<128x1280xf32>
    %gt3A_200 = vector.broadcast %reshape3A : vector<128x1xf32> to vector<128x1280xf32>
    %gt3A_201 = arith.cmpf ogt, %gt3A_199, %gt3A_200 : vector<128x1280xf32>
    %convert_element_type3A_202 = arith.extui %gt3A_201 : vector<128x1280xi1> to vector<128x1280xi32>
    %convert_element_type3A_203 = arith.sitofp %convert_element_type3A_202 : vector<128x1280xi32> to vector<128x1280xf32>
    %eq3A_204 = vector.broadcast %reshape3A_194 : vector<1x1280xf32> to vector<128x1280xf32>
    %eq3A_205 = vector.broadcast %reshape3A : vector<128x1xf32> to vector<128x1280xf32>
    %eq3A_206 = arith.cmpf oeq, %eq3A_204, %eq3A_205 : vector<128x1280xf32>
    %lt3A_207 = vector.broadcast %add3A_5 : vector<128x1xi32> to vector<128x1280xi32>
    %lt3A_208 = arith.cmpi slt, %add3A_198, %lt3A_207 : vector<128x1280xi32>
    %and3A_209 = arith.andi %eq3A_206, %lt3A_208 : vector<128x1280xi1>
    %convert_element_type3A_210 = arith.extui %and3A_209 : vector<128x1280xi1> to vector<128x1280xi32>
    %convert_element_type3A_211 = arith.sitofp %convert_element_type3A_210 : vector<128x1280xi32> to vector<128x1280xf32>
    %add3A_212 = arith.addf %convert_element_type3A_203, %convert_element_type3A_211 : vector<128x1280xf32>
    %reduce_sum3A_213 = arith.constant dense<0.000000e+00> : vector<128xf32>
    %reduce_sum3A_214 = vector.multi_reduction <add>, %add3A_212, %reduce_sum3A_213 [1] : vector<128x1280xf32> to vector<128xf32>
    %broadcast_in_dim3A_215 = vector.shape_cast %reduce_sum3A_214 : vector<128xf32> to vector<128x1xf32>
    %add3A_216 = arith.addf %add3A_189, %broadcast_in_dim3A_215 : vector<128x1xf32>
    %reshape3A_217 = vector.shape_cast %add3A_216 : vector<128x1xf32> to vector<1x1x128xf32>
    %swap3A = arith.constant 0 : index
    %swap3A_218 = arith.constant 0 : index
    %swap3A_219 = arith.constant 0 : index
    %swap3A_220 = vector.load %arg3[%swap3A, %swap3A_218, %swap3A_219] : memref<1x1x128xf32, #tpu.memory_space<vmem>>, vector<1x1x128xf32>
    tpu.vector_store %arg3[%swap3A, %swap3A_218, %swap3A_219], %reshape3A_217 {strides = array<i32>} : memref<1x1x128xf32, #tpu.memory_space<vmem>>, vector<1x1x128xf32>,
    return
  }
  func.func @transform_0(%arg0: i32) -> (i32, i32) {
    %c0_i32 = arith.constant 0 : i32
    %c0_i32_0 = arith.constant 0 : i32
    %c0_i32_1 = arith.constant 0 : i32
    return %c0_i32, %c0_i32_0 : i32, i32
  }
  func.func @transform_1(%arg0: i32) -> (i32, i32, i32) {
    %c0_i32 = arith.constant 0 : i32
    %c0_i32_0 = arith.constant 0 : i32
    %c0_i32_1 = arith.constant 0 : i32
    return %arg0, %c0_i32, %c0_i32_0 : i32, i32, i32
  }
  func.func @transform_2(%arg0: i32) -> (i32, i32, i32) {
    %c0_i32 = arith.constant 0 : i32
    %c0_i32_0 = arith.constant 0 : i32
    %c0_i32_1 = arith.constant 0 : i32
    return %arg0, %c0_i32, %c0_i32_0 : i32, i32, i32
  }
}

module attributes {stable_mosaic.version = 14 : i64} {
  func.func @_merge_kernel(%arg0: i32, %arg1: memref<400x128xf32, #tpu.memory_space<vmem>>, %arg2: memref<400x128xf32, #tpu.memory_space<vmem>>, %arg3: memref<128x128xf32, #tpu.memory_space<vmem>>, %arg4: memref<1x1x400xf32, #tpu.memory_space<vmem>>, %arg5: memref<2xf32, #tpu.memory_space<smem>>, %arg6: memref<400x128xf32, #tpu.memory_space<vmem>>, %arg7: memref<1x1x128xf32, #tpu.memory_space<vmem>>) attributes {dimension_semantics = [#tpu.dimension_semantics<arbitrary>], iteration_bounds = array<i64: 25>, scalar_prefetch = 0 : i64, scratch_operands = 0 : i64, tpu.core_type = #tpu.core_type<tc>, window_params = [{transform_indices = @transform_0, window_bounds = array<i64: 400, 128>}, {transform_indices = @transform_1, window_bounds = array<i64: 400, 128>}, {pipeline_mode = #tpu.pipeline_mode<synchronous>, transform_indices = @transform_2, window_bounds = array<i64: 128, 128>}, {transform_indices = @transform_3, window_bounds = array<i64: 1, 1, 400>}, {transform_indices = @transform_4, window_bounds = array<i64: 2>}, {transform_indices = @transform_5, window_bounds = array<i64: 400, 128>}, {transform_indices = @transform_6, window_bounds = array<i64: 1, 1, 128>}]} {
    %get3A = arith.constant 0 : index
    %get3A_0 = memref.load %arg5[%get3A] : memref<2xf32, #tpu.memory_space<smem>>
    %get3A_1 = arith.constant 1 : index
    %get3A_2 = memref.load %arg5[%get3A_1] : memref<2xf32, #tpu.memory_space<smem>>
    %get3A_3 = arith.constant 0 : index
    %get3A_4 = arith.constant 0 : index
    %get3A_5 = vector.load %arg1[%get3A_3, %get3A_4] : memref<400x128xf32, #tpu.memory_space<vmem>>, vector<400x128xf32>
    %mul3A = vector.broadcast %get3A_0 : f32 to vector<400x128xf32>
    %mul3A_6 = arith.mulf %mul3A, %get3A_5 : vector<400x128xf32>
    %get3A_7 = arith.constant 0 : index
    %get3A_8 = arith.constant 0 : index
    %get3A_9 = vector.load %arg2[%get3A_7, %get3A_8] : memref<400x128xf32, #tpu.memory_space<vmem>>, vector<400x128xf32>
    %mul3A_10 = vector.broadcast %get3A_2 : f32 to vector<400x128xf32>
    %mul3A_11 = arith.mulf %mul3A_10, %get3A_9 : vector<400x128xf32>
    %add3A = arith.addf %mul3A_6, %mul3A_11 : vector<400x128xf32>
    %add3A_12 = arith.constant 1.000000e+00 : f32
    %add3A_13 = vector.broadcast %add3A_12 : f32 to vector<400x128xf32>
    %add3A_14 = arith.addf %add3A_13, %get3A_5 : vector<400x128xf32>
    %mul3A_15 = arith.mulf %add3A, %add3A : vector<400x128xf32>
    %sub3A = arith.subf %add3A_14, %mul3A_15 : vector<400x128xf32>
    %exp3A = math.exp %get3A_5 : vector<400x128xf32>
    %sub3A_16 = arith.subf %sub3A, %exp3A : vector<400x128xf32>
    %reduce_sum3A = arith.constant dense<0.000000e+00> : vector<128xf32>
    %reduce_sum3A_17 = vector.multi_reduction <add>, %sub3A_16, %reduce_sum3A [0] : vector<400x128xf32> to vector<128xf32>
    %broadcast_in_dim3A = vector.shape_cast %reduce_sum3A_17 : vector<128xf32> to vector<1x128xf32>
    %reshape3A = vector.shape_cast %broadcast_in_dim3A : vector<1x128xf32> to vector<1x1x128xf32>
    %swap3A = arith.constant 0 : index
    %swap3A_18 = arith.constant 0 : index
    %swap3A_19 = arith.constant 0 : index
    %swap3A_20 = vector.load %arg7[%swap3A, %swap3A_18, %swap3A_19] : memref<1x1x128xf32, #tpu.memory_space<vmem>>, vector<1x1x128xf32>
    tpu.vector_store %arg7[%swap3A, %swap3A_18, %swap3A_19], %reshape3A {strides = array<i32>} : memref<1x1x128xf32, #tpu.memory_space<vmem>>, vector<1x1x128xf32>,
    %get3A_21 = arith.constant 0 : index
    %get3A_22 = arith.constant 0 : index
    %get3A_23 = vector.load %arg3[%get3A_21, %get3A_22] : memref<128x128xf32, #tpu.memory_space<vmem>>, vector<128x128xf32>
    %dot_general3A = arith.constant dense<0.000000e+00> : vector<400x128xf32>
    %dot_general3A_24 = tpu.matmul %add3A, %get3A_23, %dot_general3A {dimension_numbers = #tpu.dot_dimension_numbers<[1], [0], [0], [1], [0, 0, 1, 1], [], []>, transpose_lhs_hint = false} : vector<400x128xf32>, vector<128x128xf32>, vector<400x128xf32> -> vector<400x128xf32>
    %get3A_25 = arith.constant 0 : index
    %get3A_26 = arith.constant 0 : index
    %get3A_27 = arith.constant 0 : index
    %get3A_28 = vector.load %arg4[%get3A_25, %get3A_26, %get3A_27] : memref<1x1x400xf32, #tpu.memory_space<vmem>>, vector<1x1x400xf32>
    %get3A_29 = vector.shape_cast %get3A_28 : vector<1x1x400xf32> to vector<400xf32>
    %reshape3A_30 = vector.shape_cast %get3A_29 : vector<400xf32> to vector<400x1xf32>
    %mul3A_31 = vector.broadcast %reshape3A_30 : vector<400x1xf32> to vector<400x128xf32>
    %mul3A_32 = arith.mulf %dot_general3A_24, %mul3A_31 : vector<400x128xf32>
    %swap3A_33 = arith.constant 0 : index
    %swap3A_34 = arith.constant 0 : index
    %swap3A_35 = vector.load %arg6[%swap3A_33, %swap3A_34] : memref<400x128xf32, #tpu.memory_space<vmem>>, vector<400x128xf32>
    tpu.vector_store %arg6[%swap3A_33, %swap3A_34], %mul3A_32 {strides = array<i32>} : memref<400x128xf32, #tpu.memory_space<vmem>>, vector<400x128xf32>,
    return
  }
  func.func @transform_0(%arg0: i32) -> (i32, i32) {
    %c0_i32 = arith.constant 0 : i32
    %c0_i32_0 = arith.constant 0 : i32
    return %arg0, %c0_i32 : i32, i32
  }
  func.func @transform_1(%arg0: i32) -> (i32, i32) {
    %c0_i32 = arith.constant 0 : i32
    %c0_i32_0 = arith.constant 0 : i32
    return %arg0, %c0_i32 : i32, i32
  }
  func.func @transform_2(%arg0: i32) -> (i32, i32) {
    %c0_i32 = arith.constant 0 : i32
    %c0_i32_0 = arith.constant 0 : i32
    %c0_i32_1 = arith.constant 0 : i32
    return %c0_i32, %c0_i32_0 : i32, i32
  }
  func.func @transform_3(%arg0: i32) -> (i32, i32, i32) {
    %c0_i32 = arith.constant 0 : i32
    %c0_i32_0 = arith.constant 0 : i32
    %c0_i32_1 = arith.constant 0 : i32
    return %arg0, %c0_i32, %c0_i32_0 : i32, i32, i32
  }
  func.func @transform_4(%arg0: i32) -> i32 {
    %c0_i32 = arith.constant 0 : i32
    %c0_i32_0 = arith.constant 0 : i32
    return %c0_i32 : i32
  }
  func.func @transform_5(%arg0: i32) -> (i32, i32) {
    %c0_i32 = arith.constant 0 : i32
    %c0_i32_0 = arith.constant 0 : i32
    return %arg0, %c0_i32 : i32, i32
  }
  func.func @transform_6(%arg0: i32) -> (i32, i32, i32) {
    %c0_i32 = arith.constant 0 : i32
    %c0_i32_0 = arith.constant 0 : i32
    %c0_i32_1 = arith.constant 0 : i32
    return %arg0, %c0_i32, %c0_i32_0 : i32, i32, i32
  }
}

module attributes {stable_mosaic.version = 14 : i64} {
  func.func @_onehot_rows_kernel(%arg0: i32, %arg1: memref<1x1x200xi32, #tpu.memory_space<vmem>>, %arg2: memref<200x5000xf32, #tpu.memory_space<vmem>>) attributes {dimension_semantics = [#tpu.dimension_semantics<arbitrary>], iteration_bounds = array<i64: 50>, scalar_prefetch = 0 : i64, scratch_operands = 0 : i64, tpu.core_type = #tpu.core_type<tc>, window_params = [{transform_indices = @transform_0, window_bounds = array<i64: 1, 1, 200>}, {transform_indices = @transform_1, window_bounds = array<i64: 200, 5000>}]} {
    %get3A = arith.constant 0 : index
    %get3A_0 = arith.constant 0 : index
    %get3A_1 = arith.constant 0 : index
    %get3A_2 = vector.load %arg1[%get3A, %get3A_0, %get3A_1] : memref<1x1x200xi32, #tpu.memory_space<vmem>>, vector<1x1x200xi32>
    %get3A_3 = vector.shape_cast %get3A_2 : vector<1x1x200xi32> to vector<200xi32>
    %iota3A = tpu.iota {dimensions = array<i32: 1>} : vector<200x5000xi32>
    %broadcast_in_dim3A = vector.shape_cast %get3A_3 : vector<200xi32> to vector<200x1xi32>
    %eq3A = vector.broadcast %broadcast_in_dim3A : vector<200x1xi32> to vector<200x5000xi32>
    %eq3A_4 = arith.cmpi eq, %iota3A, %eq3A : vector<200x5000xi32>
    %convert_element_type3A = arith.extui %eq3A_4 : vector<200x5000xi1> to vector<200x5000xi32>
    %convert_element_type3A_5 = arith.sitofp %convert_element_type3A : vector<200x5000xi32> to vector<200x5000xf32>
    %swap3A = arith.constant 0 : index
    %swap3A_6 = arith.constant 0 : index
    %swap3A_7 = vector.load %arg2[%swap3A, %swap3A_6] : memref<200x5000xf32, #tpu.memory_space<vmem>>, vector<200x5000xf32>
    tpu.vector_store %arg2[%swap3A, %swap3A_6], %convert_element_type3A_5 {strides = array<i32>} : memref<200x5000xf32, #tpu.memory_space<vmem>>, vector<200x5000xf32>,
    return
  }
  func.func @transform_0(%arg0: i32) -> (i32, i32, i32) {
    %c0_i32 = arith.constant 0 : i32
    %c0_i32_0 = arith.constant 0 : i32
    %c0_i32_1 = arith.constant 0 : i32
    return %arg0, %c0_i32, %c0_i32_0 : i32, i32, i32
  }
  func.func @transform_1(%arg0: i32) -> (i32, i32) {
    %c0_i32 = arith.constant 0 : i32
    %c0_i32_0 = arith.constant 0 : i32
    return %arg0, %c0_i32 : i32, i32
  }
}

module attributes {stable_mosaic.version = 14 : i64} {
  func.func @_rank_kernel(%arg0: i32, %arg1: memref<1x5120xf32, #tpu.memory_space<vmem>>, %arg2: memref<1x1x128xf32, #tpu.memory_space<vmem>>, %arg3: memref<1x1x128xf32, #tpu.memory_space<vmem>>) attributes {dimension_semantics = [#tpu.dimension_semantics<arbitrary>], iteration_bounds = array<i64: 40>, scalar_prefetch = 0 : i64, scratch_operands = 0 : i64, tpu.core_type = #tpu.core_type<tc>, window_params = [{pipeline_mode = #tpu.pipeline_mode<synchronous>, transform_indices = @transform_0, window_bounds = array<i64: 1, 5120>}, {transform_indices = @transform_1, window_bounds = array<i64: 1, 1, 128>}, {transform_indices = @transform_2, window_bounds = array<i64: 1, 1, 128>}]} {
    %get3A = arith.constant 0 : index
    %get3A_0 = arith.constant 0 : index
    %get3A_1 = arith.constant 0 : index
    %get3A_2 = vector.load %arg2[%get3A, %get3A_0, %get3A_1] : memref<1x1x128xf32, #tpu.memory_space<vmem>>, vector<1x1x128xf32>
    %get3A_3 = vector.shape_cast %get3A_2 : vector<1x1x128xf32> to vector<128xf32>
    %reshape3A = vector.shape_cast %get3A_3 : vector<128xf32> to vector<128x1xf32>
    %mul3A = arith.constant 128 : i32
    %mul3A_4 = arith.muli %arg0, %mul3A : i32
    %iota3A = tpu.iota {dimensions = array<i32: 0>} : vector<128x1xi32>
    %add3A = vector.broadcast %mul3A_4 : i32 to vector<128x1xi32>
    %add3A_5 = arith.addi %add3A, %iota3A : vector<128x1xi32>
    %broadcast_in_dim3A = arith.constant 0.000000e+00 : f32
    %broadcast_in_dim3A_6 = vector.broadcast %broadcast_in_dim3A : f32 to vector<128x1xf32>
    %get3A_7 = arith.constant 0 : index
    %get3A_8 = arith.constant 0 : index
    %get3A_9 = vector.load %arg1[%get3A_7, %get3A_8] : memref<1x5120xf32, #tpu.memory_space<vmem>>, vector<1x1280xf32>
    %get3A_10 = vector.shape_cast %get3A_9 : vector<1x1280xf32> to vector<1280xf32>
    %reshape3A_11 = vector.shape_cast %get3A_10 : vector<1280xf32> to vector<1x1280xf32>
    %iota3A_12 = tpu.iota {dimensions = array<i32: 1>} : vector<128x1280xi32>
    %add3A_13 = arith.constant 0 : i32
    %add3A_14 = vector.broadcast %add3A_13 : i32 to vector<128x1280xi32>
    %add3A_15 = arith.addi %add3A_14, %iota3A_12 : vector<128x1280xi32>
    %gt3A = vector.broadcast %reshape3A_11 : vector<1x1280xf32> to vector<128x1280xf32>
    %gt3A_16 = vector.broadcast %reshape3A : vector<128x1xf32> to vector<128x1280xf32>
    %gt3A_17 = arith.cmpf ogt, %gt3A, %gt3A_16 : vector<128x1280xf32>
    %convert_element_type3A = arith.extui %gt3A_17 : vector<128x1280xi1> to vector<128x1280xi32>
    %convert_element_type3A_18 = arith.sitofp %convert_element_type3A : vector<128x1280xi32> to vector<128x1280xf32>
    %eq3A = vector.broadcast %reshape3A_11 : vector<1x1280xf32> to vector<128x1280xf32>
    %eq3A_19 = vector.broadcast %reshape3A : vector<128x1xf32> to vector<128x1280xf32>
    %eq3A_20 = arith.cmpf oeq, %eq3A, %eq3A_19 : vector<128x1280xf32>
    %lt3A = vector.broadcast %add3A_5 : vector<128x1xi32> to vector<128x1280xi32>
    %lt3A_21 = arith.cmpi slt, %add3A_15, %lt3A : vector<128x1280xi32>
    %and3A = arith.andi %eq3A_20, %lt3A_21 : vector<128x1280xi1>
    %convert_element_type3A_22 = arith.extui %and3A : vector<128x1280xi1> to vector<128x1280xi32>
    %convert_element_type3A_23 = arith.sitofp %convert_element_type3A_22 : vector<128x1280xi32> to vector<128x1280xf32>
    %add3A_24 = arith.addf %convert_element_type3A_18, %convert_element_type3A_23 : vector<128x1280xf32>
    %reduce_sum3A = arith.constant dense<0.000000e+00> : vector<128xf32>
    %reduce_sum3A_25 = vector.multi_reduction <add>, %add3A_24, %reduce_sum3A [1] : vector<128x1280xf32> to vector<128xf32>
    %broadcast_in_dim3A_26 = vector.shape_cast %reduce_sum3A_25 : vector<128xf32> to vector<128x1xf32>
    %add3A_27 = arith.addf %broadcast_in_dim3A_6, %broadcast_in_dim3A_26 : vector<128x1xf32>
    %get3A_28 = arith.constant 0 : index
    %get3A_29 = arith.constant 1280 : index
    %get3A_30 = vector.load %arg1[%get3A_28, %get3A_29] : memref<1x5120xf32, #tpu.memory_space<vmem>>, vector<1x1280xf32>
    %get3A_31 = vector.shape_cast %get3A_30 : vector<1x1280xf32> to vector<1280xf32>
    %reshape3A_32 = vector.shape_cast %get3A_31 : vector<1280xf32> to vector<1x1280xf32>
    %iota3A_33 = tpu.iota {dimensions = array<i32: 1>} : vector<128x1280xi32>
    %add3A_34 = arith.constant 1280 : i32
    %add3A_35 = vector.broadcast %add3A_34 : i32 to vector<128x1280xi32>
    %add3A_36 = arith.addi %add3A_35, %iota3A_33 : vector<128x1280xi32>
    %gt3A_37 = vector.broadcast %reshape3A_32 : vector<1x1280xf32> to vector<128x1280xf32>
    %gt3A_38 = vector.broadcast %reshape3A : vector<128x1xf32> to vector<128x1280xf32>
    %gt3A_39 = arith.cmpf ogt, %gt3A_37, %gt3A_38 : vector<128x1280xf32>
    %convert_element_type3A_40 = arith.extui %gt3A_39 : vector<128x1280xi1> to vector<128x1280xi32>
    %convert_element_type3A_41 = arith.sitofp %convert_element_type3A_40 : vector<128x1280xi32> to vector<128x1280xf32>
    %eq3A_42 = vector.broadcast %reshape3A_32 : vector<1x1280xf32> to vector<128x1280xf32>
    %eq3A_43 = vector.broadcast %reshape3A : vector<128x1xf32> to vector<128x1280xf32>
    %eq3A_44 = arith.cmpf oeq, %eq3A_42, %eq3A_43 : vector<128x1280xf32>
    %lt3A_45 = vector.broadcast %add3A_5 : vector<128x1xi32> to vector<128x1280xi32>
    %lt3A_46 = arith.cmpi slt, %add3A_36, %lt3A_45 : vector<128x1280xi32>
    %and3A_47 = arith.andi %eq3A_44, %lt3A_46 : vector<128x1280xi1>
    %convert_element_type3A_48 = arith.extui %and3A_47 : vector<128x1280xi1> to vector<128x1280xi32>
    %convert_element_type3A_49 = arith.sitofp %convert_element_type3A_48 : vector<128x1280xi32> to vector<128x1280xf32>
    %add3A_50 = arith.addf %convert_element_type3A_41, %convert_element_type3A_49 : vector<128x1280xf32>
    %reduce_sum3A_51 = arith.constant dense<0.000000e+00> : vector<128xf32>
    %reduce_sum3A_52 = vector.multi_reduction <add>, %add3A_50, %reduce_sum3A_51 [1] : vector<128x1280xf32> to vector<128xf32>
    %broadcast_in_dim3A_53 = vector.shape_cast %reduce_sum3A_52 : vector<128xf32> to vector<128x1xf32>
    %add3A_54 = arith.addf %add3A_27, %broadcast_in_dim3A_53 : vector<128x1xf32>
    %get3A_55 = arith.constant 0 : index
    %get3A_56 = arith.constant 2560 : index
    %get3A_57 = vector.load %arg1[%get3A_55, %get3A_56] : memref<1x5120xf32, #tpu.memory_space<vmem>>, vector<1x1280xf32>
    %get3A_58 = vector.shape_cast %get3A_57 : vector<1x1280xf32> to vector<1280xf32>
    %reshape3A_59 = vector.shape_cast %get3A_58 : vector<1280xf32> to vector<1x1280xf32>
    %iota3A_60 = tpu.iota {dimensions = array<i32: 1>} : vector<128x1280xi32>
    %add3A_61 = arith.constant 2560 : i32
    %add3A_62 = vector.broadcast %add3A_61 : i32 to vector<128x1280xi32>
    %add3A_63 = arith.addi %add3A_62, %iota3A_60 : vector<128x1280xi32>
    %gt3A_64 = vector.broadcast %reshape3A_59 : vector<1x1280xf32> to vector<128x1280xf32>
    %gt3A_65 = vector.broadcast %reshape3A : vector<128x1xf32> to vector<128x1280xf32>
    %gt3A_66 = arith.cmpf ogt, %gt3A_64, %gt3A_65 : vector<128x1280xf32>
    %convert_element_type3A_67 = arith.extui %gt3A_66 : vector<128x1280xi1> to vector<128x1280xi32>
    %convert_element_type3A_68 = arith.sitofp %convert_element_type3A_67 : vector<128x1280xi32> to vector<128x1280xf32>
    %eq3A_69 = vector.broadcast %reshape3A_59 : vector<1x1280xf32> to vector<128x1280xf32>
    %eq3A_70 = vector.broadcast %reshape3A : vector<128x1xf32> to vector<128x1280xf32>
    %eq3A_71 = arith.cmpf oeq, %eq3A_69, %eq3A_70 : vector<128x1280xf32>
    %lt3A_72 = vector.broadcast %add3A_5 : vector<128x1xi32> to vector<128x1280xi32>
    %lt3A_73 = arith.cmpi slt, %add3A_63, %lt3A_72 : vector<128x1280xi32>
    %and3A_74 = arith.andi %eq3A_71, %lt3A_73 : vector<128x1280xi1>
    %convert_element_type3A_75 = arith.extui %and3A_74 : vector<128x1280xi1> to vector<128x1280xi32>
    %convert_element_type3A_76 = arith.sitofp %convert_element_type3A_75 : vector<128x1280xi32> to vector<128x1280xf32>
    %add3A_77 = arith.addf %convert_element_type3A_68, %convert_element_type3A_76 : vector<128x1280xf32>
    %reduce_sum3A_78 = arith.constant dense<0.000000e+00> : vector<128xf32>
    %reduce_sum3A_79 = vector.multi_reduction <add>, %add3A_77, %reduce_sum3A_78 [1] : vector<128x1280xf32> to vector<128xf32>
    %broadcast_in_dim3A_80 = vector.shape_cast %reduce_sum3A_79 : vector<128xf32> to vector<128x1xf32>
    %add3A_81 = arith.addf %add3A_54, %broadcast_in_dim3A_80 : vector<128x1xf32>
    %get3A_82 = arith.constant 0 : index
    %get3A_83 = arith.constant 3840 : index
    %get3A_84 = vector.load %arg1[%get3A_82, %get3A_83] : memref<1x5120xf32, #tpu.memory_space<vmem>>, vector<1x1280xf32>
    %get3A_85 = vector.shape_cast %get3A_84 : vector<1x1280xf32> to vector<1280xf32>
    %reshape3A_86 = vector.shape_cast %get3A_85 : vector<1280xf32> to vector<1x1280xf32>
    %iota3A_87 = tpu.iota {dimensions = array<i32: 1>} : vector<128x1280xi32>
    %add3A_88 = arith.constant 3840 : i32
    %add3A_89 = vector.broadcast %add3A_88 : i32 to vector<128x1280xi32>
    %add3A_90 = arith.addi %add3A_89, %iota3A_87 : vector<128x1280xi32>
    %gt3A_91 = vector.broadcast %reshape3A_86 : vector<1x1280xf32> to vector<128x1280xf32>
    %gt3A_92 = vector.broadcast %reshape3A : vector<128x1xf32> to vector<128x1280xf32>
    %gt3A_93 = arith.cmpf ogt, %gt3A_91, %gt3A_92 : vector<128x1280xf32>
    %convert_element_type3A_94 = arith.extui %gt3A_93 : vector<128x1280xi1> to vector<128x1280xi32>
    %convert_element_type3A_95 = arith.sitofp %convert_element_type3A_94 : vector<128x1280xi32> to vector<128x1280xf32>
    %eq3A_96 = vector.broadcast %reshape3A_86 : vector<1x1280xf32> to vector<128x1280xf32>
    %eq3A_97 = vector.broadcast %reshape3A : vector<128x1xf32> to vector<128x1280xf32>
    %eq3A_98 = arith.cmpf oeq, %eq3A_96, %eq3A_97 : vector<128x1280xf32>
    %lt3A_99 = vector.broadcast %add3A_5 : vector<128x1xi32> to vector<128x1280xi32>
    %lt3A_100 = arith.cmpi slt, %add3A_90, %lt3A_99 : vector<128x1280xi32>
    %and3A_101 = arith.andi %eq3A_98, %lt3A_100 : vector<128x1280xi1>
    %convert_element_type3A_102 = arith.extui %and3A_101 : vector<128x1280xi1> to vector<128x1280xi32>
    %convert_element_type3A_103 = arith.sitofp %convert_element_type3A_102 : vector<128x1280xi32> to vector<128x1280xf32>
    %add3A_104 = arith.addf %convert_element_type3A_95, %convert_element_type3A_103 : vector<128x1280xf32>
    %reduce_sum3A_105 = arith.constant dense<0.000000e+00> : vector<128xf32>
    %reduce_sum3A_106 = vector.multi_reduction <add>, %add3A_104, %reduce_sum3A_105 [1] : vector<128x1280xf32> to vector<128xf32>
    %broadcast_in_dim3A_107 = vector.shape_cast %reduce_sum3A_106 : vector<128xf32> to vector<128x1xf32>
    %add3A_108 = arith.addf %add3A_81, %broadcast_in_dim3A_107 : vector<128x1xf32>
    %reshape3A_109 = vector.shape_cast %add3A_108 : vector<128x1xf32> to vector<1x1x128xf32>
    %swap3A = arith.constant 0 : index
    %swap3A_110 = arith.constant 0 : index
    %swap3A_111 = arith.constant 0 : index
    %swap3A_112 = vector.load %arg3[%swap3A, %swap3A_110, %swap3A_111] : memref<1x1x128xf32, #tpu.memory_space<vmem>>, vector<1x1x128xf32>
    tpu.vector_store %arg3[%swap3A, %swap3A_110, %swap3A_111], %reshape3A_109 {strides = array<i32>} : memref<1x1x128xf32, #tpu.memory_space<vmem>>, vector<1x1x128xf32>,
    return
  }
  func.func @transform_0(%arg0: i32) -> (i32, i32) {
    %c0_i32 = arith.constant 0 : i32
    %c0_i32_0 = arith.constant 0 : i32
    %c0_i32_1 = arith.constant 0 : i32
    return %c0_i32, %c0_i32_0 : i32, i32
  }
  func.func @transform_1(%arg0: i32) -> (i32, i32, i32) {
    %c0_i32 = arith.constant 0 : i32
    %c0_i32_0 = arith.constant 0 : i32
    %c0_i32_1 = arith.constant 0 : i32
    return %arg0, %c0_i32, %c0_i32_0 : i32, i32, i32
  }
  func.func @transform_2(%arg0: i32) -> (i32, i32, i32) {
    %c0_i32 = arith.constant 0 : i32
    %c0_i32_0 = arith.constant 0 : i32
    %c0_i32_1 = arith.constant 0 : i32
    return %arg0, %c0_i32, %c0_i32_0 : i32, i32, i32
  }
}

module attributes {stable_mosaic.version = 14 : i64} {
  func.func @_onehot_rows_kernel(%arg0: i32, %arg1: memref<1x1x200xi32, #tpu.memory_space<vmem>>, %arg2: memref<200x2500xf32, #tpu.memory_space<vmem>>) attributes {dimension_semantics = [#tpu.dimension_semantics<arbitrary>], iteration_bounds = array<i64: 25>, scalar_prefetch = 0 : i64, scratch_operands = 0 : i64, tpu.core_type = #tpu.core_type<tc>, window_params = [{transform_indices = @transform_0, window_bounds = array<i64: 1, 1, 200>}, {transform_indices = @transform_1, window_bounds = array<i64: 200, 2500>}]} {
    %get3A = arith.constant 0 : index
    %get3A_0 = arith.constant 0 : index
    %get3A_1 = arith.constant 0 : index
    %get3A_2 = vector.load %arg1[%get3A, %get3A_0, %get3A_1] : memref<1x1x200xi32, #tpu.memory_space<vmem>>, vector<1x1x200xi32>
    %get3A_3 = vector.shape_cast %get3A_2 : vector<1x1x200xi32> to vector<200xi32>
    %iota3A = tpu.iota {dimensions = array<i32: 1>} : vector<200x2500xi32>
    %broadcast_in_dim3A = vector.shape_cast %get3A_3 : vector<200xi32> to vector<200x1xi32>
    %eq3A = vector.broadcast %broadcast_in_dim3A : vector<200x1xi32> to vector<200x2500xi32>
    %eq3A_4 = arith.cmpi eq, %iota3A, %eq3A : vector<200x2500xi32>
    %convert_element_type3A = arith.extui %eq3A_4 : vector<200x2500xi1> to vector<200x2500xi32>
    %convert_element_type3A_5 = arith.sitofp %convert_element_type3A : vector<200x2500xi32> to vector<200x2500xf32>
    %swap3A = arith.constant 0 : index
    %swap3A_6 = arith.constant 0 : index
    %swap3A_7 = vector.load %arg2[%swap3A, %swap3A_6] : memref<200x2500xf32, #tpu.memory_space<vmem>>, vector<200x2500xf32>
    tpu.vector_store %arg2[%swap3A, %swap3A_6], %convert_element_type3A_5 {strides = array<i32>} : memref<200x2500xf32, #tpu.memory_space<vmem>>, vector<200x2500xf32>,
    return
  }
  func.func @transform_0(%arg0: i32) -> (i32, i32, i32) {
    %c0_i32 = arith.constant 0 : i32
    %c0_i32_0 = arith.constant 0 : i32
    %c0_i32_1 = arith.constant 0 : i32
    return %arg0, %c0_i32, %c0_i32_0 : i32, i32, i32
  }
  func.func @transform_1(%arg0: i32) -> (i32, i32) {
    %c0_i32 = arith.constant 0 : i32
    %c0_i32_0 = arith.constant 0 : i32
    return %arg0, %c0_i32 : i32, i32
  }
}

module attributes {stable_mosaic.version = 14 : i64} {
  func.func @_finalize_kernel(%arg0: i32, %arg1: memref<400x128xf32, #tpu.memory_space<vmem>>, %arg2: memref<400x128xf32, #tpu.memory_space<vmem>>, %arg3: memref<1x1x400xf32, #tpu.memory_space<vmem>>, %arg4: memref<1x128xf32, #tpu.memory_space<vmem>>, %arg5: memref<400x128xf32, #tpu.memory_space<vmem>>) attributes {dimension_semantics = [#tpu.dimension_semantics<arbitrary>], iteration_bounds = array<i64: 25>, scalar_prefetch = 0 : i64, scratch_operands = 0 : i64, tpu.core_type = #tpu.core_type<tc>, window_params = [{transform_indices = @transform_0, window_bounds = array<i64: 400, 128>}, {transform_indices = @transform_1, window_bounds = array<i64: 400, 128>}, {transform_indices = @transform_2, window_bounds = array<i64: 1, 1, 400>}, {pipeline_mode = #tpu.pipeline_mode<synchronous>, transform_indices = @transform_3, window_bounds = array<i64: 1, 128>}, {transform_indices = @transform_4, window_bounds = array<i64: 400, 128>}]} {
    %get3A = arith.constant 0 : index
    %get3A_0 = arith.constant 0 : index
    %get3A_1 = vector.load %arg1[%get3A, %get3A_0] : memref<400x128xf32, #tpu.memory_space<vmem>>, vector<400x128xf32>
    %get3A_2 = arith.constant 0 : index
    %get3A_3 = arith.constant 0 : index
    %get3A_4 = vector.load %arg2[%get3A_2, %get3A_3] : memref<400x128xf32, #tpu.memory_space<vmem>>, vector<400x128xf32>
    %add3A = arith.addf %get3A_1, %get3A_4 : vector<400x128xf32>
    %get3A_5 = arith.constant 0 : index
    %get3A_6 = arith.constant 0 : index
    %get3A_7 = arith.constant 0 : index
    %get3A_8 = vector.load %arg3[%get3A_5, %get3A_6, %get3A_7] : memref<1x1x400xf32, #tpu.memory_space<vmem>>, vector<1x1x400xf32>
    %get3A_9 = vector.shape_cast %get3A_8 : vector<1x1x400xf32> to vector<400xf32>
    %reshape3A = vector.shape_cast %get3A_9 : vector<400xf32> to vector<400x1xf32>
    %mul3A = vector.broadcast %reshape3A : vector<400x1xf32> to vector<400x128xf32>
    %mul3A_10 = arith.mulf %add3A, %mul3A : vector<400x128xf32>
    %get3A_11 = arith.constant 0 : index
    %get3A_12 = arith.constant 0 : index
    %get3A_13 = vector.load %arg4[%get3A_11, %get3A_12] : memref<1x128xf32, #tpu.memory_space<vmem>>, vector<1x128xf32>
    %add3A_14 = vector.broadcast %get3A_13 : vector<1x128xf32> to vector<400x128xf32>
    %add3A_15 = arith.addf %mul3A_10, %add3A_14 : vector<400x128xf32>
    %mul3A_16 = arith.mulf %add3A_15, %add3A_15 : vector<400x128xf32>
    %reduce_sum3A = arith.constant dense<0.000000e+00> : vector<400xf32>
    %reduce_sum3A_17 = vector.multi_reduction <add>, %mul3A_16, %reduce_sum3A [1] : vector<400x128xf32> to vector<400xf32>
    %broadcast_in_dim3A = vector.shape_cast %reduce_sum3A_17 : vector<400xf32> to vector<400x1xf32>
    %sqrt3A = math.sqrt %broadcast_in_dim3A : vector<400x1xf32>
    %max3A = arith.constant 9.99999996E-13 : f32
    %max3A_18 = vector.broadcast %max3A : f32 to vector<400x1xf32>
    %max3A_19 = arith.maximumf %sqrt3A, %max3A_18 : vector<400x1xf32>
    %div3A = vector.broadcast %max3A_19 : vector<400x1xf32> to vector<400x128xf32>
    %div3A_20 = arith.divf %add3A_15, %div3A : vector<400x128xf32>
    %swap3A = arith.constant 0 : index
    %swap3A_21 = arith.constant 0 : index
    %swap3A_22 = vector.load %arg5[%swap3A, %swap3A_21] : memref<400x128xf32, #tpu.memory_space<vmem>>, vector<400x128xf32>
    tpu.vector_store %arg5[%swap3A, %swap3A_21], %div3A_20 {strides = array<i32>} : memref<400x128xf32, #tpu.memory_space<vmem>>, vector<400x128xf32>,
    return
  }
  func.func @transform_0(%arg0: i32) -> (i32, i32) {
    %c0_i32 = arith.constant 0 : i32
    %c0_i32_0 = arith.constant 0 : i32
    return %arg0, %c0_i32 : i32, i32
  }
  func.func @transform_1(%arg0: i32) -> (i32, i32) {
    %c0_i32 = arith.constant 0 : i32
    %c0_i32_0 = arith.constant 0 : i32
    return %arg0, %c0_i32 : i32, i32
  }
  func.func @transform_2(%arg0: i32) -> (i32, i32, i32) {
    %c0_i32 = arith.constant 0 : i32
    %c0_i32_0 = arith.constant 0 : i32
    %c0_i32_1 = arith.constant 0 : i32
    return %arg0, %c0_i32, %c0_i32_0 : i32, i32, i32
  }
  func.func @transform_3(%arg0: i32) -> (i32, i32) {
    %c0_i32 = arith.constant 0 : i32
    %c0_i32_0 = arith.constant 0 : i32
    %c0_i32_1 = arith.constant 0 : i32
    return %c0_i32, %c0_i32_0 : i32, i32
  }
  func.func @transform_4(%arg0: i32) -> (i32, i32) {
    %c0_i32 = arith.constant 0 : i32
    %c0_i32_0 = arith.constant 0 : i32
    return %arg0, %c0_i32 : i32, i32
  }
}

</mosaic_0001>

<sc_bundles>
// kernel: gather_offload_async_start
scs
__scs_entry_jumppad:
0x0: {  	(pc) =	sbr.rel $0x88, $3  }
0x1: {  	(tag) =	ssettag $0x0;
	lr =	simm.s32 $0x1  }
0x2: {  	[smem:$0x3F96] =	sst lr;
	_ =	strace $0xD0000000  }
0x3: {  	_ = 	snop  }
0x4: {  	_ = 	snop  }
0x5: {  	_ = 	snop  }
0x6: {  	_ = 	snop  }
0x7: {  	_ = 	snop  }
__scs_overlays_trampoline_lowered:
0x8: {  	[smem:$0x3FA5] =	sst s0  }
0x9: {  	[smem:$0x3FA6] =	sst s1  }
0xa: {  	[smem:$0x3FA7] =	sst s2  }
0xb: {  	[smem:$0x3FA8] =	sst s3  }
0xc: {  	[smem:$0x3FA9] =	sst s4  }
0xd: {  	[smem:$0x3FAA] =	sst s5  }
0xe: {  	[smem:$0x3FAB] =	sst s6  }
0xf: {  	[smem:$0x3FAC] =	sst s7  }
0x10: {  	[smem:$0x3FAD] =	sst s8  }
0x11: {  	[smem:$0x3FAE] =	sst s9;
	s0 =	simm.s32 @!p0 $0x0  }
0x12: {  	s1 =	sld [smem:$0x3F94];
	s0 =	simm.s32 @p0 $0x1  }
0x13: {  	[smem:$0x3FAF] =	sst s0;
	s0 =	simm.s32 @!p1 $0x0  }
0x14: {  	s2 =	sld [smem:$0x3F93];
	s0 =	simm.s32 @p1 $0x1  }
0x15: {  	[smem:$0x3FB0] =	sst s0;
	s0 =	simm.s32 @!p2 $0x0  }
0x16: {  	s3 =	sld [smem:$0x3FDB];
	s0 =	simm.s32 @p2 $0x1  }
0x17: {  	s4 =	simm.s32 $0x1BF5;
	[smem:$0x3FB2] =	sst s0  }
0x18: {  	s0 =	sld [smem:$0x3F95];
	_ =	swait.ge [sflag:s4], $0x0  }
0x19: {  	s7 =	sld [smem:$0x3F96]  }
0x1a: {  	s8 =	sadd.s32 $0xFFFFE003, lr  }
0x1b: {  	s9 =	sadd.s32 $0xFFFFFEF7, lr;
	s5 =	simm.s32 $0xFFFFFFFF;
	p2 =	slt.u32 s8, $0xFFFFF086  }
0x1c: {  	p1 =	slt.u32 s9, $0xF7A;
	s5 =	simm.s32 @!p2 $0x0  }
0x1d: {  	s5 =	simm.s32 @p1 $0x1;
	p0 =	seq.s32 s7, s2  }
0x1e: {  	s7 =	smul.u32 @!p0 $0xF7A, s2;
	p2 =	seq.s32 @!p0 s5, $0x0  }
0x1f: {  	s9 =	smul.u32 $0xF7A, s1;
	s8 =	simm.s32 @!p0 $0x1BF5;
	p2 =	por !p2, p0  }
0x20: {  	[sflag:s8] =	ssyncset.s32 @!p0 $0xFFFFF086;
	s6 =	sadd.s32 @!p0 s3, s7;
	s7 =	simm.s32 @!p0 $0x108  }
0x21: {  	s3 =	sadd.s32 s3, s9;
	s6 =	sadd.s32 @!p0 $0x88, s6;
	s7 =	simm.s32 @p2 $0x1082  }
0x22: {  	[simem:s7], [sflag:s8] =	dma.local @!p0 [hbm:s6], $0xF7A  }
0x23: {  	s9 =	sor.u32 $0xD0000000, s2;
	s6 =	simm.s32 $0x108;
	_ =	swait.ge @!p0 [sflag:s8], $0x0  }
0x24: {  	s3 =	sadd.s32 $0x88, s3;
	s6 =	simm.s32 @!p1 $0x1082;
	[sflag:s4] =	ssyncset.s32 $0xFFFFF086  }
0x25: {  	[simem:s6], [sflag:s4] =	dma.local [hbm:s3], $0xF7A  }
0x26: {  	[smem:$0x3F96] =	sst s1;
	(tag) =	ssettag s2;
	_ =	strace s9  }
0x27: {  	s1 =	sld [smem:$0x3FA6]  }
0x28: {  	s2 =	sld [smem:$0x3FA7]  }
0x29: {  	s4 =	sld [smem:$0x3FA9]  }
0x2a: {  	p0 =	seq.s32 s5, $0x0;
	s5 =	sld [smem:$0x3FAA]  }
0x2b: {  	s6 =	sld [smem:$0x3FAB]  }
0x2c: {  	s7 =	sld [smem:$0x3FAC]  }
0x2d: {  	s3 =	simm.s32 $0x108;
	s8 =	sld [smem:$0x3FAD]  }
0x2e: {  	s3 =	simm.s32 @!p0 $0x1082;
	s9 =	sld [smem:$0x3FAE]  }
0x2f: {  	lr =	sadd.s32 s0, s3;
	s0 =	sld [smem:$0x3FA5]  }
0x30: {  	s3 =	sld [smem:$0x3FA8]  }
0x31: {  	[smem:$0x3FB1] =	sst s10  }
0x32: {  	s10 =	sld [smem:$0x3FAF];
	_ =	sdelay $0x3  }
0x33: {  	p0 =	seq.s32 s10, $0x1;
	s10 =	sld [smem:$0x3FB1];
	_ =	sdelay $0x3  }
0x34: {  	[smem:$0x3FB1] =	sst s10  }
0x35: {  	s10 =	sld [smem:$0x3FB0];
	_ =	sdelay $0x3  }
0x36: {  	p1 =	seq.s32 s10, $0x1;
	s10 =	sld [smem:$0x3FB1];
	_ =	sdelay $0x3  }
0x37: {  	[smem:$0x3FB1] =	sst s10  }
0x38: {  	s10 =	sld [smem:$0x3FB2]  }
0x39: {  	_ = 	snop;
	(pc) =	sbr.ind lr, $3  }
0x3a: {  	_ = 	snop  }
0x3b: {  	_ = 	snop  }
0x3c: {  	p2 =	seq.s32 s10, $0x1;
	s10 =	sld [smem:$0x3FB1]  }
0x3d: {  	_ =	shalt  }
0x3e: {  	_ =	shalt  }
0x3f: {  	_ =	shalt  }
0x40: {  	_ =	shalt  }
0x41: {  	_ =	shalt  }
0x42: {  	_ =	shalt  }
0x43: {  	_ =	shalt  }
0x44: {  	_ =	shalt  }
0x45: {  	_ =	shalt  }
0x46: {  	_ =	shalt  }
0x47: {  	_ =	shalt  }
0x48: {  	_ =	shalt  }
0x49: {  	_ =	shalt  }
0x4a: {  	_ =	shalt  }
0x4b: {  	_ =	shalt  }
0x4c: {  	_ =	shalt  }
0x4d: {  	_ =	shalt  }
0x4e: {  	_ =	shalt  }
0x4f: {  	_ =	shalt  }
0x50: {  	_ =	shalt  }
0x51: {  	_ =	shalt  }
0x52: {  	_ =	shalt  }
0x53: {  	_ =	shalt  }
0x54: {  	_ =	shalt  }
0x55: {  	_ =	shalt  }
0x56: {  	_ =	shalt  }
0x57: {  	_ =	shalt  }
0x58: {  	_ =	shalt  }
0x59: {  	_ =	shalt  }
0x5a: {  	_ =	shalt  }
0x5b: {  	_ =	shalt  }
0x5c: {  	_ =	shalt  }
0x5d: {  	_ =	shalt  }
0x5e: {  	_ =	shalt  }
0x5f: {  	_ =	shalt  }
0x60: {  	_ =	shalt  }
0x61: {  	_ =	shalt  }
0x62: {  	_ =	shalt  }
0x63: {  	_ =	shalt  }
0x64: {  	_ =	shalt  }
0x65: {  	_ =	shalt  }
0x66: {  	_ =	shalt  }
0x67: {  	_ =	shalt  }
0x68: {  	_ =	shalt  }
0x69: {  	_ =	shalt  }
0x6a: {  	_ =	shalt  }
0x6b: {  	_ =	shalt  }
0x6c: {  	_ =	shalt  }
0x6d: {  	_ =	shalt  }
0x6e: {  	_ =	shalt  }
0x6f: {  	_ =	shalt  }
0x70: {  	_ =	shalt  }
0x71: {  	_ =	shalt  }
0x72: {  	_ =	shalt  }
0x73: {  	_ =	shalt  }
0x74: {  	_ =	shalt  }
0x75: {  	_ =	shalt  }
0x76: {  	_ =	shalt  }
0x77: {  	_ =	shalt  }
0x78: {  	_ =	shalt  }
0x79: {  	_ =	shalt  }
0x7a: {  	_ =	shalt  }
0x7b: {  	_ =	shalt  }
0x7c: {  	_ =	shalt  }
0x7d: {  	_ =	shalt  }
0x7e: {  	_ =	shalt  }
0x7f: {  	_ =	shalt  }
0x80: {  	_ =	shalt  }
0x81: {  	_ =	shalt  }
0x82: {  	_ =	shalt  }
0x83: {  	_ =	shalt  }
0x84: {  	_ =	shalt  }
0x85: {  	_ =	shalt  }
0x86: {  	_ =	shalt  }
0x87: {  	_ =	shalt  }
.Lfunc_end0:
.L_simem_size_0:
called_computation.2_lowered:
.L_overlay_start_0:
0x88: {  	s0 =	sld [smem:$0x3FD9]  }
0x89: {  	s1 =	sld [smem:$0x3FFE];
	_ =	sdelay $0x3  }
0x8a: {  	s0 =	sadd.s32 s1, s0  }
0x8b: {  	[smem:$0x3FBD] =	sst s0  }
0x8c: {  	_ = 	snop  }
0x8d: {  	s0 =	sld [smem:$0x3FD0];
	_ =	sdelay $0x2  }
0x8e: {  	s13 =	simm.s32 $0xB;
	s2 =	simm.s32 $0x10  }
0x8f: {  	[smem:s2], [sflag:s13] =	dma.local [hbm:s0], $0x1  }
0x90: {  	_ =	swait.eq [sflag:s13], $0x1  }
0x91: {  	[sflag:s13] =	ssyncset.done $0x0  }
0x92: {  	s14 =	sld [smem:$0x10];
	[sflag:s13] =	ssyncadd.s32 $0xFFFFFFFF  }
0x93: {  	s15 =	sld [smem:$0x13];
	(tm) =	ssettm $0x1  }
0x94: {  	s16 =	sld [smem:$0x3FFB];
	_ =	sdelay $0x3  }
0x95: {  	_ =	strace s16  }
0x96: {  	s2 =	sld [smem:$0x3FFC];
	_ =	sdelay $0x3  }
0x97: {  	_ =	strace s2  }
0x98: {  	s2 =	sld [smem:$0x3FFD];
	_ =	sdelay $0x3  }
0x99: {  	_ =	strace s2  }
0x9a: {  	_ =	strace $0x8FFFFFFF  }
0x9b: {  	s17 =	sld [smem:$0x3FDB];
	_ =	sdelay $0x1  }
0x9c: {  	s3 =	simm.s32 $_scs_section_size  }
0x9d: {  	s4 =	simm.s32 $_size__tile_overlayer_lowered;
	s5 =	simm.s32 $_tile_overlayer_lowered  }
0x9e: {  	s20 =	simm.s32 $0x1BFF;
	s19 =	sshll.u32 s5, $0x1;
	s2 =	sadd.s32 s3, s17  }
0x9f: {  	s6 =	simm.s32 $0x0;
	s18 =	sshll.u32 s4, $0x1;
	s4 =	sadd.s32 s19, s2  }
0xa0: {  	[timem:s6], [sflag:s20] =	dma.local [hbm:s4], s18  }
0xa1: {  	_ =	swait.ge [sflag:s20], s18  }
0xa2: {  	s3 =	ssub.s32 $0x0, s18;
	[sflag:s20] =	ssyncset.done $0x0  }
0xa3: {  	[sflag:s20] =	ssyncadd.s32 s3;
	_ =	sdelay $0x1  }
0xa4: {  	s21 =	simm.s32 $0x1B8B  }
0xa5: {  	_ =	swait.ge [sflag:s21], $0x1  }
0xa6: {  	[sflag:s21] =	ssyncset.done $0x0  }
0xa7: {  	s23 =	simm.s32 $0x1B8E;
	s22 =	sld [smem:$0x3FFE];
	[sflag:s21] =	ssyncadd.s32 $0xFFFFFFFF  }
0xa8: {  	s24 =	simm.s32 $execute0_lowered;
	[smem:$0x3FD2] =	sst s23  }
0xa9: {  	s4 =	sshll.u32 s24, $0x1;
	_ =	strace $0x80000055;
	[dreg:$0x1] =	wrdreg $0xFFFFFFFF  }
0xaa: {  	s25 =	simm.s32 $_size_execute0_lowered;
	s2 =	sadd.s32 s2, s4;
	[dreg:$0x0] =	wrdreg $0x0  }
0xab: {  	s4 =	sshll.u32 s25, $0x1;
	[dreg:$0x2] =	wrdreg s2  }
0xac: {  	[dreg:$0x3] =	wrdreg s4  }
0xad: {  	[dreg:$0x4] =	wrdreg $0xC0  }
0xae: {  	_ =	task [dreg:s6], $0x5FFFF  }
0xaf: {  	[dreg:$0x1] =	wrdreg $0xFFFFFFFF  }
0xb0: {  	[dreg:$0x0] =	wrdreg $0x60  }
0xb1: {  	[dreg:$0x2] =	wrdreg s14  }
0xb2: {  	[dreg:$0x3] =	wrdreg s22  }
0xb3: {  	[dreg:$0x4] =	wrdreg s15  }
0xb4: {  	[dreg:$0x5] =	wrdreg $0x9  }
0xb5: {  	_ =	task.clear_ibuf [dreg:s6], $0x6FFFF;
	_ =	strace $0x90000055  }
0xb6: {  	s26 =	simm.s32 $0x9;
	_ =	strace $0x80000057  }
0xb7: {  	_ =	swait.ge [sflag:s26], $0x1  }
0xb8: {  	[sflag:s26] =	ssyncadd.s32 $0xFFFFFFFF  }
0xb9: {  	_ =	strace $0x90000057  }
0xba: {  	_ =	sfence  }
0xbb: {  	s28 =	sld [smem:$0x0];
	_ =	sdelay $0x1  }
0xbc: {  	s29 =	srdreg.scid  }
0xbd: {  	s30 =	sshll.u32 s29, $0xD;
	s31 =	sshrl.u32 s29, $0x2  }
0xbe: {  	s1 =	sand.u32 $0x1, s29;
	s2 =	sand.u32 $0x4000, s30;
	s0 =	sadd.s32 s31, s28  }
0xbf: {  	s1 =	sor.u32 s2, s1;
	s0 =	sshll.u32 s0, $0x11  }
0xc0: {  	s0 =	sor.u32 s0, s1  }
0xc1: {  	s0 =	sadd.s32 $0x8F2B, s0  }
0xc2: {  	[sflag:s0] =	ssyncadd.remote.s32 $0x1  }
0xc3: {  	_ =	sfence.sel $0xFFFF  }
0xc4: {  	[dreg:$0x0] =	wrdreg $0xFFFFFFFF;
	(pc) =	sbr.abs _section_cstart, $3  }
0xc5: {  	[dreg:$0x1] =	wrdreg $0xFFFFFFFF  }
0xc6: {  	_ =	task.clear_ibuf [dreg:s6], $0x2FFFF;
	_ =	strace $0x9FFFFFFF  }
0xc7: {  	(tm) =	ssettm $0x7FFFFFFF  }
tec
execute0_lowered:
.L_overlay_start_1:
0x0: {  	(tag) =	ssettag $0x1  }
0x1: {  	s0 =	stileid.u32  }
0x2: {  	s1 =	smin.u32 s0, $0x9  }
0x3: {  	s1 =	sadd.s32 s0, s1  }
0x4: {  	s2 =	simm.s32 $0x190;
	p0 =	slt.u32 s0, $0x9;
	s1 =	smul.u32 $0xC8, s1  }
0x5: {  	s2 =	simm.s32 @!p0 $0xC8  }
0x6: {  	s2 =	sadd.s32 s2, s1  }
0x7: {  	s3 =	smin.u32 s2, $0x1388  }
0x8: {  	s7 =	ssub.s32 s3, s1  }
0x9: {  	p0 =	sgt.s32 s7, $0x0  }
0xa: {  	s7 =	simm.s32 @!p0 $0x0  }
0xb: {  	s31 =	sand.u32 $0xFFF8, s7  }
0xc: {  	s4 =	rddreg [dreg:$0x0];
	s2 =	sshrl.u32 s31, $0x3  }
0xd: {  	s9 =	rddreg [dreg:$0x1];
	s2 =	smul.u32 $0x147B, s2  }
0xe: {  	s5 =	rddreg [dreg:$0x2]  }
0xf: {  	s6 =	simm.s32 $0x1;
	s11 =	simm.s32 $0x3;
	s8 =	sshrl.u32 s2, $0x11  }
0x10: {  	s13 =	simm.s32 $0x0;
	s12 =	simm.s32 $0x0;
	s10 =	smul.u32 $0xC8, s8  }
.Ltmp0:
0x11: {  	s9 =	sadd.s32 $0x16A00, s9;
	s2 =	rddreg [dreg:$0x3];
	(pc) =	sbr.rel .LBB2_1-.Ltmp0, $4  }
0x12: {  	_ =	strace $0x80000056;
	p0 =	sne.s32 s7, s10;
	s10 =	simm.s32 $0x1  }
0x13: {  	[sflag:s6] =	ssyncpa.u1 $0x0;
	s7 =	simm.s32 $0x2;
	s10 =	simm.s32 @!p0 $0x0  }
0x14: {  	[sflag:s7] =	ssyncpa.u1 $0x0;
	p0 =	por $0x0, $0x0;
	s8 =	sadd.s32 s8, s10  }
0x15: {  	vm0 =	vmmov $0xff;
	vm1 =	vcmask $0x3F20;
	[sflag:s11] =	ssyncpa.u1 $0x0;
	s11 =	smov.u32 s1;
	s10 =	sadd.s32 $0x1, s8  }
.LBB2_6:
0x16: {  	[hbm:s17] =	stream.linear.scatter [tilespmem:s14], [sflag:$0x3], $0x400, $0x38;
	[tilespmem:$0xC990] =	vst v63  }
.LBB2_7:
0x17: {  	s13 =	sadd.s32 $0xC8, s11  }
0x18: {  	s15 =	smov.u32 s1;
	p2 =	slt.s32 s13, s3  }
0x19: {  	s15 =	smov.u32 @p2 s13;
	p2 =	sne.s32 s12, s10  }
.Ltmp1:
0x1a: {  	p1 =	slt.u32 s12, $0x2;
	(pc) =	sbr.rel @!p2 .LBB2_8-.Ltmp1, $4  }
0x1b: {  	s14 =	simm.s32 @!p1 $0x3  }
0x1c: {  	s16 =	sadd.s32 $0x1, s12;
	_ =	swait.ge @!p1 [sflag:s14], $0x6400  }
0x1d: {  	p0 =	por !p0, !p0;
	s13 =	smov.u32 s11;
	[sflag:s14] =	ssyncset.done @!p1 $0x0  }
0x1e: {  	s12 =	smov.u32 s16;
	s11 =	smov.u32 s15;
	[sflag:s14] =	ssyncadd.s32 @!p1 $0xFFFF9C00  }
.LBB2_1:
0x1f: {  	p1 =	sge.u32 s12, s8  }
0x20: {  	s14 =	sxor.u32 @!p1 $0xFFFFFFFF, s12  }
0x21: {  	s14 =	sand.u32 @!p1 $0x1, s14  }
0x22: {  	s14 =	smul.u32 @!p1 $0x320, s14  }
0x23: {  	s31 =	sadd.s32 $0xFFFFFFFF, s12;
	s15 =	sshrl.u32 @!p1 s11, $0x3  }
0x24: {  	s16 =	sand.u32 @!p1 $0x7, s11;
	s15 =	sadd.s32 @!p1 s9, s15;
	s14 =	sshrl.u32 @!p1 s14, $0x2  }
0x25: {  	[tilespmem:s14], [sflag:$0x2] =	stream.linear.gather @!p1 [hbm4b:s15+s16], $0xC8, $0x38;
	[tilespmem:$0xC990] =	vst v63  }
0x26: {  	p1 =	sge.u32 s31, s8  }
.Ltmp2:
0x27: {  	_ = 	snop;
	(pc) =	sbr.rel @p1 .LBB2_7-.Ltmp2, $1  }
0x28: {  	_ =	sdelay $0x3  }
0x29: {  	s14 =	simm.s32 $0x1  }
0x2a: {  	s14 =	simm.s32 @!p0 $0x0  }
0x2b: {  	s15 =	smul.u32 $0x320, s14  }
0x2c: {  	_ =	swait.ge [sflag:s7], $0xC8  }
0x2d: {  	[sflag:s7] =	ssyncset.done $0x0;
	s16 =	sshrl.u32 s15, $0x2  }
0x2e: {  	[sflag:s7] =	ssyncadd.s32 $0xFFFFFF38;
	s15 =	sadd.s32 $0x0, s16  }
0x2f: {  	v0 =	vld.msk [tilespmem:s15+$0x0 ss:$0x1], $0xffff;
	_ =	sdelay $0x4  }
0x30: {  	vm2 =	vgt.s32 v0, $0x0  }
0x31: {  	v0 =	vnsel vm2, $0x0, v0  }
0x32: {  	v0 =	vmin.u32 v0, $0x270F  }
0x33: {  	v0 =	vshll.u32 v0, $0x4  }
0x34: {  	s14 =	smul.u32 $0x19000, s14  }
0x35: {  	s31 =	sand.u32 $0x1, s12  }
0x36: {  	s17 =	smul.u32 $0x320, s31;
	s14 =	sshrl.u32 s14, $0x2  }
0x37: {  	s19 =	smul.u32 $0x19000, s31;
	s14 =	sor.u32 $0x190, s14  }
0x38: {  	[tilespmem:s14], [sflag:$0x1] =	stream.indirect_vreg.gather [hbm:s4], $0x80, v0, vm0, $0x38;
	[tilespmem:$0xC990] =	vst v63  }
0x39: {  	s18 =	sshrl.u32 s17, $0x2;
	s20 =	sadd.s32 $0x10, s16;
	s15 =	sadd.s32 $0x400, s14  }
0x3a: {  	[tilespmem:s15], [sflag:$0x1] =	stream.indirect_vreg.gather [hbm:s4], $0x80, v0, vm1, $0x38;
	[tilespmem:$0xC990] =	vst v63  }
0x3b: {  	s17 =	sshrl.u32 s19, $0x2;
	s19 =	smov.u32 s14;
	v0 =	vld.msk [tilespmem:s20+$0x0 ss:$0x1], $0xffff;
	s20 =	simm.s32 $0x80  }
.LBB2_3:
0x3c: {  	p1 =	sne.s32 s20, $0x2C0;
	_ =	sdelay $0x4  }
0x3d: {  	vm2 =	vgt.s32 v0, $0x0  }
0x3e: {  	v0 =	vnsel vm2, $0x0, v0  }
0x3f: {  	v0 =	vmin.u32 v0, $0x270F  }
0x40: {  	v0 =	vshll.u32 v0, $0x4;
	_ =	sdelay $0x3  }
.Ltmp3:
0x41: {  	s21 =	sshra.s32 s20, $0x2;
	s19 =	sadd.s32 $0x800, s19;
	(pc) =	sbr.rel @p1 .LBB2_3-.Ltmp3, $4  }
0x42: {  	[tilespmem:s19], [sflag:$0x1] =	stream.indirect_vreg.gather [hbm:s4], $0x80, v0, vm0, $0x38;
	[tilespmem:$0xC990] =	vst v63  }
0x43: {  	s21 =	sadd.s32 s21, s16;
	s22 =	sadd.s32 $0x400, s19  }
0x44: {  	[tilespmem:s22], [sflag:$0x1] =	stream.indirect_vreg.gather [hbm:s4], $0x80, v0, vm1, $0x38;
	[tilespmem:$0xC990] =	vst v63  }
0x45: {  	s20 =	sadd.s32 $0x40, s20;
	v0 =	vld.msk [tilespmem:s21+$0x0 ss:$0x1], $0xffff  }
0x46: {  	_ =	sdelay $0x3  }
0x47: {  	vm2 =	vgt.s32 v0, $0x0  }
0x48: {  	v0 =	vnsel vm2, $0x0, v0  }
0x49: {  	v0 =	vmin.u32 v0, $0x270F  }
0x4a: {  	v0 =	vshll.u32 v0, $0x4;
	_ =	sdelay $0x3  }
0x4b: {  	s16 =	sadd.s32 $0x800, s19  }
0x4c: {  	[tilespmem:s16], [sflag:$0x1] =	stream.indirect_vreg.gather [hbm:s4], $0x80, v0, vm0, $0x38;
	[tilespmem:$0xC990] =	vst v63  }
0x4d: {  	s16 =	sadd.s32 $0x400, s16  }
0x4e: {  	[tilespmem:s16], [sflag:$0x1] =	stream.indirect_vreg.gather [hbm:s4], $0x80, v0, vm1, $0x38;
	[tilespmem:$0xC990] =	vst v63  }
0x4f: {  	v0 =	vld.msk [tilespmem:s18+$0xC0 ss:$0x1], $0xff;
	_ =	sdelay $0x4  }
0x50: {  	vm2 =	vgt.s32 v0, $0x0  }
0x51: {  	v0 =	vnsel vm2, $0x0, v0  }
0x52: {  	v0 =	vmin.u32 v0, $0x270F  }
0x53: {  	v0 =	vshll.u32 v0, $0x4;
	_ =	sdelay $0x3  }
0x54: {  	s31 =	sadd.s32 $0x6190, s17  }
0x55: {  	[tilespmem:s31], [sflag:$0x1] =	stream.indirect_vreg.gather [hbm:s4], $0x80, v0, vm0, $0x38;
	[tilespmem:$0xC990] =	vst v63  }
0x56: {  	s13 =	sshll.u32 s13, $0x4;
	_ =	swait.ge [sflag:s6], $0x6400  }
0x57: {  	s13 =	sadd.s32 s13, s5;
	[sflag:s6] =	ssyncset.done $0x0  }
0x58: {  	s17 =	sadd.s32 $0x0, s13;
	s16 =	simm.s32 $0x80;
	[sflag:s6] =	ssyncadd.s32 $0xFFFF9C00  }
.LBB2_5:
0x59: {  	[hbm:s17] =	stream.linear.scatter [tilespmem:s14], [sflag:$0x3], $0x400, $0x38;
	[tilespmem:$0xC990] =	vst v63  }
0x5a: {  	s17 =	smov.u32 s16;
	s14 =	smov.u32 s15;
	p1 =	sne.s32 s16, $0xC00  }
.Ltmp4:
0x5b: {  	s16 =	sadd.s32 $0x80, s16;
	(pc) =	sbr.rel @p1 .LBB2_5-.Ltmp4, $2  }
0x5c: {  	_ =	sdelay $0x2  }
0x5d: {  	s15 =	sadd.s32 $0x400, s15;
	s17 =	sadd.s32 s17, s13  }
.Ltmp5:
0x5e: {  	_ = 	snop;
	(pc) =	sbr.rel .LBB2_6-.Ltmp5, $1  }
0x5f: {  	_ =	sdelay $0x3  }
.LBB2_8:
0x60: {  	_ =	sfence.sel $0x180000  }
0x61: {  	s1 =	simm.s32 $0x2;
	[bflag:$0x0] =	sbarrier.arrive $0xFFFF  }
0x62: {  	s30 =	simm.s32 $0x3;
	[sflag:s1] =	ssyncpa.u1 $0x1  }
0x63: {  	s31 =	simm.s32 $0x1;
	[sflag:s30] =	ssyncpa.u1 $0x1  }
0x64: {  	[sflag:s31] =	ssyncpa.u1 $0x1  }
0x65: {  	p0 =	sne.s32 s0, $0x0;
	_ =	strace $0x90000056  }
0x66: {  	s0 =	sadd.s32 @!p0 $0x100000, s2;
	[bflag:$0x2] =	sbarrier.arrive $0xFFFF  }
0x67: {  	[sflag:s0] =	ssyncadd.tile.s32 @!p0 $0x1;
	_ =	shalt  }
.Lfunc_end2:
_tile_overlayer_lowered:
.L_overlay_start_2:
0x68: {  	(tag) =	ssettag $0x2  }
0x69: {  	s0 =	rddreg [dreg:$0x0];
	s2 =	stileid.u32  }
0x6a: {  	s1 =	rddreg [dreg:$0x1];
	p0 =	sne.s32 s2, $0x0  }
0x6b: {  	s3 =	rddreg [dreg:$0x2];
	[bflag:$0x3] =	sbarrier.arrive $0xFFFF;
	s2 =	simm.s32 @!p0 $0x1C01  }
0x6c: {  	[timem:s3], [sflag:s2] =	dma.local @!p0 [hbm:s0], s1  }
0x6d: {  	s0 =	simm.s32 @!p0 $0x1  }
0x6e: {  	_ =	swait.ge @!p0 [sflag:s0], s1  }
0x6f: {  	s1 =	ssub.s32 @!p0 $0x0, s1;
	[sflag:s0] =	ssyncset.done @!p0 $0x0  }
0x70: {  	[sflag:s0] =	ssyncadd.s32 @!p0 s1  }
0x71: {  	[bflag:$0x3] =	sbarrier.arrive $0xFFFF  }
0x72: {  	_ =	shalt  }

// kernel: kernel.15.cloned.1.call-start
scs
__scs_entry_jumppad:
0x0: {  	(pc) =	sbr.rel $0x88, $3  }
0x1: {  	(tag) =	ssettag $0x0;
	lr =	simm.s32 $0x1  }
0x2: {  	[smem:$0x3F96] =	sst lr;
	_ =	strace $0xD0000000  }
0x3: {  	_ = 	snop  }
0x4: {  	_ = 	snop  }
0x5: {  	_ = 	snop  }
0x6: {  	_ = 	snop  }
0x7: {  	_ = 	snop  }
__scs_overlays_trampoline_lowered:
0x8: {  	[smem:$0x3FA5] =	sst s0  }
0x9: {  	[smem:$0x3FA6] =	sst s1  }
0xa: {  	[smem:$0x3FA7] =	sst s2  }
0xb: {  	[smem:$0x3FA8] =	sst s3  }
0xc: {  	[smem:$0x3FA9] =	sst s4  }
0xd: {  	[smem:$0x3FAA] =	sst s5  }
0xe: {  	[smem:$0x3FAB] =	sst s6  }
0xf: {  	[smem:$0x3FAC] =	sst s7  }
0x10: {  	[smem:$0x3FAD] =	sst s8  }
0x11: {  	[smem:$0x3FAE] =	sst s9;
	s0 =	simm.s32 @!p0 $0x0  }
0x12: {  	s1 =	sld [smem:$0x3F94];
	s0 =	simm.s32 @p0 $0x1  }
0x13: {  	[smem:$0x3FAF] =	sst s0;
	s0 =	simm.s32 @!p1 $0x0  }
0x14: {  	s2 =	sld [smem:$0x3F93];
	s0 =	simm.s32 @p1 $0x1  }
0x15: {  	[smem:$0x3FB0] =	sst s0;
	s0 =	simm.s32 @!p2 $0x0  }
0x16: {  	s3 =	sld [smem:$0x3FDB];
	s0 =	simm.s32 @p2 $0x1  }
0x17: {  	s4 =	simm.s32 $0x1BF5;
	[smem:$0x3FB2] =	sst s0  }
0x18: {  	s0 =	sld [smem:$0x3F95];
	_ =	swait.ge [sflag:s4], $0x0  }
0x19: {  	s7 =	sld [smem:$0x3F96]  }
0x1a: {  	s8 =	sadd.s32 $0xFFFFE003, lr  }
0x1b: {  	s9 =	sadd.s32 $0xFFFFFEF7, lr;
	s5 =	simm.s32 $0xFFFFFFFF;
	p2 =	slt.u32 s8, $0xFFFFF086  }
0x1c: {  	p1 =	slt.u32 s9, $0xF7A;
	s5 =	simm.s32 @!p2 $0x0  }
0x1d: {  	s5 =	simm.s32 @p1 $0x1;
	p0 =	seq.s32 s7, s2  }
0x1e: {  	s7 =	smul.u32 @!p0 $0xF7A, s2;
	p2 =	seq.s32 @!p0 s5, $0x0  }
0x1f: {  	s9 =	smul.u32 $0xF7A, s1;
	s8 =	simm.s32 @!p0 $0x1BF5;
	p2 =	por !p2, p0  }
0x20: {  	[sflag:s8] =	ssyncset.s32 @!p0 $0xFFFFF086;
	s6 =	sadd.s32 @!p0 s3, s7;
	s7 =	simm.s32 @!p0 $0x108  }
0x21: {  	s3 =	sadd.s32 s3, s9;
	s6 =	sadd.s32 @!p0 $0x88, s6;
	s7 =	simm.s32 @p2 $0x1082  }
0x22: {  	[simem:s7], [sflag:s8] =	dma.local @!p0 [hbm:s6], $0xF7A  }
0x23: {  	s9 =	sor.u32 $0xD0000000, s2;
	s6 =	simm.s32 $0x108;
	_ =	swait.ge @!p0 [sflag:s8], $0x0  }
0x24: {  	s3 =	sadd.s32 $0x88, s3;
	s6 =	simm.s32 @!p1 $0x1082;
	[sflag:s4] =	ssyncset.s32 $0xFFFFF086  }
0x25: {  	[simem:s6], [sflag:s4] =	dma.local [hbm:s3], $0xF7A  }
0x26: {  	[smem:$0x3F96] =	sst s1;
	(tag) =	ssettag s2;
	_ =	strace s9  }
0x27: {  	s1 =	sld [smem:$0x3FA6]  }
0x28: {  	s2 =	sld [smem:$0x3FA7]  }
0x29: {  	s4 =	sld [smem:$0x3FA9]  }
0x2a: {  	p0 =	seq.s32 s5, $0x0;
	s5 =	sld [smem:$0x3FAA]  }
0x2b: {  	s6 =	sld [smem:$0x3FAB]  }
0x2c: {  	s7 =	sld [smem:$0x3FAC]  }
0x2d: {  	s3 =	simm.s32 $0x108;
	s8 =	sld [smem:$0x3FAD]  }
0x2e: {  	s3 =	simm.s32 @!p0 $0x1082;
	s9 =	sld [smem:$0x3FAE]  }
0x2f: {  	lr =	sadd.s32 s0, s3;
	s0 =	sld [smem:$0x3FA5]  }
0x30: {  	s3 =	sld [smem:$0x3FA8]  }
0x31: {  	[smem:$0x3FB1] =	sst s10  }
0x32: {  	s10 =	sld [smem:$0x3FAF];
	_ =	sdelay $0x3  }
0x33: {  	p0 =	seq.s32 s10, $0x1;
	s10 =	sld [smem:$0x3FB1];
	_ =	sdelay $0x3  }
0x34: {  	[smem:$0x3FB1] =	sst s10  }
0x35: {  	s10 =	sld [smem:$0x3FB0];
	_ =	sdelay $0x3  }
0x36: {  	p1 =	seq.s32 s10, $0x1;
	s10 =	sld [smem:$0x3FB1];
	_ =	sdelay $0x3  }
0x37: {  	[smem:$0x3FB1] =	sst s10  }
0x38: {  	s10 =	sld [smem:$0x3FB2]  }
0x39: {  	_ = 	snop;
	(pc) =	sbr.ind lr, $3  }
0x3a: {  	_ = 	snop  }
0x3b: {  	_ = 	snop  }
0x3c: {  	p2 =	seq.s32 s10, $0x1;
	s10 =	sld [smem:$0x3FB1]  }
0x3d: {  	_ =	shalt  }
0x3e: {  	_ =	shalt  }
0x3f: {  	_ =	shalt  }
0x40: {  	_ =	shalt  }
0x41: {  	_ =	shalt  }
0x42: {  	_ =	shalt  }
0x43: {  	_ =	shalt  }
0x44: {  	_ =	shalt  }
0x45: {  	_ =	shalt  }
0x46: {  	_ =	shalt  }
0x47: {  	_ =	shalt  }
0x48: {  	_ =	shalt  }
0x49: {  	_ =	shalt  }
0x4a: {  	_ =	shalt  }
0x4b: {  	_ =	shalt  }
0x4c: {  	_ =	shalt  }
0x4d: {  	_ =	shalt  }
0x4e: {  	_ =	shalt  }
0x4f: {  	_ =	shalt  }
0x50: {  	_ =	shalt  }
0x51: {  	_ =	shalt  }
0x52: {  	_ =	shalt  }
0x53: {  	_ =	shalt  }
0x54: {  	_ =	shalt  }
0x55: {  	_ =	shalt  }
0x56: {  	_ =	shalt  }
0x57: {  	_ =	shalt  }
0x58: {  	_ =	shalt  }
0x59: {  	_ =	shalt  }
0x5a: {  	_ =	shalt  }
0x5b: {  	_ =	shalt  }
0x5c: {  	_ =	shalt  }
0x5d: {  	_ =	shalt  }
0x5e: {  	_ =	shalt  }
0x5f: {  	_ =	shalt  }
0x60: {  	_ =	shalt  }
0x61: {  	_ =	shalt  }
0x62: {  	_ =	shalt  }
0x63: {  	_ =	shalt  }
0x64: {  	_ =	shalt  }
0x65: {  	_ =	shalt  }
0x66: {  	_ =	shalt  }
0x67: {  	_ =	shalt  }
0x68: {  	_ =	shalt  }
0x69: {  	_ =	shalt  }
0x6a: {  	_ =	shalt  }
0x6b: {  	_ =	shalt  }
0x6c: {  	_ =	shalt  }
0x6d: {  	_ =	shalt  }
0x6e: {  	_ =	shalt  }
0x6f: {  	_ =	shalt  }
0x70: {  	_ =	shalt  }
0x71: {  	_ =	shalt  }
0x72: {  	_ =	shalt  }
0x73: {  	_ =	shalt  }
0x74: {  	_ =	shalt  }
0x75: {  	_ =	shalt  }
0x76: {  	_ =	shalt  }
0x77: {  	_ =	shalt  }
0x78: {  	_ =	shalt  }
0x79: {  	_ =	shalt  }
0x7a: {  	_ =	shalt  }
0x7b: {  	_ =	shalt  }
0x7c: {  	_ =	shalt  }
0x7d: {  	_ =	shalt  }
0x7e: {  	_ =	shalt  }
0x7f: {  	_ =	shalt  }
0x80: {  	_ =	shalt  }
0x81: {  	_ =	shalt  }
0x82: {  	_ =	shalt  }
0x83: {  	_ =	shalt  }
0x84: {  	_ =	shalt  }
0x85: {  	_ =	shalt  }
0x86: {  	_ =	shalt  }
0x87: {  	_ =	shalt  }
.Lfunc_end0:
.L_simem_size_0:
called_computation.3_lowered:
.L_overlay_start_0:
0x88: {  	s2 =	sld [smem:$0x3FD9]  }
0x89: {  	s3 =	sld [smem:$0x3FFE];
	_ =	sdelay $0x1  }
0x8a: {  	s1 =	srdreg.scid  }
0x8b: {  	s0 =	sand.u32 $0x1, s1  }
0x8c: {  	s14 =	sshll.u32 s0, $0xA;
	s2 =	sadd.s32 s3, s2  }
0x8d: {  	s2 =	sadd.s32 s2, s14  }
0x8e: {  	[smem:$0x3FBD] =	sst s2  }
0x8f: {  	_ = 	snop  }
0x90: {  	s2 =	sld [smem:$0x3FD0];
	_ =	sdelay $0x2  }
0x91: {  	s15 =	simm.s32 $0xB;
	s4 =	simm.s32 $0x10  }
0x92: {  	[smem:s4], [sflag:s15] =	dma.local [hbm:s2], $0x1  }
0x93: {  	_ =	swait.eq [sflag:s15], $0x1  }
0x94: {  	[sflag:s15] =	ssyncset.done $0x0  }
0x95: {  	[sflag:s15] =	ssyncadd.s32 $0xFFFFFFFF  }
0x96: {  	s16 =	sld [smem:$0x10];
	(tm) =	ssettm $0x1  }
0x97: {  	s17 =	sld [smem:$0x3FFB];
	_ =	sdelay $0x3  }
0x98: {  	_ =	strace s17  }
0x99: {  	s3 =	sld [smem:$0x3FFC];
	_ =	sdelay $0x3  }
0x9a: {  	_ =	strace s3  }
0x9b: {  	s3 =	sld [smem:$0x3FFD];
	_ =	sdelay $0x3  }
0x9c: {  	_ =	strace s3  }
0x9d: {  	_ =	strace $0x8FFFFFFF  }
0x9e: {  	s18 =	sld [smem:$0x3FDB];
	_ =	sdelay $0x1  }
0x9f: {  	s19 =	simm.s32 $_scs_section_size  }
0xa0: {  	s5 =	simm.s32 $_size__tile_overlayer_lowered;
	s6 =	simm.s32 $_tile_overlayer_lowered  }
0xa1: {  	s22 =	simm.s32 $0x1BFF;
	s21 =	sshll.u32 s6, $0x1;
	s3 =	sadd.s32 s19, s18  }
0xa2: {  	s7 =	simm.s32 $0x0;
	s20 =	sshll.u32 s5, $0x1;
	s5 =	sadd.s32 s21, s3  }
0xa3: {  	[timem:s7], [sflag:s22] =	dma.local [hbm:s5], s20  }
0xa4: {  	_ =	swait.ge [sflag:s22], s20  }
0xa5: {  	s4 =	ssub.s32 $0x0, s20;
	[sflag:s22] =	ssyncset.done $0x0  }
0xa6: {  	[sflag:s22] =	ssyncadd.s32 s4;
	_ =	sdelay $0x1  }
0xa7: {  	s23 =	simm.s32 $0x1B8B  }
0xa8: {  	_ =	swait.ge [sflag:s23], $0x1  }
0xa9: {  	[sflag:s23] =	ssyncset.done $0x0  }
0xaa: {  	s25 =	simm.s32 $0x1B8E;
	s24 =	sld [smem:$0x3FFE];
	[sflag:s23] =	ssyncadd.s32 $0xFFFFFFFF  }
0xab: {  	s26 =	simm.s32 $execute0_lowered;
	[smem:$0x3FD2] =	sst s25  }
0xac: {  	s5 =	sshll.u32 s26, $0x1;
	_ =	strace $0x80000046;
	[dreg:$0x1] =	wrdreg $0xFFFFFFFF  }
0xad: {  	s28 =	simm.s32 $_size_execute0_lowered;
	s3 =	sadd.s32 s3, s5;
	[dreg:$0x0] =	wrdreg $0x0  }
0xae: {  	s5 =	sshll.u32 s28, $0x1;
	[dreg:$0x2] =	wrdreg s3  }
0xaf: {  	[dreg:$0x3] =	wrdreg s5  }
0xb0: {  	[dreg:$0x4] =	wrdreg $0xC0  }
0xb1: {  	_ =	task [dreg:s7], $0x5FFFF  }
0xb2: {  	[dreg:$0x1] =	wrdreg $0xFFFFFFFF  }
0xb3: {  	[dreg:$0x0] =	wrdreg $0x60  }
0xb4: {  	[dreg:$0x2] =	wrdreg s24  }
0xb5: {  	[dreg:$0x3] =	wrdreg s16  }
0xb6: {  	[dreg:$0x4] =	wrdreg $0x2A800  }
0xb7: {  	[dreg:$0x5] =	wrdreg $0x9  }
0xb8: {  	_ =	task.clear_ibuf [dreg:s7], $0x6FFFF;
	_ =	strace $0x90000046  }
0xb9: {  	s29 =	simm.s32 $0x9;
	_ =	strace $0x80000048  }
0xba: {  	_ =	swait.ge [sflag:s29], $0x1  }
0xbb: {  	[sflag:s29] =	ssyncadd.s32 $0xFFFFFFFF  }
0xbc: {  	_ =	strace $0x90000048  }
0xbd: {  	_ =	sfence  }
0xbe: {  	s30 =	sld [smem:$0x0];
	_ =	sdelay $0x2  }
0xbf: {  	s31 =	sshll.u32 s1, $0xD;
	s1 =	sshrl.u32 s1, $0x2  }
0xc0: {  	s3 =	sand.u32 $0x4000, s31;
	s1 =	sadd.s32 s1, s30  }
0xc1: {  	s0 =	sor.u32 s3, s0;
	s1 =	sshll.u32 s1, $0x11  }
0xc2: {  	s0 =	sor.u32 s1, s0  }
0xc3: {  	s0 =	sadd.s32 $0x8F2B, s0  }
0xc4: {  	[sflag:s0] =	ssyncadd.remote.s32 $0x1  }
0xc5: {  	_ =	sfence.sel $0xFFFF  }
0xc6: {  	[dreg:$0x0] =	wrdreg $0xFFFFFFFF;
	(pc) =	sbr.abs _section_cstart, $3  }
0xc7: {  	[dreg:$0x1] =	wrdreg $0xFFFFFFFF  }
0xc8: {  	_ =	task.clear_ibuf [dreg:s7], $0x2FFFF;
	_ =	strace $0x9FFFFFFF  }
0xc9: {  	(tm) =	ssettm $0x7FFFFFFF  }
tec
execute0_lowered:
.L_overlay_start_1:
0x0: {  	(tag) =	ssettag $0x1  }
0x1: {  	s5 =	rddreg [dreg:$0x0]  }
0x2: {  	s6 =	rddreg [dreg:$0x1]  }
0x3: {  	s0 =	srdreg.scid;
	s2 =	rddreg [dreg:$0x2]  }
0x4: {  	s3 =	simm.s32 $0x0;
	s11 =	simm.s32 $0x400;
	s12 =	simm.s32 $0x1400  }
0x5: {  	s15 =	simm.s32 $0x20;
	s16 =	simm.s32 $0x10;
	s17 =	simm.s32 $0x0  }
0x6: {  	s4 =	sand.u32 $0x1, s0;
	s0 =	stileid.u32;
	[smem:$0x7FF] =	sst s3  }
0x7: {  	s1 =	sshll.u32 s4, $0x4;
	s8 =	sshll.u32 s0, $0x7;
	s28 =	smul.u32 $0x500, s0  }
0x8: {  	s9 =	ssub.s32 $0x2, s4;
	s10 =	smul.u32 $0xA00, s0;
	s4 =	sshll.u32 s4, $0x7  }
0x9: {  	s13 =	sshll.u32 s0, $0x6;
	s1 =	sor.u32 s0, s1;
	s8 =	sand.u32 $0x380, s8  }
0xa: {  	s29 =	sshrl.u32 s9, $0x1;
	s13 =	sor.u32 $0x1C01, s13;
	s1 =	sshrl.u32 s1, $0x3  }
0xb: {  	s4 =	sor.u32 s4, s28;
	s30 =	sshrl.u32 s10, $0x2;
	s7 =	smul.u32 $0xA000, s1  }
0xc: {  	s10 =	simm.s32 $0x80;
	s1 =	rddreg [dreg:$0x3];
	_ =	strace $0x80000047  }
0xd: {  	s31 =	sshrl.u32 s4, $0x3;
	s4 =	sadd.s32 s30, s2;
	s7 =	sor.u32 s8, s7  }
0xe: {  	s6 =	sadd.s32 s6, s31;
	s14 =	sshrl.u32 s4, $0x3;
	s7 =	sshrl.u32 s7, $0x3  }
0xf: {  	s8 =	simm.s32 $0x2800;
	s5 =	sadd.s32 s7, s5;
	s7 =	ssub.s32 s9, s29  }
0x10: {  	v0 =	vimm.f32 $0.0e+00;
	v1 =	vimm.f32 $1.000000000e+00;
	s9 =	simm.s32 $0x1;
	s5 =	sadd.s32 $0x6800, s5;
	s7 =	smax.u32 s7, $0x1  }
.LBB2_1:
0x11: {  	[tilespmem:$0x2800] =	vst v0  }
0x12: {  	[tilespmem:$0x2810] =	vst v0  }
0x13: {  	[tilespmem:$0x2820] =	vst v0  }
0x14: {  	[tilespmem:$0x2830] =	vst v0  }
0x15: {  	[tilespmem:$0x2840] =	vst v0  }
0x16: {  	[tilespmem:$0x2850] =	vst v0  }
0x17: {  	[tilespmem:$0x2860] =	vst v0  }
0x18: {  	[tilespmem:$0x2870] =	vst v0  }
0x19: {  	[tilespmem:$0x2880] =	vst v0  }
0x1a: {  	[tilespmem:$0x2890] =	vst v0  }
0x1b: {  	[tilespmem:$0x28A0] =	vst v0  }
0x1c: {  	[tilespmem:$0x28B0] =	vst v0  }
0x1d: {  	[tilespmem:$0x28C0] =	vst v0  }
0x1e: {  	[tilespmem:$0x28D0] =	vst v0  }
0x1f: {  	[tilespmem:$0x28E0] =	vst v0  }
0x20: {  	[tilespmem:$0x28F0] =	vst v0  }
0x21: {  	[tilespmem:$0x2900] =	vst v0  }
0x22: {  	[tilespmem:$0x2910] =	vst v0  }
0x23: {  	[tilespmem:$0x2920] =	vst v0  }
0x24: {  	[tilespmem:$0x2930] =	vst v0  }
0x25: {  	[tilespmem:$0x2940] =	vst v0  }
0x26: {  	[tilespmem:$0x2950] =	vst v0  }
0x27: {  	[tilespmem:$0x2960] =	vst v0  }
0x28: {  	[tilespmem:$0x2970] =	vst v0  }
0x29: {  	[tilespmem:$0x2980] =	vst v0  }
0x2a: {  	[tilespmem:$0x2990] =	vst v0  }
0x2b: {  	[tilespmem:$0x29A0] =	vst v0  }
0x2c: {  	[tilespmem:$0x29B0] =	vst v0  }
0x2d: {  	[tilespmem:$0x29C0] =	vst v0  }
0x2e: {  	[tilespmem:$0x29D0] =	vst v0  }
0x2f: {  	[tilespmem:$0x29E0] =	vst v0  }
0x30: {  	[tilespmem:$0x29F0] =	vst v0  }
0x31: {  	[tilespmem:$0x2A00] =	vst v0  }
0x32: {  	[tilespmem:$0x2A10] =	vst v0  }
0x33: {  	[tilespmem:$0x2A20] =	vst v0  }
0x34: {  	[tilespmem:$0x2A30] =	vst v0  }
0x35: {  	[tilespmem:$0x2A40] =	vst v0  }
0x36: {  	[tilespmem:$0x2A50] =	vst v0  }
0x37: {  	[tilespmem:$0x2A60] =	vst v0  }
0x38: {  	[tilespmem:$0x2A70] =	vst v0;
	s18 =	simm.s32 $0x40;
	s19 =	simm.s32 $0x0  }
.LBB2_2:
0x39: {  	p0 =	sne.s32 s18, $0x4FC0;
	[tilespmem:s19+$0x1400] =	vst v1;
	s19 =	smov.u32 s18;
	s18 =	sadd.s32 $0x40, s18  }
.Ltmp0:
0x3a: {  	(pc) =	sbr.rel @p0 .LBB2_2-.Ltmp0, $2  }
0x3b: {  	_ =	sdelay $0x2  }
0x3c: {  	s19 =	sshra.s32 s19, $0x2  }
0x3d: {  	[tilespmem:s19+$0x1400] =	vst v1  }
0x3e: {  	[spmem:s4] =	stream.linear.scatter [tilespmem:s8], [sflag:$0x1], $0x280, $0x38;
	[tilespmem:$0x2D00] =	vst v63  }
0x3f: {  	_ =	swait.ge [sflag:s9], $0x280  }
0x40: {  	[sflag:s9] =	ssyncset.done $0x0  }
0x41: {  	[sflag:s9] =	ssyncadd.s32 $0xFFFFFD80  }
0x42: {  	[tilespmem:s3], [sflag:$0x1] =	stream.strided.gather [hbm4b:s5+s10], $0x1400, s11, s10, $0x38;
	[tilespmem:$0x2D00] =	vst v63  }
0x43: {  	_ =	swait.ge [sflag:s9], $0x1400  }
0x44: {  	[sflag:s9] =	ssyncset.done $0x0  }
0x45: {  	[sflag:s9] =	ssyncadd.s32 $0xFFFFEC00  }
0x46: {  	[bflag:$0x0] =	sbarrier.arrive $0xFFFF  }
0x47: {  	[spmem:s2] =	stream.indirect.scatter.add.f32 [tilespmem:s12], [sflag:$0x1], $0x1, s3, s12, $0xb8;
	[tilespmem:$0x2D00] =	vst v63  }
0x48: {  	_ =	swait.ge [sflag:s9], $0x1400  }
0x49: {  	s17 =	sadd.s32 $0x1, s17;
	[sflag:s9] =	ssyncset.done $0x0  }
0x4a: {  	p0 =	sne.s32 s17, s7;
	[sflag:s9] =	ssyncadd.s32 $0xFFFFEC00  }
.Ltmp1:
0x4b: {  	[bflag:$0x0] =	sbarrier.arrive $0xFFFF;
	(pc) =	sbr.rel @p0 .LBB2_1-.Ltmp1, $4  }
0x4c: {  	[hbm:s6@s15], [sflag:s13] =	dma.strided [spmem:s14@s16], $0x50, s9, $0x10   }
0x4d: {  	_ =	swait.ge [sflag:s9], $0x50  }
0x4e: {  	[sflag:s9] =	ssyncset.done $0x0  }
0x4f: {  	[sflag:s9] =	ssyncadd.s32 $0xFFFFFFB0  }
0x50: {  	_ =	sfence.sel $0x180000  }
0x51: {  	[bflag:$0x0] =	sbarrier.arrive $0xFFFF  }
0x52: {  	p0 =	sne.s32 s0, $0x0;
	_ =	strace $0x90000047  }
0x53: {  	s0 =	sadd.s32 @!p0 $0x100000, s1;
	[bflag:$0x2] =	sbarrier.arrive $0xFFFF  }
0x54: {  	[sflag:s0] =	ssyncadd.tile.s32 @!p0 $0x1;
	_ =	shalt  }
.Lfunc_end2:
_tile_overlayer_lowered:
.L_overlay_start_2:
0x55: {  	(tag) =	ssettag $0x2  }
0x56: {  	s0 =	rddreg [dreg:$0x0];
	s2 =	stileid.u32  }
0x57: {  	s1 =	rddreg [dreg:$0x1];
	p0 =	sne.s32 s2, $0x0  }
0x58: {  	s3 =	rddreg [dreg:$0x2];
	[bflag:$0x3] =	sbarrier.arrive $0xFFFF;
	s2 =	simm.s32 @!p0 $0x1C01  }
0x59: {  	[timem:s3], [sflag:s2] =	dma.local @!p0 [hbm:s0], s1  }
0x5a: {  	s0 =	simm.s32 @!p0 $0x1  }
0x5b: {  	_ =	swait.ge @!p0 [sflag:s0], s1  }
0x5c: {  	s1 =	ssub.s32 @!p0 $0x0, s1;
	[sflag:s0] =	ssyncset.done @!p0 $0x0  }
0x5d: {  	[sflag:s0] =	ssyncadd.s32 @!p0 s1  }
0x5e: {  	[bflag:$0x3] =	sbarrier.arrive $0xFFFF  }
0x5f: {  	_ =	shalt  }

// kernel: kernel.18.cloned.1.call-start
scs
__scs_entry_jumppad:
0x0: {  	(pc) =	sbr.rel $0x88, $3  }
0x1: {  	(tag) =	ssettag $0x0;
	lr =	simm.s32 $0x1  }
0x2: {  	[smem:$0x3F96] =	sst lr;
	_ =	strace $0xD0000000  }
0x3: {  	_ = 	snop  }
0x4: {  	_ = 	snop  }
0x5: {  	_ = 	snop  }
0x6: {  	_ = 	snop  }
0x7: {  	_ = 	snop  }
__scs_overlays_trampoline_lowered:
0x8: {  	[smem:$0x3FA5] =	sst s0  }
0x9: {  	[smem:$0x3FA6] =	sst s1  }
0xa: {  	[smem:$0x3FA7] =	sst s2  }
0xb: {  	[smem:$0x3FA8] =	sst s3  }
0xc: {  	[smem:$0x3FA9] =	sst s4  }
0xd: {  	[smem:$0x3FAA] =	sst s5  }
0xe: {  	[smem:$0x3FAB] =	sst s6  }
0xf: {  	[smem:$0x3FAC] =	sst s7  }
0x10: {  	[smem:$0x3FAD] =	sst s8  }
0x11: {  	[smem:$0x3FAE] =	sst s9;
	s0 =	simm.s32 @!p0 $0x0  }
0x12: {  	s1 =	sld [smem:$0x3F94];
	s0 =	simm.s32 @p0 $0x1  }
0x13: {  	[smem:$0x3FAF] =	sst s0;
	s0 =	simm.s32 @!p1 $0x0  }
0x14: {  	s2 =	sld [smem:$0x3F93];
	s0 =	simm.s32 @p1 $0x1  }
0x15: {  	[smem:$0x3FB0] =	sst s0;
	s0 =	simm.s32 @!p2 $0x0  }
0x16: {  	s3 =	sld [smem:$0x3FDB];
	s0 =	simm.s32 @p2 $0x1  }
0x17: {  	s4 =	simm.s32 $0x1BF5;
	[smem:$0x3FB2] =	sst s0  }
0x18: {  	s0 =	sld [smem:$0x3F95];
	_ =	swait.ge [sflag:s4], $0x0  }
0x19: {  	s7 =	sld [smem:$0x3F96]  }
0x1a: {  	s8 =	sadd.s32 $0xFFFFE003, lr  }
0x1b: {  	s9 =	sadd.s32 $0xFFFFFEF7, lr;
	s5 =	simm.s32 $0xFFFFFFFF;
	p2 =	slt.u32 s8, $0xFFFFF086  }
0x1c: {  	p1 =	slt.u32 s9, $0xF7A;
	s5 =	simm.s32 @!p2 $0x0  }
0x1d: {  	s5 =	simm.s32 @p1 $0x1;
	p0 =	seq.s32 s7, s2  }
0x1e: {  	s7 =	smul.u32 @!p0 $0xF7A, s2;
	p2 =	seq.s32 @!p0 s5, $0x0  }
0x1f: {  	s9 =	smul.u32 $0xF7A, s1;
	s8 =	simm.s32 @!p0 $0x1BF5;
	p2 =	por !p2, p0  }
0x20: {  	[sflag:s8] =	ssyncset.s32 @!p0 $0xFFFFF086;
	s6 =	sadd.s32 @!p0 s3, s7;
	s7 =	simm.s32 @!p0 $0x108  }
0x21: {  	s3 =	sadd.s32 s3, s9;
	s6 =	sadd.s32 @!p0 $0x88, s6;
	s7 =	simm.s32 @p2 $0x1082  }
0x22: {  	[simem:s7], [sflag:s8] =	dma.local @!p0 [hbm:s6], $0xF7A  }
0x23: {  	s9 =	sor.u32 $0xD0000000, s2;
	s6 =	simm.s32 $0x108;
	_ =	swait.ge @!p0 [sflag:s8], $0x0  }
0x24: {  	s3 =	sadd.s32 $0x88, s3;
	s6 =	simm.s32 @!p1 $0x1082;
	[sflag:s4] =	ssyncset.s32 $0xFFFFF086  }
0x25: {  	[simem:s6], [sflag:s4] =	dma.local [hbm:s3], $0xF7A  }
0x26: {  	[smem:$0x3F96] =	sst s1;
	(tag) =	ssettag s2;
	_ =	strace s9  }
0x27: {  	s1 =	sld [smem:$0x3FA6]  }
0x28: {  	s2 =	sld [smem:$0x3FA7]  }
0x29: {  	s4 =	sld [smem:$0x3FA9]  }
0x2a: {  	p0 =	seq.s32 s5, $0x0;
	s5 =	sld [smem:$0x3FAA]  }
0x2b: {  	s6 =	sld [smem:$0x3FAB]  }
0x2c: {  	s7 =	sld [smem:$0x3FAC]  }
0x2d: {  	s3 =	simm.s32 $0x108;
	s8 =	sld [smem:$0x3FAD]  }
0x2e: {  	s3 =	simm.s32 @!p0 $0x1082;
	s9 =	sld [smem:$0x3FAE]  }
0x2f: {  	lr =	sadd.s32 s0, s3;
	s0 =	sld [smem:$0x3FA5]  }
0x30: {  	s3 =	sld [smem:$0x3FA8]  }
0x31: {  	[smem:$0x3FB1] =	sst s10  }
0x32: {  	s10 =	sld [smem:$0x3FAF];
	_ =	sdelay $0x3  }
0x33: {  	p0 =	seq.s32 s10, $0x1;
	s10 =	sld [smem:$0x3FB1];
	_ =	sdelay $0x3  }
0x34: {  	[smem:$0x3FB1] =	sst s10  }
0x35: {  	s10 =	sld [smem:$0x3FB0];
	_ =	sdelay $0x3  }
0x36: {  	p1 =	seq.s32 s10, $0x1;
	s10 =	sld [smem:$0x3FB1];
	_ =	sdelay $0x3  }
0x37: {  	[smem:$0x3FB1] =	sst s10  }
0x38: {  	s10 =	sld [smem:$0x3FB2]  }
0x39: {  	_ = 	snop;
	(pc) =	sbr.ind lr, $3  }
0x3a: {  	_ = 	snop  }
0x3b: {  	_ = 	snop  }
0x3c: {  	p2 =	seq.s32 s10, $0x1;
	s10 =	sld [smem:$0x3FB1]  }
0x3d: {  	_ =	shalt  }
0x3e: {  	_ =	shalt  }
0x3f: {  	_ =	shalt  }
0x40: {  	_ =	shalt  }
0x41: {  	_ =	shalt  }
0x42: {  	_ =	shalt  }
0x43: {  	_ =	shalt  }
0x44: {  	_ =	shalt  }
0x45: {  	_ =	shalt  }
0x46: {  	_ =	shalt  }
0x47: {  	_ =	shalt  }
0x48: {  	_ =	shalt  }
0x49: {  	_ =	shalt  }
0x4a: {  	_ =	shalt  }
0x4b: {  	_ =	shalt  }
0x4c: {  	_ =	shalt  }
0x4d: {  	_ =	shalt  }
0x4e: {  	_ =	shalt  }
0x4f: {  	_ =	shalt  }
0x50: {  	_ =	shalt  }
0x51: {  	_ =	shalt  }
0x52: {  	_ =	shalt  }
0x53: {  	_ =	shalt  }
0x54: {  	_ =	shalt  }
0x55: {  	_ =	shalt  }
0x56: {  	_ =	shalt  }
0x57: {  	_ =	shalt  }
0x58: {  	_ =	shalt  }
0x59: {  	_ =	shalt  }
0x5a: {  	_ =	shalt  }
0x5b: {  	_ =	shalt  }
0x5c: {  	_ =	shalt  }
0x5d: {  	_ =	shalt  }
0x5e: {  	_ =	shalt  }
0x5f: {  	_ =	shalt  }
0x60: {  	_ =	shalt  }
0x61: {  	_ =	shalt  }
0x62: {  	_ =	shalt  }
0x63: {  	_ =	shalt  }
0x64: {  	_ =	shalt  }
0x65: {  	_ =	shalt  }
0x66: {  	_ =	shalt  }
0x67: {  	_ =	shalt  }
0x68: {  	_ =	shalt  }
0x69: {  	_ =	shalt  }
0x6a: {  	_ =	shalt  }
0x6b: {  	_ =	shalt  }
0x6c: {  	_ =	shalt  }
0x6d: {  	_ =	shalt  }
0x6e: {  	_ =	shalt  }
0x6f: {  	_ =	shalt  }
0x70: {  	_ =	shalt  }
0x71: {  	_ =	shalt  }
0x72: {  	_ =	shalt  }
0x73: {  	_ =	shalt  }
0x74: {  	_ =	shalt  }
0x75: {  	_ =	shalt  }
0x76: {  	_ =	shalt  }
0x77: {  	_ =	shalt  }
0x78: {  	_ =	shalt  }
0x79: {  	_ =	shalt  }
0x7a: {  	_ =	shalt  }
0x7b: {  	_ =	shalt  }
0x7c: {  	_ =	shalt  }
0x7d: {  	_ =	shalt  }
0x7e: {  	_ =	shalt  }
0x7f: {  	_ =	shalt  }
0x80: {  	_ =	shalt  }
0x81: {  	_ =	shalt  }
0x82: {  	_ =	shalt  }
0x83: {  	_ =	shalt  }
0x84: {  	_ =	shalt  }
0x85: {  	_ =	shalt  }
0x86: {  	_ =	shalt  }
0x87: {  	_ =	shalt  }
.Lfunc_end0:
.L_simem_size_0:
called_computation.4_lowered:
.L_overlay_start_0:
0x88: {  	s2 =	sld [smem:$0x3FD9]  }
0x89: {  	s3 =	sld [smem:$0x3FFE];
	_ =	sdelay $0x1  }
0x8a: {  	s1 =	srdreg.scid  }
0x8b: {  	s0 =	sand.u32 $0x1, s1  }
0x8c: {  	s14 =	sshll.u32 s0, $0xA;
	s2 =	sadd.s32 s3, s2  }
0x8d: {  	s2 =	sadd.s32 s2, s14  }
0x8e: {  	[smem:$0x3FBD] =	sst s2  }
0x8f: {  	_ = 	snop  }
0x90: {  	s2 =	sld [smem:$0x3FD0];
	_ =	sdelay $0x2  }
0x91: {  	s15 =	simm.s32 $0xB;
	s4 =	simm.s32 $0x10  }
0x92: {  	[smem:s4], [sflag:s15] =	dma.local [hbm:s2], $0x1  }
0x93: {  	_ =	swait.eq [sflag:s15], $0x1  }
0x94: {  	[sflag:s15] =	ssyncset.done $0x0  }
0x95: {  	[sflag:s15] =	ssyncadd.s32 $0xFFFFFFFF  }
0x96: {  	s16 =	sld [smem:$0x10];
	(tm) =	ssettm $0x1  }
0x97: {  	s17 =	sld [smem:$0x3FFB];
	_ =	sdelay $0x3  }
0x98: {  	_ =	strace s17  }
0x99: {  	s3 =	sld [smem:$0x3FFC];
	_ =	sdelay $0x3  }
0x9a: {  	_ =	strace s3  }
0x9b: {  	s3 =	sld [smem:$0x3FFD];
	_ =	sdelay $0x3  }
0x9c: {  	_ =	strace s3  }
0x9d: {  	_ =	strace $0x8FFFFFFF  }
0x9e: {  	s18 =	sld [smem:$0x3FDB];
	_ =	sdelay $0x1  }
0x9f: {  	s19 =	simm.s32 $_scs_section_size  }
0xa0: {  	s5 =	simm.s32 $_size__tile_overlayer_lowered;
	s6 =	simm.s32 $_tile_overlayer_lowered  }
0xa1: {  	s22 =	simm.s32 $0x1BFF;
	s21 =	sshll.u32 s6, $0x1;
	s3 =	sadd.s32 s19, s18  }
0xa2: {  	s7 =	simm.s32 $0x0;
	s20 =	sshll.u32 s5, $0x1;
	s5 =	sadd.s32 s21, s3  }
0xa3: {  	[timem:s7], [sflag:s22] =	dma.local [hbm:s5], s20  }
0xa4: {  	_ =	swait.ge [sflag:s22], s20  }
0xa5: {  	s4 =	ssub.s32 $0x0, s20;
	[sflag:s22] =	ssyncset.done $0x0  }
0xa6: {  	[sflag:s22] =	ssyncadd.s32 s4;
	_ =	sdelay $0x1  }
0xa7: {  	s23 =	simm.s32 $0x1B8B  }
0xa8: {  	_ =	swait.ge [sflag:s23], $0x1  }
0xa9: {  	[sflag:s23] =	ssyncset.done $0x0  }
0xaa: {  	s25 =	simm.s32 $0x1B8E;
	s24 =	sld [smem:$0x3FFE];
	[sflag:s23] =	ssyncadd.s32 $0xFFFFFFFF  }
0xab: {  	s26 =	simm.s32 $execute0_lowered;
	[smem:$0x3FD2] =	sst s25  }
0xac: {  	s5 =	sshll.u32 s26, $0x1;
	_ =	strace $0x80000049;
	[dreg:$0x1] =	wrdreg $0xFFFFFFFF  }
0xad: {  	s28 =	simm.s32 $_size_execute0_lowered;
	s3 =	sadd.s32 s3, s5;
	[dreg:$0x0] =	wrdreg $0x0  }
0xae: {  	s5 =	sshll.u32 s28, $0x1;
	[dreg:$0x2] =	wrdreg s3  }
0xaf: {  	[dreg:$0x3] =	wrdreg s5  }
0xb0: {  	[dreg:$0x4] =	wrdreg $0xC0  }
0xb1: {  	_ =	task [dreg:s7], $0x5FFFF  }
0xb2: {  	[dreg:$0x1] =	wrdreg $0xFFFFFFFF  }
0xb3: {  	[dreg:$0x0] =	wrdreg $0x60  }
0xb4: {  	[dreg:$0x2] =	wrdreg s24  }
0xb5: {  	[dreg:$0x3] =	wrdreg s16  }
0xb6: {  	[dreg:$0x4] =	wrdreg $0x64000  }
0xb7: {  	[dreg:$0x5] =	wrdreg $0x9  }
0xb8: {  	_ =	task.clear_ibuf [dreg:s7], $0x6FFFF;
	_ =	strace $0x90000049  }
0xb9: {  	s29 =	simm.s32 $0x9;
	_ =	strace $0x8000004B  }
0xba: {  	_ =	swait.ge [sflag:s29], $0x1  }
0xbb: {  	[sflag:s29] =	ssyncadd.s32 $0xFFFFFFFF  }
0xbc: {  	_ =	strace $0x9000004B  }
0xbd: {  	_ =	sfence  }
0xbe: {  	s30 =	sld [smem:$0x0];
	_ =	sdelay $0x2  }
0xbf: {  	s31 =	sshll.u32 s1, $0xD;
	s1 =	sshrl.u32 s1, $0x2  }
0xc0: {  	s3 =	sand.u32 $0x4000, s31;
	s1 =	sadd.s32 s1, s30  }
0xc1: {  	s0 =	sor.u32 s3, s0;
	s1 =	sshll.u32 s1, $0x11  }
0xc2: {  	s0 =	sor.u32 s1, s0  }
0xc3: {  	s0 =	sadd.s32 $0x8F2B, s0  }
0xc4: {  	[sflag:s0] =	ssyncadd.remote.s32 $0x1  }
0xc5: {  	_ =	sfence.sel $0xFFFF  }
0xc6: {  	[dreg:$0x0] =	wrdreg $0xFFFFFFFF;
	(pc) =	sbr.abs _section_cstart, $3  }
0xc7: {  	[dreg:$0x1] =	wrdreg $0xFFFFFFFF  }
0xc8: {  	_ =	task.clear_ibuf [dreg:s7], $0x2FFFF;
	_ =	strace $0x9FFFFFFF  }
0xc9: {  	(tm) =	ssettm $0x7FFFFFFF  }
tec
execute0_lowered:
.L_overlay_start_1:
0x0: {  	(tag) =	ssettag $0x1  }
0x1: {  	s4 =	rddreg [dreg:$0x0]  }
0x2: {  	s0 =	srdreg.scid;
	s8 =	rddreg [dreg:$0x1]  }
0x3: {  	s2 =	rddreg [dreg:$0x2];
	s13 =	simm.s32 $0x400;
	s14 =	simm.s32 $0x1400  }
0x4: {  	s15 =	simm.s32 $0x2800;
	s16 =	simm.s32 $0x3C00;
	s17 =	simm.s32 $0x5000  }
0x5: {  	s18 =	simm.s32 $0x0;
	s5 =	sand.u32 $0x1, s0;
	s0 =	stileid.u32  }
0x6: {  	s1 =	sshll.u32 s5, $0x4;
	s7 =	sshll.u32 s0, $0x7;
	s9 =	smul.u32 $0x280, s0  }
0x7: {  	s5 =	ssub.s32 $0x2, s5;
	s31 =	sshll.u32 s0, $0x6;
	s3 =	sor.u32 s0, s1  }
0x8: {  	s1 =	rddreg [dreg:$0x3];
	s7 =	sand.u32 $0x380, s7;
	s6 =	sshrl.u32 s3, $0x3  }
0x9: {  	s30 =	sshrl.u32 s5, $0x1;
	s3 =	simm.s32 $0x0;
	s6 =	smul.u32 $0xA000, s6  }
0xa: {  	s28 =	sshrl.u32 s9, $0x3;
	s11 =	ssub.s32 s5, s30;
	s12 =	sadd.s32 s9, s2  }
0xb: {  	s5 =	sor.u32 $0x1C01, s31;
	[smem:$0x7FF] =	sst s3;
	s6 =	sor.u32 s7, s6  }
0xc: {  	s9 =	smax.u32 s11, $0x1;
	s11 =	simm.s32 $0x1;
	s10 =	sshrl.u32 s6, $0x3  }
0xd: {  	_ =	strace $0x8000004A;
	s29 =	sadd.s32 s10, s4;
	s4 =	sadd.s32 s28, s4  }
0xe: {  	s8 =	sadd.s32 s8, s10;
	s10 =	sshrl.u32 s12, $0x3;
	s12 =	simm.s32 $0x80  }
0xf: {  	s4 =	sadd.s32 $0x15E00, s4;
	s6 =	sadd.s32 $0x10800, s29;
	s7 =	sadd.s32 $0x6800, s29  }
.LBB2_1:
0x10: {  	[spmem:s10], [sflag:s5] =	dma.local [hbm:s4], $0x50  }
0x11: {  	_ =	swait.ge [sflag:s11], $0x50  }
0x12: {  	[sflag:s11] =	ssyncset.done $0x0  }
0x13: {  	[sflag:s11] =	ssyncadd.s32 $0xFFFFFFB0  }
0x14: {  	[tilespmem:s3], [sflag:$0x1] =	stream.strided.gather [hbm4b:s6+s12], $0x1400, s13, s12, $0x38;
	[tilespmem:$0x6680] =	vst v63  }
0x15: {  	_ =	swait.ge [sflag:s11], $0x1400  }
0x16: {  	[sflag:s11] =	ssyncset.done $0x0  }
0x17: {  	[sflag:s11] =	ssyncadd.s32 $0xFFFFEC00  }
0x18: {  	[tilespmem:s14], [sflag:$0x1] =	stream.strided.gather [hbm4b:s7+s12], $0x1400, s13, s12, $0x38;
	[tilespmem:$0x6680] =	vst v63  }
0x19: {  	_ =	swait.ge [sflag:s11], $0x1400  }
0x1a: {  	[sflag:s11] =	ssyncset.done $0x0  }
0x1b: {  	[sflag:s11] =	ssyncadd.s32 $0xFFFFEC00  }
0x1c: {  	[bflag:$0x0] =	sbarrier.arrive $0xFFFF  }
0x1d: {  	[tilespmem:s15], [sflag:$0x1] =	stream.indirect.gather [spmem:s2], $0x1, s3, s14, $0xb8;
	[tilespmem:$0x6680] =	vst v63  }
0x1e: {  	_ =	swait.ge [sflag:s11], $0x1400  }
0x1f: {  	[sflag:s11] =	ssyncset.done $0x0  }
0x20: {  	[sflag:s11] =	ssyncadd.s32 $0xFFFFEC00  }
0x21: {  	[tilespmem:s16], [sflag:$0x1] =	stream.indirect.gather [spmem:s2], $0x1, s14, s14, $0xb8;
	[tilespmem:$0x6680] =	vst v63  }
0x22: {  	_ =	swait.ge [sflag:s11], $0x1400  }
0x23: {  	[sflag:s11] =	ssyncset.done $0x0  }
0x24: {  	s19 =	simm.s32 $0x0;
	[sflag:s11] =	ssyncadd.s32 $0xFFFFEC00  }
0x25: {  	v0 =	vld [tilespmem:s19+$0x2800]  }
0x26: {  	s20 =	simm.s32 $0x40;
	v1 =	vld [tilespmem:s19+$0x3C00]  }
.LBB2_2:
0x27: {  	_ = 	snop  }
0x28: {  	p0 =	sne.s32 s20, $0x4FC0  }
.Ltmp0:
0x29: {  	_ = 	snop;
	(pc) =	sbr.rel @p0 .LBB2_2-.Ltmp0, $4  }
0x2a: {  	_ = 	snop  }
0x2b: {  	s21 =	sshra.s32 s20, $0x2;
	v2 =	vmul.f32 v1, v0  }
0x2c: {  	v0 =	vld [tilespmem:s21+$0x2800]  }
0x2d: {  	s20 =	sadd.s32 $0x40, s20;
	v1 =	vld [tilespmem:s21+$0x3C00];
	[tilespmem:s19+$0x5000] =	vst v2;
	s19 =	smov.u32 s21  }
0x2e: {  	_ =	sdelay $0x3  }
0x2f: {  	s18 =	sadd.s32 $0x1, s18;
	v0 =	vmul.f32 v1, v0  }
0x30: {  	p0 =	sne.s32 s18, s9  }
.Ltmp1:
0x31: {  	[tilespmem:s19+$0x5000] =	vst v0;
	(pc) =	sbr.rel @p0 .LBB2_1-.Ltmp1, $4  }
0x32: {  	[hbm4b:s8+s12] =	stream.strided.scatter [tilespmem:s17], [sflag:$0x1], $0x1400, s13, s12, $0x38;
	[tilespmem:$0x6680] =	vst v63  }
0x33: {  	_ =	swait.ge [sflag:s11], $0x1400  }
0x34: {  	[sflag:s11] =	ssyncset.done $0x0  }
0x35: {  	[sflag:s11] =	ssyncadd.s32 $0xFFFFEC00  }
0x36: {  	_ =	sfence.sel $0x180000  }
0x37: {  	[bflag:$0x0] =	sbarrier.arrive $0xFFFF  }
0x38: {  	p0 =	sne.s32 s0, $0x0;
	_ =	strace $0x9000004A  }
0x39: {  	s0 =	sadd.s32 @!p0 $0x100000, s1;
	[bflag:$0x2] =	sbarrier.arrive $0xFFFF  }
0x3a: {  	[sflag:s0] =	ssyncadd.tile.s32 @!p0 $0x1;
	_ =	shalt  }
.Lfunc_end2:
_tile_overlayer_lowered:
.L_overlay_start_2:
0x3b: {  	(tag) =	ssettag $0x2  }
0x3c: {  	s0 =	rddreg [dreg:$0x0];
	s2 =	stileid.u32  }
0x3d: {  	s1 =	rddreg [dreg:$0x1];
	p0 =	sne.s32 s2, $0x0  }
0x3e: {  	s3 =	rddreg [dreg:$0x2];
	[bflag:$0x3] =	sbarrier.arrive $0xFFFF;
	s2 =	simm.s32 @!p0 $0x1C01  }
0x3f: {  	[timem:s3], [sflag:s2] =	dma.local @!p0 [hbm:s0], s1  }
0x40: {  	s0 =	simm.s32 @!p0 $0x1  }
0x41: {  	_ =	swait.ge @!p0 [sflag:s0], s1  }
0x42: {  	s1 =	ssub.s32 @!p0 $0x0, s1;
	[sflag:s0] =	ssyncset.done @!p0 $0x0  }
0x43: {  	[sflag:s0] =	ssyncadd.s32 @!p0 s1  }
0x44: {  	[bflag:$0x3] =	sbarrier.arrive $0xFFFF  }
0x45: {  	_ =	shalt  }

// kernel: kernel.21.cloned.1.call-start
scs
__scs_entry_jumppad:
0x0: {  	(pc) =	sbr.rel $0x88, $3  }
0x1: {  	(tag) =	ssettag $0x0;
	lr =	simm.s32 $0x1  }
0x2: {  	[smem:$0x3F96] =	sst lr;
	_ =	strace $0xD0000000  }
0x3: {  	_ = 	snop  }
0x4: {  	_ = 	snop  }
0x5: {  	_ = 	snop  }
0x6: {  	_ = 	snop  }
0x7: {  	_ = 	snop  }
__scs_overlays_trampoline_lowered:
0x8: {  	[smem:$0x3FA5] =	sst s0  }
0x9: {  	[smem:$0x3FA6] =	sst s1  }
0xa: {  	[smem:$0x3FA7] =	sst s2  }
0xb: {  	[smem:$0x3FA8] =	sst s3  }
0xc: {  	[smem:$0x3FA9] =	sst s4  }
0xd: {  	[smem:$0x3FAA] =	sst s5  }
0xe: {  	[smem:$0x3FAB] =	sst s6  }
0xf: {  	[smem:$0x3FAC] =	sst s7  }
0x10: {  	[smem:$0x3FAD] =	sst s8  }
0x11: {  	[smem:$0x3FAE] =	sst s9;
	s0 =	simm.s32 @!p0 $0x0  }
0x12: {  	s1 =	sld [smem:$0x3F94];
	s0 =	simm.s32 @p0 $0x1  }
0x13: {  	[smem:$0x3FAF] =	sst s0;
	s0 =	simm.s32 @!p1 $0x0  }
0x14: {  	s2 =	sld [smem:$0x3F93];
	s0 =	simm.s32 @p1 $0x1  }
0x15: {  	[smem:$0x3FB0] =	sst s0;
	s0 =	simm.s32 @!p2 $0x0  }
0x16: {  	s3 =	sld [smem:$0x3FDB];
	s0 =	simm.s32 @p2 $0x1  }
0x17: {  	s4 =	simm.s32 $0x1BF5;
	[smem:$0x3FB2] =	sst s0  }
0x18: {  	s0 =	sld [smem:$0x3F95];
	_ =	swait.ge [sflag:s4], $0x0  }
0x19: {  	s7 =	sld [smem:$0x3F96]  }
0x1a: {  	s8 =	sadd.s32 $0xFFFFE003, lr  }
0x1b: {  	s9 =	sadd.s32 $0xFFFFFEF7, lr;
	s5 =	simm.s32 $0xFFFFFFFF;
	p2 =	slt.u32 s8, $0xFFFFF086  }
0x1c: {  	p1 =	slt.u32 s9, $0xF7A;
	s5 =	simm.s32 @!p2 $0x0  }
0x1d: {  	s5 =	simm.s32 @p1 $0x1;
	p0 =	seq.s32 s7, s2  }
0x1e: {  	s7 =	smul.u32 @!p0 $0xF7A, s2;
	p2 =	seq.s32 @!p0 s5, $0x0  }
0x1f: {  	s9 =	smul.u32 $0xF7A, s1;
	s8 =	simm.s32 @!p0 $0x1BF5;
	p2 =	por !p2, p0  }
0x20: {  	[sflag:s8] =	ssyncset.s32 @!p0 $0xFFFFF086;
	s6 =	sadd.s32 @!p0 s3, s7;
	s7 =	simm.s32 @!p0 $0x108  }
0x21: {  	s3 =	sadd.s32 s3, s9;
	s6 =	sadd.s32 @!p0 $0x88, s6;
	s7 =	simm.s32 @p2 $0x1082  }
0x22: {  	[simem:s7], [sflag:s8] =	dma.local @!p0 [hbm:s6], $0xF7A  }
0x23: {  	s9 =	sor.u32 $0xD0000000, s2;
	s6 =	simm.s32 $0x108;
	_ =	swait.ge @!p0 [sflag:s8], $0x0  }
0x24: {  	s3 =	sadd.s32 $0x88, s3;
	s6 =	simm.s32 @!p1 $0x1082;
	[sflag:s4] =	ssyncset.s32 $0xFFFFF086  }
0x25: {  	[simem:s6], [sflag:s4] =	dma.local [hbm:s3], $0xF7A  }
0x26: {  	[smem:$0x3F96] =	sst s1;
	(tag) =	ssettag s2;
	_ =	strace s9  }
0x27: {  	s1 =	sld [smem:$0x3FA6]  }
0x28: {  	s2 =	sld [smem:$0x3FA7]  }
0x29: {  	s4 =	sld [smem:$0x3FA9]  }
0x2a: {  	p0 =	seq.s32 s5, $0x0;
	s5 =	sld [smem:$0x3FAA]  }
0x2b: {  	s6 =	sld [smem:$0x3FAB]  }
0x2c: {  	s7 =	sld [smem:$0x3FAC]  }
0x2d: {  	s3 =	simm.s32 $0x108;
	s8 =	sld [smem:$0x3FAD]  }
0x2e: {  	s3 =	simm.s32 @!p0 $0x1082;
	s9 =	sld [smem:$0x3FAE]  }
0x2f: {  	lr =	sadd.s32 s0, s3;
	s0 =	sld [smem:$0x3FA5]  }
0x30: {  	s3 =	sld [smem:$0x3FA8]  }
0x31: {  	[smem:$0x3FB1] =	sst s10  }
0x32: {  	s10 =	sld [smem:$0x3FAF];
	_ =	sdelay $0x3  }
0x33: {  	p0 =	seq.s32 s10, $0x1;
	s10 =	sld [smem:$0x3FB1];
	_ =	sdelay $0x3  }
0x34: {  	[smem:$0x3FB1] =	sst s10  }
0x35: {  	s10 =	sld [smem:$0x3FB0];
	_ =	sdelay $0x3  }
0x36: {  	p1 =	seq.s32 s10, $0x1;
	s10 =	sld [smem:$0x3FB1];
	_ =	sdelay $0x3  }
0x37: {  	[smem:$0x3FB1] =	sst s10  }
0x38: {  	s10 =	sld [smem:$0x3FB2]  }
0x39: {  	_ = 	snop;
	(pc) =	sbr.ind lr, $3  }
0x3a: {  	_ = 	snop  }
0x3b: {  	_ = 	snop  }
0x3c: {  	p2 =	seq.s32 s10, $0x1;
	s10 =	sld [smem:$0x3FB1]  }
0x3d: {  	_ =	shalt  }
0x3e: {  	_ =	shalt  }
0x3f: {  	_ =	shalt  }
0x40: {  	_ =	shalt  }
0x41: {  	_ =	shalt  }
0x42: {  	_ =	shalt  }
0x43: {  	_ =	shalt  }
0x44: {  	_ =	shalt  }
0x45: {  	_ =	shalt  }
0x46: {  	_ =	shalt  }
0x47: {  	_ =	shalt  }
0x48: {  	_ =	shalt  }
0x49: {  	_ =	shalt  }
0x4a: {  	_ =	shalt  }
0x4b: {  	_ =	shalt  }
0x4c: {  	_ =	shalt  }
0x4d: {  	_ =	shalt  }
0x4e: {  	_ =	shalt  }
0x4f: {  	_ =	shalt  }
0x50: {  	_ =	shalt  }
0x51: {  	_ =	shalt  }
0x52: {  	_ =	shalt  }
0x53: {  	_ =	shalt  }
0x54: {  	_ =	shalt  }
0x55: {  	_ =	shalt  }
0x56: {  	_ =	shalt  }
0x57: {  	_ =	shalt  }
0x58: {  	_ =	shalt  }
0x59: {  	_ =	shalt  }
0x5a: {  	_ =	shalt  }
0x5b: {  	_ =	shalt  }
0x5c: {  	_ =	shalt  }
0x5d: {  	_ =	shalt  }
0x5e: {  	_ =	shalt  }
0x5f: {  	_ =	shalt  }
0x60: {  	_ =	shalt  }
0x61: {  	_ =	shalt  }
0x62: {  	_ =	shalt  }
0x63: {  	_ =	shalt  }
0x64: {  	_ =	shalt  }
0x65: {  	_ =	shalt  }
0x66: {  	_ =	shalt  }
0x67: {  	_ =	shalt  }
0x68: {  	_ =	shalt  }
0x69: {  	_ =	shalt  }
0x6a: {  	_ =	shalt  }
0x6b: {  	_ =	shalt  }
0x6c: {  	_ =	shalt  }
0x6d: {  	_ =	shalt  }
0x6e: {  	_ =	shalt  }
0x6f: {  	_ =	shalt  }
0x70: {  	_ =	shalt  }
0x71: {  	_ =	shalt  }
0x72: {  	_ =	shalt  }
0x73: {  	_ =	shalt  }
0x74: {  	_ =	shalt  }
0x75: {  	_ =	shalt  }
0x76: {  	_ =	shalt  }
0x77: {  	_ =	shalt  }
0x78: {  	_ =	shalt  }
0x79: {  	_ =	shalt  }
0x7a: {  	_ =	shalt  }
0x7b: {  	_ =	shalt  }
0x7c: {  	_ =	shalt  }
0x7d: {  	_ =	shalt  }
0x7e: {  	_ =	shalt  }
0x7f: {  	_ =	shalt  }
0x80: {  	_ =	shalt  }
0x81: {  	_ =	shalt  }
0x82: {  	_ =	shalt  }
0x83: {  	_ =	shalt  }
0x84: {  	_ =	shalt  }
0x85: {  	_ =	shalt  }
0x86: {  	_ =	shalt  }
0x87: {  	_ =	shalt  }
.Lfunc_end0:
.L_simem_size_0:
called_computation.5_lowered:
.L_overlay_start_0:
0x88: {  	s2 =	sld [smem:$0x3FD9]  }
0x89: {  	s3 =	sld [smem:$0x3FFE];
	_ =	sdelay $0x1  }
0x8a: {  	s1 =	srdreg.scid  }
0x8b: {  	s0 =	sand.u32 $0x1, s1  }
0x8c: {  	s14 =	sshll.u32 s0, $0xA;
	s2 =	sadd.s32 s3, s2  }
0x8d: {  	s2 =	sadd.s32 s2, s14  }
0x8e: {  	[smem:$0x3FBD] =	sst s2  }
0x8f: {  	_ = 	snop  }
0x90: {  	s2 =	sld [smem:$0x3FD0];
	_ =	sdelay $0x2  }
0x91: {  	s15 =	simm.s32 $0xB;
	s4 =	simm.s32 $0x10  }
0x92: {  	[smem:s4], [sflag:s15] =	dma.local [hbm:s2], $0x1  }
0x93: {  	_ =	swait.eq [sflag:s15], $0x1  }
0x94: {  	[sflag:s15] =	ssyncset.done $0x0  }
0x95: {  	[sflag:s15] =	ssyncadd.s32 $0xFFFFFFFF  }
0x96: {  	s16 =	sld [smem:$0x13];
	(tm) =	ssettm $0x1  }
0x97: {  	s17 =	sld [smem:$0x3FFB];
	_ =	sdelay $0x3  }
0x98: {  	_ =	strace s17  }
0x99: {  	s3 =	sld [smem:$0x3FFC];
	_ =	sdelay $0x3  }
0x9a: {  	_ =	strace s3  }
0x9b: {  	s3 =	sld [smem:$0x3FFD];
	_ =	sdelay $0x3  }
0x9c: {  	_ =	strace s3  }
0x9d: {  	_ =	strace $0x8FFFFFFF  }
0x9e: {  	s18 =	sld [smem:$0x3FDB];
	_ =	sdelay $0x1  }
0x9f: {  	s19 =	simm.s32 $_scs_section_size  }
0xa0: {  	s5 =	simm.s32 $_size__tile_overlayer_lowered;
	s6 =	simm.s32 $_tile_overlayer_lowered  }
0xa1: {  	s22 =	simm.s32 $0x1BFF;
	s21 =	sshll.u32 s6, $0x1;
	s3 =	sadd.s32 s19, s18  }
0xa2: {  	s7 =	simm.s32 $0x0;
	s20 =	sshll.u32 s5, $0x1;
	s5 =	sadd.s32 s21, s3  }
0xa3: {  	[timem:s7], [sflag:s22] =	dma.local [hbm:s5], s20  }
0xa4: {  	_ =	swait.ge [sflag:s22], s20  }
0xa5: {  	s4 =	ssub.s32 $0x0, s20;
	[sflag:s22] =	ssyncset.done $0x0  }
0xa6: {  	[sflag:s22] =	ssyncadd.s32 s4;
	_ =	sdelay $0x1  }
0xa7: {  	s23 =	simm.s32 $0x1B8B  }
0xa8: {  	_ =	swait.ge [sflag:s23], $0x1  }
0xa9: {  	[sflag:s23] =	ssyncset.done $0x0  }
0xaa: {  	s25 =	simm.s32 $0x1B8E;
	s24 =	sld [smem:$0x3FFE];
	[sflag:s23] =	ssyncadd.s32 $0xFFFFFFFF  }
0xab: {  	s26 =	simm.s32 $execute0_lowered;
	[smem:$0x3FD2] =	sst s25  }
0xac: {  	s5 =	sshll.u32 s26, $0x1;
	_ =	strace $0x8000004F;
	[dreg:$0x1] =	wrdreg $0xFFFFFFFF  }
0xad: {  	s28 =	simm.s32 $_size_execute0_lowered;
	s3 =	sadd.s32 s3, s5;
	[dreg:$0x0] =	wrdreg $0x0  }
0xae: {  	s5 =	sshll.u32 s28, $0x1;
	[dreg:$0x2] =	wrdreg s3  }
0xaf: {  	[dreg:$0x3] =	wrdreg s5  }
0xb0: {  	[dreg:$0x4] =	wrdreg $0xC0  }
0xb1: {  	_ =	task [dreg:s7], $0x5FFFF  }
0xb2: {  	[dreg:$0x1] =	wrdreg $0xFFFFFFFF  }
0xb3: {  	[dreg:$0x0] =	wrdreg $0x60  }
0xb4: {  	[dreg:$0x2] =	wrdreg s16  }
0xb5: {  	[dreg:$0x3] =	wrdreg s24  }
0xb6: {  	[dreg:$0x4] =	wrdreg $0x9  }
0xb7: {  	_ =	task.clear_ibuf [dreg:s7], $0x5FFFF;
	_ =	strace $0x9000004F  }
0xb8: {  	s29 =	simm.s32 $0x9;
	_ =	strace $0x80000051  }
0xb9: {  	_ =	swait.ge [sflag:s29], $0x1  }
0xba: {  	[sflag:s29] =	ssyncadd.s32 $0xFFFFFFFF  }
0xbb: {  	_ =	strace $0x90000051  }
0xbc: {  	_ =	sfence  }
0xbd: {  	s30 =	sld [smem:$0x0];
	_ =	sdelay $0x2  }
0xbe: {  	s31 =	sshll.u32 s1, $0xD;
	s1 =	sshrl.u32 s1, $0x2  }
0xbf: {  	s3 =	sand.u32 $0x4000, s31;
	s1 =	sadd.s32 s1, s30  }
0xc0: {  	s0 =	sor.u32 s3, s0;
	s1 =	sshll.u32 s1, $0x11  }
0xc1: {  	s0 =	sor.u32 s1, s0  }
0xc2: {  	s0 =	sadd.s32 $0x8F2B, s0  }
0xc3: {  	[sflag:s0] =	ssyncadd.remote.s32 $0x1  }
0xc4: {  	_ =	sfence.sel $0xFFFF  }
0xc5: {  	[dreg:$0x0] =	wrdreg $0xFFFFFFFF;
	(pc) =	sbr.abs _section_cstart, $3  }
0xc6: {  	[dreg:$0x1] =	wrdreg $0xFFFFFFFF  }
0xc7: {  	_ =	task.clear_ibuf [dreg:s7], $0x2FFFF;
	_ =	strace $0x9FFFFFFF  }
0xc8: {  	(tm) =	ssettm $0x7FFFFFFF  }
0xc9: {  	_ =	shalt  }
tec
execute0_lowered:
.L_overlay_start_1:
0x0: {  	(tag) =	ssettag $0x1  }
0x1: {  	s0 =	srdreg.scid  }
0x2: {  	s0 =	sand.u32 $0x1, s0  }
0x3: {  	s3 =	stileid.u32;
	s2 =	rddreg [dreg:$0x0];
	s1 =	sshll.u32 s0, $0x4  }
0x4: {  	s4 =	rddreg [dreg:$0x1];
	s5 =	simm.s32 $0x0;
	s1 =	sor.u32 s3, s1  }
0x5: {  	[smem:$0x7FF] =	sst s5;
	s1 =	sshrl.u32 s1, $0x3  }
0x6: {  	s0 =	ssub.s32 $0x2, s0;
	s3 =	sshll.u32 s3, $0x7;
	s1 =	smul.u32 $0xC00, s1  }
0x7: {  	s6 =	sadd.s32 $0x17000, s4;
	s29 =	sshrl.u32 s0, $0x1;
	s3 =	sand.u32 $0x380, s3  }
0x8: {  	_ =	strace $0x80000050;
	s0 =	ssub.s32 s0, s29;
	s1 =	sor.u32 s3, s1  }
0x9: {  	[dreg:$0xd] =	wrdreg s6;
	s0 =	smax.u32 s0, $0x1;
	s1 =	sshrl.u32 s1, $0x3  }
0xa: {  	v0 =	vimm.s32 $0xECA86420;
	vm0 =	vcmask $0xB08;
	[dreg:$0x12] =	wrdreg s0;
	s28 =	sadd.s32 s1, s4;
	s4 =	sadd.s32 $0x17400, s4  }
0xb: {  	vm1 =	vcmask $0x1310;
	vm2 =	vcmask $0x1B18;
	vm3 =	vcmask $0x300;
	s1 =	sadd.s32 s2, s1;
	[dreg:$0xe] =	wrdreg s4  }
0xc: {  	vm4 =	vcmask $0x2320;
	vm5 =	vcmask $0x2B28;
	v0 =	vunpack.c.l.s4.s8 v0;
	s6 =	simm.s32 $0x300;
	[dreg:$0xf] =	wrdreg s1;
	s30 =	sadd.s32 $0x16A00, s28  }
0xd: {  	vm6 =	vcmask $0x3330;
	v1 =	vlaneseq.u32;
	vm7 =	vcmask $0x3B38;
	s3 =	simm.s32 $0x1;
	s31 =	sadd.s32 $0x1B400, s28;
	[dreg:$0x10] =	wrdreg s30  }
0xe: {  	vm8 =	vmmov $0xff;
	v1 =	vmul.u32 $0x2, v1;
	v0 =	vunpack.c.0.s8.s32 v0;
	s4 =	simm.s32 $0x180;
	s1 =	simm.s32 $0x0;
	[dreg:$0x11] =	wrdreg s31  }
.LBB2_1:
0xf: {  	[dreg:$0x13] =	wrdreg s1  }
0x10: {  	s0 =	rddreg [dreg:$0xf];
	s17 =	simm.s32 $0x80;
	s2 =	simm.s32 $0x400  }
0x11: {  	[tilespmem:s5], [sflag:$0x1] =	stream.strided.gather [hbm4b:s0+s17], $0x180, s2, s17, $0x38;
	[tilespmem:$0x480] =	vst v63  }
0x12: {  	_ =	swait.ge [sflag:s3], $0x180  }
0x13: {  	[sflag:s3] =	ssyncset.done $0x0  }
0x14: {  	s18 =	rddreg [dreg:$0x10];
	[sflag:s3] =	ssyncadd.s32 $0xFFFFFE80  }
0x15: {  	[tilespmem:s4], [sflag:$0x1] =	stream.strided.gather [hbm4b:s18+s17], $0x180, s2, s17, $0x38;
	[tilespmem:$0x480] =	vst v63  }
0x16: {  	_ =	swait.ge [sflag:s3], $0x180  }
0x17: {  	[sflag:s3] =	ssyncset.done $0x0  }
0x18: {  	s19 =	rddreg [dreg:$0x11];
	[sflag:s3] =	ssyncadd.s32 $0xFFFFFE80  }
0x19: {  	[tilespmem:s6], [sflag:$0x1] =	stream.strided.gather [hbm4b:s19+s17], $0x180, s2, s17, $0x38;
	[tilespmem:$0x480] =	vst v63  }
0x1a: {  	_ =	swait.ge [sflag:s3], $0x180  }
0x1b: {  	[sflag:s3] =	ssyncset.done $0x0  }
0x1c: {  	s20 =	simm.s32 $0x0;
	[sflag:s3] =	ssyncadd.s32 $0xFFFFFE80  }
0x1d: {  	v2 =	vld [tilespmem:s20+$0x300];
	_ =	sdelay $0x4  }
0x1e: {  	(v2sf) =	vpush v2, $0x7  }
0x1f: {  	(v2sf) =	vpush v2, $0x6  }
0x20: {  	(v2sf) =	vpush v2, $0x5  }
0x21: {  	(v2sf) =	vpush v2, $0x3  }
0x22: {  	(v2sf) =	vpush v2, $0x4;
	_ =	sdelay $0x1  }
0x23: {  	(v2sf) =	vpush v2, $0xF  }
0x24: {  	(v2sf) =	vpush v2, $0xB  }
0x25: {  	(v2sf) =	vpush v2, $0x2;
	_ =	sdelay $0x1  }
0x26: {  	(v2sf) =	vpush v2, $0xA  }
0x27: {  	(v2sf) =	vpush v2, $0xE  }
0x28: {  	(v2sf) =	vpush v2, $0x9  }
0x29: {  	(v2sf) =	vpush v2, $0xD;
	_ =	sdelay $0x1  }
0x2a: {  	s26 =	spop (v2sf)  }
0x2b: {  	s21 =	simm.s32 $0x0;
	s0 =	spop (v2sf)  }
0x2c: {  	[dreg:$0x3] =	wrdreg s21;
	s20 =	spop (v2sf)  }
0x2d: {  	s2 =	spop (v2sf);
	s22 =	smulhi.u32 $0x88888889, s20  }
0x2e: {  	(v2sf) =	vpush v2, $0x8;
	s3 =	smulhi.u32 $0x88888889, s0;
	s25 =	spop (v2sf)  }
0x2f: {  	s4 =	smulhi.u32 $0x88888889, s2;
	[dreg:$0x7] =	wrdreg s22  }
0x30: {  	s23 =	sshra.s32 s2, $0x1F;
	s5 =	spop (v2sf);
	s7 =	smulhi.u32 $0x88888889, s25  }
0x31: {  	s1 =	simm.s32 $0x80;
	(v2sf) =	vpush v2, $0xC;
	s9 =	smul.u32 $0x88888889, s23;
	s22 =	spop (v2sf)  }
0x32: {  	s19 =	simm.s32 $0x10;
	(v2sf) =	vpush v2, $0x1;
	s8 =	smulhi.u32 $0x88888889, s5;
	s24 =	spop (v2sf)  }
0x33: {  	s31 =	ssub.s32 s3, s0;
	s11 =	smulhi.u32 $0x88888889, s24;
	s13 =	sshra.s32 s24, $0x1F  }
0x34: {  	s2 =	ssub.s32 s4, s2;
	s10 =	spop (v2sf);
	s13 =	smul.u32 $0x88888889, s13  }
0x35: {  	(v2sf) =	vpush v2, $0x0;
	s4 =	sshra.s32 s5, $0x1F;
	s12 =	spop (v2sf);
	s23 =	smulhi.u32 $0x88888889, s10  }
0x36: {  	s14 =	smulhi.u32 $0x88888889, s12;
	s16 =	spop (v2sf);
	s17 =	sshra.s32 s12, $0x1F  }
0x37: {  	s30 =	sadd.s32 s9, s2;
	s21 =	spop (v2sf);
	s17 =	smul.u32 $0x88888889, s17  }
0x38: {  	[dreg:$0x5] =	wrdreg s22;
	s15 =	sshra.s32 s10, $0x1F;
	s18 =	smulhi.u32 $0x88888889, s21  }
0x39: {  	s3 =	sshra.s32 s22, $0x1F;
	s12 =	ssub.s32 s14, s12;
	s14 =	smul.u32 $0x88888889, s15  }
0x3a: {  	s11 =	ssub.s32 s11, s24;
	s24 =	sshra.s32 s21, $0x1F;
	s15 =	smulhi.u32 $0x88888889, s16  }
0x3b: {  	v3 =	vld [tilespmem:s19+$0x300];
	s10 =	ssub.s32 s23, s10;
	s23 =	sadd.s32 s13, s11;
	s13 =	smul.u32 $0x88888889, s24  }
0x3c: {  	s21 =	ssub.s32 s18, s21;
	s18 =	simm.s32 $0x10;
	s29 =	sadd.s32 s14, s10  }
0x3d: {  	s14 =	ssub.s32 s8, s5;
	s5 =	sshra.s32 s0, $0x1F;
	s6 =	spop (v2sf)  }
0x3e: {  	[dreg:$0x4] =	wrdreg s18;
	s24 =	sadd.s32 s13, s21;
	s21 =	smulhi.u32 $0x88888889, s22  }
0x3f: {  	s18 =	sadd.s32 s17, s12;
	s13 =	sshra.s32 s6, $0x1F;
	s12 =	smulhi.u32 $0x88888889, s6  }
0x40: {  	s0 =	ssub.s32 s7, s25;
	(v2sf) =	vpush v3, $0x7;
	s28 =	spop (v2sf);
	s11 =	smul.u32 $0x88888889, s13  }
0x41: {  	s9 =	ssub.s32 s15, s16;
	s19 =	spop (v2sf);
	(v2sf) =	vpush v3, $0x6;
	s10 =	smulhi.u32 $0x88888889, s28  }
0x42: {  	[dreg:$0x6] =	wrdreg s18;
	s17 =	smulhi.u32 $0x88888889, s19;
	s18 =	sshra.s32 s19, $0x1F;
	(v2sf) =	vpush v3, $0x5  }
0x43: {  	s15 =	sshra.s32 s16, $0x1F;
	s16 =	sshra.s32 s26, $0x1F;
	s2 =	smul.u32 $0x88888889, s18;
	(v2sf) =	vpush v3, $0x3  }
0x44: {  	s13 =	ssub.s32 s17, s19;
	s19 =	sshra.s32 s28, $0x1F;
	(v2sf) =	vpush v3, $0x4;
	s7 =	spop (v2sf)  }
0x45: {  	[dreg:$0x8] =	wrdreg s21;
	s8 =	smul.u32 $0x88888889, s19;
	(v2sf) =	vpush v3, $0xF;
	s17 =	sshra.s32 s7, $0x1F  }
.LBB2_2:
0x46: {  	s15 =	smul.u32 $0x88888889, s15;
	s21 =	rddreg [dreg:$0x7]  }
0x47: {  	s22 =	smov.u32 s1;
	s18 =	rddreg [dreg:$0x3];
	s4 =	smul.u32 $0x88888889, s4  }
0x48: {  	s19 =	sadd.s32 $0x40, s1;
	p0 =	sne.s32 s1, $0x4C0;
	s17 =	smul.u32 $0x88888889, s17  }
0x49: {  	s3 =	smul.u32 $0x88888889, s3;
	s6 =	ssub.s32 s12, s6;
	s21 =	ssub.s32 s21, s20  }
0x4a: {  	[dreg:$0xa] =	wrdreg s22;
	s22 =	smov.u32 s26;
	s12 =	smov.u32 s18  }
0x4b: {  	s26 =	sshra.s32 s25, $0x1F;
	[dreg:$0x9] =	wrdreg s19;
	s18 =	sshra.s32 s20, $0x1F  }
0x4c: {  	(v2sf) =	vpush v3, $0xB;
	s19 =	rddreg [dreg:$0x4];
	s6 =	sadd.s32 s11, s6;
	s11 =	smulhi.u32 $0x88888889, s7  }
0x4d: {  	(v2sf) =	vpush v3, $0x2;
	s9 =	sadd.s32 s15, s9;
	s20 =	smov.u32 s19;
	s19 =	smulhi.u32 $0x88888889, s22  }
0x4e: {  	(v2sf) =	vpush v3, $0xA;
	s15 =	rddreg [dreg:$0x8];
	v4 =	vmov s6;
	s6 =	smul.u32 $0x88888889, s26;
	s7 =	ssub.s32 s11, s7  }
0x4f: {  	[dreg:$0x3] =	wrdreg s20;
	s11 =	sadd.s32 s4, s14;
	s4 =	sadd.s32 s17, s7  }
0x50: {  	s25 =	sadd.s32 s2, s13;
	(v2sf) =	vpush v3, $0xE;
	s26 =	smul.u32 $0x88888889, s18;
	s14 =	rddreg [dreg:$0x5];
	v5 =	vmov s4  }
0x51: {  	s20 =	smul.u32 $0x88888889, s16;
	v4 =	vsel vm0, s9, v4;
	s9 =	ssub.s32 s15, s14;
	s17 =	ssub.s32 s10, s28;
	v5 =	vnsel vm3, $0x0, v5  }
0x52: {  	(v2sf) =	vpush v3, $0x9;
	s2 =	sadd.s32 s26, s21;
	s21 =	smul.u32 $0x88888889, s5;
	v5 =	vsel vm0, s25, v5;
	s10 =	spop (v2sf)  }
0x53: {  	s26 =	rddreg [dreg:$0x6];
	s18 =	sadd.s32 s8, s17;
	v5 =	vsel vm1, s23, v5;
	s8 =	spop (v2sf)  }
0x54: {  	(v2sf) =	vpush v3, $0xD;
	s0 =	sadd.s32 s6, s0;
	v5 =	vsel vm2, s30, v5;
	s23 =	smulhi.u32 $0x88888889, s8;
	s17 =	spop (v2sf)  }
0x55: {  	(v2sf) =	vpush v3, $0x8;
	s3 =	sadd.s32 s3, s9;
	v6 =	vmov s18;
	s1 =	sadd.s32 s21, s31;
	v5 =	vsel vm4, s0, v5;
	s25 =	smulhi.u32 $0x88888889, s17  }
0x56: {  	(v2sf) =	vpush v3, $0xC;
	v6 =	vsel vm0, s24, v6;
	s24 =	ssub.s32 s19, s22;
	s30 =	spop (v2sf);
	v5 =	vsel vm5, s2, v5;
	[dreg:$0xb] =	wrdreg s23  }
0x57: {  	(v2sf) =	vpush v3, $0x1;
	s7 =	sadd.s32 s20, s24;
	s6 =	smulhi.u32 $0x88888889, s30;
	v5 =	vsel vm6, s1, v5;
	[dreg:$0x7] =	wrdreg s25  }
0x58: {  	s9 =	sshra.s32 s30, $0x1F;
	s25 =	spop (v2sf);
	v5 =	vsel vm7, s7, v5;
	s7 =	rddreg [dreg:$0xa]  }
0x59: {  	s21 =	smul.u32 $0x88888889, s9;
	[dreg:$0xc] =	wrdreg s6  }
0x5a: {  	v4 =	vsel vm1, s29, v4;
	(v2sf) =	vpush v3, $0x0;
	v6 =	vsel vm1, s26, v6;
	s0 =	smulhi.u32 $0x88888889, s25;
	s14 =	spop (v2sf)  }
0x5b: {  	v4 =	vsel vm2, s3, v4;
	v6 =	vsel vm2, s11, v6;
	s1 =	smulhi.u32 $0x88888889, s14;
	s4 =	sshra.s32 s14, $0x1F;
	s11 =	spop (v2sf)  }
0x5c: {  	v4 =	vcombine.low v4, v6;
	s3 =	sshra.s32 s11, $0x1F;
	s13 =	spop (v2sf);
	s5 =	smulhi.u32 $0x88888889, s11  }
0x5d: {  	[dreg:$0x5] =	wrdreg s11;
	s0 =	ssub.s32 s0, s25;
	s9 =	spop (v2sf)  }
0x5e: {  	v4 =	vperm.xlane v4, v0;
	v5 =	vperm.xlane v5, v1;
	s18 =	sshra.s32 s13, $0x1F;
	s19 =	smulhi.u32 $0x88888889, s13;
	[dreg:$0x8] =	wrdreg s5  }
0x5f: {  	s14 =	ssub.s32 s1, s14;
	s20 =	spop (v2sf);
	s23 =	smul.u32 $0x88888889, s18  }
0x60: {  	v4 =	vsel vm8, v5, v4;
	s11 =	sshra.s32 s9, $0x1F;
	s5 =	sshra.s32 s7, $0x2;
	s22 =	smulhi.u32 $0x88888889, s20  }
0x61: {  	v5 =	vld [tilespmem:s12+$0x0];
	v4 =	vadd.s32 v2, v4;
	s15 =	sshra.s32 s20, $0x1F;
	s16 =	spop (v2sf);
	s2 =	ssub.s32 s19, s13  }
0x62: {  	v62 =	vshrl.u32 v4, $0x1F;
	v4 =	vshra.s32 v4, $0x6;
	[dreg:$0x4] =	wrdreg s5;
	v63 =	vld [tilespmem:s5+$0x300];
	s5 =	sshra.s32 s8, $0x1F;
	s11 =	smul.u32 $0x88888889, s11  }
0x63: {  	v4 =	vadd.s32 v62, v4;
	s24 =	spop (v2sf);
	s31 =	smulhi.u32 $0x88888889, s16;
	s23 =	sadd.s32 s23, s2  }
0x64: {  	v4 =	vmul.u32 $0x78, v4;
	s26 =	smulhi.u32 $0x88888889, s24;
	s13 =	ssub.s32 s22, s20;
	s6 =	spop (v2sf)  }
0x65: {  	s22 =	smulhi.u32 $0x88888889, s9;
	s29 =	sshra.s32 s24, $0x1F;
	s28 =	spop (v2sf)  }
0x66: {  	s19 =	sshra.s32 s6, $0x1F;
	v4 =	vsub.s32 v2, v4;
	s18 =	spop (v2sf);
	s20 =	sshra.s32 s28, $0x1F  }
0x67: {  	vm9 =	vlt.s32 v5, $0x1388;
	v2 =	vmov v3;
	s22 =	ssub.s32 s22, s9;
	v3 =	vadd.s32 $0x1388, v4;
	s24 =	ssub.s32 s26, s24;
	s26 =	smul.u32 $0x88888889, s15  }
0x68: {  	s9 =	ssub.s32 s31, s16;
	s15 =	sshra.s32 s16, $0x1F;
	v4 =	vsel vm9, v5, v3;
	s31 =	smulhi.u32 $0x88888889, s18  }
0x69: {  	s7 =	spop (v2sf);
	[tilespmem:s12+$0x0] =	vst v4;
	s12 =	smul.u32 $0x88888889, s29;
	s29 =	sadd.s32 s11, s22  }
0x6a: {  	s16 =	sadd.s32 s26, s13;
	s11 =	smul.u32 $0x88888889, s19;
	s22 =	sshra.s32 s18, $0x1F  }
0x6b: {  	(v2sf) =	vpush v63, $0x7;
	s26 =	smov.u32 s10;
	s19 =	rddreg [dreg:$0xb];
	v3 =	vmov v63;
	s2 =	smul.u32 $0x88888889, s22  }
.Ltmp0:
0x6c: {  	[dreg:$0x6] =	wrdreg s16;
	s16 =	sshra.s32 s10, $0x1F;
	(v2sf) =	vpush v3, $0x6;
	(pc) =	sbr.rel @p0 .LBB2_2-.Ltmp0, $4  }
0x6d: {  	s13 =	ssub.s32 s31, s18;
	s31 =	ssub.s32 s19, s8;
	s10 =	smulhi.u32 $0x88888889, s28;
	(v2sf) =	vpush v3, $0x5  }
0x6e: {  	s22 =	rddreg [dreg:$0xc];
	s8 =	smul.u32 $0x88888889, s20;
	s20 =	smov.u32 s17;
	(v2sf) =	vpush v3, $0x3  }
0x6f: {  	s17 =	sshra.s32 s7, $0x1F;
	s24 =	sadd.s32 s12, s24;
	s1 =	ssub.s32 s22, s30;
	(v2sf) =	vpush v3, $0x4  }
0x70: {  	s12 =	smulhi.u32 $0x88888889, s6;
	s30 =	sadd.s32 s21, s1;
	s1 =	rddreg [dreg:$0x9];
	(v2sf) =	vpush v3, $0xF  }
0x71: {  	_ =	sdelay $0x2  }
0x72: {  	s21 =	smul.u32 $0x88888889, s15  }
0x73: {  	(v2sf) =	vpush v3, $0xB;
	s13 =	sadd.s32 s2, s13;
	s2 =	rddreg [dreg:$0x5]  }
0x74: {  	[smem:$0x7F3] =	sst s21;
	s21 =	smul.u32 $0x88888889, s17  }
0x75: {  	s18 =	smul.u32 $0x88888889, s4;
	(v2sf) =	vpush v3, $0x2;
	s6 =	ssub.s32 s12, s6;
	s12 =	rddreg [dreg:$0x7]  }
0x76: {  	(v2sf) =	vpush v3, $0xA;
	[smem:$0x7F5] =	sst s21;
	s21 =	smul.u32 $0x88888889, s16  }
0x77: {  	[smem:$0x7F4] =	sst s18  }
0x78: {  	(v2sf) =	vpush v3, $0xE;
	[smem:$0x7F9] =	sst s21;
	s1 =	spop (v2sf)  }
0x79: {  	s22 =	sshra.s32 s25, $0x1F;
	(v2sf) =	vpush v3, $0x9;
	[dreg:$0x14] =	wrdreg s1  }
0x7a: {  	s19 =	spop (v2sf);
	s1 =	smul.u32 $0x88888889, s22  }
0x7b: {  	(v2sf) =	vpush v3, $0xD;
	[dreg:$0x15] =	wrdreg s19;
	s25 =	spop (v2sf)  }
0x7c: {  	(v2sf) =	vpush v3, $0x8;
	[dreg:$0x1a] =	wrdreg s25  }
0x7d: {  	(v2sf) =	vpush v3, $0xC;
	[dreg:$0x1f] =	wrdreg s1;
	s22 =	spop (v2sf);
	s25 =	sshra.s32 s20, $0x1F  }
0x7e: {  	(v2sf) =	vpush v3, $0x1;
	s19 =	spop (v2sf);
	s17 =	smul.u32 $0x88888889, s25  }
0x7f: {  	s10 =	ssub.s32 s10, s28;
	s25 =	smul.u32 $0x88888889, s5;
	s28 =	rddreg [dreg:$0x1f]  }
0x80: {  	(v2sf) =	vpush v3, $0x0;
	[dreg:$0x19] =	wrdreg s19;
	s15 =	spop (v2sf)  }
0x81: {  	s19 =	smul.u32 $0x88888889, s3;
	[dreg:$0x17] =	wrdreg s15  }
0x82: {  	s3 =	sshra.s32 s22, $0x1F;
	[smem:$0x7F6] =	sst s17;
	s18 =	spop (v2sf)  }
0x83: {  	[smem:$0x7F8] =	sst s25;
	s4 =	smul.u32 $0x88888889, s3  }
0x84: {  	[dreg:$0x16] =	wrdreg s18;
	s17 =	spop (v2sf)  }
0x85: {  	[smem:$0x7F7] =	sst s19;
	s18 =	spop (v2sf);
	s5 =	sshra.s32 s17, $0x1F  }
0x86: {  	s28 =	sadd.s32 s28, s0;
	[dreg:$0x1b] =	wrdreg s4;
	s19 =	smul.u32 $0x88888889, s5  }
0x87: {  	s15 =	spop (v2sf);
	s21 =	sshra.s32 s18, $0x1F;
	s0 =	smulhi.u32 $0x88888889, s18  }
0x88: {  	s16 =	spop (v2sf);
	s25 =	smul.u32 $0x88888889, s21;
	s1 =	sshra.s32 s15, $0x1F  }
0x89: {  	[smem:$0x7FA] =	sst s19;
	s3 =	smul.u32 $0x88888889, s1  }
0x8a: {  	s5 =	spop (v2sf);
	[smem:$0x7FB] =	sst s25  }
0x8b: {  	s19 =	spop (v2sf);
	s4 =	sshra.s32 s5, $0x1F;
	[smem:$0x7FC] =	sst s3  }
0x8c: {  	s0 =	ssub.s32 s0, s18;
	s21 =	spop (v2sf);
	s25 =	smul.u32 $0x88888889, s4  }
0x8d: {  	s1 =	sshra.s32 s19, $0x1F;
	s4 =	spop (v2sf);
	s18 =	sld [smem:$0x7FC]  }
0x8e: {  	s3 =	smul.u32 $0x88888889, s1;
	[smem:$0x7FD] =	sst s25;
	s25 =	sshra.s32 s4, $0x1F  }
0x8f: {  	s20 =	ssub.s32 s12, s20;
	s12 =	spop (v2sf);
	s1 =	smul.u32 $0x88888889, s25  }
0x90: {  	[dreg:$0x1d] =	wrdreg s3;
	s3 =	smulhi.u32 $0x88888889, s7  }
0x91: {  	s11 =	sadd.s32 s11, s6;
	s6 =	sshra.s32 s12, $0x1F;
	[dreg:$0x1c] =	wrdreg s1  }
0x92: {  	s6 =	smul.u32 $0x88888889, s6;
	s3 =	ssub.s32 s3, s7;
	s7 =	sld [smem:$0x7F4]  }
0x93: {  	s1 =	sld [smem:$0x7F3]  }
0x94: {  	[dreg:$0x1e] =	wrdreg s6;
	s6 =	smulhi.u32 $0x88888889, s26  }
0x95: {  	s14 =	sadd.s32 s7, s14;
	s7 =	rddreg [dreg:$0x8]  }
0x96: {  	v5 =	vmov s11;
	s9 =	sadd.s32 s1, s9;
	s6 =	ssub.s32 s6, s26;
	s26 =	sld [smem:$0x7F8]  }
0x97: {  	s2 =	ssub.s32 s7, s2;
	s7 =	sld [smem:$0x7F5];
	v5 =	vsel vm0, s9, v5  }
0x98: {  	s8 =	sadd.s32 s8, s10;
	v5 =	vsel vm1, s29, v5;
	s29 =	rddreg [dreg:$0x6]  }
0x99: {  	v6 =	vmov s8;
	s31 =	sadd.s32 s26, s31;
	s26 =	sld [smem:$0x7F9]  }
0x9a: {  	v6 =	vsel vm0, s24, v6;
	s7 =	sadd.s32 s7, s3;
	s3 =	rddreg [dreg:$0x15]  }
0x9b: {  	s24 =	rddreg [dreg:$0x1e];
	v6 =	vsel vm1, s29, v6;
	s1 =	smulhi.u32 $0x88888889, s3  }
0x9c: {  	s10 =	smulhi.u32 $0x88888889, s15;
	v6 =	vsel vm2, s14, v6;
	s14 =	rddreg [dreg:$0x15]  }
0x9d: {  	s6 =	sadd.s32 s26, s6;
	s26 =	smulhi.u32 $0x88888889, s16;
	[dreg:$0x18] =	wrdreg s1  }
0x9e: {  	s10 =	ssub.s32 s10, s15;
	s25 =	sshra.s32 s16, $0x1F;
	v4 =	vmov s7;
	s1 =	sld [smem:$0x7F6]  }
0x9f: {  	s3 =	smulhi.u32 $0x88888889, s17;
	v4 =	vnsel vm3, $0x0, v4;
	s15 =	ssub.s32 s26, s16;
	s26 =	sld [smem:$0x7FA]  }
0xa0: {  	s25 =	smul.u32 $0x88888889, s25;
	v4 =	vsel vm0, s13, v4;
	s16 =	sld [smem:$0x7FB]  }
0xa1: {  	s3 =	ssub.s32 s3, s17;
	v4 =	vsel vm1, s23, v4;
	s23 =	rddreg [dreg:$0x1d]  }
0xa2: {  	s17 =	smulhi.u32 $0x88888889, s22;
	s8 =	sadd.s32 s25, s15;
	s25 =	rddreg [dreg:$0x17]  }
0xa3: {  	v4 =	vsel vm2, s30, v4;
	s30 =	sshra.s32 s21, $0x1F;
	s20 =	sadd.s32 s1, s20;
	s1 =	sld [smem:$0x7F7]  }
0xa4: {  	v4 =	vsel vm4, s28, v4;
	s28 =	smulhi.u32 $0x88888889, s25;
	s7 =	sadd.s32 s16, s0;
	s0 =	sadd.s32 s18, s10  }
0xa5: {  	s10 =	smulhi.u32 $0x88888889, s19;
	s18 =	ssub.s32 s17, s22;
	s22 =	rddreg [dreg:$0x1b]  }
0xa6: {  	s13 =	sadd.s32 s22, s18;
	s2 =	sadd.s32 s1, s2;
	s1 =	smulhi.u32 $0x88888889, s5  }
0xa7: {  	s22 =	rddreg [dreg:$0x19];
	s10 =	ssub.s32 s10, s19;
	s19 =	smulhi.u32 $0x88888889, s12  }
0xa8: {  	s15 =	rddreg [dreg:$0x18];
	s17 =	smulhi.u32 $0x88888889, s22;
	s10 =	sadd.s32 s23, s10  }
0xa9: {  	s23 =	rddreg [dreg:$0x1c];
	s5 =	ssub.s32 s1, s5;
	s1 =	sadd.s32 s26, s3  }
0xaa: {  	s3 =	smulhi.u32 $0x88888889, s4;
	s26 =	sld [smem:$0x7FD];
	s18 =	ssub.s32 s19, s12  }
0xab: {  	s19 =	smulhi.u32 $0x88888889, s21;
	s9 =	sadd.s32 s24, s18;
	s18 =	rddreg [dreg:$0x16]  }
0xac: {  	v4 =	vsel vm5, s20, v4;
	s20 =	ssub.s32 s17, s22;
	s22 =	sshra.s32 s22, $0x1F;
	s16 =	smulhi.u32 $0x88888889, s18  }
0xad: {  	s17 =	rddreg [dreg:$0x14];
	s12 =	ssub.s32 s19, s21;
	s21 =	smul.u32 $0x88888889, s30  }
0xae: {  	v4 =	vsel vm6, s31, v4;
	v5 =	vsel vm2, s2, v5;
	s24 =	sshra.s32 s25, $0x1F;
	s3 =	ssub.s32 s3, s4;
	s19 =	smulhi.u32 $0x88888889, s17  }
0xaf: {  	v4 =	vsel vm7, s6, v4;
	v5 =	vcombine.low v5, v6;
	s3 =	sadd.s32 s23, s3;
	s23 =	ssub.s32 s28, s25;
	s25 =	smul.u32 $0x88888889, s22  }
0xb0: {  	v4 =	vperm.xlane v4, v1;
	v7 =	vmov s10;
	s5 =	sadd.s32 s26, s5;
	s26 =	rddreg [dreg:$0x1a];
	s28 =	smul.u32 $0x88888889, s24  }
0xb1: {  	v55 =	vsel vm0, s8, v7;
	v8 =	vmov s9;
	s31 =	sshra.s32 s18, $0x1F;
	v5 =	vperm.xlane v5, v0;
	s4 =	smulhi.u32 $0x88888889, s26;
	s29 =	sshra.s32 s26, $0x1F  }
0xb2: {  	v6 =	vsel vm1, s7, v55;
	v56 =	vnsel vm3, $0x0, v8;
	s30 =	sadd.s32 s21, s12;
	s12 =	smul.u32 $0x88888889, s31;
	s21 =	sshra.s32 s17, $0x1F  }
0xb3: {  	v7 =	vsel vm0, s3, v56;
	v4 =	vsel vm8, v4, v5;
	s8 =	smul.u32 $0x88888889, s29;
	s6 =	sadd.s32 s28, s23;
	s2 =	sadd.s32 s25, s20;
	v57 =	vmov s30  }
0xb4: {  	v7 =	vsel vm1, s1, v7;
	s20 =	ssub.s32 s16, s18;
	v4 =	vadd.s32 v2, v4;
	s23 =	rddreg [dreg:$0x3];
	v8 =	vsel vm0, s5, v57;
	s5 =	sshra.s32 s14, $0x1F  }
0xb5: {  	s4 =	ssub.s32 s4, s26;
	v58 =	vsel vm2, s13, v7;
	s1 =	sadd.s32 s12, s20;
	v9 =	vshrl.u32 v4, $0x1F;
	v4 =	vshra.s32 v4, $0x6;
	s22 =	smul.u32 $0x88888889, s5  }
0xb6: {  	s3 =	ssub.s32 s15, s14;
	v60 =	vld [tilespmem:s23+$0x0];
	v59 =	vsel vm1, s0, v8;
	v5 =	vsel vm4, s2, v58;
	s4 =	sadd.s32 s8, s4;
	s0 =	smul.u32 $0x88888889, s21;
	v6 =	vsel vm2, s1, v6  }
0xb7: {  	s24 =	ssub.s32 s19, s17;
	v4 =	vadd.s32 v9, v4;
	v7 =	vsel vm2, s6, v59;
	v5 =	vsel vm5, s4, v5;
	s2 =	sadd.s32 s22, s3  }
0xb8: {  	v4 =	vmul.u32 $0x78, v4;
	s0 =	sadd.s32 s0, s24;
	v6 =	vcombine.low v6, v7;
	v5 =	vsel vm6, s2, v5  }
0xb9: {  	v5 =	vsel vm7, s0, v5  }
0xba: {  	v2 =	vsub.s32 v2, v4;
	v61 =	vperm.xlane v6, v0;
	v5 =	vperm.xlane v5, v1  }
0xbb: {  	vm9 =	vlt.s32 v60, $0x1388;
	v2 =	vadd.s32 $0x1388, v2  }
0xbc: {  	v2 =	vsel vm9, v60, v2;
	v4 =	vsel vm8, v5, v61  }
0xbd: {  	s25 =	rddreg [dreg:$0x4];
	[tilespmem:s23+$0x0] =	vst v2;
	v2 =	vadd.s32 v3, v4  }
0xbe: {  	v62 =	vld [tilespmem:s25+$0x0];
	v63 =	vshrl.u32 v2, $0x1F;
	v2 =	vshra.s32 v2, $0x6  }
0xbf: {  	v2 =	vadd.s32 v63, v2  }
0xc0: {  	v2 =	vmul.u32 $0x78, v2;
	_ =	sdelay $0x1  }
0xc1: {  	v2 =	vsub.s32 v3, v2  }
0xc2: {  	vm9 =	vlt.s32 v62, $0x1388;
	v2 =	vadd.s32 $0x1388, v2  }
0xc3: {  	s28 =	simm.s32 $0x140;
	s26 =	rddreg [dreg:$0xd];
	v2 =	vsel vm9, v62, v2  }
0xc4: {  	s5 =	simm.s32 $0x0;
	s6 =	simm.s32 $0x300;
	s3 =	simm.s32 $0x1;
	[tilespmem:s25+$0x0] =	vst v2  }
0xc5: {  	[hbm4b:s26+s28] =	stream.indirect.scatter [tilespmem:s6], [sflag:$0x1], $0x1, s5, s28, $0xb8;
	[tilespmem:$0x480] =	vst v63  }
0xc6: {  	_ =	swait.ge [sflag:s3], $0x140  }
0xc7: {  	[sflag:s3] =	ssyncset.done $0x0  }
0xc8: {  	s4 =	simm.s32 $0x180;
	s29 =	rddreg [dreg:$0xe];
	[sflag:s3] =	ssyncadd.s32 $0xFFFFFEC0  }
0xc9: {  	[hbm4b:s29+s28] =	stream.indirect.scatter [tilespmem:s4], [sflag:$0x1], $0x1, s5, s28, $0xb8;
	[tilespmem:$0x480] =	vst v63  }
0xca: {  	_ =	swait.ge [sflag:s3], $0x140  }
0xcb: {  	s30 =	rddreg [dreg:$0x13]  }
0xcc: {  	s31 =	rddreg [dreg:$0x12];
	s1 =	sadd.s32 $0x1, s30  }
0xcd: {  	p0 =	sne.s32 s1, s31  }
.Ltmp1:
0xce: {  	_ = 	snop;
	(pc) =	sbr.rel @p0 .LBB2_1-.Ltmp1, $3  }
0xcf: {  	_ =	sdelay $0x1  }
0xd0: {  	[sflag:s3] =	ssyncset.done $0x0  }
0xd1: {  	[sflag:s3] =	ssyncadd.s32 $0xFFFFFEC0  }
0xd2: {  	_ =	sfence.sel $0x180000  }
0xd3: {  	[bflag:$0x0] =	sbarrier.arrive $0xFFFF  }
0xd4: {  	_ =	strace $0x90000050  }
0xd5: {  	s0 =	stileid.u32;
	[bflag:$0x2] =	sbarrier.arrive $0xFFFF  }
0xd6: {  	p0 =	sne.s32 s0, $0x0;
	s0 =	rddreg [dreg:$0x2]  }
0xd7: {  	s0 =	sadd.s32 @!p0 $0x100000, s0  }
0xd8: {  	[sflag:s0] =	ssyncadd.tile.s32 @!p0 $0x1;
	_ =	shalt  }
.Lfunc_end2:
_tile_overlayer_lowered:
.L_overlay_start_2:
0xd9: {  	(tag) =	ssettag $0x2  }
0xda: {  	s0 =	rddreg [dreg:$0x0];
	s2 =	stileid.u32  }
0xdb: {  	s1 =	rddreg [dreg:$0x1];
	p0 =	sne.s32 s2, $0x0  }
0xdc: {  	s3 =	rddreg [dreg:$0x2];
	[bflag:$0x3] =	sbarrier.arrive $0xFFFF;
	s2 =	simm.s32 @!p0 $0x1C01  }
0xdd: {  	[timem:s3], [sflag:s2] =	dma.local @!p0 [hbm:s0], s1  }
0xde: {  	s0 =	simm.s32 @!p0 $0x1  }
0xdf: {  	_ =	swait.ge @!p0 [sflag:s0], s1  }
0xe0: {  	s1 =	ssub.s32 @!p0 $0x0, s1;
	[sflag:s0] =	ssyncset.done @!p0 $0x0  }
0xe1: {  	[sflag:s0] =	ssyncadd.s32 @!p0 s1  }
0xe2: {  	[bflag:$0x3] =	sbarrier.arrive $0xFFFF  }
0xe3: {  	_ =	shalt  }

// kernel: kernel.24.cloned.1.call-start
scs
__scs_entry_jumppad:
0x0: {  	(pc) =	sbr.rel $0x88, $3  }
0x1: {  	(tag) =	ssettag $0x0;
	lr =	simm.s32 $0x1  }
0x2: {  	[smem:$0x3F96] =	sst lr;
	_ =	strace $0xD0000000  }
0x3: {  	_ = 	snop  }
0x4: {  	_ = 	snop  }
0x5: {  	_ = 	snop  }
0x6: {  	_ = 	snop  }
0x7: {  	_ = 	snop  }
__scs_overlays_trampoline_lowered:
0x8: {  	[smem:$0x3FA5] =	sst s0  }
0x9: {  	[smem:$0x3FA6] =	sst s1  }
0xa: {  	[smem:$0x3FA7] =	sst s2  }
0xb: {  	[smem:$0x3FA8] =	sst s3  }
0xc: {  	[smem:$0x3FA9] =	sst s4  }
0xd: {  	[smem:$0x3FAA] =	sst s5  }
0xe: {  	[smem:$0x3FAB] =	sst s6  }
0xf: {  	[smem:$0x3FAC] =	sst s7  }
0x10: {  	[smem:$0x3FAD] =	sst s8  }
0x11: {  	[smem:$0x3FAE] =	sst s9;
	s0 =	simm.s32 @!p0 $0x0  }
0x12: {  	s1 =	sld [smem:$0x3F94];
	s0 =	simm.s32 @p0 $0x1  }
0x13: {  	[smem:$0x3FAF] =	sst s0;
	s0 =	simm.s32 @!p1 $0x0  }
0x14: {  	s2 =	sld [smem:$0x3F93];
	s0 =	simm.s32 @p1 $0x1  }
0x15: {  	[smem:$0x3FB0] =	sst s0;
	s0 =	simm.s32 @!p2 $0x0  }
0x16: {  	s3 =	sld [smem:$0x3FDB];
	s0 =	simm.s32 @p2 $0x1  }
0x17: {  	s4 =	simm.s32 $0x1BF5;
	[smem:$0x3FB2] =	sst s0  }
0x18: {  	s0 =	sld [smem:$0x3F95];
	_ =	swait.ge [sflag:s4], $0x0  }
0x19: {  	s7 =	sld [smem:$0x3F96]  }
0x1a: {  	s8 =	sadd.s32 $0xFFFFE003, lr  }
0x1b: {  	s9 =	sadd.s32 $0xFFFFFEF7, lr;
	s5 =	simm.s32 $0xFFFFFFFF;
	p2 =	slt.u32 s8, $0xFFFFF086  }
0x1c: {  	p1 =	slt.u32 s9, $0xF7A;
	s5 =	simm.s32 @!p2 $0x0  }
0x1d: {  	s5 =	simm.s32 @p1 $0x1;
	p0 =	seq.s32 s7, s2  }
0x1e: {  	s7 =	smul.u32 @!p0 $0xF7A, s2;
	p2 =	seq.s32 @!p0 s5, $0x0  }
0x1f: {  	s9 =	smul.u32 $0xF7A, s1;
	s8 =	simm.s32 @!p0 $0x1BF5;
	p2 =	por !p2, p0  }
0x20: {  	[sflag:s8] =	ssyncset.s32 @!p0 $0xFFFFF086;
	s6 =	sadd.s32 @!p0 s3, s7;
	s7 =	simm.s32 @!p0 $0x108  }
0x21: {  	s3 =	sadd.s32 s3, s9;
	s6 =	sadd.s32 @!p0 $0x88, s6;
	s7 =	simm.s32 @p2 $0x1082  }
0x22: {  	[simem:s7], [sflag:s8] =	dma.local @!p0 [hbm:s6], $0xF7A  }
0x23: {  	s9 =	sor.u32 $0xD0000000, s2;
	s6 =	simm.s32 $0x108;
	_ =	swait.ge @!p0 [sflag:s8], $0x0  }
0x24: {  	s3 =	sadd.s32 $0x88, s3;
	s6 =	simm.s32 @!p1 $0x1082;
	[sflag:s4] =	ssyncset.s32 $0xFFFFF086  }
0x25: {  	[simem:s6], [sflag:s4] =	dma.local [hbm:s3], $0xF7A  }
0x26: {  	[smem:$0x3F96] =	sst s1;
	(tag) =	ssettag s2;
	_ =	strace s9  }
0x27: {  	s1 =	sld [smem:$0x3FA6]  }
0x28: {  	s2 =	sld [smem:$0x3FA7]  }
0x29: {  	s4 =	sld [smem:$0x3FA9]  }
0x2a: {  	p0 =	seq.s32 s5, $0x0;
	s5 =	sld [smem:$0x3FAA]  }
0x2b: {  	s6 =	sld [smem:$0x3FAB]  }
0x2c: {  	s7 =	sld [smem:$0x3FAC]  }
0x2d: {  	s3 =	simm.s32 $0x108;
	s8 =	sld [smem:$0x3FAD]  }
0x2e: {  	s3 =	simm.s32 @!p0 $0x1082;
	s9 =	sld [smem:$0x3FAE]  }
0x2f: {  	lr =	sadd.s32 s0, s3;
	s0 =	sld [smem:$0x3FA5]  }
0x30: {  	s3 =	sld [smem:$0x3FA8]  }
0x31: {  	[smem:$0x3FB1] =	sst s10  }
0x32: {  	s10 =	sld [smem:$0x3FAF];
	_ =	sdelay $0x3  }
0x33: {  	p0 =	seq.s32 s10, $0x1;
	s10 =	sld [smem:$0x3FB1];
	_ =	sdelay $0x3  }
0x34: {  	[smem:$0x3FB1] =	sst s10  }
0x35: {  	s10 =	sld [smem:$0x3FB0];
	_ =	sdelay $0x3  }
0x36: {  	p1 =	seq.s32 s10, $0x1;
	s10 =	sld [smem:$0x3FB1];
	_ =	sdelay $0x3  }
0x37: {  	[smem:$0x3FB1] =	sst s10  }
0x38: {  	s10 =	sld [smem:$0x3FB2]  }
0x39: {  	_ = 	snop;
	(pc) =	sbr.ind lr, $3  }
0x3a: {  	_ = 	snop  }
0x3b: {  	_ = 	snop  }
0x3c: {  	p2 =	seq.s32 s10, $0x1;
	s10 =	sld [smem:$0x3FB1]  }
0x3d: {  	_ =	shalt  }
0x3e: {  	_ =	shalt  }
0x3f: {  	_ =	shalt  }
0x40: {  	_ =	shalt  }
0x41: {  	_ =	shalt  }
0x42: {  	_ =	shalt  }
0x43: {  	_ =	shalt  }
0x44: {  	_ =	shalt  }
0x45: {  	_ =	shalt  }
0x46: {  	_ =	shalt  }
0x47: {  	_ =	shalt  }
0x48: {  	_ =	shalt  }
0x49: {  	_ =	shalt  }
0x4a: {  	_ =	shalt  }
0x4b: {  	_ =	shalt  }
0x4c: {  	_ =	shalt  }
0x4d: {  	_ =	shalt  }
0x4e: {  	_ =	shalt  }
0x4f: {  	_ =	shalt  }
0x50: {  	_ =	shalt  }
0x51: {  	_ =	shalt  }
0x52: {  	_ =	shalt  }
0x53: {  	_ =	shalt  }
0x54: {  	_ =	shalt  }
0x55: {  	_ =	shalt  }
0x56: {  	_ =	shalt  }
0x57: {  	_ =	shalt  }
0x58: {  	_ =	shalt  }
0x59: {  	_ =	shalt  }
0x5a: {  	_ =	shalt  }
0x5b: {  	_ =	shalt  }
0x5c: {  	_ =	shalt  }
0x5d: {  	_ =	shalt  }
0x5e: {  	_ =	shalt  }
0x5f: {  	_ =	shalt  }
0x60: {  	_ =	shalt  }
0x61: {  	_ =	shalt  }
0x62: {  	_ =	shalt  }
0x63: {  	_ =	shalt  }
0x64: {  	_ =	shalt  }
0x65: {  	_ =	shalt  }
0x66: {  	_ =	shalt  }
0x67: {  	_ =	shalt  }
0x68: {  	_ =	shalt  }
0x69: {  	_ =	shalt  }
0x6a: {  	_ =	shalt  }
0x6b: {  	_ =	shalt  }
0x6c: {  	_ =	shalt  }
0x6d: {  	_ =	shalt  }
0x6e: {  	_ =	shalt  }
0x6f: {  	_ =	shalt  }
0x70: {  	_ =	shalt  }
0x71: {  	_ =	shalt  }
0x72: {  	_ =	shalt  }
0x73: {  	_ =	shalt  }
0x74: {  	_ =	shalt  }
0x75: {  	_ =	shalt  }
0x76: {  	_ =	shalt  }
0x77: {  	_ =	shalt  }
0x78: {  	_ =	shalt  }
0x79: {  	_ =	shalt  }
0x7a: {  	_ =	shalt  }
0x7b: {  	_ =	shalt  }
0x7c: {  	_ =	shalt  }
0x7d: {  	_ =	shalt  }
0x7e: {  	_ =	shalt  }
0x7f: {  	_ =	shalt  }
0x80: {  	_ =	shalt  }
0x81: {  	_ =	shalt  }
0x82: {  	_ =	shalt  }
0x83: {  	_ =	shalt  }
0x84: {  	_ =	shalt  }
0x85: {  	_ =	shalt  }
0x86: {  	_ =	shalt  }
0x87: {  	_ =	shalt  }
.Lfunc_end0:
.L_simem_size_0:
called_computation.6_lowered:
.L_overlay_start_0:
0x88: {  	s2 =	sld [smem:$0x3FD9]  }
0x89: {  	s3 =	sld [smem:$0x3FFE];
	_ =	sdelay $0x1  }
0x8a: {  	s1 =	srdreg.scid  }
0x8b: {  	s0 =	sand.u32 $0x1, s1  }
0x8c: {  	s15 =	sshll.u32 s0, $0xA;
	s2 =	sadd.s32 s3, s2  }
0x8d: {  	s2 =	sadd.s32 s2, s15  }
0x8e: {  	[smem:$0x3FBD] =	sst s2  }
0x8f: {  	_ = 	snop  }
0x90: {  	s2 =	sld [smem:$0x3FD0];
	_ =	sdelay $0x2  }
0x91: {  	s16 =	simm.s32 $0xB;
	s4 =	simm.s32 $0x10  }
0x92: {  	[smem:s4], [sflag:s16] =	dma.local [hbm:s2], $0x1  }
0x93: {  	_ =	swait.eq [sflag:s16], $0x1  }
0x94: {  	[sflag:s16] =	ssyncset.done $0x0  }
0x95: {  	[sflag:s16] =	ssyncadd.s32 $0xFFFFFFFF  }
0x96: {  	s17 =	sld [smem:$0x12];
	(tm) =	ssettm $0x1  }
0x97: {  	s18 =	sld [smem:$0x3FFB];
	_ =	sdelay $0x3  }
0x98: {  	_ =	strace s18  }
0x99: {  	s2 =	sld [smem:$0x3FFC];
	_ =	sdelay $0x3  }
0x9a: {  	_ =	strace s2  }
0x9b: {  	s2 =	sld [smem:$0x3FFD];
	_ =	sdelay $0x3  }
0x9c: {  	_ =	strace s2  }
0x9d: {  	_ =	strace $0x8FFFFFFF  }
0x9e: {  	s19 =	sld [smem:$0x3FDB];
	_ =	sdelay $0x1  }
0x9f: {  	s20 =	simm.s32 $_scs_section_size  }
0xa0: {  	s5 =	simm.s32 $_size__tile_overlayer_lowered;
	s6 =	simm.s32 $_tile_overlayer_lowered  }
0xa1: {  	s7 =	simm.s32 $0x1BFF;
	s21 =	sshll.u32 s6, $0x1;
	s4 =	sadd.s32 s20, s19  }
0xa2: {  	s22 =	simm.s32 $0x0;
	s5 =	sshll.u32 s5, $0x1;
	s6 =	sadd.s32 s21, s4  }
0xa3: {  	[timem:s22], [sflag:s7] =	dma.local [hbm:s6], s5  }
0xa4: {  	_ =	swait.ge [sflag:s7], s5  }
0xa5: {  	s5 =	ssub.s32 $0x0, s5;
	[sflag:s7] =	ssyncset.done $0x0  }
0xa6: {  	[sflag:s7] =	ssyncadd.s32 s5;
	_ =	sdelay $0x1  }
0xa7: {  	s23 =	simm.s32 $0x1B8B  }
0xa8: {  	_ =	swait.ge [sflag:s23], $0x1  }
0xa9: {  	[sflag:s23] =	ssyncset.done $0x0  }
0xaa: {  	[sflag:s23] =	ssyncadd.s32 $0xFFFFFFFF  }
0xab: {  	s5 =	sld [smem:$0x0]  }
0xac: {  	s6 =	sand.u32 $0xFFFFFFFE, s1  }
0xad: {  	p0 =	sne.s32 s1, s6  }
0xae: {  	s6 =	sshll.u32 @p0 s6, $0xE  }
0xaf: {  	s6 =	sadd.s32 @p0 $0x11B8D, s6;
	s7 =	sshll.u32 @p0 s5, $0x11  }
0xb0: {  	s6 =	sor.u32 @p0 s7, s6  }
0xb1: {  	[sflag:s6] =	ssyncadd.remote.s32 @p0 $0x1;
	_ =	sdelay $0x1  }
0xb2: {  	s6 =	simm.s32 @p0 $0x1B8D  }
0xb3: {  	_ =	swait.eq @p0 [sflag:s6], $0x1  }
0xb4: {  	[sflag:s6] =	ssyncadd.s32 @p0 $0xFFFFFFFF  }
0xb5: {  	s7 =	sshll.u32 @!p0 s1, $0xE  }
0xb6: {  	s7 =	sor.u32 @!p0 $0x4000, s7;
	s6 =	simm.s32 @!p0 $0x1B8D  }
0xb7: {  	s5 =	sshll.u32 @!p0 s5, $0x11;
	s7 =	sadd.s32 @!p0 $0x11B8D, s7;
	_ =	swait.eq @!p0 [sflag:s6], $0x1  }
0xb8: {  	s5 =	sor.u32 @!p0 s5, s7;
	[sflag:s6] =	ssyncadd.s32 @!p0 $0xFFFFFFFF  }
0xb9: {  	s25 =	simm.s32 $0x1B8E;
	s24 =	sld [smem:$0x3FFE];
	[sflag:s5] =	ssyncadd.remote.s32 @!p0 $0x1  }
0xba: {  	s26 =	simm.s32 $execute0_lowered;
	[smem:$0x3FD2] =	sst s25  }
0xbb: {  	s6 =	sshll.u32 s26, $0x1;
	_ =	strace $0x80000052;
	[dreg:$0x1] =	wrdreg $0xFFFFFFFF  }
0xbc: {  	s28 =	simm.s32 $_size_execute0_lowered;
	s4 =	sadd.s32 s4, s6;
	[dreg:$0x0] =	wrdreg $0x0  }
0xbd: {  	s6 =	sshll.u32 s28, $0x1;
	[dreg:$0x2] =	wrdreg s4  }
0xbe: {  	[dreg:$0x3] =	wrdreg s6  }
0xbf: {  	[dreg:$0x4] =	wrdreg $0xC0  }
0xc0: {  	_ =	task [dreg:s22], $0x5FFFF  }
0xc1: {  	[dreg:$0x1] =	wrdreg $0xFFFFFFFF  }
0xc2: {  	[dreg:$0x0] =	wrdreg $0x60  }
0xc3: {  	[dreg:$0x2] =	wrdreg s24  }
0xc4: {  	[dreg:$0x3] =	wrdreg s17  }
0xc5: {  	[dreg:$0x4] =	wrdreg $0x8E800  }
0xc6: {  	[dreg:$0x5] =	wrdreg $0x91000  }
0xc7: {  	[dreg:$0x6] =	wrdreg $0x93800  }
0xc8: {  	[dreg:$0x7] =	wrdreg $0xA  }
0xc9: {  	_ =	task.clear_ibuf [dreg:s22], $0x8FFFF;
	_ =	strace $0x90000052  }
0xca: {  	s29 =	simm.s32 $0xA;
	_ =	strace $0x80000054  }
0xcb: {  	_ =	swait.ge [sflag:s29], $0x1  }
0xcc: {  	[sflag:s29] =	ssyncadd.s32 $0xFFFFFFFF  }
0xcd: {  	_ =	strace $0x90000054  }
0xce: {  	_ =	sfence  }
0xcf: {  	s30 =	sld [smem:$0x0];
	_ =	sdelay $0x2  }
0xd0: {  	s31 =	sshll.u32 s1, $0xD;
	s1 =	sshrl.u32 s1, $0x2  }
0xd1: {  	s4 =	sand.u32 $0x4000, s31;
	s1 =	sadd.s32 s1, s30  }
0xd2: {  	s0 =	sor.u32 s4, s0;
	s1 =	sshll.u32 s1, $0x11  }
0xd3: {  	s0 =	sor.u32 s1, s0  }
0xd4: {  	s0 =	sadd.s32 $0x8F2B, s0  }
0xd5: {  	[sflag:s0] =	ssyncadd.remote.s32 $0x1  }
0xd6: {  	_ =	sfence.sel $0xFFFF  }
0xd7: {  	[dreg:$0x0] =	wrdreg $0xFFFFFFFF;
	(pc) =	sbr.abs _section_cstart, $3  }
0xd8: {  	[dreg:$0x1] =	wrdreg $0xFFFFFFFF  }
0xd9: {  	_ =	task.clear_ibuf [dreg:s22], $0x2FFFF;
	_ =	strace $0x9FFFFFFF  }
0xda: {  	(tm) =	ssettm $0x7FFFFFFF  }
0xdb: {  	_ =	shalt  }
tec
execute0_lowered:
.L_overlay_start_1:
0x0: {  	(tag) =	ssettag $0x1  }
0x1: {  	s0 =	rddreg [dreg:$0x0]  }
0x2: {  	s1 =	rddreg [dreg:$0x1]  }
0x3: {  	s12 =	rddreg [dreg:$0x2]  }
0x4: {  	s2 =	srdreg.scid;
	s3 =	rddreg [dreg:$0x3]  }
0x5: {  	s4 =	rddreg [dreg:$0x4];
	s16 =	stileid.u32;
	s17 =	simm.s32 $0x1  }
0x6: {  	s21 =	simm.s32 $0x80;
	s28 =	simm.s32 $0x6400;
	s29 =	simm.s32 $0x7800  }
0x7: {  	s30 =	simm.s32 $0x20;
	s31 =	simm.s32 $0x10;
	s8 =	smul.u32 $0x280, s16  }
0x8: {  	s2 =	sand.u32 $0x1, s2;
	s7 =	sshll.u32 s16, $0x7;
	s9 =	smul.u32 $0x500, s16  }
0x9: {  	s26 =	sshll.u32 s16, $0x6;
	s5 =	sshll.u32 s2, $0x4;
	s7 =	sand.u32 $0x380, s7  }
0xa: {  	s11 =	sshll.u32 s2, $0x7;
	s2 =	ssub.s32 $0x2, s2;
	s18 =	sor.u32 $0x1C01, s26  }
0xb: {  	s26 =	simm.s32 $0x5000;
	s6 =	sor.u32 s16, s5;
	s5 =	simm.s32 $0x0  }
0xc: {  	s10 =	sshrl.u32 s8, $0x3;
	s22 =	sor.u32 s11, s9;
	s25 =	sshrl.u32 s2, $0x1  }
0xd: {  	s19 =	sadd.s32 s8, s3;
	s20 =	sadd.s32 s8, s4;
	s6 =	sshrl.u32 s6, $0x3  }
0xe: {  	[smem:$0x7FF] =	sst s5;
	s10 =	sadd.s32 s10, s0;
	s24 =	sshrl.u32 s22, $0x3  }
0xf: {  	s2 =	ssub.s32 s2, s25;
	s19 =	sshrl.u32 s19, $0x3;
	s6 =	smul.u32 $0xA000, s6  }
0x10: {  	s20 =	sshrl.u32 s20, $0x3;
	s22 =	simm.s32 $0x400;
	s25 =	simm.s32 $0x3C00  }
0x11: {  	_ =	strace $0x80000053;
	s15 =	smax.u32 s2, $0x1;
	s6 =	sor.u32 s7, s6  }
0x12: {  	s7 =	sadd.s32 $0x17E00, s10;
	s23 =	sshrl.u32 s6, $0x3;
	s6 =	sadd.s32 s8, s12  }
0x13: {  	s8 =	sadd.s32 $0x17800, s10;
	s13 =	sadd.s32 s23, s0;
	s0 =	sadd.s32 s24, s0  }
0x14: {  	s11 =	sadd.s32 s1, s23;
	s23 =	simm.s32 $0x1400;
	s24 =	simm.s32 $0x2800  }
0x15: {  	s1 =	simm.s32 $0x0;
	s9 =	sadd.s32 $0x10800, s13;
	s10 =	sadd.s32 $0x6800, s13  }
0x16: {  	v0 =	vimm.f32 $0.0e+00;
	s12 =	sadd.s32 $0x1BA00, s13;
	s13 =	sadd.s32 $0x20A00, s13;
	s14 =	sadd.s32 $0x18400, s0  }
.LBB2_1:
0x17: {  	[tilespmem:$0x8C00] =	vst v0  }
0x18: {  	[tilespmem:$0x8C10] =	vst v0  }
0x19: {  	[tilespmem:$0x8C20] =	vst v0  }
0x1a: {  	[tilespmem:$0x8C30] =	vst v0  }
0x1b: {  	[tilespmem:$0x8C40] =	vst v0  }
0x1c: {  	[tilespmem:$0x8C50] =	vst v0  }
0x1d: {  	[tilespmem:$0x8C60] =	vst v0  }
0x1e: {  	[tilespmem:$0x8C70] =	vst v0  }
0x1f: {  	[tilespmem:$0x8C80] =	vst v0  }
0x20: {  	[tilespmem:$0x8C90] =	vst v0  }
0x21: {  	[tilespmem:$0x8CA0] =	vst v0  }
0x22: {  	[tilespmem:$0x8CB0] =	vst v0  }
0x23: {  	[tilespmem:$0x8CC0] =	vst v0  }
0x24: {  	[tilespmem:$0x8CD0] =	vst v0  }
0x25: {  	[tilespmem:$0x8CE0] =	vst v0  }
0x26: {  	[tilespmem:$0x8CF0] =	vst v0  }
0x27: {  	[tilespmem:$0x8D00] =	vst v0  }
0x28: {  	[tilespmem:$0x8D10] =	vst v0  }
0x29: {  	[tilespmem:$0x8D20] =	vst v0  }
0x2a: {  	[tilespmem:$0x8D30] =	vst v0  }
0x2b: {  	[tilespmem:$0x8D40] =	vst v0  }
0x2c: {  	[tilespmem:$0x8D50] =	vst v0  }
0x2d: {  	[tilespmem:$0x8D60] =	vst v0  }
0x2e: {  	[tilespmem:$0x8D70] =	vst v0  }
0x2f: {  	[tilespmem:$0x8D80] =	vst v0  }
0x30: {  	[tilespmem:$0x8D90] =	vst v0  }
0x31: {  	[tilespmem:$0x8DA0] =	vst v0  }
0x32: {  	[tilespmem:$0x8DB0] =	vst v0  }
0x33: {  	[tilespmem:$0x8DC0] =	vst v0  }
0x34: {  	[tilespmem:$0x8DD0] =	vst v0  }
0x35: {  	[tilespmem:$0x8DE0] =	vst v0  }
0x36: {  	[tilespmem:$0x8DF0] =	vst v0  }
0x37: {  	[tilespmem:$0x8E00] =	vst v0  }
0x38: {  	[tilespmem:$0x8E10] =	vst v0  }
0x39: {  	[tilespmem:$0x8E20] =	vst v0  }
0x3a: {  	[tilespmem:$0x8E30] =	vst v0  }
0x3b: {  	[tilespmem:$0x8E40] =	vst v0  }
0x3c: {  	[tilespmem:$0x8E50] =	vst v0  }
0x3d: {  	[tilespmem:$0x8E60] =	vst v0  }
0x3e: {  	[tilespmem:$0x8E70] =	vst v0;
	s0 =	simm.s32 $0x8C00  }
0x3f: {  	[spmem:s6] =	stream.linear.scatter [tilespmem:s0], [sflag:$0x1], $0x280, $0x38;
	[tilespmem:$0x9600] =	vst v63  }
0x40: {  	_ =	swait.ge [sflag:s17], $0x280  }
0x41: {  	[sflag:s17] =	ssyncset.done $0x0  }
0x42: {  	[sflag:s17] =	ssyncadd.s32 $0xFFFFFD80  }
0x43: {  	[spmem:s19], [sflag:s18] =	dma.local [hbm:s7], $0x50  }
0x44: {  	_ =	swait.ge [sflag:s17], $0x50  }
0x45: {  	[sflag:s17] =	ssyncset.done $0x0  }
0x46: {  	[sflag:s17] =	ssyncadd.s32 $0xFFFFFFB0  }
0x47: {  	[spmem:s20], [sflag:s18] =	dma.local [hbm:s8], $0x50  }
0x48: {  	_ =	swait.ge [sflag:s17], $0x50  }
0x49: {  	[sflag:s17] =	ssyncset.done $0x0  }
0x4a: {  	[sflag:s17] =	ssyncadd.s32 $0xFFFFFFB0  }
0x4b: {  	[tilespmem:s5], [sflag:$0x1] =	stream.strided.gather [hbm4b:s9+s21], $0x1400, s22, s21, $0x38;
	[tilespmem:$0x9600] =	vst v63  }
0x4c: {  	_ =	swait.ge [sflag:s17], $0x1400  }
0x4d: {  	[sflag:s17] =	ssyncset.done $0x0  }
0x4e: {  	[sflag:s17] =	ssyncadd.s32 $0xFFFFEC00  }
0x4f: {  	[tilespmem:s23], [sflag:$0x1] =	stream.strided.gather [hbm4b:s10+s21], $0x1400, s22, s21, $0x38;
	[tilespmem:$0x9600] =	vst v63  }
0x50: {  	_ =	swait.ge [sflag:s17], $0x1400  }
0x51: {  	[sflag:s17] =	ssyncset.done $0x0  }
0x52: {  	[sflag:s17] =	ssyncadd.s32 $0xFFFFEC00  }
0x53: {  	[bflag:$0x0] =	sbarrier.arrive $0xFFFF  }
0x54: {  	[tilespmem:s24], [sflag:$0x1] =	stream.indirect.gather [spmem:s3], $0x1, s5, s23, $0xb8;
	[tilespmem:$0x9600] =	vst v63  }
0x55: {  	_ =	swait.ge [sflag:s17], $0x1400  }
0x56: {  	[sflag:s17] =	ssyncset.done $0x0  }
0x57: {  	[sflag:s17] =	ssyncadd.s32 $0xFFFFEC00  }
0x58: {  	[tilespmem:s25], [sflag:$0x1] =	stream.indirect.gather [spmem:s3], $0x1, s23, s23, $0xb8;
	[tilespmem:$0x9600] =	vst v63  }
0x59: {  	_ =	swait.ge [sflag:s17], $0x1400  }
0x5a: {  	[sflag:s17] =	ssyncset.done $0x0  }
0x5b: {  	[sflag:s17] =	ssyncadd.s32 $0xFFFFEC00  }
0x5c: {  	[tilespmem:s26], [sflag:$0x1] =	stream.indirect.gather [spmem:s4], $0x1, s5, s23, $0xb8;
	[tilespmem:$0x9600] =	vst v63  }
0x5d: {  	_ =	swait.ge [sflag:s17], $0x1400  }
0x5e: {  	[sflag:s17] =	ssyncset.done $0x0  }
0x5f: {  	[sflag:s17] =	ssyncadd.s32 $0xFFFFEC00  }
0x60: {  	[tilespmem:s28], [sflag:$0x1] =	stream.indirect.gather [spmem:s4], $0x1, s23, s23, $0xb8;
	[tilespmem:$0x9600] =	vst v63  }
0x61: {  	_ =	swait.ge [sflag:s17], $0x1400  }
0x62: {  	[sflag:s17] =	ssyncset.done $0x0  }
0x63: {  	s2 =	simm.s32 $0x0;
	[sflag:s17] =	ssyncadd.s32 $0xFFFFEC00  }
0x64: {  	v1 =	vld [tilespmem:s2+$0x2800]  }
0x65: {  	s0 =	simm.s32 $0x40;
	v2 =	vld [tilespmem:s2+$0x3C00]  }
.LBB2_2:
0x66: {  	_ = 	snop  }
0x67: {  	p0 =	sne.s32 s0, $0x4FC0  }
.Ltmp0:
0x68: {  	_ = 	snop;
	(pc) =	sbr.rel @p0 .LBB2_2-.Ltmp0, $4  }
0x69: {  	_ = 	snop  }
0x6a: {  	s16 =	sshra.s32 s0, $0x2;
	v3 =	vmul.f32 v2, v1  }
0x6b: {  	v1 =	vld [tilespmem:s16+$0x2800]  }
0x6c: {  	s0 =	sadd.s32 $0x40, s0;
	v2 =	vld [tilespmem:s16+$0x3C00];
	[tilespmem:s2+$0x7800] =	vst v3;
	s2 =	smov.u32 s16  }
0x6d: {  	_ =	sdelay $0x3  }
0x6e: {  	v1 =	vmul.f32 v2, v1;
	_ =	sdelay $0x1  }
0x6f: {  	[tilespmem:s2+$0x7800] =	vst v1  }
0x70: {  	[bflag:$0x0] =	sbarrier.arrive $0xFFFF  }
0x71: {  	s0 =	rddreg [dreg:$0x2]  }
0x72: {  	[spmem:s0] =	stream.indirect.scatter.add.f32 [tilespmem:s29], [sflag:$0x1], $0x1, s28, s23, $0xb8;
	[tilespmem:$0x9600] =	vst v63  }
0x73: {  	_ =	swait.ge [sflag:s17], $0x1400  }
0x74: {  	[sflag:s17] =	ssyncset.done $0x0  }
0x75: {  	[sflag:s17] =	ssyncadd.s32 $0xFFFFEC00  }
0x76: {  	[hbm4b:s11+s21] =	stream.strided.scatter [tilespmem:s29], [sflag:$0x1], $0x1400, s22, s21, $0x38;
	[tilespmem:$0x9600] =	vst v63  }
0x77: {  	_ =	swait.ge [sflag:s17], $0x1400  }
0x78: {  	[sflag:s17] =	ssyncset.done $0x0  }
0x79: {  	[sflag:s17] =	ssyncadd.s32 $0xFFFFEC00  }
0x7a: {  	[hbm4b:s12+s21] =	stream.strided.scatter [tilespmem:s26], [sflag:$0x1], $0x1400, s22, s21, $0x38;
	[tilespmem:$0x9600] =	vst v63  }
0x7b: {  	_ =	swait.ge [sflag:s17], $0x1400  }
0x7c: {  	[sflag:s17] =	ssyncset.done $0x0  }
0x7d: {  	[sflag:s17] =	ssyncadd.s32 $0xFFFFEC00  }
0x7e: {  	[hbm4b:s13+s21] =	stream.strided.scatter [tilespmem:s28], [sflag:$0x1], $0x1400, s22, s21, $0x38;
	[tilespmem:$0x9600] =	vst v63  }
0x7f: {  	_ =	swait.ge [sflag:s17], $0x1400  }
0x80: {  	s1 =	sadd.s32 $0x1, s1;
	[sflag:s17] =	ssyncset.done $0x0  }
0x81: {  	p0 =	sne.s32 s1, s15;
	[sflag:s17] =	ssyncadd.s32 $0xFFFFEC00  }
.Ltmp1:
0x82: {  	s16 =	sshrl.u32 s6, $0x3;
	[bflag:$0x0] =	sbarrier.arrive $0xFFFF;
	(pc) =	sbr.rel @p0 .LBB2_1-.Ltmp1, $4  }
0x83: {  	[hbm:s14@s30], [sflag:s18] =	dma.strided [spmem:s16@s31], $0x50, s17, $0x10   }
0x84: {  	_ =	swait.ge [sflag:s17], $0x50  }
0x85: {  	[sflag:s17] =	ssyncset.done $0x0  }
0x86: {  	[sflag:s17] =	ssyncadd.s32 $0xFFFFFFB0  }
0x87: {  	_ =	sfence.sel $0x180000  }
0x88: {  	[bflag:$0x0] =	sbarrier.arrive $0xFFFF  }
0x89: {  	_ =	strace $0x90000053  }
0x8a: {  	s0 =	stileid.u32;
	[bflag:$0x2] =	sbarrier.arrive $0xFFFF  }
0x8b: {  	p0 =	sne.s32 s0, $0x0;
	s0 =	rddreg [dreg:$0x5]  }
0x8c: {  	s0 =	sadd.s32 @!p0 $0x100000, s0  }
0x8d: {  	[sflag:s0] =	ssyncadd.tile.s32 @!p0 $0x1;
	_ =	shalt  }
.Lfunc_end2:
_tile_overlayer_lowered:
.L_overlay_start_2:
0x8e: {  	(tag) =	ssettag $0x2  }
0x8f: {  	s0 =	rddreg [dreg:$0x0];
	s2 =	stileid.u32  }
0x90: {  	s1 =	rddreg [dreg:$0x1];
	p0 =	sne.s32 s2, $0x0  }
0x91: {  	s3 =	rddreg [dreg:$0x2];
	[bflag:$0x3] =	sbarrier.arrive $0xFFFF;
	s2 =	simm.s32 @!p0 $0x1C01  }
0x92: {  	[timem:s3], [sflag:s2] =	dma.local @!p0 [hbm:s0], s1  }
0x93: {  	s0 =	simm.s32 @!p0 $0x1  }
0x94: {  	_ =	swait.ge @!p0 [sflag:s0], s1  }
0x95: {  	s1 =	ssub.s32 @!p0 $0x0, s1;
	[sflag:s0] =	ssyncset.done @!p0 $0x0  }
0x96: {  	[sflag:s0] =	ssyncadd.s32 @!p0 s1  }
0x97: {  	[bflag:$0x3] =	sbarrier.arrive $0xFFFF  }
0x98: {  	_ =	shalt  }

// kernel: kernel.27.cloned.1.call-start
scs
__scs_entry_jumppad:
0x0: {  	(pc) =	sbr.rel $0x88, $3  }
0x1: {  	(tag) =	ssettag $0x0;
	lr =	simm.s32 $0x1  }
0x2: {  	[smem:$0x3F96] =	sst lr;
	_ =	strace $0xD0000000  }
0x3: {  	_ = 	snop  }
0x4: {  	_ = 	snop  }
0x5: {  	_ = 	snop  }
0x6: {  	_ = 	snop  }
0x7: {  	_ = 	snop  }
__scs_overlays_trampoline_lowered:
0x8: {  	[smem:$0x3FA5] =	sst s0  }
0x9: {  	[smem:$0x3FA6] =	sst s1  }
0xa: {  	[smem:$0x3FA7] =	sst s2  }
0xb: {  	[smem:$0x3FA8] =	sst s3  }
0xc: {  	[smem:$0x3FA9] =	sst s4  }
0xd: {  	[smem:$0x3FAA] =	sst s5  }
0xe: {  	[smem:$0x3FAB] =	sst s6  }
0xf: {  	[smem:$0x3FAC] =	sst s7  }
0x10: {  	[smem:$0x3FAD] =	sst s8  }
0x11: {  	[smem:$0x3FAE] =	sst s9;
	s0 =	simm.s32 @!p0 $0x0  }
0x12: {  	s1 =	sld [smem:$0x3F94];
	s0 =	simm.s32 @p0 $0x1  }
0x13: {  	[smem:$0x3FAF] =	sst s0;
	s0 =	simm.s32 @!p1 $0x0  }
0x14: {  	s2 =	sld [smem:$0x3F93];
	s0 =	simm.s32 @p1 $0x1  }
0x15: {  	[smem:$0x3FB0] =	sst s0;
	s0 =	simm.s32 @!p2 $0x0  }
0x16: {  	s3 =	sld [smem:$0x3FDB];
	s0 =	simm.s32 @p2 $0x1  }
0x17: {  	s4 =	simm.s32 $0x1BF5;
	[smem:$0x3FB2] =	sst s0  }
0x18: {  	s0 =	sld [smem:$0x3F95];
	_ =	swait.ge [sflag:s4], $0x0  }
0x19: {  	s7 =	sld [smem:$0x3F96]  }
0x1a: {  	s8 =	sadd.s32 $0xFFFFE003, lr  }
0x1b: {  	s9 =	sadd.s32 $0xFFFFFEF7, lr;
	s5 =	simm.s32 $0xFFFFFFFF;
	p2 =	slt.u32 s8, $0xFFFFF086  }
0x1c: {  	p1 =	slt.u32 s9, $0xF7A;
	s5 =	simm.s32 @!p2 $0x0  }
0x1d: {  	s5 =	simm.s32 @p1 $0x1;
	p0 =	seq.s32 s7, s2  }
0x1e: {  	s7 =	smul.u32 @!p0 $0xF7A, s2;
	p2 =	seq.s32 @!p0 s5, $0x0  }
0x1f: {  	s9 =	smul.u32 $0xF7A, s1;
	s8 =	simm.s32 @!p0 $0x1BF5;
	p2 =	por !p2, p0  }
0x20: {  	[sflag:s8] =	ssyncset.s32 @!p0 $0xFFFFF086;
	s6 =	sadd.s32 @!p0 s3, s7;
	s7 =	simm.s32 @!p0 $0x108  }
0x21: {  	s3 =	sadd.s32 s3, s9;
	s6 =	sadd.s32 @!p0 $0x88, s6;
	s7 =	simm.s32 @p2 $0x1082  }
0x22: {  	[simem:s7], [sflag:s8] =	dma.local @!p0 [hbm:s6], $0xF7A  }
0x23: {  	s9 =	sor.u32 $0xD0000000, s2;
	s6 =	simm.s32 $0x108;
	_ =	swait.ge @!p0 [sflag:s8], $0x0  }
0x24: {  	s3 =	sadd.s32 $0x88, s3;
	s6 =	simm.s32 @!p1 $0x1082;
	[sflag:s4] =	ssyncset.s32 $0xFFFFF086  }
0x25: {  	[simem:s6], [sflag:s4] =	dma.local [hbm:s3], $0xF7A  }
0x26: {  	[smem:$0x3F96] =	sst s1;
	(tag) =	ssettag s2;
	_ =	strace s9  }
0x27: {  	s1 =	sld [smem:$0x3FA6]  }
0x28: {  	s2 =	sld [smem:$0x3FA7]  }
0x29: {  	s4 =	sld [smem:$0x3FA9]  }
0x2a: {  	p0 =	seq.s32 s5, $0x0;
	s5 =	sld [smem:$0x3FAA]  }
0x2b: {  	s6 =	sld [smem:$0x3FAB]  }
0x2c: {  	s7 =	sld [smem:$0x3FAC]  }
0x2d: {  	s3 =	simm.s32 $0x108;
	s8 =	sld [smem:$0x3FAD]  }
0x2e: {  	s3 =	simm.s32 @!p0 $0x1082;
	s9 =	sld [smem:$0x3FAE]  }
0x2f: {  	lr =	sadd.s32 s0, s3;
	s0 =	sld [smem:$0x3FA5]  }
0x30: {  	s3 =	sld [smem:$0x3FA8]  }
0x31: {  	[smem:$0x3FB1] =	sst s10  }
0x32: {  	s10 =	sld [smem:$0x3FAF];
	_ =	sdelay $0x3  }
0x33: {  	p0 =	seq.s32 s10, $0x1;
	s10 =	sld [smem:$0x3FB1];
	_ =	sdelay $0x3  }
0x34: {  	[smem:$0x3FB1] =	sst s10  }
0x35: {  	s10 =	sld [smem:$0x3FB0];
	_ =	sdelay $0x3  }
0x36: {  	p1 =	seq.s32 s10, $0x1;
	s10 =	sld [smem:$0x3FB1];
	_ =	sdelay $0x3  }
0x37: {  	[smem:$0x3FB1] =	sst s10  }
0x38: {  	s10 =	sld [smem:$0x3FB2]  }
0x39: {  	_ = 	snop;
	(pc) =	sbr.ind lr, $3  }
0x3a: {  	_ = 	snop  }
0x3b: {  	_ = 	snop  }
0x3c: {  	p2 =	seq.s32 s10, $0x1;
	s10 =	sld [smem:$0x3FB1]  }
0x3d: {  	_ =	shalt  }
0x3e: {  	_ =	shalt  }
0x3f: {  	_ =	shalt  }
0x40: {  	_ =	shalt  }
0x41: {  	_ =	shalt  }
0x42: {  	_ =	shalt  }
0x43: {  	_ =	shalt  }
0x44: {  	_ =	shalt  }
0x45: {  	_ =	shalt  }
0x46: {  	_ =	shalt  }
0x47: {  	_ =	shalt  }
0x48: {  	_ =	shalt  }
0x49: {  	_ =	shalt  }
0x4a: {  	_ =	shalt  }
0x4b: {  	_ =	shalt  }
0x4c: {  	_ =	shalt  }
0x4d: {  	_ =	shalt  }
0x4e: {  	_ =	shalt  }
0x4f: {  	_ =	shalt  }
0x50: {  	_ =	shalt  }
0x51: {  	_ =	shalt  }
0x52: {  	_ =	shalt  }
0x53: {  	_ =	shalt  }
0x54: {  	_ =	shalt  }
0x55: {  	_ =	shalt  }
0x56: {  	_ =	shalt  }
0x57: {  	_ =	shalt  }
0x58: {  	_ =	shalt  }
0x59: {  	_ =	shalt  }
0x5a: {  	_ =	shalt  }
0x5b: {  	_ =	shalt  }
0x5c: {  	_ =	shalt  }
0x5d: {  	_ =	shalt  }
0x5e: {  	_ =	shalt  }
0x5f: {  	_ =	shalt  }
0x60: {  	_ =	shalt  }
0x61: {  	_ =	shalt  }
0x62: {  	_ =	shalt  }
0x63: {  	_ =	shalt  }
0x64: {  	_ =	shalt  }
0x65: {  	_ =	shalt  }
0x66: {  	_ =	shalt  }
0x67: {  	_ =	shalt  }
0x68: {  	_ =	shalt  }
0x69: {  	_ =	shalt  }
0x6a: {  	_ =	shalt  }
0x6b: {  	_ =	shalt  }
0x6c: {  	_ =	shalt  }
0x6d: {  	_ =	shalt  }
0x6e: {  	_ =	shalt  }
0x6f: {  	_ =	shalt  }
0x70: {  	_ =	shalt  }
0x71: {  	_ =	shalt  }
0x72: {  	_ =	shalt  }
0x73: {  	_ =	shalt  }
0x74: {  	_ =	shalt  }
0x75: {  	_ =	shalt  }
0x76: {  	_ =	shalt  }
0x77: {  	_ =	shalt  }
0x78: {  	_ =	shalt  }
0x79: {  	_ =	shalt  }
0x7a: {  	_ =	shalt  }
0x7b: {  	_ =	shalt  }
0x7c: {  	_ =	shalt  }
0x7d: {  	_ =	shalt  }
0x7e: {  	_ =	shalt  }
0x7f: {  	_ =	shalt  }
0x80: {  	_ =	shalt  }
0x81: {  	_ =	shalt  }
0x82: {  	_ =	shalt  }
0x83: {  	_ =	shalt  }
0x84: {  	_ =	shalt  }
0x85: {  	_ =	shalt  }
0x86: {  	_ =	shalt  }
0x87: {  	_ =	shalt  }
.Lfunc_end0:
.L_simem_size_0:
called_computation.7_lowered:
.L_overlay_start_0:
0x88: {  	s2 =	sld [smem:$0x3FD9]  }
0x89: {  	s3 =	sld [smem:$0x3FFE];
	_ =	sdelay $0x1  }
0x8a: {  	s1 =	srdreg.scid  }
0x8b: {  	s0 =	sand.u32 $0x1, s1  }
0x8c: {  	s17 =	sshll.u32 s0, $0xA;
	s2 =	sadd.s32 s3, s2  }
0x8d: {  	s2 =	sadd.s32 s2, s17  }
0x8e: {  	[smem:$0x3FBD] =	sst s2  }
0x8f: {  	_ = 	snop  }
0x90: {  	(tm) =	ssettm $0x1  }
0x91: {  	s18 =	sld [smem:$0x3FFB];
	_ =	sdelay $0x3  }
0x92: {  	_ =	strace s18  }
0x93: {  	s2 =	sld [smem:$0x3FFC];
	_ =	sdelay $0x3  }
0x94: {  	_ =	strace s2  }
0x95: {  	s2 =	sld [smem:$0x3FFD];
	_ =	sdelay $0x3  }
0x96: {  	_ =	strace s2  }
0x97: {  	_ =	strace $0x8FFFFFFF  }
0x98: {  	s19 =	sld [smem:$0x3FDB];
	_ =	sdelay $0x1  }
0x99: {  	s20 =	simm.s32 $_scs_section_size  }
0x9a: {  	s4 =	simm.s32 $_size__tile_overlayer_lowered;
	s5 =	simm.s32 $_tile_overlayer_lowered  }
0x9b: {  	s6 =	simm.s32 $0x1BFF;
	s21 =	sshll.u32 s5, $0x1;
	s3 =	sadd.s32 s20, s19  }
0x9c: {  	s22 =	simm.s32 $0x0;
	s4 =	sshll.u32 s4, $0x1;
	s5 =	sadd.s32 s21, s3  }
0x9d: {  	[timem:s22], [sflag:s6] =	dma.local [hbm:s5], s4  }
0x9e: {  	_ =	swait.ge [sflag:s6], s4  }
0x9f: {  	s4 =	ssub.s32 $0x0, s4;
	[sflag:s6] =	ssyncset.done $0x0  }
0xa0: {  	[sflag:s6] =	ssyncadd.s32 s4;
	_ =	sdelay $0x1  }
0xa1: {  	s23 =	simm.s32 $0x1B8B  }
0xa2: {  	_ =	swait.ge [sflag:s23], $0x1  }
0xa3: {  	[sflag:s23] =	ssyncset.done $0x0  }
0xa4: {  	[sflag:s23] =	ssyncadd.s32 $0xFFFFFFFF  }
0xa5: {  	s4 =	sld [smem:$0x0]  }
0xa6: {  	s5 =	sand.u32 $0xFFFFFFFE, s1  }
0xa7: {  	p0 =	sne.s32 s1, s5  }
0xa8: {  	s5 =	sshll.u32 @p0 s5, $0xE  }
0xa9: {  	s5 =	sadd.s32 @p0 $0x11B8D, s5;
	s6 =	sshll.u32 @p0 s4, $0x11  }
0xaa: {  	s5 =	sor.u32 @p0 s6, s5  }
0xab: {  	[sflag:s5] =	ssyncadd.remote.s32 @p0 $0x1;
	_ =	sdelay $0x1  }
0xac: {  	s5 =	simm.s32 @p0 $0x1B8D  }
0xad: {  	_ =	swait.eq @p0 [sflag:s5], $0x1  }
0xae: {  	[sflag:s5] =	ssyncadd.s32 @p0 $0xFFFFFFFF  }
0xaf: {  	s6 =	sshll.u32 @!p0 s1, $0xE  }
0xb0: {  	s6 =	sor.u32 @!p0 $0x4000, s6;
	s5 =	simm.s32 @!p0 $0x1B8D  }
0xb1: {  	s4 =	sshll.u32 @!p0 s4, $0x11;
	s6 =	sadd.s32 @!p0 $0x11B8D, s6;
	_ =	swait.eq @!p0 [sflag:s5], $0x1  }
0xb2: {  	s4 =	sor.u32 @!p0 s4, s6;
	[sflag:s5] =	ssyncadd.s32 @!p0 $0xFFFFFFFF  }
0xb3: {  	s25 =	simm.s32 $0x1B8E;
	s24 =	sld [smem:$0x3FFE];
	[sflag:s4] =	ssyncadd.remote.s32 @!p0 $0x1  }
0xb4: {  	s26 =	simm.s32 $execute0_lowered;
	[smem:$0x3FD2] =	sst s25  }
0xb5: {  	s5 =	sshll.u32 s26, $0x1;
	_ =	strace $0x80000058;
	[dreg:$0x1] =	wrdreg $0xFFFFFFFF  }
0xb6: {  	s28 =	simm.s32 $_size_execute0_lowered;
	s3 =	sadd.s32 s3, s5;
	[dreg:$0x0] =	wrdreg $0x0  }
0xb7: {  	s5 =	sshll.u32 s28, $0x1;
	[dreg:$0x2] =	wrdreg s3  }
0xb8: {  	[dreg:$0x3] =	wrdreg s5  }
0xb9: {  	[dreg:$0x4] =	wrdreg $0xC0  }
0xba: {  	_ =	task [dreg:s22], $0x5FFFF  }
0xbb: {  	[dreg:$0x1] =	wrdreg $0xFFFFFFFF  }
0xbc: {  	[dreg:$0x0] =	wrdreg $0x60  }
0xbd: {  	[dreg:$0x2] =	wrdreg s24  }
0xbe: {  	[dreg:$0x3] =	wrdreg $0x64000  }
0xbf: {  	[dreg:$0x4] =	wrdreg $0xA  }
0xc0: {  	_ =	task.clear_ibuf [dreg:s22], $0x5FFFF;
	_ =	strace $0x90000058  }
0xc1: {  	s29 =	simm.s32 $0xA;
	_ =	strace $0x8000005A  }
0xc2: {  	_ =	swait.ge [sflag:s29], $0x1  }
0xc3: {  	[sflag:s29] =	ssyncadd.s32 $0xFFFFFFFF  }
0xc4: {  	_ =	strace $0x9000005A  }
0xc5: {  	_ =	sfence  }
0xc6: {  	s30 =	sld [smem:$0x0];
	_ =	sdelay $0x2  }
0xc7: {  	s31 =	sshll.u32 s1, $0xD;
	s1 =	sshrl.u32 s1, $0x2  }
0xc8: {  	s4 =	sand.u32 $0x4000, s31;
	s1 =	sadd.s32 s1, s30  }
0xc9: {  	s0 =	sor.u32 s4, s0;
	s1 =	sshll.u32 s1, $0x11  }
0xca: {  	s0 =	sor.u32 s1, s0  }
0xcb: {  	s0 =	sadd.s32 $0x8F2B, s0  }
0xcc: {  	[sflag:s0] =	ssyncadd.remote.s32 $0x1  }
0xcd: {  	_ =	sfence.sel $0xFFFF  }
0xce: {  	[dreg:$0x0] =	wrdreg $0xFFFFFFFF;
	(pc) =	sbr.abs _section_cstart, $3  }
0xcf: {  	[dreg:$0x1] =	wrdreg $0xFFFFFFFF  }
0xd0: {  	_ =	task.clear_ibuf [dreg:s22], $0x2FFFF;
	_ =	strace $0x9FFFFFFF  }
0xd1: {  	(tm) =	ssettm $0x7FFFFFFF  }
tec
execute0_lowered:
.L_overlay_start_1:
0x0: {  	(tag) =	ssettag $0x1  }
0x1: {  	s0 =	srdreg.scid;
	s5 =	rddreg [dreg:$0x0]  }
0x2: {  	s2 =	rddreg [dreg:$0x1];
	s12 =	simm.s32 $0x80;
	s13 =	simm.s32 $0x400  }
0x3: {  	s14 =	simm.s32 $0x1400;
	s15 =	simm.s32 $0x2800;
	s16 =	simm.s32 $0x3C00  }
0x4: {  	s17 =	simm.s32 $0x5000;
	s4 =	sand.u32 $0x1, s0;
	s0 =	stileid.u32  }
0x5: {  	s18 =	simm.s32 $0x0;
	s1 =	sshll.u32 s4, $0x4;
	s7 =	sshll.u32 s0, $0x7  }
0x6: {  	s8 =	smul.u32 $0x280, s0;
	s4 =	ssub.s32 $0x2, s4;
	s3 =	sor.u32 s0, s1  }
0x7: {  	s31 =	sshll.u32 s0, $0x6;
	s1 =	rddreg [dreg:$0x2];
	s6 =	sshrl.u32 s3, $0x3  }
0x8: {  	s7 =	sand.u32 $0x380, s7;
	s30 =	sshrl.u32 s4, $0x1;
	s6 =	smul.u32 $0xA000, s6  }
0x9: {  	s3 =	simm.s32 $0x0;
	s29 =	sshrl.u32 s8, $0x3;
	s10 =	ssub.s32 s4, s30  }
0xa: {  	s11 =	sadd.s32 s8, s2;
	[smem:$0x7FF] =	sst s3;
	s6 =	sor.u32 s7, s6  }
0xb: {  	_ =	strace $0x80000059;
	s7 =	sadd.s32 s29, s5;
	s6 =	sshrl.u32 s6, $0x3  }
0xc: {  	s4 =	sadd.s32 $0x17800, s7;
	s9 =	sadd.s32 s6, s5;
	s5 =	sor.u32 $0x1C01, s31  }
0xd: {  	s6 =	sadd.s32 $0x1BA00, s9;
	s7 =	sadd.s32 $0x20A00, s9;
	s8 =	sadd.s32 $0x6800, s9  }
0xe: {  	s9 =	smax.u32 s10, $0x1;
	s10 =	sshrl.u32 s11, $0x3;
	s11 =	simm.s32 $0x1  }
.LBB2_1:
0xf: {  	[spmem:s10], [sflag:s5] =	dma.local [hbm:s4], $0x50  }
0x10: {  	_ =	swait.ge [sflag:s11], $0x50  }
0x11: {  	[sflag:s11] =	ssyncset.done $0x0  }
0x12: {  	[sflag:s11] =	ssyncadd.s32 $0xFFFFFFB0  }
0x13: {  	[tilespmem:s3], [sflag:$0x1] =	stream.strided.gather [hbm4b:s6+s12], $0x1400, s13, s12, $0x38;
	[tilespmem:$0x6680] =	vst v63  }
0x14: {  	_ =	swait.ge [sflag:s11], $0x1400  }
0x15: {  	[sflag:s11] =	ssyncset.done $0x0  }
0x16: {  	[sflag:s11] =	ssyncadd.s32 $0xFFFFEC00  }
0x17: {  	[tilespmem:s14], [sflag:$0x1] =	stream.strided.gather [hbm4b:s7+s12], $0x1400, s13, s12, $0x38;
	[tilespmem:$0x6680] =	vst v63  }
0x18: {  	_ =	swait.ge [sflag:s11], $0x1400  }
0x19: {  	[sflag:s11] =	ssyncset.done $0x0  }
0x1a: {  	[sflag:s11] =	ssyncadd.s32 $0xFFFFEC00  }
0x1b: {  	[bflag:$0x0] =	sbarrier.arrive $0xFFFF  }
0x1c: {  	[tilespmem:s15], [sflag:$0x1] =	stream.indirect.gather [spmem:s2], $0x1, s3, s14, $0xb8;
	[tilespmem:$0x6680] =	vst v63  }
0x1d: {  	_ =	swait.ge [sflag:s11], $0x1400  }
0x1e: {  	[sflag:s11] =	ssyncset.done $0x0  }
0x1f: {  	[sflag:s11] =	ssyncadd.s32 $0xFFFFEC00  }
0x20: {  	[tilespmem:s16], [sflag:$0x1] =	stream.indirect.gather [spmem:s2], $0x1, s14, s14, $0xb8;
	[tilespmem:$0x6680] =	vst v63  }
0x21: {  	_ =	swait.ge [sflag:s11], $0x1400  }
0x22: {  	[sflag:s11] =	ssyncset.done $0x0  }
0x23: {  	s19 =	simm.s32 $0x0;
	[sflag:s11] =	ssyncadd.s32 $0xFFFFEC00  }
0x24: {  	v0 =	vld [tilespmem:s19+$0x2800]  }
0x25: {  	s20 =	simm.s32 $0x40;
	v1 =	vld [tilespmem:s19+$0x3C00]  }
.LBB2_2:
0x26: {  	_ = 	snop  }
0x27: {  	p0 =	sne.s32 s20, $0x4FC0  }
.Ltmp0:
0x28: {  	_ = 	snop;
	(pc) =	sbr.rel @p0 .LBB2_2-.Ltmp0, $4  }
0x29: {  	_ = 	snop  }
0x2a: {  	s21 =	sshra.s32 s20, $0x2;
	v2 =	vmul.f32 v1, v0  }
0x2b: {  	v0 =	vld [tilespmem:s21+$0x2800]  }
0x2c: {  	s20 =	sadd.s32 $0x40, s20;
	v1 =	vld [tilespmem:s21+$0x3C00];
	[tilespmem:s19+$0x5000] =	vst v2;
	s19 =	smov.u32 s21  }
0x2d: {  	_ =	sdelay $0x3  }
0x2e: {  	s18 =	sadd.s32 $0x1, s18;
	v0 =	vmul.f32 v1, v0  }
0x2f: {  	p0 =	sne.s32 s18, s9  }
.Ltmp1:
0x30: {  	[tilespmem:s19+$0x5000] =	vst v0;
	(pc) =	sbr.rel @p0 .LBB2_1-.Ltmp1, $4  }
0x31: {  	[hbm4b:s8+s12] =	stream.strided.scatter [tilespmem:s17], [sflag:$0x1], $0x1400, s13, s12, $0x38;
	[tilespmem:$0x6680] =	vst v63  }
0x32: {  	_ =	swait.ge [sflag:s11], $0x1400  }
0x33: {  	[sflag:s11] =	ssyncset.done $0x0  }
0x34: {  	[sflag:s11] =	ssyncadd.s32 $0xFFFFEC00  }
0x35: {  	_ =	sfence.sel $0x180000  }
0x36: {  	[bflag:$0x0] =	sbarrier.arrive $0xFFFF  }
0x37: {  	p0 =	sne.s32 s0, $0x0;
	_ =	strace $0x90000059  }
0x38: {  	s0 =	sadd.s32 @!p0 $0x100000, s1;
	[bflag:$0x2] =	sbarrier.arrive $0xFFFF  }
0x39: {  	[sflag:s0] =	ssyncadd.tile.s32 @!p0 $0x1;
	_ =	shalt  }
.Lfunc_end2:
_tile_overlayer_lowered:
.L_overlay_start_2:
0x3a: {  	(tag) =	ssettag $0x2  }
0x3b: {  	s0 =	rddreg [dreg:$0x0];
	s2 =	stileid.u32  }
0x3c: {  	s1 =	rddreg [dreg:$0x1];
	p0 =	sne.s32 s2, $0x0  }
0x3d: {  	s3 =	rddreg [dreg:$0x2];
	[bflag:$0x3] =	sbarrier.arrive $0xFFFF;
	s2 =	simm.s32 @!p0 $0x1C01  }
0x3e: {  	[timem:s3], [sflag:s2] =	dma.local @!p0 [hbm:s0], s1  }
0x3f: {  	s0 =	simm.s32 @!p0 $0x1  }
0x40: {  	_ =	swait.ge @!p0 [sflag:s0], s1  }
0x41: {  	s1 =	ssub.s32 @!p0 $0x0, s1;
	[sflag:s0] =	ssyncset.done @!p0 $0x0  }
0x42: {  	[sflag:s0] =	ssyncadd.s32 @!p0 s1  }
0x43: {  	[bflag:$0x3] =	sbarrier.arrive $0xFFFF  }
0x44: {  	_ =	shalt  }

// kernel: kernel.30.cloned.1.call-start
scs
__scs_entry_jumppad:
0x0: {  	(pc) =	sbr.rel $0x88, $3  }
0x1: {  	(tag) =	ssettag $0x0;
	lr =	simm.s32 $0x1  }
0x2: {  	[smem:$0x3F96] =	sst lr;
	_ =	strace $0xD0000000  }
0x3: {  	_ = 	snop  }
0x4: {  	_ = 	snop  }
0x5: {  	_ = 	snop  }
0x6: {  	_ = 	snop  }
0x7: {  	_ = 	snop  }
__scs_overlays_trampoline_lowered:
0x8: {  	[smem:$0x3FA5] =	sst s0  }
0x9: {  	[smem:$0x3FA6] =	sst s1  }
0xa: {  	[smem:$0x3FA7] =	sst s2  }
0xb: {  	[smem:$0x3FA8] =	sst s3  }
0xc: {  	[smem:$0x3FA9] =	sst s4  }
0xd: {  	[smem:$0x3FAA] =	sst s5  }
0xe: {  	[smem:$0x3FAB] =	sst s6  }
0xf: {  	[smem:$0x3FAC] =	sst s7  }
0x10: {  	[smem:$0x3FAD] =	sst s8  }
0x11: {  	[smem:$0x3FAE] =	sst s9;
	s0 =	simm.s32 @!p0 $0x0  }
0x12: {  	s1 =	sld [smem:$0x3F94];
	s0 =	simm.s32 @p0 $0x1  }
0x13: {  	[smem:$0x3FAF] =	sst s0;
	s0 =	simm.s32 @!p1 $0x0  }
0x14: {  	s2 =	sld [smem:$0x3F93];
	s0 =	simm.s32 @p1 $0x1  }
0x15: {  	[smem:$0x3FB0] =	sst s0;
	s0 =	simm.s32 @!p2 $0x0  }
0x16: {  	s3 =	sld [smem:$0x3FDB];
	s0 =	simm.s32 @p2 $0x1  }
0x17: {  	s4 =	simm.s32 $0x1BF5;
	[smem:$0x3FB2] =	sst s0  }
0x18: {  	s0 =	sld [smem:$0x3F95];
	_ =	swait.ge [sflag:s4], $0x0  }
0x19: {  	s7 =	sld [smem:$0x3F96]  }
0x1a: {  	s8 =	sadd.s32 $0xFFFFE003, lr  }
0x1b: {  	s9 =	sadd.s32 $0xFFFFFEF7, lr;
	s5 =	simm.s32 $0xFFFFFFFF;
	p2 =	slt.u32 s8, $0xFFFFF086  }
0x1c: {  	p1 =	slt.u32 s9, $0xF7A;
	s5 =	simm.s32 @!p2 $0x0  }
0x1d: {  	s5 =	simm.s32 @p1 $0x1;
	p0 =	seq.s32 s7, s2  }
0x1e: {  	s7 =	smul.u32 @!p0 $0xF7A, s2;
	p2 =	seq.s32 @!p0 s5, $0x0  }
0x1f: {  	s9 =	smul.u32 $0xF7A, s1;
	s8 =	simm.s32 @!p0 $0x1BF5;
	p2 =	por !p2, p0  }
0x20: {  	[sflag:s8] =	ssyncset.s32 @!p0 $0xFFFFF086;
	s6 =	sadd.s32 @!p0 s3, s7;
	s7 =	simm.s32 @!p0 $0x108  }
0x21: {  	s3 =	sadd.s32 s3, s9;
	s6 =	sadd.s32 @!p0 $0x88, s6;
	s7 =	simm.s32 @p2 $0x1082  }
0x22: {  	[simem:s7], [sflag:s8] =	dma.local @!p0 [hbm:s6], $0xF7A  }
0x23: {  	s9 =	sor.u32 $0xD0000000, s2;
	s6 =	simm.s32 $0x108;
	_ =	swait.ge @!p0 [sflag:s8], $0x0  }
0x24: {  	s3 =	sadd.s32 $0x88, s3;
	s6 =	simm.s32 @!p1 $0x1082;
	[sflag:s4] =	ssyncset.s32 $0xFFFFF086  }
0x25: {  	[simem:s6], [sflag:s4] =	dma.local [hbm:s3], $0xF7A  }
0x26: {  	[smem:$0x3F96] =	sst s1;
	(tag) =	ssettag s2;
	_ =	strace s9  }
0x27: {  	s1 =	sld [smem:$0x3FA6]  }
0x28: {  	s2 =	sld [smem:$0x3FA7]  }
0x29: {  	s4 =	sld [smem:$0x3FA9]  }
0x2a: {  	p0 =	seq.s32 s5, $0x0;
	s5 =	sld [smem:$0x3FAA]  }
0x2b: {  	s6 =	sld [smem:$0x3FAB]  }
0x2c: {  	s7 =	sld [smem:$0x3FAC]  }
0x2d: {  	s3 =	simm.s32 $0x108;
	s8 =	sld [smem:$0x3FAD]  }
0x2e: {  	s3 =	simm.s32 @!p0 $0x1082;
	s9 =	sld [smem:$0x3FAE]  }
0x2f: {  	lr =	sadd.s32 s0, s3;
	s0 =	sld [smem:$0x3FA5]  }
0x30: {  	s3 =	sld [smem:$0x3FA8]  }
0x31: {  	[smem:$0x3FB1] =	sst s10  }
0x32: {  	s10 =	sld [smem:$0x3FAF];
	_ =	sdelay $0x3  }
0x33: {  	p0 =	seq.s32 s10, $0x1;
	s10 =	sld [smem:$0x3FB1];
	_ =	sdelay $0x3  }
0x34: {  	[smem:$0x3FB1] =	sst s10  }
0x35: {  	s10 =	sld [smem:$0x3FB0];
	_ =	sdelay $0x3  }
0x36: {  	p1 =	seq.s32 s10, $0x1;
	s10 =	sld [smem:$0x3FB1];
	_ =	sdelay $0x3  }
0x37: {  	[smem:$0x3FB1] =	sst s10  }
0x38: {  	s10 =	sld [smem:$0x3FB2]  }
0x39: {  	_ = 	snop;
	(pc) =	sbr.ind lr, $3  }
0x3a: {  	_ = 	snop  }
0x3b: {  	_ = 	snop  }
0x3c: {  	p2 =	seq.s32 s10, $0x1;
	s10 =	sld [smem:$0x3FB1]  }
0x3d: {  	_ =	shalt  }
0x3e: {  	_ =	shalt  }
0x3f: {  	_ =	shalt  }
0x40: {  	_ =	shalt  }
0x41: {  	_ =	shalt  }
0x42: {  	_ =	shalt  }
0x43: {  	_ =	shalt  }
0x44: {  	_ =	shalt  }
0x45: {  	_ =	shalt  }
0x46: {  	_ =	shalt  }
0x47: {  	_ =	shalt  }
0x48: {  	_ =	shalt  }
0x49: {  	_ =	shalt  }
0x4a: {  	_ =	shalt  }
0x4b: {  	_ =	shalt  }
0x4c: {  	_ =	shalt  }
0x4d: {  	_ =	shalt  }
0x4e: {  	_ =	shalt  }
0x4f: {  	_ =	shalt  }
0x50: {  	_ =	shalt  }
0x51: {  	_ =	shalt  }
0x52: {  	_ =	shalt  }
0x53: {  	_ =	shalt  }
0x54: {  	_ =	shalt  }
0x55: {  	_ =	shalt  }
0x56: {  	_ =	shalt  }
0x57: {  	_ =	shalt  }
0x58: {  	_ =	shalt  }
0x59: {  	_ =	shalt  }
0x5a: {  	_ =	shalt  }
0x5b: {  	_ =	shalt  }
0x5c: {  	_ =	shalt  }
0x5d: {  	_ =	shalt  }
0x5e: {  	_ =	shalt  }
0x5f: {  	_ =	shalt  }
0x60: {  	_ =	shalt  }
0x61: {  	_ =	shalt  }
0x62: {  	_ =	shalt  }
0x63: {  	_ =	shalt  }
0x64: {  	_ =	shalt  }
0x65: {  	_ =	shalt  }
0x66: {  	_ =	shalt  }
0x67: {  	_ =	shalt  }
0x68: {  	_ =	shalt  }
0x69: {  	_ =	shalt  }
0x6a: {  	_ =	shalt  }
0x6b: {  	_ =	shalt  }
0x6c: {  	_ =	shalt  }
0x6d: {  	_ =	shalt  }
0x6e: {  	_ =	shalt  }
0x6f: {  	_ =	shalt  }
0x70: {  	_ =	shalt  }
0x71: {  	_ =	shalt  }
0x72: {  	_ =	shalt  }
0x73: {  	_ =	shalt  }
0x74: {  	_ =	shalt  }
0x75: {  	_ =	shalt  }
0x76: {  	_ =	shalt  }
0x77: {  	_ =	shalt  }
0x78: {  	_ =	shalt  }
0x79: {  	_ =	shalt  }
0x7a: {  	_ =	shalt  }
0x7b: {  	_ =	shalt  }
0x7c: {  	_ =	shalt  }
0x7d: {  	_ =	shalt  }
0x7e: {  	_ =	shalt  }
0x7f: {  	_ =	shalt  }
0x80: {  	_ =	shalt  }
0x81: {  	_ =	shalt  }
0x82: {  	_ =	shalt  }
0x83: {  	_ =	shalt  }
0x84: {  	_ =	shalt  }
0x85: {  	_ =	shalt  }
0x86: {  	_ =	shalt  }
0x87: {  	_ =	shalt  }
.Lfunc_end0:
.L_simem_size_0:
called_computation.8_lowered:
.L_overlay_start_0:
0x88: {  	s2 =	sld [smem:$0x3FD9]  }
0x89: {  	s3 =	sld [smem:$0x3FFE];
	_ =	sdelay $0x1  }
0x8a: {  	s1 =	srdreg.scid  }
0x8b: {  	s0 =	sand.u32 $0x1, s1  }
0x8c: {  	s14 =	sshll.u32 s0, $0xA;
	s2 =	sadd.s32 s3, s2  }
0x8d: {  	s2 =	sadd.s32 s2, s14  }
0x8e: {  	[smem:$0x3FBD] =	sst s2  }
0x8f: {  	_ = 	snop  }
0x90: {  	s2 =	sld [smem:$0x3FD0];
	_ =	sdelay $0x2  }
0x91: {  	s15 =	simm.s32 $0xB;
	s4 =	simm.s32 $0x10  }
0x92: {  	[smem:s4], [sflag:s15] =	dma.local [hbm:s2], $0x1  }
0x93: {  	_ =	swait.eq [sflag:s15], $0x1  }
0x94: {  	[sflag:s15] =	ssyncset.done $0x0  }
0x95: {  	s16 =	sld [smem:$0x12];
	[sflag:s15] =	ssyncadd.s32 $0xFFFFFFFF  }
0x96: {  	s17 =	sld [smem:$0x13];
	(tm) =	ssettm $0x1  }
0x97: {  	s18 =	sld [smem:$0x3FFB];
	_ =	sdelay $0x3  }
0x98: {  	_ =	strace s18  }
0x99: {  	s4 =	sld [smem:$0x3FFC];
	_ =	sdelay $0x3  }
0x9a: {  	_ =	strace s4  }
0x9b: {  	s4 =	sld [smem:$0x3FFD];
	_ =	sdelay $0x3  }
0x9c: {  	_ =	strace s4  }
0x9d: {  	_ =	strace $0x8FFFFFFF  }
0x9e: {  	s19 =	sld [smem:$0x3FDB];
	_ =	sdelay $0x1  }
0x9f: {  	s5 =	simm.s32 $_scs_section_size  }
0xa0: {  	s6 =	simm.s32 $_size__tile_overlayer_lowered;
	s7 =	simm.s32 $_tile_overlayer_lowered  }
0xa1: {  	s22 =	simm.s32 $0x1BFF;
	s21 =	sshll.u32 s7, $0x1;
	s4 =	sadd.s32 s5, s19  }
0xa2: {  	s8 =	simm.s32 $0x0;
	s20 =	sshll.u32 s6, $0x1;
	s6 =	sadd.s32 s21, s4  }
0xa3: {  	[timem:s8], [sflag:s22] =	dma.local [hbm:s6], s20  }
0xa4: {  	_ =	swait.ge [sflag:s22], s20  }
0xa5: {  	s5 =	ssub.s32 $0x0, s20;
	[sflag:s22] =	ssyncset.done $0x0  }
0xa6: {  	[sflag:s22] =	ssyncadd.s32 s5;
	_ =	sdelay $0x1  }
0xa7: {  	s23 =	simm.s32 $0x1B8B  }
0xa8: {  	_ =	swait.ge [sflag:s23], $0x1  }
0xa9: {  	[sflag:s23] =	ssyncset.done $0x0  }
0xaa: {  	s25 =	simm.s32 $0x1B8E;
	s24 =	sld [smem:$0x3FFE];
	[sflag:s23] =	ssyncadd.s32 $0xFFFFFFFF  }
0xab: {  	s26 =	simm.s32 $execute0_lowered;
	[smem:$0x3FD2] =	sst s25  }
0xac: {  	s6 =	sshll.u32 s26, $0x1;
	_ =	strace $0x8000005E;
	[dreg:$0x1] =	wrdreg $0xFFFFFFFF  }
0xad: {  	s28 =	simm.s32 $_size_execute0_lowered;
	s4 =	sadd.s32 s4, s6;
	[dreg:$0x0] =	wrdreg $0x0  }
0xae: {  	s6 =	sshll.u32 s28, $0x1;
	[dreg:$0x2] =	wrdreg s4  }
0xaf: {  	[dreg:$0x3] =	wrdreg s6  }
0xb0: {  	[dreg:$0x4] =	wrdreg $0xC0  }
0xb1: {  	_ =	task [dreg:s8], $0x5FFFF  }
0xb2: {  	[dreg:$0x1] =	wrdreg $0xFFFFFFFF  }
0xb3: {  	[dreg:$0x0] =	wrdreg $0x60  }
0xb4: {  	[dreg:$0x2] =	wrdreg s16  }
0xb5: {  	[dreg:$0x3] =	wrdreg s24  }
0xb6: {  	[dreg:$0x4] =	wrdreg s17  }
0xb7: {  	[dreg:$0x5] =	wrdreg $0x9  }
0xb8: {  	_ =	task.clear_ibuf [dreg:s8], $0x6FFFF;
	_ =	strace $0x9000005E  }
0xb9: {  	s29 =	simm.s32 $0x9;
	_ =	strace $0x80000060  }
0xba: {  	_ =	swait.ge [sflag:s29], $0x1  }
0xbb: {  	[sflag:s29] =	ssyncadd.s32 $0xFFFFFFFF  }
0xbc: {  	_ =	strace $0x90000060  }
0xbd: {  	_ =	sfence  }
0xbe: {  	s30 =	sld [smem:$0x0];
	_ =	sdelay $0x2  }
0xbf: {  	s31 =	sshll.u32 s1, $0xD;
	s1 =	sshrl.u32 s1, $0x2  }
0xc0: {  	s3 =	sand.u32 $0x4000, s31;
	s1 =	sadd.s32 s1, s30  }
0xc1: {  	s0 =	sor.u32 s3, s0;
	s1 =	sshll.u32 s1, $0x11  }
0xc2: {  	s0 =	sor.u32 s1, s0  }
0xc3: {  	s0 =	sadd.s32 $0x8F2B, s0  }
0xc4: {  	[sflag:s0] =	ssyncadd.remote.s32 $0x1  }
0xc5: {  	_ =	sfence.sel $0xFFFF  }
0xc6: {  	[dreg:$0x0] =	wrdreg $0xFFFFFFFF;
	(pc) =	sbr.abs _section_cstart, $3  }
0xc7: {  	[dreg:$0x1] =	wrdreg $0xFFFFFFFF  }
0xc8: {  	_ =	task.clear_ibuf [dreg:s8], $0x2FFFF;
	_ =	strace $0x9FFFFFFF  }
0xc9: {  	(tm) =	ssettm $0x7FFFFFFF  }
tec
execute0_lowered:
.L_overlay_start_1:
0x0: {  	(tag) =	ssettag $0x1  }
0x1: {  	s0 =	srdreg.scid  }
0x2: {  	s8 =	sand.u32 $0x1, s0  }
0x3: {  	s0 =	stileid.u32;
	s1 =	sshll.u32 s8, $0x4  }
0x4: {  	s11 =	sor.u32 s0, s1  }
0x5: {  	s2 =	rddreg [dreg:$0x0];
	s1 =	sshrl.u32 s11, $0x3  }
0x6: {  	s4 =	rddreg [dreg:$0x1];
	s3 =	sshll.u32 s0, $0x7;
	s1 =	smul.u32 $0xC00, s1  }
0x7: {  	s12 =	rddreg [dreg:$0x2];
	s3 =	sand.u32 $0x380, s3  }
0x8: {  	s7 =	simm.s32 $0x400;
	s6 =	simm.s32 $0x2;
	s5 =	sor.u32 s3, s1  }
0x9: {  	s1 =	rddreg [dreg:$0x3];
	s3 =	simm.s32 $0x0;
	s5 =	sshrl.u32 s5, $0x3  }
0xa: {  	s13 =	ssub.s32 $0x2, s8;
	[smem:$0x7FF] =	sst s3;
	s4 =	sadd.s32 s5, s4  }
0xb: {  	_ =	strace $0x8000005F;
	s5 =	simm.s32 $0x80;
	s4 =	sadd.s32 $0x6800, s4  }
0xc: {  	[tilespmem:s3], [sflag:$0x2] =	stream.strided.gather [hbm4b:s4+s5], $0x180, s7, s5, $0x38;
	[tilespmem:$0xA180] =	vst v63  }
0xd: {  	s9 =	simm.s32 $0x180;
	s14 =	sshrl.u32 s13, $0x1;
	_ =	swait.ge [sflag:s6], $0x180  }
0xe: {  	s10 =	simm.s32 $0x1;
	s13 =	ssub.s32 s13, s14;
	[sflag:s6] =	ssyncset.done $0x0  }
0xf: {  	s8 =	simm.s32 $0x140;
	s31 =	smax.u32 s13, $0x1;
	[sflag:s6] =	ssyncadd.s32 $0xFFFFFE80  }
0x10: {  	[tilespmem:s9], [sflag:$0x1] =	stream.indirect.gather [hbm4b:s2+s8], $0x80, s3, s8, $0xb8;
	[tilespmem:$0xA180] =	vst v63  }
0x11: {  	s11 =	smul.u32 $0x1400, s11;
	p0 =	sne.s32 s31, $0x1;
	_ =	swait.ge [sflag:s10], $0xA000  }
.Ltmp0:
0x12: {  	[sflag:s10] =	ssyncset.done $0x0;
	(pc) =	sbr.rel @!p0 .LBB2_2-.Ltmp0, $4  }
0x13: {  	s11 =	sadd.s32 s12, s11;
	[sflag:s10] =	ssyncadd.s32 $0xFFFF6000  }
0x14: {  	[hbm4b:s11+s3] =	stream.linear.scatter [tilespmem:s9], [sflag:$0x2], $0xA000, $0x38;
	[tilespmem:$0xA180] =	vst v63  }
0x15: {  	_ =	swait.ge [sflag:s6], $0xA000  }
0x16: {  	s12 =	sadd.s32 $0xFFFFFFFF, s31;
	[sflag:s6] =	ssyncset.done $0x0  }
.LBB2_1:
0x17: {  	p0 =	sne.s32 s12, $0x1;
	s12 =	sadd.s32 $0xFFFFFFFF, s12;
	[sflag:s6] =	ssyncadd.s32 $0xFFFF6000  }
0x18: {  	[tilespmem:s3], [sflag:$0x2] =	stream.strided.gather [hbm4b:s4+s5], $0x180, s7, s5, $0x38;
	[tilespmem:$0xA180] =	vst v63  }
0x19: {  	_ =	swait.ge [sflag:s6], $0x180  }
0x1a: {  	[sflag:s6] =	ssyncset.done $0x0  }
0x1b: {  	[sflag:s6] =	ssyncadd.s32 $0xFFFFFE80  }
0x1c: {  	[tilespmem:s9], [sflag:$0x1] =	stream.indirect.gather [hbm4b:s2+s8], $0x80, s3, s8, $0xb8;
	[tilespmem:$0xA180] =	vst v63  }
0x1d: {  	_ =	swait.ge [sflag:s10], $0xA000  }
.Ltmp1:
0x1e: {  	[sflag:s10] =	ssyncset.done $0x0;
	(pc) =	sbr.rel @p0 .LBB2_1-.Ltmp1, $4  }
0x1f: {  	[sflag:s10] =	ssyncadd.s32 $0xFFFF6000  }
0x20: {  	[hbm4b:s11+s3] =	stream.linear.scatter [tilespmem:s9], [sflag:$0x2], $0xA000, $0x38;
	[tilespmem:$0xA180] =	vst v63  }
0x21: {  	_ =	swait.ge [sflag:s6], $0xA000  }
0x22: {  	[sflag:s6] =	ssyncset.done $0x0  }
.LBB2_2:
0x23: {  	[sflag:s6] =	ssyncadd.s32 $0xFFFF6000  }
0x24: {  	_ =	sfence.sel $0x180000  }
0x25: {  	[bflag:$0x0] =	sbarrier.arrive $0xFFFF  }
0x26: {  	p0 =	sne.s32 s0, $0x0;
	_ =	strace $0x9000005F  }
0x27: {  	s0 =	sadd.s32 @!p0 $0x100000, s1;
	[bflag:$0x2] =	sbarrier.arrive $0xFFFF  }
0x28: {  	[sflag:s0] =	ssyncadd.tile.s32 @!p0 $0x1;
	_ =	shalt  }
.Lfunc_end2:
_tile_overlayer_lowered:
.L_overlay_start_2:
0x29: {  	(tag) =	ssettag $0x2  }
0x2a: {  	s0 =	rddreg [dreg:$0x0];
	s2 =	stileid.u32  }
0x2b: {  	s1 =	rddreg [dreg:$0x1];
	p0 =	sne.s32 s2, $0x0  }
0x2c: {  	s3 =	rddreg [dreg:$0x2];
	[bflag:$0x3] =	sbarrier.arrive $0xFFFF;
	s2 =	simm.s32 @!p0 $0x1C02  }
0x2d: {  	[timem:s3], [sflag:s2] =	dma.local @!p0 [hbm:s0], s1  }
0x2e: {  	s0 =	simm.s32 @!p0 $0x2  }
0x2f: {  	_ =	swait.ge @!p0 [sflag:s0], s1  }
0x30: {  	s1 =	ssub.s32 @!p0 $0x0, s1;
	[sflag:s0] =	ssyncset.done @!p0 $0x0  }
0x31: {  	[sflag:s0] =	ssyncadd.s32 @!p0 s1  }
0x32: {  	[bflag:$0x3] =	sbarrier.arrive $0xFFFF  }
0x33: {  	_ =	shalt  }

// kernel: kernel.33.cloned.1.call-start
scs
__scs_entry_jumppad:
0x0: {  	(pc) =	sbr.rel $0x88, $3  }
0x1: {  	(tag) =	ssettag $0x0;
	lr =	simm.s32 $0x1  }
0x2: {  	[smem:$0x3F96] =	sst lr;
	_ =	strace $0xD0000000  }
0x3: {  	_ = 	snop  }
0x4: {  	_ = 	snop  }
0x5: {  	_ = 	snop  }
0x6: {  	_ = 	snop  }
0x7: {  	_ = 	snop  }
__scs_overlays_trampoline_lowered:
0x8: {  	[smem:$0x3FA5] =	sst s0  }
0x9: {  	[smem:$0x3FA6] =	sst s1  }
0xa: {  	[smem:$0x3FA7] =	sst s2  }
0xb: {  	[smem:$0x3FA8] =	sst s3  }
0xc: {  	[smem:$0x3FA9] =	sst s4  }
0xd: {  	[smem:$0x3FAA] =	sst s5  }
0xe: {  	[smem:$0x3FAB] =	sst s6  }
0xf: {  	[smem:$0x3FAC] =	sst s7  }
0x10: {  	[smem:$0x3FAD] =	sst s8  }
0x11: {  	[smem:$0x3FAE] =	sst s9;
	s0 =	simm.s32 @!p0 $0x0  }
0x12: {  	s1 =	sld [smem:$0x3F94];
	s0 =	simm.s32 @p0 $0x1  }
0x13: {  	[smem:$0x3FAF] =	sst s0;
	s0 =	simm.s32 @!p1 $0x0  }
0x14: {  	s2 =	sld [smem:$0x3F93];
	s0 =	simm.s32 @p1 $0x1  }
0x15: {  	[smem:$0x3FB0] =	sst s0;
	s0 =	simm.s32 @!p2 $0x0  }
0x16: {  	s3 =	sld [smem:$0x3FDB];
	s0 =	simm.s32 @p2 $0x1  }
0x17: {  	s4 =	simm.s32 $0x1BF5;
	[smem:$0x3FB2] =	sst s0  }
0x18: {  	s0 =	sld [smem:$0x3F95];
	_ =	swait.ge [sflag:s4], $0x0  }
0x19: {  	s7 =	sld [smem:$0x3F96]  }
0x1a: {  	s8 =	sadd.s32 $0xFFFFE003, lr  }
0x1b: {  	s9 =	sadd.s32 $0xFFFFFEF7, lr;
	s5 =	simm.s32 $0xFFFFFFFF;
	p2 =	slt.u32 s8, $0xFFFFF086  }
0x1c: {  	p1 =	slt.u32 s9, $0xF7A;
	s5 =	simm.s32 @!p2 $0x0  }
0x1d: {  	s5 =	simm.s32 @p1 $0x1;
	p0 =	seq.s32 s7, s2  }
0x1e: {  	s7 =	smul.u32 @!p0 $0xF7A, s2;
	p2 =	seq.s32 @!p0 s5, $0x0  }
0x1f: {  	s9 =	smul.u32 $0xF7A, s1;
	s8 =	simm.s32 @!p0 $0x1BF5;
	p2 =	por !p2, p0  }
0x20: {  	[sflag:s8] =	ssyncset.s32 @!p0 $0xFFFFF086;
	s6 =	sadd.s32 @!p0 s3, s7;
	s7 =	simm.s32 @!p0 $0x108  }
0x21: {  	s3 =	sadd.s32 s3, s9;
	s6 =	sadd.s32 @!p0 $0x88, s6;
	s7 =	simm.s32 @p2 $0x1082  }
0x22: {  	[simem:s7], [sflag:s8] =	dma.local @!p0 [hbm:s6], $0xF7A  }
0x23: {  	s9 =	sor.u32 $0xD0000000, s2;
	s6 =	simm.s32 $0x108;
	_ =	swait.ge @!p0 [sflag:s8], $0x0  }
0x24: {  	s3 =	sadd.s32 $0x88, s3;
	s6 =	simm.s32 @!p1 $0x1082;
	[sflag:s4] =	ssyncset.s32 $0xFFFFF086  }
0x25: {  	[simem:s6], [sflag:s4] =	dma.local [hbm:s3], $0xF7A  }
0x26: {  	[smem:$0x3F96] =	sst s1;
	(tag) =	ssettag s2;
	_ =	strace s9  }
0x27: {  	s1 =	sld [smem:$0x3FA6]  }
0x28: {  	s2 =	sld [smem:$0x3FA7]  }
0x29: {  	s4 =	sld [smem:$0x3FA9]  }
0x2a: {  	p0 =	seq.s32 s5, $0x0;
	s5 =	sld [smem:$0x3FAA]  }
0x2b: {  	s6 =	sld [smem:$0x3FAB]  }
0x2c: {  	s7 =	sld [smem:$0x3FAC]  }
0x2d: {  	s3 =	simm.s32 $0x108;
	s8 =	sld [smem:$0x3FAD]  }
0x2e: {  	s3 =	simm.s32 @!p0 $0x1082;
	s9 =	sld [smem:$0x3FAE]  }
0x2f: {  	lr =	sadd.s32 s0, s3;
	s0 =	sld [smem:$0x3FA5]  }
0x30: {  	s3 =	sld [smem:$0x3FA8]  }
0x31: {  	[smem:$0x3FB1] =	sst s10  }
0x32: {  	s10 =	sld [smem:$0x3FAF];
	_ =	sdelay $0x3  }
0x33: {  	p0 =	seq.s32 s10, $0x1;
	s10 =	sld [smem:$0x3FB1];
	_ =	sdelay $0x3  }
0x34: {  	[smem:$0x3FB1] =	sst s10  }
0x35: {  	s10 =	sld [smem:$0x3FB0];
	_ =	sdelay $0x3  }
0x36: {  	p1 =	seq.s32 s10, $0x1;
	s10 =	sld [smem:$0x3FB1];
	_ =	sdelay $0x3  }
0x37: {  	[smem:$0x3FB1] =	sst s10  }
0x38: {  	s10 =	sld [smem:$0x3FB2]  }
0x39: {  	_ = 	snop;
	(pc) =	sbr.ind lr, $3  }
0x3a: {  	_ = 	snop  }
0x3b: {  	_ = 	snop  }
0x3c: {  	p2 =	seq.s32 s10, $0x1;
	s10 =	sld [smem:$0x3FB1]  }
0x3d: {  	_ =	shalt  }
0x3e: {  	_ =	shalt  }
0x3f: {  	_ =	shalt  }
0x40: {  	_ =	shalt  }
0x41: {  	_ =	shalt  }
0x42: {  	_ =	shalt  }
0x43: {  	_ =	shalt  }
0x44: {  	_ =	shalt  }
0x45: {  	_ =	shalt  }
0x46: {  	_ =	shalt  }
0x47: {  	_ =	shalt  }
0x48: {  	_ =	shalt  }
0x49: {  	_ =	shalt  }
0x4a: {  	_ =	shalt  }
0x4b: {  	_ =	shalt  }
0x4c: {  	_ =	shalt  }
0x4d: {  	_ =	shalt  }
0x4e: {  	_ =	shalt  }
0x4f: {  	_ =	shalt  }
0x50: {  	_ =	shalt  }
0x51: {  	_ =	shalt  }
0x52: {  	_ =	shalt  }
0x53: {  	_ =	shalt  }
0x54: {  	_ =	shalt  }
0x55: {  	_ =	shalt  }
0x56: {  	_ =	shalt  }
0x57: {  	_ =	shalt  }
0x58: {  	_ =	shalt  }
0x59: {  	_ =	shalt  }
0x5a: {  	_ =	shalt  }
0x5b: {  	_ =	shalt  }
0x5c: {  	_ =	shalt  }
0x5d: {  	_ =	shalt  }
0x5e: {  	_ =	shalt  }
0x5f: {  	_ =	shalt  }
0x60: {  	_ =	shalt  }
0x61: {  	_ =	shalt  }
0x62: {  	_ =	shalt  }
0x63: {  	_ =	shalt  }
0x64: {  	_ =	shalt  }
0x65: {  	_ =	shalt  }
0x66: {  	_ =	shalt  }
0x67: {  	_ =	shalt  }
0x68: {  	_ =	shalt  }
0x69: {  	_ =	shalt  }
0x6a: {  	_ =	shalt  }
0x6b: {  	_ =	shalt  }
0x6c: {  	_ =	shalt  }
0x6d: {  	_ =	shalt  }
0x6e: {  	_ =	shalt  }
0x6f: {  	_ =	shalt  }
0x70: {  	_ =	shalt  }
0x71: {  	_ =	shalt  }
0x72: {  	_ =	shalt  }
0x73: {  	_ =	shalt  }
0x74: {  	_ =	shalt  }
0x75: {  	_ =	shalt  }
0x76: {  	_ =	shalt  }
0x77: {  	_ =	shalt  }
0x78: {  	_ =	shalt  }
0x79: {  	_ =	shalt  }
0x7a: {  	_ =	shalt  }
0x7b: {  	_ =	shalt  }
0x7c: {  	_ =	shalt  }
0x7d: {  	_ =	shalt  }
0x7e: {  	_ =	shalt  }
0x7f: {  	_ =	shalt  }
0x80: {  	_ =	shalt  }
0x81: {  	_ =	shalt  }
0x82: {  	_ =	shalt  }
0x83: {  	_ =	shalt  }
0x84: {  	_ =	shalt  }
0x85: {  	_ =	shalt  }
0x86: {  	_ =	shalt  }
0x87: {  	_ =	shalt  }
.Lfunc_end0:
.L_simem_size_0:
called_computation.9_lowered:
.L_overlay_start_0:
0x88: {  	s2 =	sld [smem:$0x3FD9]  }
0x89: {  	s3 =	sld [smem:$0x3FFE];
	_ =	sdelay $0x1  }
0x8a: {  	s1 =	srdreg.scid  }
0x8b: {  	s0 =	sand.u32 $0x1, s1  }
0x8c: {  	s16 =	sshll.u32 s0, $0xA;
	s2 =	sadd.s32 s3, s2  }
0x8d: {  	s2 =	sadd.s32 s2, s16  }
0x8e: {  	[smem:$0x3FBD] =	sst s2  }
0x8f: {  	_ = 	snop  }
0x90: {  	(tm) =	ssettm $0x1  }
0x91: {  	s17 =	sld [smem:$0x3FFB];
	_ =	sdelay $0x3  }
0x92: {  	_ =	strace s17  }
0x93: {  	s2 =	sld [smem:$0x3FFC];
	_ =	sdelay $0x3  }
0x94: {  	_ =	strace s2  }
0x95: {  	s2 =	sld [smem:$0x3FFD];
	_ =	sdelay $0x3  }
0x96: {  	_ =	strace s2  }
0x97: {  	_ =	strace $0x8FFFFFFF  }
0x98: {  	s18 =	sld [smem:$0x3FDB];
	_ =	sdelay $0x1  }
0x99: {  	s19 =	simm.s32 $_scs_section_size  }
0x9a: {  	s4 =	simm.s32 $_size__tile_overlayer_lowered;
	s5 =	simm.s32 $_tile_overlayer_lowered  }
0x9b: {  	s22 =	simm.s32 $0x1BFF;
	s21 =	sshll.u32 s5, $0x1;
	s2 =	sadd.s32 s19, s18  }
0x9c: {  	s6 =	simm.s32 $0x0;
	s20 =	sshll.u32 s4, $0x1;
	s4 =	sadd.s32 s21, s2  }
0x9d: {  	[timem:s6], [sflag:s22] =	dma.local [hbm:s4], s20  }
0x9e: {  	_ =	swait.ge [sflag:s22], s20  }
0x9f: {  	s3 =	ssub.s32 $0x0, s20;
	[sflag:s22] =	ssyncset.done $0x0  }
0xa0: {  	[sflag:s22] =	ssyncadd.s32 s3;
	_ =	sdelay $0x1  }
0xa1: {  	s23 =	simm.s32 $0x1B8B  }
0xa2: {  	_ =	swait.ge [sflag:s23], $0x1  }
0xa3: {  	[sflag:s23] =	ssyncset.done $0x0  }
0xa4: {  	s25 =	simm.s32 $0x1B8E;
	s24 =	sld [smem:$0x3FFE];
	[sflag:s23] =	ssyncadd.s32 $0xFFFFFFFF  }
0xa5: {  	s26 =	simm.s32 $execute0_lowered;
	[smem:$0x3FD2] =	sst s25  }
0xa6: {  	s4 =	sshll.u32 s26, $0x1;
	_ =	strace $0x80000061;
	[dreg:$0x1] =	wrdreg $0xFFFFFFFF  }
0xa7: {  	s28 =	simm.s32 $_size_execute0_lowered;
	s2 =	sadd.s32 s2, s4;
	[dreg:$0x0] =	wrdreg $0x0  }
0xa8: {  	s4 =	sshll.u32 s28, $0x1;
	[dreg:$0x2] =	wrdreg s2  }
0xa9: {  	[dreg:$0x3] =	wrdreg s4  }
0xaa: {  	[dreg:$0x4] =	wrdreg $0xC0  }
0xab: {  	_ =	task [dreg:s6], $0x5FFFF  }
0xac: {  	[dreg:$0x1] =	wrdreg $0xFFFFFFFF  }
0xad: {  	[dreg:$0x0] =	wrdreg $0x60  }
0xae: {  	[dreg:$0x2] =	wrdreg s24  }
0xaf: {  	[dreg:$0x3] =	wrdreg $0x70000  }
0xb0: {  	[dreg:$0x4] =	wrdreg $0x9  }
0xb1: {  	_ =	task.clear_ibuf [dreg:s6], $0x5FFFF;
	_ =	strace $0x90000061  }
0xb2: {  	s29 =	simm.s32 $0x9;
	_ =	strace $0x80000063  }
0xb3: {  	_ =	swait.ge [sflag:s29], $0x1  }
0xb4: {  	[sflag:s29] =	ssyncadd.s32 $0xFFFFFFFF  }
0xb5: {  	_ =	strace $0x90000063  }
0xb6: {  	_ =	sfence  }
0xb7: {  	s30 =	sld [smem:$0x0];
	_ =	sdelay $0x2  }
0xb8: {  	s31 =	sshll.u32 s1, $0xD;
	s1 =	sshrl.u32 s1, $0x2  }
0xb9: {  	s3 =	sand.u32 $0x4000, s31;
	s1 =	sadd.s32 s1, s30  }
0xba: {  	s0 =	sor.u32 s3, s0;
	s1 =	sshll.u32 s1, $0x11  }
0xbb: {  	s0 =	sor.u32 s1, s0  }
0xbc: {  	s0 =	sadd.s32 $0x8F2B, s0  }
0xbd: {  	[sflag:s0] =	ssyncadd.remote.s32 $0x1  }
0xbe: {  	_ =	sfence.sel $0xFFFF  }
0xbf: {  	[dreg:$0x0] =	wrdreg $0xFFFFFFFF;
	(pc) =	sbr.abs _section_cstart, $3  }
0xc0: {  	[dreg:$0x1] =	wrdreg $0xFFFFFFFF  }
0xc1: {  	_ =	task.clear_ibuf [dreg:s6], $0x2FFFF;
	_ =	strace $0x9FFFFFFF  }
0xc2: {  	(tm) =	ssettm $0x7FFFFFFF  }
0xc3: {  	_ =	shalt  }
tec
execute0_lowered:
.L_overlay_start_1:
0x0: {  	(tag) =	ssettag $0x1  }
0x1: {  	s6 =	rddreg [dreg:$0x0]  }
0x2: {  	s0 =	srdreg.scid;
	s2 =	rddreg [dreg:$0x1];
	s3 =	simm.s32 $0x0  }
0x3: {  	s11 =	simm.s32 $0x1;
	s12 =	simm.s32 $0x1400;
	s5 =	sand.u32 $0x1, s0  }
0x4: {  	s13 =	simm.s32 $0x80;
	s0 =	stileid.u32;
	s8 =	smul.u32 $0x140000, s5  }
0x5: {  	s14 =	simm.s32 $0x2800;
	[smem:$0x7FF] =	sst s3;
	s9 =	smul.u32 $0x14000, s0  }
0x6: {  	s4 =	sadd.s32 $0x43400, s6;
	s1 =	sshll.u32 s5, $0x4;
	s10 =	smul.u32 $0x50000, s0  }
0x7: {  	s5 =	ssub.s32 $0x2, s5;
	s15 =	sshll.u32 s0, $0x6;
	s1 =	sor.u32 s0, s1  }
0x8: {  	s31 =	sshrl.u32 s5, $0x1;
	s15 =	sor.u32 $0x1C01, s15;
	s7 =	smul.u32 $0x280, s1  }
0x9: {  	s1 =	rddreg [dreg:$0x2];
	_ =	strace $0x80000062;
	s8 =	sadd.s32 s9, s8  }
0xa: {  	s10 =	sshrl.u32 s10, $0x2;
	s9 =	ssub.s32 s5, s31;
	s8 =	sshrl.u32 s8, $0x3  }
0xb: {  	s5 =	sadd.s32 s10, s2;
	s9 =	smax.u32 s9, $0x1;
	s10 =	simm.s32 $0x6800  }
0xc: {  	s7 =	sadd.s32 s7, s6;
	s8 =	sadd.s32 s8, s6;
	s16 =	sshrl.u32 s5, $0x3  }
0xd: {  	v0 =	vimm.f32 $0.0e+00;
	s6 =	sadd.s32 $0xB800, s7;
	s7 =	sadd.s32 $0x1800, s7;
	s8 =	sadd.s32 $0x6B400, s8  }
.LBB2_1:
0xe: {  	s17 =	simm.s32 $0x0;
	s18 =	simm.s32 $0x0  }
.LBB2_2:
0xf: {  	p0 =	sne.s32 s18, $0x1FC0  }
.Ltmp0:
0x10: {  	_ = 	snop;
	(pc) =	sbr.rel @p0 .LBB2_2-.Ltmp0, $4  }
0x11: {  	s19 =	sand.u32 $0x1E00, s18  }
0x12: {  	s20 =	sand.u32 $0x70, s17;
	s19 =	sshrl.u32 s19, $0x2  }
0x13: {  	s19 =	sor.u32 s20, s19  }
0x14: {  	s17 =	sadd.s32 $0x10, s17;
	s18 =	sadd.s32 $0x40, s18;
	[tilespmem:s19+$0x6800] =	vst v0  }
0x15: {  	s17 =	sadd.s32 $0x0, s5  }
0x16: {  	[spmem:s17] =	stream.linear.scatter [tilespmem:s10], [sflag:$0x1], $0x800, $0x38;
	[tilespmem:$0x1B000] =	vst v63  }
0x17: {  	s17 =	simm.s32 $0x2000;
	_ =	swait.ge [sflag:s11], $0x800  }
.LBB2_4:
0x18: {  	s18 =	sshra.s32 s17, $0x2;
	[sflag:s11] =	ssyncset.done $0x0;
	p0 =	sne.s32 s17, $0x4E000  }
.Ltmp1:
0x19: {  	s18 =	sadd.s32 s18, s5;
	[sflag:s11] =	ssyncadd.s32 $0xFFFFF800;
	(pc) =	sbr.rel @p0 .LBB2_4-.Ltmp1, $3  }
0x1a: {  	[spmem:s18] =	stream.linear.scatter [tilespmem:s10], [sflag:$0x1], $0x800, $0x38;
	[tilespmem:$0x1B000] =	vst v63  }
0x1b: {  	s17 =	sadd.s32 $0x2000, s17;
	_ =	sdelay $0x1  }
0x1c: {  	_ =	swait.ge [sflag:s11], $0x800  }
0x1d: {  	[sflag:s11] =	ssyncset.done $0x0  }
0x1e: {  	s17 =	simm.s32 $0x0;
	[sflag:s11] =	ssyncadd.s32 $0xFFFFF800  }
0x1f: {  	[tilespmem:s17], [sflag:$0x1] =	stream.linear.gather [hbm4b:s6+s17], $0x1400, $0x38;
	[tilespmem:$0x1B000] =	vst v63  }
0x20: {  	_ =	swait.ge [sflag:s11], $0x1400  }
0x21: {  	[sflag:s11] =	ssyncset.done $0x0  }
0x22: {  	[sflag:s11] =	ssyncadd.s32 $0xFFFFEC00  }
0x23: {  	[tilespmem:s12], [sflag:$0x1] =	stream.linear.gather [hbm4b:s7+s17], $0x1400, $0x38;
	[tilespmem:$0x1B000] =	vst v63  }
0x24: {  	_ =	swait.ge [sflag:s11], $0x1400  }
0x25: {  	[sflag:s11] =	ssyncset.done $0x0  }
0x26: {  	[sflag:s11] =	ssyncadd.s32 $0xFFFFEC00  }
0x27: {  	s30 =	simm.s32 $0x0;
	[bflag:$0x0] =	sbarrier.arrive $0xFFFF  }
0x28: {  	[tilespmem:s14], [sflag:$0x1] =	stream.indirect.gather [hbm4b:s4+s13], $0x80, s30, s13, $0xb8;
	[tilespmem:$0x1B000] =	vst v63  }
0x29: {  	_ =	swait.ge [sflag:s11], $0x4000  }
0x2a: {  	[sflag:s11] =	ssyncset.done $0x0  }
0x2b: {  	s31 =	simm.s32 $0x1400;
	[sflag:s11] =	ssyncadd.s32 $0xFFFFC000  }
0x2c: {  	[spmem:s2] =	stream.indirect.scatter.add.f32 [tilespmem:s14], [sflag:$0x1], $0x80, s31, s13, $0xb8;
	[tilespmem:$0x1B000] =	vst v63  }
0x2d: {  	_ =	swait.ge [sflag:s11], $0x4000  }
0x2e: {  	s18 =	simm.s32 $0x400;
	s17 =	simm.s32 $0x200;
	[sflag:s11] =	ssyncset.done $0x0  }
.LBB2_6:
0x2f: {  	s19 =	sshra.s32 s17, $0x2  }
0x30: {  	[sflag:s11] =	ssyncadd.s32 $0xFFFFC000;
	s17 =	smov.u32 s18;
	s20 =	sadd.s32 $0x200, s18  }
0x31: {  	[tilespmem:s14], [sflag:$0x1] =	stream.indirect.gather [hbm4b:s4+s13], $0x80, s19, s13, $0xb8;
	[tilespmem:$0x1B000] =	vst v63  }
0x32: {  	p0 =	sne.s32 s18, $0x4E00;
	_ =	swait.ge [sflag:s11], $0x4000  }
.Ltmp2:
0x33: {  	[sflag:s11] =	ssyncset.done $0x0;
	(pc) =	sbr.rel @p0 .LBB2_6-.Ltmp2, $4  }
0x34: {  	s18 =	sadd.s32 $0x1400, s19;
	[sflag:s11] =	ssyncadd.s32 $0xFFFFC000  }
0x35: {  	[spmem:s2] =	stream.indirect.scatter.add.f32 [tilespmem:s14], [sflag:$0x1], $0x80, s18, s13, $0xb8;
	[tilespmem:$0x1B000] =	vst v63  }
0x36: {  	_ =	swait.ge [sflag:s11], $0x4000  }
0x37: {  	s18 =	smov.u32 s20;
	[sflag:s11] =	ssyncset.done $0x0  }
0x38: {  	s17 =	sshra.s32 s17, $0x2;
	[sflag:s11] =	ssyncadd.s32 $0xFFFFC000  }
0x39: {  	[tilespmem:s14], [sflag:$0x1] =	stream.indirect.gather [hbm4b:s4+s13], $0x80, s17, s13, $0xb8;
	[tilespmem:$0x1B000] =	vst v63  }
0x3a: {  	_ =	swait.ge [sflag:s11], $0x4000  }
0x3b: {  	[sflag:s11] =	ssyncset.done $0x0  }
0x3c: {  	s17 =	sadd.s32 $0x1400, s17;
	[sflag:s11] =	ssyncadd.s32 $0xFFFFC000  }
0x3d: {  	[spmem:s2] =	stream.indirect.scatter.add.f32 [tilespmem:s14], [sflag:$0x1], $0x80, s17, s13, $0xb8;
	[tilespmem:$0x1B000] =	vst v63  }
0x3e: {  	_ =	swait.ge [sflag:s11], $0x4000  }
0x3f: {  	s3 =	sadd.s32 $0x1, s3;
	[sflag:s11] =	ssyncset.done $0x0  }
0x40: {  	p0 =	sne.s32 s3, s9;
	[sflag:s11] =	ssyncadd.s32 $0xFFFFC000  }
.Ltmp3:
0x41: {  	[bflag:$0x0] =	sbarrier.arrive $0xFFFF;
	(pc) =	sbr.rel @p0 .LBB2_1-.Ltmp3, $4  }
0x42: {  	[hbm:s8], [sflag:s15] =	dma.local [spmem:s16], $0x2800  }
0x43: {  	_ =	swait.ge [sflag:s11], $0x2800  }
0x44: {  	[sflag:s11] =	ssyncset.done $0x0  }
0x45: {  	[sflag:s11] =	ssyncadd.s32 $0xFFFFD800  }
0x46: {  	_ =	sfence.sel $0x180000  }
0x47: {  	[bflag:$0x0] =	sbarrier.arrive $0xFFFF  }
0x48: {  	p0 =	sne.s32 s0, $0x0;
	_ =	strace $0x90000062  }
0x49: {  	s0 =	sadd.s32 @!p0 $0x100000, s1;
	[bflag:$0x2] =	sbarrier.arrive $0xFFFF  }
0x4a: {  	[sflag:s0] =	ssyncadd.tile.s32 @!p0 $0x1;
	_ =	shalt  }
.Lfunc_end2:
_tile_overlayer_lowered:
.L_overlay_start_2:
0x4b: {  	(tag) =	ssettag $0x2  }
0x4c: {  	s0 =	rddreg [dreg:$0x0];
	s2 =	stileid.u32  }
0x4d: {  	s1 =	rddreg [dreg:$0x1];
	p0 =	sne.s32 s2, $0x0  }
0x4e: {  	s3 =	rddreg [dreg:$0x2];
	[bflag:$0x3] =	sbarrier.arrive $0xFFFF;
	s2 =	simm.s32 @!p0 $0x1C01  }
0x4f: {  	[timem:s3], [sflag:s2] =	dma.local @!p0 [hbm:s0], s1  }
0x50: {  	s0 =	simm.s32 @!p0 $0x1  }
0x51: {  	_ =	swait.ge @!p0 [sflag:s0], s1  }
0x52: {  	s1 =	ssub.s32 @!p0 $0x0, s1;
	[sflag:s0] =	ssyncset.done @!p0 $0x0  }
0x53: {  	[sflag:s0] =	ssyncadd.s32 @!p0 s1  }
0x54: {  	[bflag:$0x3] =	sbarrier.arrive $0xFFFF  }
0x55: {  	_ =	shalt  }

// kernel: scatter_offload_async_start.1
scs
__scs_entry_jumppad:
0x0: {  	(pc) =	sbr.rel $0x88, $3  }
0x1: {  	(tag) =	ssettag $0x0;
	lr =	simm.s32 $0x1  }
0x2: {  	[smem:$0x3F96] =	sst lr;
	_ =	strace $0xD0000000  }
0x3: {  	_ = 	snop  }
0x4: {  	_ = 	snop  }
0x5: {  	_ = 	snop  }
0x6: {  	_ = 	snop  }
0x7: {  	_ = 	snop  }
__scs_overlays_trampoline_lowered:
0x8: {  	[smem:$0x3FA5] =	sst s0  }
0x9: {  	[smem:$0x3FA6] =	sst s1  }
0xa: {  	[smem:$0x3FA7] =	sst s2  }
0xb: {  	[smem:$0x3FA8] =	sst s3  }
0xc: {  	[smem:$0x3FA9] =	sst s4  }
0xd: {  	[smem:$0x3FAA] =	sst s5  }
0xe: {  	[smem:$0x3FAB] =	sst s6  }
0xf: {  	[smem:$0x3FAC] =	sst s7  }
0x10: {  	[smem:$0x3FAD] =	sst s8  }
0x11: {  	[smem:$0x3FAE] =	sst s9;
	s0 =	simm.s32 @!p0 $0x0  }
0x12: {  	s1 =	sld [smem:$0x3F94];
	s0 =	simm.s32 @p0 $0x1  }
0x13: {  	[smem:$0x3FAF] =	sst s0;
	s0 =	simm.s32 @!p1 $0x0  }
0x14: {  	s2 =	sld [smem:$0x3F93];
	s0 =	simm.s32 @p1 $0x1  }
0x15: {  	[smem:$0x3FB0] =	sst s0;
	s0 =	simm.s32 @!p2 $0x0  }
0x16: {  	s3 =	sld [smem:$0x3FDB];
	s0 =	simm.s32 @p2 $0x1  }
0x17: {  	s4 =	simm.s32 $0x1BF5;
	[smem:$0x3FB2] =	sst s0  }
0x18: {  	s0 =	sld [smem:$0x3F95];
	_ =	swait.ge [sflag:s4], $0x0  }
0x19: {  	s7 =	sld [smem:$0x3F96]  }
0x1a: {  	s8 =	sadd.s32 $0xFFFFE003, lr  }
0x1b: {  	s9 =	sadd.s32 $0xFFFFFEF7, lr;
	s5 =	simm.s32 $0xFFFFFFFF;
	p2 =	slt.u32 s8, $0xFFFFF086  }
0x1c: {  	p1 =	slt.u32 s9, $0xF7A;
	s5 =	simm.s32 @!p2 $0x0  }
0x1d: {  	s5 =	simm.s32 @p1 $0x1;
	p0 =	seq.s32 s7, s2  }
0x1e: {  	s7 =	smul.u32 @!p0 $0xF7A, s2;
	p2 =	seq.s32 @!p0 s5, $0x0  }
0x1f: {  	s9 =	smul.u32 $0xF7A, s1;
	s8 =	simm.s32 @!p0 $0x1BF5;
	p2 =	por !p2, p0  }
0x20: {  	[sflag:s8] =	ssyncset.s32 @!p0 $0xFFFFF086;
	s6 =	sadd.s32 @!p0 s3, s7;
	s7 =	simm.s32 @!p0 $0x108  }
0x21: {  	s3 =	sadd.s32 s3, s9;
	s6 =	sadd.s32 @!p0 $0x88, s6;
	s7 =	simm.s32 @p2 $0x1082  }
0x22: {  	[simem:s7], [sflag:s8] =	dma.local @!p0 [hbm:s6], $0xF7A  }
0x23: {  	s9 =	sor.u32 $0xD0000000, s2;
	s6 =	simm.s32 $0x108;
	_ =	swait.ge @!p0 [sflag:s8], $0x0  }
0x24: {  	s3 =	sadd.s32 $0x88, s3;
	s6 =	simm.s32 @!p1 $0x1082;
	[sflag:s4] =	ssyncset.s32 $0xFFFFF086  }
0x25: {  	[simem:s6], [sflag:s4] =	dma.local [hbm:s3], $0xF7A  }
0x26: {  	[smem:$0x3F96] =	sst s1;
	(tag) =	ssettag s2;
	_ =	strace s9  }
0x27: {  	s1 =	sld [smem:$0x3FA6]  }
0x28: {  	s2 =	sld [smem:$0x3FA7]  }
0x29: {  	s4 =	sld [smem:$0x3FA9]  }
0x2a: {  	p0 =	seq.s32 s5, $0x0;
	s5 =	sld [smem:$0x3FAA]  }
0x2b: {  	s6 =	sld [smem:$0x3FAB]  }
0x2c: {  	s7 =	sld [smem:$0x3FAC]  }
0x2d: {  	s3 =	simm.s32 $0x108;
	s8 =	sld [smem:$0x3FAD]  }
0x2e: {  	s3 =	simm.s32 @!p0 $0x1082;
	s9 =	sld [smem:$0x3FAE]  }
0x2f: {  	lr =	sadd.s32 s0, s3;
	s0 =	sld [smem:$0x3FA5]  }
0x30: {  	s3 =	sld [smem:$0x3FA8]  }
0x31: {  	[smem:$0x3FB1] =	sst s10  }
0x32: {  	s10 =	sld [smem:$0x3FAF];
	_ =	sdelay $0x3  }
0x33: {  	p0 =	seq.s32 s10, $0x1;
	s10 =	sld [smem:$0x3FB1];
	_ =	sdelay $0x3  }
0x34: {  	[smem:$0x3FB1] =	sst s10  }
0x35: {  	s10 =	sld [smem:$0x3FB0];
	_ =	sdelay $0x3  }
0x36: {  	p1 =	seq.s32 s10, $0x1;
	s10 =	sld [smem:$0x3FB1];
	_ =	sdelay $0x3  }
0x37: {  	[smem:$0x3FB1] =	sst s10  }
0x38: {  	s10 =	sld [smem:$0x3FB2]  }
0x39: {  	_ = 	snop;
	(pc) =	sbr.ind lr, $3  }
0x3a: {  	_ = 	snop  }
0x3b: {  	_ = 	snop  }
0x3c: {  	p2 =	seq.s32 s10, $0x1;
	s10 =	sld [smem:$0x3FB1]  }
0x3d: {  	_ =	shalt  }
0x3e: {  	_ =	shalt  }
0x3f: {  	_ =	shalt  }
0x40: {  	_ =	shalt  }
0x41: {  	_ =	shalt  }
0x42: {  	_ =	shalt  }
0x43: {  	_ =	shalt  }
0x44: {  	_ =	shalt  }
0x45: {  	_ =	shalt  }
0x46: {  	_ =	shalt  }
0x47: {  	_ =	shalt  }
0x48: {  	_ =	shalt  }
0x49: {  	_ =	shalt  }
0x4a: {  	_ =	shalt  }
0x4b: {  	_ =	shalt  }
0x4c: {  	_ =	shalt  }
0x4d: {  	_ =	shalt  }
0x4e: {  	_ =	shalt  }
0x4f: {  	_ =	shalt  }
0x50: {  	_ =	shalt  }
0x51: {  	_ =	shalt  }
0x52: {  	_ =	shalt  }
0x53: {  	_ =	shalt  }
0x54: {  	_ =	shalt  }
0x55: {  	_ =	shalt  }
0x56: {  	_ =	shalt  }
0x57: {  	_ =	shalt  }
0x58: {  	_ =	shalt  }
0x59: {  	_ =	shalt  }
0x5a: {  	_ =	shalt  }
0x5b: {  	_ =	shalt  }
0x5c: {  	_ =	shalt  }
0x5d: {  	_ =	shalt  }
0x5e: {  	_ =	shalt  }
0x5f: {  	_ =	shalt  }
0x60: {  	_ =	shalt  }
0x61: {  	_ =	shalt  }
0x62: {  	_ =	shalt  }
0x63: {  	_ =	shalt  }
0x64: {  	_ =	shalt  }
0x65: {  	_ =	shalt  }
0x66: {  	_ =	shalt  }
0x67: {  	_ =	shalt  }
0x68: {  	_ =	shalt  }
0x69: {  	_ =	shalt  }
0x6a: {  	_ =	shalt  }
0x6b: {  	_ =	shalt  }
0x6c: {  	_ =	shalt  }
0x6d: {  	_ =	shalt  }
0x6e: {  	_ =	shalt  }
0x6f: {  	_ =	shalt  }
0x70: {  	_ =	shalt  }
0x71: {  	_ =	shalt  }
0x72: {  	_ =	shalt  }
0x73: {  	_ =	shalt  }
0x74: {  	_ =	shalt  }
0x75: {  	_ =	shalt  }
0x76: {  	_ =	shalt  }
0x77: {  	_ =	shalt  }
0x78: {  	_ =	shalt  }
0x79: {  	_ =	shalt  }
0x7a: {  	_ =	shalt  }
0x7b: {  	_ =	shalt  }
0x7c: {  	_ =	shalt  }
0x7d: {  	_ =	shalt  }
0x7e: {  	_ =	shalt  }
0x7f: {  	_ =	shalt  }
0x80: {  	_ =	shalt  }
0x81: {  	_ =	shalt  }
0x82: {  	_ =	shalt  }
0x83: {  	_ =	shalt  }
0x84: {  	_ =	shalt  }
0x85: {  	_ =	shalt  }
0x86: {  	_ =	shalt  }
0x87: {  	_ =	shalt  }
.Lfunc_end0:
.L_simem_size_0:
called_computation.1_lowered:
.L_overlay_start_0:
0x88: {  	s0 =	sld [smem:$0x3FD9]  }
0x89: {  	s1 =	sld [smem:$0x3FFE];
	_ =	sdelay $0x3  }
0x8a: {  	s0 =	sadd.s32 s1, s0  }
0x8b: {  	[smem:$0x3FBD] =	sst s0  }
0x8c: {  	_ = 	snop  }
0x8d: {  	s0 =	sld [smem:$0x3FD0];
	_ =	sdelay $0x2  }
0x8e: {  	s13 =	simm.s32 $0xB;
	s2 =	simm.s32 $0x10  }
0x8f: {  	[smem:s2], [sflag:s13] =	dma.local [hbm:s0], $0x1  }
0x90: {  	_ =	swait.eq [sflag:s13], $0x1  }
0x91: {  	[sflag:s13] =	ssyncset.done $0x0  }
0x92: {  	[sflag:s13] =	ssyncadd.s32 $0xFFFFFFFF  }
0x93: {  	s14 =	sld [smem:$0x12];
	(tm) =	ssettm $0x1  }
0x94: {  	s15 =	sld [smem:$0x3FFB];
	_ =	sdelay $0x3  }
0x95: {  	_ =	strace s15  }
0x96: {  	s1 =	sld [smem:$0x3FFC];
	_ =	sdelay $0x3  }
0x97: {  	_ =	strace s1  }
0x98: {  	s1 =	sld [smem:$0x3FFD];
	_ =	sdelay $0x3  }
0x99: {  	_ =	strace s1  }
0x9a: {  	_ =	strace $0x8FFFFFFF  }
0x9b: {  	s16 =	sld [smem:$0x3FDB];
	_ =	sdelay $0x1  }
0x9c: {  	s17 =	simm.s32 $_scs_section_size  }
0x9d: {  	s3 =	simm.s32 $_size__tile_overlayer_lowered;
	s4 =	simm.s32 $_tile_overlayer_lowered  }
0x9e: {  	s20 =	simm.s32 $0x1BFF;
	s19 =	sshll.u32 s4, $0x1;
	s1 =	sadd.s32 s17, s16  }
0x9f: {  	s5 =	simm.s32 $0x0;
	s18 =	sshll.u32 s3, $0x1;
	s3 =	sadd.s32 s19, s1  }
0xa0: {  	[timem:s5], [sflag:s20] =	dma.local [hbm:s3], s18  }
0xa1: {  	_ =	swait.ge [sflag:s20], s18  }
0xa2: {  	s2 =	ssub.s32 $0x0, s18;
	[sflag:s20] =	ssyncset.done $0x0  }
0xa3: {  	[sflag:s20] =	ssyncadd.s32 s2;
	_ =	sdelay $0x1  }
0xa4: {  	s21 =	simm.s32 $0x1B8B  }
0xa5: {  	_ =	swait.ge [sflag:s21], $0x1  }
0xa6: {  	[sflag:s21] =	ssyncset.done $0x0  }
0xa7: {  	s23 =	simm.s32 $0x1B8E;
	s22 =	sld [smem:$0x3FFE];
	[sflag:s21] =	ssyncadd.s32 $0xFFFFFFFF  }
0xa8: {  	s24 =	simm.s32 $execute0_lowered;
	[smem:$0x3FD2] =	sst s23  }
0xa9: {  	s3 =	sshll.u32 s24, $0x1;
	_ =	strace $0x8000005B;
	[dreg:$0x1] =	wrdreg $0xFFFFFFFF  }
0xaa: {  	s25 =	simm.s32 $_size_execute0_lowered;
	s1 =	sadd.s32 s1, s3;
	[dreg:$0x0] =	wrdreg $0x0  }
0xab: {  	s3 =	sshll.u32 s25, $0x1;
	[dreg:$0x2] =	wrdreg s1  }
0xac: {  	[dreg:$0x3] =	wrdreg s3  }
0xad: {  	[dreg:$0x4] =	wrdreg $0xC0  }
0xae: {  	_ =	task [dreg:s5], $0x5FFFF  }
0xaf: {  	[dreg:$0x1] =	wrdreg $0xFFFFFFFF  }
0xb0: {  	[dreg:$0x0] =	wrdreg $0x60  }
0xb1: {  	[dreg:$0x2] =	wrdreg s22  }
0xb2: {  	[dreg:$0x3] =	wrdreg s14  }
0xb3: {  	[dreg:$0x4] =	wrdreg $0x9  }
0xb4: {  	_ =	task.clear_ibuf [dreg:s5], $0x5FFFF;
	_ =	strace $0x9000005B  }
0xb5: {  	s26 =	simm.s32 $0x9;
	_ =	strace $0x8000005D  }
0xb6: {  	_ =	swait.ge [sflag:s26], $0x1  }
0xb7: {  	[sflag:s26] =	ssyncadd.s32 $0xFFFFFFFF  }
0xb8: {  	_ =	strace $0x9000005D  }
0xb9: {  	_ =	sfence  }
0xba: {  	s28 =	sld [smem:$0x0];
	_ =	sdelay $0x1  }
0xbb: {  	s29 =	srdreg.scid  }
0xbc: {  	s30 =	sshll.u32 s29, $0xD;
	s31 =	sshrl.u32 s29, $0x2  }
0xbd: {  	s2 =	sand.u32 $0x4000, s30;
	s1 =	sand.u32 $0x1, s29;
	s0 =	sadd.s32 s31, s28  }
0xbe: {  	s1 =	sor.u32 s2, s1;
	s0 =	sshll.u32 s0, $0x11  }
0xbf: {  	s0 =	sor.u32 s0, s1  }
0xc0: {  	s0 =	sadd.s32 $0x8F2B, s0  }
0xc1: {  	[sflag:s0] =	ssyncadd.remote.s32 $0x1  }
0xc2: {  	_ =	sfence.sel $0xFFFF  }
0xc3: {  	[dreg:$0x0] =	wrdreg $0xFFFFFFFF;
	(pc) =	sbr.abs _section_cstart, $3  }
0xc4: {  	[dreg:$0x1] =	wrdreg $0xFFFFFFFF  }
0xc5: {  	_ =	task.clear_ibuf [dreg:s5], $0x2FFFF;
	_ =	strace $0x9FFFFFFF  }
0xc6: {  	(tm) =	ssettm $0x7FFFFFFF  }
0xc7: {  	_ =	shalt  }
tec
execute0_lowered:
.L_overlay_start_1:
0x0: {  	(tag) =	ssettag $0x1  }
0x1: {  	s0 =	rddreg [dreg:$0x0]  }
0x2: {  	s29 =	rddreg [dreg:$0x1];
	_ =	strace $0x8000005C;
	s1 =	simm.s32 $0x1  }
0x3: {  	s8 =	simm.s32 $0x108;
	v0 =	vimm.s32 $0x0;
	[sflag:s1] =	ssyncpa.u1 $0x0  }
0x4: {  	[tilespmem:s8+$0x70] =	vst v0  }
0x5: {  	[tilespmem:s8+$0x60] =	vst v0  }
0x6: {  	[tilespmem:s8+$0x50] =	vst v0  }
0x7: {  	[tilespmem:s8+$0x40] =	vst v0  }
0x8: {  	[tilespmem:s8+$0x30] =	vst v0  }
0x9: {  	s2 =	simm.s32 $0x40;
	[tilespmem:s8+$0x20] =	vst v0  }
0xa: {  	s1 =	sadd.s32 $0x2FA00, s0;
	s4 =	sadd.s32 $0x25A00, s0;
	s5 =	sadd.s32 $0x2AA00, s0;
	[tilespmem:s8+$0x10] =	vst v0  }
.LBB2_1:
0xb: {  	s2 =	sadd.s32 $0x40, s2;
	[tilespmem:s8+$0x0] =	vst v0;
	s8 =	sadd.s32 $0x80, s8  }
0xc: {  	p0 =	slt.u32 s2, $0x3C40;
	[tilespmem:s8+$0x70] =	vst v0  }
0xd: {  	[tilespmem:s8+$0x60] =	vst v0  }
.Ltmp0:
0xe: {  	[tilespmem:s8+$0x50] =	vst v0;
	(pc) =	sbr.rel @p0 .LBB2_1-.Ltmp0, $4  }
0xf: {  	[tilespmem:s8+$0x40] =	vst v0  }
0x10: {  	[tilespmem:s8+$0x30] =	vst v0  }
0x11: {  	[tilespmem:s8+$0x20] =	vst v0  }
0x12: {  	[tilespmem:s8+$0x10] =	vst v0  }
0x13: {  	s3 =	stileid.u32  }
0x14: {  	s0 =	smul.u32 $0x29, s3  }
0x15: {  	s2 =	smin.u32 s3, $0xB  }
0x16: {  	s0 =	sadd.s32 s2, s0  }
0x17: {  	p0 =	slt.u32 s3, $0xB;
	s6 =	smul.u32 $0xF0, s0;
	s0 =	simm.s32 $0x2760  }
0x18: {  	s0 =	simm.s32 @!p0 $0x2670  }
0x19: {  	s0 =	sadd.s32 s0, s6  }
0x1a: {  	s7 =	smin.u32 s0, $0x27101  }
0x1b: {  	s0 =	ssub.s32 s7, s6  }
0x1c: {  	p0 =	sgt.s32 s0, $0x0  }
0x1d: {  	s0 =	simm.s32 @!p0 $0x0  }
0x1e: {  	s31 =	smulhi.u32 $0x88888889, s0  }
0x1f: {  	s30 =	simm.s32 $0x2;
	s9 =	simm.s32 $0x7;
	s10 =	simm.s32 $0x8  }
0x20: {  	s19 =	simm.s32 $0x0;
	s15 =	simm.s32 $0xA;
	s2 =	sshrl.u32 s31, $0x7  }
0x21: {  	s17 =	simm.s32 $0x0;
	s18 =	simm.s32 $0x0;
	s11 =	smul.u32 $0xF0, s2  }
.Ltmp1:
0x22: {  	[tilespmem:s8+$0x0] =	vst v0;
	v0 =	vimm.s32 $0xFFFFFFFF;
	[sflag:s30] =	ssyncpa.u1 $0x0;
	s13 =	sshll.u32 s3, $0x8;
	(pc) =	sbr.rel .LBB2_3-.Ltmp1, $4  }
0x23: {  	[tilespmem:$0xF208] =	vst v0;
	[sflag:s9] =	ssyncpa.u1 $0x0;
	p0 =	sne.s32 s0, s11;
	s0 =	simm.s32 $0x1  }
0x24: {  	[sflag:s10] =	ssyncpa.u1 $0x0;
	s10 =	simm.s32 $0x9;
	s0 =	simm.s32 @!p0 $0x0  }
0x25: {  	[sflag:s10] =	ssyncpa.u1 $0x0;
	s16 =	smov.u32 s6;
	s12 =	sadd.s32 s0, s2  }
0x26: {  	v0 =	vlaneseq.u32;
	s11 =	simm.s32 $0x1;
	p0 =	por $0x0, $0x0;
	s14 =	sadd.s32 $0x1, s12  }
.LBB2_18:
0x27: {  	s0 =	sshrl.u32 s28, $0x2  }
.LBB2_20:
0x28: {  	_ =	swait.ge [sflag:s15], s0  }
0x29: {  	s31 =	ssub.s32 $0x0, s0;
	v1 =	vmov s21;
	vm0 =	veq.s32 v0, $0x0;
	[sflag:s15] =	ssyncset.done $0x0  }
0x2a: {  	vm15 =	veq.s32 v0, $0x2;
	v1 =	vsel vm0, s26, v1;
	[sflag:s15] =	ssyncadd.s32 s31  }
0x2b: {  	v1 =	vsel vm15, s19, v1;
	[sflag:s15] =	ssyncpa.u1 $0x1  }
0x2c: {  	[tilespmem:$0xF208] =	vst v1  }
.LBB2_21:
0x2d: {  	s0 =	sadd.s32 $0xF0, s16  }
0x2e: {  	s2 =	smov.u32 s6;
	p1 =	slt.s32 s0, s7  }
0x2f: {  	s2 =	smov.u32 @p1 s0;
	p1 =	sne.s32 s18, s14  }
.Ltmp2:
0x30: {  	_ = 	snop;
	(pc) =	sbr.rel @!p1 .LBB2_22-.Ltmp2, $3  }
0x31: {  	_ =	sdelay $0x1  }
0x32: {  	s19 =	smov.u32 s17;
	s31 =	sadd.s32 $0x1, s18;
	s17 =	smov.u32 s16  }
0x33: {  	p0 =	por !p0, !p0;
	s18 =	smov.u32 s31;
	s16 =	smov.u32 s2  }
.LBB2_3:
0x34: {  	p1 =	sge.u32 s18, s12  }
0x35: {  	s0 =	smulhi.u32 @!p1 $0xAAAAAAAB, s18  }
0x36: {  	s2 =	smov.u32 s16;
	p2 =	sgt.s32 @!p1 s16, $0x27011  }
0x37: {  	s20 =	sshra.s32 @!p1 s16, $0x1F;
	p2 =	por !p2, p1;
	s0 =	sshrl.u32 @!p1 s0, $0x1  }
0x38: {  	s20 =	sand.u32 @!p1 s20, s16;
	s2 =	simm.s32 @p2 $0x27011;
	s0 =	smul.u32 @!p1 $0x3, s0  }
0x39: {  	s2 =	ssub.s32 @!p1 s2, s20  }
0x3a: {  	s2 =	sadd.s32 @!p1 $0xFFFD8FEF, s2;
	s0 =	ssub.s32 @!p1 s18, s0  }
0x3b: {  	s20 =	sshll.u32 @!p1 s2, $0x2;
	p2 =	sgt.s32 @!p1 s2, $0xEF;
	s0 =	smul.u32 @!p1 $0x3C0, s0  }
0x3c: {  	s21 =	sand.u32 @!p1 $0x7, s16;
	s2 =	ssub.s32 @!p1 $0x3C0, s20;
	p2 =	por !p2, p1  }
0x3d: {  	s20 =	sshrl.u32 @!p1 s16, $0x3;
	s2 =	sshrl.u32 @!p1 s2, $0x2;
	s0 =	sshrl.u32 @!p1 s0, $0x2  }
0x3e: {  	s20 =	sadd.s32 @!p1 s5, s20;
	s2 =	simm.s32 @!p2 $0x0;
	s0 =	sadd.s32 @!p1 $0x10238, s0  }
0x3f: {  	[tilespmem:s0], [sflag:$0x8] =	stream.linear.gather @!p1 [hbm4b:s20+s21], s2, $0x38;
	[tilespmem:$0x1F6E8] =	vst v63  }
0x40: {  	s0 =	sadd.s32 $0xFFFFFFFF, s18  }
0x41: {  	p1 =	sge.u32 s0, s12  }
0x42: {  	p2 =	sgt.s32 @!p1 s17, $0x27011  }
0x43: {  	s2 =	smov.u32 s17;
	s20 =	sshra.s32 @!p1 s17, $0x1F;
	p2 =	por !p2, p1  }
0x44: {  	s20 =	sand.u32 @!p1 s20, s17;
	s2 =	simm.s32 @p2 $0x27011  }
0x45: {  	s2 =	ssub.s32 @!p1 s2, s20  }
0x46: {  	s2 =	sadd.s32 @!p1 $0xFFFD8FEF, s2  }
0x47: {  	s21 =	sand.u32 @!p1 $0x1, s0;
	s20 =	sshll.u32 @!p1 s2, $0x2  }
0x48: {  	p2 =	sgt.s32 @!p1 s2, $0xEF;
	s2 =	ssub.s32 @!p1 $0x3C0, s20;
	s20 =	smulhi.u32 @!p1 $0xAAAAAAAB, s0  }
0x49: {  	s23 =	smul.u32 @!p1 $0x3C0, s21;
	p2 =	por !p2, p1;
	s2 =	sshrl.u32 @!p1 s2, $0x2  }
0x4a: {  	s22 =	simm.s32 @!p1 $0x8;
	s2 =	simm.s32 @!p2 $0x0;
	s20 =	sshrl.u32 @!p1 s20, $0x1  }
0x4b: {  	s23 =	sshrl.u32 @!p1 s23, $0x2;
	_ =	swait.ge @!p1 [sflag:s22], s2;
	s20 =	smul.u32 @!p1 $0x3, s20  }
0x4c: {  	s23 =	sor.u32 @!p1 $0x10508, s23;
	s24 =	ssub.s32 @!p1 $0x0, s2;
	[sflag:s22] =	ssyncset.done @!p1 $0x0  }
0x4d: {  	[sflag:s22] =	ssyncadd.s32 @!p1 s24;
	s22 =	sshrl.u32 @!p1 s17, $0x3;
	s0 =	ssub.s32 @!p1 s0, s20  }
0x4e: {  	s24 =	sand.u32 @!p1 $0x7, s17;
	s22 =	sadd.s32 @!p1 s4, s22;
	s0 =	smul.u32 @!p1 $0x3C0, s0  }
0x4f: {  	[tilespmem:s23], [sflag:$0x9] =	stream.linear.gather @!p1 [hbm4b:s22+s24], s2, $0x38;
	[tilespmem:$0x1F6E8] =	vst v63  }
0x50: {  	s20 =	ssub.s32 @!p1 $0x27101, s17;
	s2 =	smul.u32 @!p1 $0x1E000, s21  }
0x51: {  	p2 =	slt.s32 @!p1 s20, $0xF0  }
0x52: {  	p2 =	por !p2, p1;
	s0 =	sshrl.u32 @!p1 s0, $0x2;
	s2 =	sshrl.u32 @!p1 s2, $0x2  }
0x53: {  	s20 =	simm.s32 @p2 $0xF0;
	s0 =	sadd.s32 @!p1 $0x10238, s0;
	s2 =	sor.u32 @!p1 $0x106E8, s2  }
0x54: {  	[tilespmem:s2], [sflag:$0x7] =	stream.indirect.gather @!p1 [hbm4b:s29+s20], $0x80, s0, s20, $0xb8;
	[tilespmem:$0x1F6E8] =	vst v63  }
0x55: {  	p1 =	slt.u32 s18, $0x2  }
.Ltmp3:
0x56: {  	_ = 	snop;
	(pc) =	sbr.rel @p1 .LBB2_21-.Ltmp3, $1  }
0x57: {  	_ =	sdelay $0x3  }
0x58: {  	p1 =	sgt.s32 s19, $0x27011;
	s0 =	smov.u32 s19  }
0x59: {  	s2 =	sshra.s32 s19, $0x1F;
	s20 =	ssub.s32 $0x27101, s19;
	s0 =	simm.s32 @!p1 $0x27011  }
0x5a: {  	s2 =	sand.u32 s2, s19;
	p1 =	slt.s32 s20, $0xF0;
	s21 =	smov.u32 s20  }
0x5b: {  	s0 =	ssub.s32 s0, s2;
	s21 =	simm.s32 @!p1 $0xF0  }
0x5c: {  	s0 =	sadd.s32 $0xFFFD8FEF, s0;
	s26 =	sshll.u32 s21, $0x7  }
0x5d: {  	s28 =	sshll.u32 s0, $0x2;
	s2 =	sand.u32 $0x3FFFFF80, s26  }
0x5e: {  	p1 =	sgt.s32 s0, $0xEF;
	s30 =	ssub.s32 $0x3C0, s28;
	_ =	swait.ge [sflag:s9], s2  }
0x5f: {  	s2 =	ssub.s32 $0x0, s2;
	[sflag:s9] =	ssyncset.done $0x0;
	s0 =	sshrl.u32 s30, $0x2  }
0x60: {  	[sflag:s9] =	ssyncadd.s32 s2;
	s0 =	simm.s32 @p1 $0x0  }
0x61: {  	_ =	swait.ge [sflag:s10], s0  }
0x62: {  	s0 =	ssub.s32 $0x0, s0;
	[sflag:s10] =	ssyncset.done $0x0  }
0x63: {  	[sflag:s10] =	ssyncadd.s32 s0  }
0x64: {  	v1 =	vld [tilespmem:$0xF208];
	_ =	sdelay $0x4  }
0x65: {  	(v2sf) =	vpush v1, $0x0  }
0x66: {  	(v2sf) =	vpush v1, $0x1  }
0x67: {  	(v2sf) =	vpush v1, $0x2;
	_ =	sdelay $0x3  }
0x68: {  	s0 =	sadd.s32 $0xF0, s19  }
0x69: {  	p1 =	slt.s32 s7, s0  }
0x6a: {  	s0 =	smov.u32 @p1 s7;
	p1 =	sgt.s32 s20, $0x0  }
0x6b: {  	s23 =	ssub.s32 s0, s19;
	s20 =	simm.s32 @!p1 $0x0  }
0x6c: {  	p1 =	slt.s32 s20, s23  }
0x6d: {  	s23 =	smov.u32 @p1 s20  }
0x6e: {  	s22 =	simm.s32 $0x1;
	p1 =	slt.s32 s23, $0x1  }
.Ltmp4:
0x6f: {  	s22 =	simm.s32 @!p0 $0x0;
	(pc) =	sbr.rel @p1 .LBB2_8-.Ltmp4, $4  }
0x70: {  	s31 =	smul.u32 $0x3C0, s22  }
0x71: {  	s24 =	spop (v2sf)  }
0x72: {  	s0 =	sshrl.u32 s31, $0x2;
	s26 =	spop (v2sf)  }
0x73: {  	s20 =	sor.u32 $0x10508, s0;
	s19 =	spop (v2sf)  }
0x74: {  	s0 =	smin.u32 s23, $0x10  }
0x75: {  	v1 =	vmov s0  }
0x76: {  	p2 =	sgt.s32 s23, $0x10;
	vm1 =	vgt.u32 v1, v0  }
.Ltmp5:
0x77: {  	_ = 	snop;
	(pc) =	sbr.rel @!p2 .LBB2_7-.Ltmp5, $2  }
0x78: {  	_ =	sdelay $0x2  }
0x79: {  	s25 =	simm.s32 $0x10;
	s28 =	sadd.s32 $0xFFFFFFF0, s23;
	s21 =	smov.u32 s20;
	vm0 =	vmmov vm1  }
.LBB2_6:
0x7a: {  	s0 =	smin.u32 s28, $0x10;
	s25 =	sadd.s32 $0x10, s25;
	v1 =	vld.msk [tilespmem:s21+$0x0 ss:$0x1], vm1  }
0x7b: {  	v2 =	vmov s0;
	p2 =	slt.s32 s25, s23  }
0x7c: {  	vm1 =	vgt.u32 v2, v0  }
.Ltmp6:
0x7d: {  	(pc) =	sbr.rel @p2 .LBB2_6-.Ltmp6, $3  }
0x7e: {  	_ =	sdelay $0x1  }
0x7f: {  	v1 =	vshll.u32 v1, $0x4  }
0x80: {  	s28 =	sadd.s32 $0xFFFFFFF0, s28;
	[tilespmem:s21+$0x0] =	vst.msk vm0, v1;
	s21 =	sadd.s32 $0x10, s21;
	vm0 =	vmmov vm1  }
.LBB2_7:
0x81: {  	_ =	sdelay $0x4  }
0x82: {  	v1 =	vld.msk [tilespmem:s21+$0x0 ss:$0x1], vm1;
	_ =	sdelay $0x4  }
0x83: {  	v1 =	vshll.u32 v1, $0x4  }
0x84: {  	[tilespmem:s21+$0x0] =	vst.msk vm0, v1  }
.LBB2_8:
0x85: {  	s0 =	sand.u32 $0x1, s18  }
0x86: {  	s0 =	smul.u32 $0xF0, s0  }
0x87: {  	p2 =	sne.s32 s26, $0xFFFFFFFF  }
0x88: {  	v1 =	vld.msk @!p2 [tilespmem:s0+$0x10508], $0x1;
	_ =	sdelay $0x4  }
0x89: {  	(v2sf) =	vpush @!p2 v1, $0x0;
	_ =	sdelay $0xc  }
.Ltmp7:
0x8a: {  	_ = 	snop;
	(pc) =	sbr.rel @p1 .LBB2_19-.Ltmp7, $4  }
0x8b: {  	_ = 	snop  }
0x8c: {  	s25 =	spop @!p2 (v2sf)  }
0x8d: {  	s19 =	simm.s32 @!p2 $0x0;
	s21 =	smov.u32 s25  }
0x8e: {  	[sflag:s15] =	ssyncpa.u1 $0x0;
	s25 =	smov.u32 @p2 s24;
	s21 =	smov.u32 @p2 s26  }
0x8f: {  	v1 =	vld.msk [tilespmem:s20+$0x0], $0x1;
	_ =	sdelay $0x4  }
0x90: {  	(v2sf) =	vpush v1, $0x0;
	_ =	sdelay $0xe  }
0x91: {  	s8 =	smov.u32 s29;
	s0 =	smul.u32 $0x1E000, s22;
	s29 =	spop (v2sf)  }
0x92: {  	s23 =	ssub.s32 $0x0, s23;
	p1 =	seq.s32 s25, s29  }
0x93: {  	s26 =	sadd.s32 $0x1, s23;
	s0 =	sshrl.u32 s0, $0x2;
	p2 =	sgt.s32 @!p1 s25, $0x0  }
0x94: {  	s22 =	sor.u32 $0x10728, s0;
	s0 =	smov.u32 s25;
	p2 =	por !p2, p1  }
0x95: {  	s0 =	simm.s32 @p2 $0x0;
	p2 =	seq.s32 s26, $0x0  }
.Ltmp8:
0x96: {  	_ = 	snop;
	(pc) =	sbr.rel @p2 .LBB2_11-.Ltmp8, $4  }
0x97: {  	_ = 	snop  }
0x98: {  	s24 =	simm.s32 $0x0;
	s28 =	sadd.s32 $0x1, s20;
	s0 =	smin.u32 @!p1 s0, $0x13870  }
0x99: {  	s30 =	simm.s32 @!p1 $0x1;
	s31 =	simm.s32 @!p1 $0x7988;
	s2 =	sand.u32 @!p1 $0x1FFF8, s0  }
0x9a: {  	s30 =	smov.u32 @p1 s24;
	s0 =	sand.u32 @!p1 $0x7, s0;
	s2 =	sadd.s32 @!p1 s1, s2  }
.LBB2_10:
0x9b: {  	s3 =	smov.u32 s30  }
0x9c: {  	[tilespmem:s31], [sflag:$0x2] =	stream.linear.gather @!p1 [hbm4b:s2+s0], $0x80, $0x38;
	[tilespmem:$0x1F6E8] =	vst v63  }
0x9d: {  	s26 =	sadd.s32 $0x1, s26;
	s0 =	smov.u32 s29;
	v1 =	vld.msk [tilespmem:s28+$0x0], $0x1  }
0x9e: {  	p2 =	seq.s32 s26, $0x0;
	_ =	sdelay $0x3  }
0x9f: {  	(v2sf) =	vpush v1, $0x0;
	_ =	sdelay $0xe  }
0xa0: {  	s29 =	spop (v2sf)  }
0xa1: {  	p1 =	seq.s32 s0, s29  }
0xa2: {  	p3 =	sgt.s32 @!p1 s0, $0x0;
	s2 =	sshll.u32 @!p1 s30, $0x9;
	s30 =	sadd.s32 @!p1 $0x1, s30  }
.Ltmp9:
0xa3: {  	p3 =	por !p3, p1;
	s2 =	sshra.s32 @!p1 s2, $0x2;
	(pc) =	sbr.rel @!p2 .LBB2_10-.Ltmp9, $4  }
0xa4: {  	s30 =	smov.u32 @p1 s3;
	s0 =	simm.s32 @p3 $0x0;
	s31 =	sadd.s32 @!p1 $0x7988, s2  }
0xa5: {  	s0 =	smin.u32 @!p1 s0, $0x13870  }
0xa6: {  	s2 =	sand.u32 @!p1 $0x1FFF8, s0;
	s0 =	sand.u32 @!p1 $0x7, s0  }
0xa7: {  	s28 =	sadd.s32 $0x1, s28;
	s2 =	sadd.s32 @!p1 s1, s2  }
.LBB2_11:
0xa8: {  	[tilespmem:s31], [sflag:$0x2] =	stream.linear.gather @!p1 [hbm4b:s2+s0], $0x80, $0x38;
	[tilespmem:$0x1F6E8] =	vst v63  }
.Ltmp10:
0xa9: {  	s30 =	sshll.u32 s30, $0x7;
	(pc) =	sbr.rel .LBB2_12-.Ltmp10, $4  }
0xaa: {  	s31 =	simm.s32 $0x2;
	s0 =	sand.u32 $0x3FFFFF80, s30  }
0xab: {  	_ =	swait.ge [sflag:s31], s0  }
0xac: {  	s0 =	ssub.s32 $0x0, s0;
	[sflag:s31] =	ssyncset.done $0x0  }
0xad: {  	s28 =	simm.s32 $0x0;
	s29 =	smov.u32 s8;
	[sflag:s31] =	ssyncadd.s32 s0  }
.LBB2_13:
0xae: {  	v1 =	vld [tilespmem:s22+$0xFFFFFFC0];
	_ =	sdelay $0x3  }
0xaf: {  	s0 =	sshra.s32 s0, $0x2  }
0xb0: {  	[tilespmem:s0+$0x108] =	vst.add.f32.msk $0xffff, v1  }
0xb1: {  	v1 =	vld [tilespmem:s22+$0xFFFFFFD0];
	_ =	sdelay $0x4  }
0xb2: {  	[tilespmem:s0+$0x118] =	vst.add.f32.msk $0xffff, v1  }
0xb3: {  	v1 =	vld [tilespmem:s22+$0xFFFFFFE0];
	_ =	sdelay $0x4  }
0xb4: {  	[tilespmem:s0+$0x128] =	vst.add.f32.msk $0xffff, v1  }
0xb5: {  	v1 =	vld [tilespmem:s22+$0xFFFFFFF0];
	_ =	sdelay $0x4  }
0xb6: {  	[tilespmem:s0+$0x138] =	vst.add.f32.msk $0xffff, v1  }
0xb7: {  	v1 =	vld [tilespmem:s22+$0x0];
	_ =	sdelay $0x4  }
0xb8: {  	[tilespmem:s0+$0x148] =	vst.add.f32.msk $0xffff, v1  }
0xb9: {  	v1 =	vld [tilespmem:s22+$0x10];
	_ =	sdelay $0x4  }
0xba: {  	[tilespmem:s0+$0x158] =	vst.add.f32.msk $0xffff, v1  }
0xbb: {  	v1 =	vld [tilespmem:s22+$0x20];
	_ =	sdelay $0x4  }
0xbc: {  	[tilespmem:s0+$0x168] =	vst.add.f32.msk $0xffff, v1  }
0xbd: {  	v1 =	vld [tilespmem:s22+$0x30];
	_ =	sdelay $0x4  }
0xbe: {  	[tilespmem:s0+$0x178] =	vst.add.f32.msk $0xffff, v1  }
.LBB2_17:
0xbf: {  	s23 =	sadd.s32 $0x1, s23  }
0xc0: {  	p1 =	seq.s32 s23, $0x0  }
.Ltmp11:
0xc1: {  	_ = 	snop;
	(pc) =	sbr.rel @p1 .LBB2_18-.Ltmp11, $2  }
0xc2: {  	_ =	sdelay $0x2  }
0xc3: {  	s20 =	sadd.s32 $0x1, s20;
	s22 =	sadd.s32 $0x80, s22;
	s25 =	smov.u32 s26  }
.LBB2_12:
0xc4: {  	v1 =	vld.msk [tilespmem:s20+$0x0], $0x1;
	_ =	sdelay $0x4  }
0xc5: {  	(v2sf) =	vpush v1, $0x0;
	_ =	sdelay $0xe  }
0xc6: {  	s26 =	spop (v2sf)  }
0xc7: {  	p1 =	sne.s32 s25, s26  }
.Ltmp12:
0xc8: {  	_ = 	snop;
	(pc) =	sbr.rel @!p1 .LBB2_13-.Ltmp12, $2  }
0xc9: {  	_ =	sdelay $0x2  }
0xca: {  	s0 =	sshll.u32 s19, $0x9  }
0xcb: {  	p1 =	seq.s32 s25, s21  }
.Ltmp13:
0xcc: {  	_ = 	snop;
	(pc) =	sbr.rel @!p1 .LBB2_15-.Ltmp13, $1  }
0xcd: {  	_ =	sdelay $0x3  }
0xce: {  	s0 =	sshra.s32 s0, $0x2  }
.Ltmp14:
0xcf: {  	s0 =	sadd.s32 $0x108, s0;
	(pc) =	sbr.rel .LBB2_16-.Ltmp14, $4  }
0xd0: {  	[spmem:s13] =	stream.linear.scatter [tilespmem:s0], [sflag:$0x1], $0x80, $0x38;
	[tilespmem:$0x1F6E8] =	vst v63  }
0xd1: {  	_ =	swait.ge [sflag:s11], $0x80  }
0xd2: {  	[sflag:s11] =	ssyncset.done $0x0  }
0xd3: {  	[sflag:s11] =	ssyncadd.s32 $0xFFFFFF80  }
.LBB2_15:
0xd4: {  	s2 =	sshll.u32 s24, $0x9  }
0xd5: {  	s2 =	sshra.s32 s2, $0x2  }
0xd6: {  	v1 =	vld [tilespmem:s2+$0x7988];
	_ =	sdelay $0x3  }
0xd7: {  	s0 =	sshra.s32 s0, $0x2  }
0xd8: {  	[tilespmem:s0+$0x108] =	vst.add.f32.msk $0xffff, v1  }
0xd9: {  	v1 =	vld [tilespmem:s2+$0x7998];
	_ =	sdelay $0x4  }
0xda: {  	[tilespmem:s0+$0x118] =	vst.add.f32.msk $0xffff, v1  }
0xdb: {  	v1 =	vld [tilespmem:s2+$0x79A8];
	_ =	sdelay $0x4  }
0xdc: {  	[tilespmem:s0+$0x128] =	vst.add.f32.msk $0xffff, v1  }
0xdd: {  	v1 =	vld [tilespmem:s2+$0x79B8];
	_ =	sdelay $0x4  }
0xde: {  	[tilespmem:s0+$0x138] =	vst.add.f32.msk $0xffff, v1  }
0xdf: {  	v1 =	vld [tilespmem:s2+$0x79C8];
	_ =	sdelay $0x4  }
0xe0: {  	[tilespmem:s0+$0x148] =	vst.add.f32.msk $0xffff, v1  }
0xe1: {  	v1 =	vld [tilespmem:s2+$0x79D8];
	_ =	sdelay $0x4  }
0xe2: {  	[tilespmem:s0+$0x158] =	vst.add.f32.msk $0xffff, v1  }
0xe3: {  	v1 =	vld [tilespmem:s2+$0x79E8];
	_ =	sdelay $0x4  }
0xe4: {  	[tilespmem:s0+$0x168] =	vst.add.f32.msk $0xffff, v1  }
0xe5: {  	v1 =	vld [tilespmem:s2+$0x79F8];
	_ =	sdelay $0x2  }
0xe6: {  	p1 =	sgt.u32 s25, $0x13870  }
0xe7: {  	s2 =	sand.u32 @!p1 $0x1FFF8, s25  }
0xe8: {  	s3 =	sadd.s32 $0x108, s0;
	[tilespmem:s0+$0x178] =	vst.add.f32.msk $0xffff, v1;
	s0 =	sadd.s32 @!p1 s1, s2;
	s2 =	sand.u32 @!p1 $0x7, s25  }
0xe9: {  	[hbm4b:s0+s2] =	stream.linear.scatter @!p1 [tilespmem:s3], [sflag:$0xA], $0x80, $0x38;
	[tilespmem:$0x1F6E8] =	vst v63  }
0xea: {  	s0 =	simm.s32 $0x0  }
0xeb: {  	s0 =	simm.s32 @!p1 $0x200  }
0xec: {  	s28 =	sadd.s32 s0, s28  }
.LBB2_16:
0xed: {  	s0 =	sadd.s32 $0x1, s19  }
0xee: {  	s2 =	smulhi.u32 $0x88888889, s0;
	_ =	sdelay $0x1  }
0xef: {  	v1 =	vld [tilespmem:s22+$0xFFFFFFC0];
	s2 =	sshrl.u32 s2, $0x7  }
0xf0: {  	s2 =	smul.u32 $0xF0, s2;
	_ =	sdelay $0x1  }
0xf1: {  	s19 =	ssub.s32 s0, s2  }
0xf2: {  	s0 =	sshll.u32 s19, $0x7  }
0xf3: {  	[tilespmem:s0+$0x108] =	vst v1  }
0xf4: {  	v1 =	vld [tilespmem:s22+$0xFFFFFFD0];
	_ =	sdelay $0x4  }
0xf5: {  	[tilespmem:s0+$0x118] =	vst v1  }
0xf6: {  	v1 =	vld [tilespmem:s22+$0xFFFFFFE0];
	_ =	sdelay $0x4  }
0xf7: {  	[tilespmem:s0+$0x128] =	vst v1  }
0xf8: {  	v1 =	vld [tilespmem:s22+$0xFFFFFFF0];
	_ =	sdelay $0x4  }
0xf9: {  	[tilespmem:s0+$0x138] =	vst v1  }
0xfa: {  	v1 =	vld [tilespmem:s22+$0x0];
	_ =	sdelay $0x4  }
0xfb: {  	[tilespmem:s0+$0x148] =	vst v1  }
0xfc: {  	v1 =	vld [tilespmem:s22+$0x10];
	_ =	sdelay $0x4  }
0xfd: {  	[tilespmem:s0+$0x158] =	vst v1  }
0xfe: {  	v1 =	vld [tilespmem:s22+$0x20];
	_ =	sdelay $0x4  }
0xff: {  	[tilespmem:s0+$0x168] =	vst v1  }
0x100: {  	v1 =	vld [tilespmem:s22+$0x30]  }
.Ltmp15:
0x101: {  	_ = 	snop;
	(pc) =	sbr.rel .LBB2_17-.Ltmp15, $2  }
0x102: {  	_ =	sdelay $0x2  }
0x103: {  	s24 =	sadd.s32 $0x1, s24;
	[tilespmem:s0+$0x178] =	vst v1  }
.LBB2_19:
.Ltmp16:
0x104: {  	(pc) =	sbr.rel .LBB2_20-.Ltmp16, $4  }
0x105: {  	_ = 	snop  }
0x106: {  	s0 =	simm.s32 $0x2  }
0x107: {  	_ =	swait.ge [sflag:s0], $0x0  }
0x108: {  	s26 =	smov.u32 s25;
	[sflag:s0] =	ssyncset.done $0x0;
	s0 =	simm.s32 $0x0  }
.LBB2_22:
0x109: {  	_ =	sfence.sel $0x180000  }
0x10a: {  	s0 =	simm.s32 $0x7;
	[bflag:$0x0] =	sbarrier.arrive $0xFFFF  }
0x10b: {  	s25 =	simm.s32 $0x8;
	[sflag:s0] =	ssyncpa.u1 $0x1  }
0x10c: {  	s26 =	simm.s32 $0x9;
	[sflag:s25] =	ssyncpa.u1 $0x1  }
0x10d: {  	s28 =	simm.s32 $0x2;
	[sflag:s26] =	ssyncpa.u1 $0x1  }
0x10e: {  	[sflag:s28] =	ssyncpa.u1 $0x1  }
0x10f: {  	v0 =	vld [tilespmem:$0xF208];
	_ =	sdelay $0x4  }
0x110: {  	(v2sf) =	vpush v0, $0x0  }
0x111: {  	(v2sf) =	vpush v0, $0x1;
	_ =	sdelay $0x1  }
0x112: {  	(v2sf) =	vpush v0, $0x2;
	_ =	sdelay $0xb  }
0x113: {  	s0 =	spop (v2sf)  }
0x114: {  	s2 =	spop (v2sf)  }
0x115: {  	s3 =	smov.u32 s0;
	p0 =	sne.s32 s0, s2  }
0x116: {  	s4 =	spop (v2sf);
	s3 =	simm.s32 @!p0 $0xFFFFFFFF  }
0x117: {  	v2 =	vimm.s32 $0x1;
	v3 =	vlaneseq.u32;
	p0 =	seq.s32 s4, $0xFFFFFFFF;
	v1 =	vmov s3  }
0x118: {  	s7 =	stileid.u32;
	v0 =	vperm.xlane v0, v2;
	p1 =	sne.s32 @!p0 s0, s2;
	v1 =	vperm.xlane v1, v3  }
0x119: {  	vm0 =	vcmask $0x3F04;
	s6 =	simm.s32 $0xF208;
	s0 =	simm.s32 @!p0 $0x1;
	p1 =	por !p1, p0  }
0x11a: {  	s3 =	sshll.u32 s7, $0x1;
	s2 =	sshll.u32 @!p0 s4, $0x9;
	s0 =	simm.s32 @p1 $0x0;
	v0 =	vsel vm0, v1, v0  }
0x11b: {  	s5 =	sor.u32 $0x1000, s3;
	s2 =	sshra.s32 @!p0 s2, $0x2;
	s0 =	sor.u32 @!p0 s0, s3;
	[tilespmem:$0xF208] =	vst v0  }
0x11c: {  	[spmem:s5] =	stream.linear.scatter [tilespmem:s6], [sflag:$0x1], $0x2, $0x38;
	[tilespmem:$0x1F6E8] =	vst v63  }
0x11d: {  	s2 =	sadd.s32 @!p0 $0x108, s2;
	s0 =	sshll.u32 @!p0 s0, $0x7  }
0x11e: {  	[spmem:s0] =	stream.linear.scatter @!p0 [tilespmem:s2], [sflag:$0x1], $0x80, $0x38;
	[tilespmem:$0x1F6E8] =	vst v63  }
0x11f: {  	s0 =	simm.s32 @!p0 $0x82  }
0x120: {  	s3 =	simm.s32 $0x1;
	s0 =	simm.s32 @p0 $0x2  }
0x121: {  	_ =	swait.ge [sflag:s3], s0  }
0x122: {  	s0 =	ssub.s32 $0x0, s0;
	[sflag:s3] =	ssyncset.done $0x0  }
0x123: {  	[sflag:s3] =	ssyncadd.s32 s0  }
0x124: {  	_ =	sfence.stream.spmem  }
0x125: {  	s29 =	simm.s32 $0x3;
	[bflag:$0x0] =	sbarrier.arrive $0xFFFF  }
0x126: {  	s30 =	simm.s32 $0x4;
	[sflag:s29] =	ssyncpa.u1 $0x1  }
0x127: {  	s31 =	simm.s32 $0x3C;
	[sflag:s30] =	ssyncpa.u1 $0x1  }
0x128: {  	p0 =	sne.s32 s7, $0x0;
	[sflag:s31] =	ssyncpa.u1 $0x1  }
0x129: {  	_ =	sfence @p0  }
0x12a: {  	[sflag:s3] =	ssyncpa.u1 @p0 $0x1  }
0x12b: {  	_ =	strace @p0 $0x9000005C  }
0x12c: {  	[bflag:$0x2] =	sbarrier.arrive @p0 $0xFFFF  }
0x12d: {  	_ =	shalt @p0  }
.LBB2_23:
0x12e: {  	_ =	sfence.stream.spmem;
	s0 =	simm.s32 $0x5  }
0x12f: {  	s2 =	simm.s32 $0x1000;
	s3 =	simm.s32 $0xF218;
	[sflag:s0] =	ssyncpa.u1 $0x0  }
0x130: {  	[tilespmem:s3], [sflag:$0x5] =	stream.linear.gather [spmem:s2], $0x20, $0x38;
	[tilespmem:$0x1F6E8] =	vst v63  }
0x131: {  	s30 =	simm.s32 $0xF238;
	s2 =	simm.s32 $0x0  }
0x132: {  	[tilespmem:s30], [sflag:$0x5] =	stream.linear.gather [spmem:s2], $0x1000, $0x38;
	[tilespmem:$0x1F6E8] =	vst v63  }
.Ltmp17:
0x133: {  	_ = 	snop;
	(pc) =	sbr.rel .LBB2_24-.Ltmp17, $4  }
0x134: {  	_ =	swait.ge [sflag:s0], $0x1020  }
0x135: {  	[sflag:s0] =	ssyncset.done $0x0  }
0x136: {  	s31 =	simm.s32 $0x6;
	[sflag:s0] =	ssyncadd.s32 $0xFFFFEFE0  }
0x137: {  	s3 =	simm.s32 $0x0;
	[sflag:s31] =	ssyncpa.u1 $0x0  }
.LBB2_30:
0x138: {  	p0 =	slt.u32 s4, $0x13871  }
0x139: {  	s0 =	sand.u32 @p0 $0x1FFF8, s4  }
0x13a: {  	s4 =	sand.u32 @p0 $0x7, s4;
	s5 =	simm.s32 @p0 $0xF188;
	s0 =	sadd.s32 @p0 s1, s0  }
0x13b: {  	[tilespmem:s5], [sflag:$0x6] =	stream.linear.gather @p0 [hbm4b:s0+s4], $0x80, $0x38;
	[tilespmem:$0x1F6E8] =	vst v63  }
0x13c: {  	s0 =	simm.s32 @p0 $0x6  }
0x13d: {  	_ =	swait.ge @p0 [sflag:s0], $0x80  }
0x13e: {  	[sflag:s0] =	ssyncset.done @p0 $0x0  }
0x13f: {  	[sflag:s0] =	ssyncadd.s32 @p0 $0xFFFFFF80  }
0x140: {  	v1 =	vld @p0 [tilespmem:$0xF188];
	_ =	sdelay $0x2  }
0x141: {  	s0 =	sshll.u32 @p0 s3, $0x9  }
0x142: {  	s4 =	sshrl.u32 @p0 s0, $0x2  }
0x143: {  	[tilespmem:s4+$0xF238] =	vst.add.f32.msk @p0 $0xffff, v1  }
0x144: {  	v1 =	vld @p0 [tilespmem:$0xF198];
	_ =	sdelay $0x4  }
0x145: {  	[tilespmem:s4+$0xF248] =	vst.add.f32.msk @p0 $0xffff, v1  }
0x146: {  	v1 =	vld @p0 [tilespmem:$0xF1A8];
	_ =	sdelay $0x4  }
0x147: {  	[tilespmem:s4+$0xF258] =	vst.add.f32.msk @p0 $0xffff, v1  }
0x148: {  	v1 =	vld @p0 [tilespmem:$0xF1B8];
	_ =	sdelay $0x4  }
0x149: {  	[tilespmem:s4+$0xF268] =	vst.add.f32.msk @p0 $0xffff, v1  }
0x14a: {  	v1 =	vld @p0 [tilespmem:$0xF1C8];
	_ =	sdelay $0x4  }
0x14b: {  	[tilespmem:s4+$0xF278] =	vst.add.f32.msk @p0 $0xffff, v1  }
0x14c: {  	v1 =	vld @p0 [tilespmem:$0xF1D8];
	_ =	sdelay $0x4  }
0x14d: {  	[tilespmem:s4+$0xF288] =	vst.add.f32.msk @p0 $0xffff, v1  }
0x14e: {  	v1 =	vld @p0 [tilespmem:$0xF1E8];
	_ =	sdelay $0x4  }
0x14f: {  	[tilespmem:s4+$0xF298] =	vst.add.f32.msk @p0 $0xffff, v1  }
0x150: {  	v1 =	vld @p0 [tilespmem:$0xF1F8];
	_ =	sdelay $0x3  }
0x151: {  	s5 =	sshll.u32 @!p0 s3, $0x9  }
0x152: {  	s5 =	smov.u32 @p0 s0;
	[tilespmem:s4+$0xF2A8] =	vst.add.f32.msk @p0 $0xffff, v1  }
0x153: {  	s0 =	sshrl.u32 s5, $0x2;
	[tilespmem:s2+$0xF218] =	vst.msk $0x1, v0  }
0x154: {  	v0 =	vld [tilespmem:s0+$0xF238];
	_ =	sdelay $0x2  }
0x155: {  	s31 =	sshll.u32 s2, $0x9  }
0x156: {  	s4 =	sshra.s32 s31, $0x2  }
0x157: {  	[tilespmem:s4+$0xF238] =	vst v0  }
0x158: {  	v0 =	vld [tilespmem:s0+$0xF248];
	_ =	sdelay $0x4  }
0x159: {  	[tilespmem:s4+$0xF248] =	vst v0  }
0x15a: {  	v0 =	vld [tilespmem:s0+$0xF258];
	_ =	sdelay $0x4  }
0x15b: {  	[tilespmem:s4+$0xF258] =	vst v0  }
0x15c: {  	v0 =	vld [tilespmem:s0+$0xF268];
	_ =	sdelay $0x4  }
0x15d: {  	[tilespmem:s4+$0xF268] =	vst v0  }
0x15e: {  	v0 =	vld [tilespmem:s0+$0xF278];
	_ =	sdelay $0x4  }
0x15f: {  	[tilespmem:s4+$0xF278] =	vst v0  }
0x160: {  	v0 =	vld [tilespmem:s0+$0xF288];
	_ =	sdelay $0x4  }
0x161: {  	[tilespmem:s4+$0xF288] =	vst v0  }
0x162: {  	v0 =	vld [tilespmem:s0+$0xF298];
	_ =	sdelay $0x4  }
0x163: {  	[tilespmem:s4+$0xF298] =	vst v0  }
0x164: {  	v0 =	vld [tilespmem:s0+$0xF2A8];
	_ =	sdelay $0x4  }
0x165: {  	s2 =	sadd.s32 $0x1, s2;
	[tilespmem:s4+$0xF2A8] =	vst v0  }
.LBB2_31:
0x166: {  	s3 =	sadd.s32 $0x1, s3  }
0x167: {  	p0 =	sne.s32 s3, $0x20  }
.Ltmp18:
0x168: {  	_ = 	snop;
	(pc) =	sbr.rel @!p0 .LBB2_32-.Ltmp18, $1  }
0x169: {  	_ =	sdelay $0x3  }
.LBB2_24:
0x16a: {  	v0 =	vld.msk [tilespmem:s3+$0xF218], $0x1;
	_ =	sdelay $0x4  }
0x16b: {  	(v2sf) =	vpush v0, $0x0;
	_ =	sdelay $0xe  }
0x16c: {  	s4 =	spop (v2sf)  }
0x16d: {  	p0 =	seq.s32 s4, $0xFFFFFFFF  }
.Ltmp19:
0x16e: {  	_ = 	snop;
	(pc) =	sbr.rel @p0 .LBB2_31-.Ltmp19, $1  }
0x16f: {  	_ =	sdelay $0x3  }
0x170: {  	p0 =	slt.s32 s2, $0x1  }
.Ltmp20:
0x171: {  	_ = 	snop;
	(pc) =	sbr.rel @p0 .LBB2_30-.Ltmp20, $1  }
0x172: {  	_ =	sdelay $0x3  }
0x173: {  	s5 =	simm.s32 $0xF218;
	p0 =	por $0x0, $0x0  }
0x174: {  	v1 =	vld.msk @!p0 [tilespmem:s5+$0x0], $0x1;
	_ =	sdelay $0x4  }
0x175: {  	(v2sf) =	vpush @!p0 v1, $0x0;
	_ =	sdelay $0xd  }
0x176: {  	p2 =	sne.s32 s2, $0x1  }
.Ltmp21:
0x177: {  	s0 =	spop @!p0 (v2sf);
	(pc) =	sbr.rel @!p2 .LBB2_28-.Ltmp21, $4  }
0x178: {  	p1 =	seq.s32 @!p0 s4, s0  }
0x179: {  	s6 =	simm.s32 $0x0;
	p1 =	por !p1, p0  }
0x17a: {  	s0 =	simm.s32 $0xFFFFFFFF;
	s6 =	simm.s32 @p1 $0xFFFFFFFF  }
0x17b: {  	s7 =	simm.s32 $0x1;
	s6 =	smov.u32 @p0 s0  }
.LBB2_27:
0x17c: {  	s0 =	smov.u32 s6;
	p0 =	sne.s32 s6, $0xFFFFFFFF  }
0x17d: {  	s5 =	sadd.s32 $0x1, s5;
	s6 =	smov.u32 s7;
	s7 =	sadd.s32 $0x1, s7  }
0x17e: {  	p1 =	sne.s32 s2, s7;
	v1 =	vld.msk @!p0 [tilespmem:s5+$0x0], $0x1;
	_ =	sdelay $0x4  }
0x17f: {  	(v2sf) =	vpush @!p0 v1, $0x0;
	_ =	sdelay $0xe  }
.Ltmp22:
0x180: {  	s8 =	spop @!p0 (v2sf);
	(pc) =	sbr.rel @p1 .LBB2_27-.Ltmp22, $4  }
0x181: {  	p2 =	seq.s32 @!p0 s4, s8  }
0x182: {  	p2 =	por !p2, p0  }
0x183: {  	s6 =	simm.s32 @p2 $0xFFFFFFFF  }
0x184: {  	s6 =	smov.u32 @p0 s0  }
.LBB2_28:
0x185: {  	p0 =	seq.s32 s6, $0xFFFFFFFF  }
.Ltmp23:
0x186: {  	_ = 	snop;
	(pc) =	sbr.rel @p0 .LBB2_30-.Ltmp23, $1  }
0x187: {  	_ =	sdelay $0x3  }
0x188: {  	s0 =	sshll.u32 s3, $0x7  }
0x189: {  	s0 =	sand.u32 $0x3FFFFF80, s0  }
0x18a: {  	v0 =	vld [tilespmem:s0+$0xF238];
	_ =	sdelay $0x2  }
0x18b: {  	s4 =	sshll.u32 s6, $0x9  }
0x18c: {  	s4 =	sshra.s32 s4, $0x2  }
0x18d: {  	[tilespmem:s4+$0xF238] =	vst.add.f32.msk $0xffff, v0  }
0x18e: {  	v0 =	vld [tilespmem:s0+$0xF248];
	_ =	sdelay $0x4  }
0x18f: {  	[tilespmem:s4+$0xF248] =	vst.add.f32.msk $0xffff, v0  }
0x190: {  	v0 =	vld [tilespmem:s0+$0xF258];
	_ =	sdelay $0x4  }
0x191: {  	[tilespmem:s4+$0xF258] =	vst.add.f32.msk $0xffff, v0  }
0x192: {  	v0 =	vld [tilespmem:s0+$0xF268];
	_ =	sdelay $0x4  }
0x193: {  	[tilespmem:s4+$0xF268] =	vst.add.f32.msk $0xffff, v0  }
0x194: {  	v0 =	vld [tilespmem:s0+$0xF278];
	_ =	sdelay $0x4  }
0x195: {  	[tilespmem:s4+$0xF278] =	vst.add.f32.msk $0xffff, v0  }
0x196: {  	v0 =	vld [tilespmem:s0+$0xF288];
	_ =	sdelay $0x4  }
0x197: {  	[tilespmem:s4+$0xF288] =	vst.add.f32.msk $0xffff, v0  }
0x198: {  	v0 =	vld [tilespmem:s0+$0xF298];
	_ =	sdelay $0x4  }
0x199: {  	[tilespmem:s4+$0xF298] =	vst.add.f32.msk $0xffff, v0  }
0x19a: {  	v0 =	vld [tilespmem:s0+$0xF2A8]  }
.Ltmp24:
0x19b: {  	_ = 	snop;
	(pc) =	sbr.rel .LBB2_31-.Ltmp24, $2  }
0x19c: {  	_ =	sdelay $0x2  }
0x19d: {  	[tilespmem:s4+$0xF2A8] =	vst.add.f32.msk $0xffff, v0  }
.LBB2_32:
0x19e: {  	p0 =	slt.s32 s2, $0x1  }
.Ltmp25:
0x19f: {  	_ = 	snop;
	(pc) =	sbr.rel @p0 .LBB2_36-.Ltmp25, $3  }
0x1a0: {  	_ =	sdelay $0x1  }
0x1a1: {  	s0 =	simm.s32 $0x6  }
0x1a2: {  	s3 =	simm.s32 $0x0;
	[sflag:s0] =	ssyncpa.u1 $0x1  }
0x1a3: {  	s0 =	simm.s32 $0xF218  }
0x1a4: {  	v0 =	vld.msk [tilespmem:s0+$0x0], $0x1;
	_ =	sdelay $0x4  }
0x1a5: {  	(v2sf) =	vpush v0, $0x0;
	_ =	sdelay $0xd  }
0x1a6: {  	s2 =	sadd.s32 $0xFFFFFFFF, s2  }
0x1a7: {  	p1 =	sne.s32 s2, $0x0;
	s0 =	spop (v2sf)  }
.Ltmp26:
0x1a8: {  	p0 =	sgt.u32 s0, $0x13870;
	(pc) =	sbr.rel @!p1 .LBB2_35-.Ltmp26, $4  }
0x1a9: {  	s4 =	simm.s32 $0xF238;
	s5 =	sand.u32 @!p0 $0x1FFF8, s0  }
0x1aa: {  	s6 =	simm.s32 $0x0;
	s0 =	sand.u32 @!p0 $0x7, s0;
	s5 =	sadd.s32 @!p0 s1, s5  }
0x1ab: {  	[hbm4b:s5+s0] =	stream.linear.scatter @!p0 [tilespmem:s4], [sflag:$0x5], $0x80, $0x38;
	[tilespmem:$0x1F6E8] =	vst v63  }
0x1ac: {  	s6 =	simm.s32 @!p0 $0x200;
	s5 =	simm.s32 $0xF219  }
.LBB2_34:
0x1ad: {  	v0 =	vld.msk [tilespmem:s5+$0x0], $0x1;
	s2 =	sadd.s32 $0xFFFFFFFF, s2;
	s3 =	sadd.s32 s3, s6  }
0x1ae: {  	p0 =	sne.s32 s2, $0x0;
	_ =	sdelay $0x3  }
0x1af: {  	(v2sf) =	vpush v0, $0x0;
	_ =	sdelay $0xe  }
.Ltmp27:
0x1b0: {  	s0 =	spop (v2sf);
	(pc) =	sbr.rel @p0 .LBB2_34-.Ltmp27, $4  }
0x1b1: {  	s6 =	simm.s32 $0x0;
	p1 =	sgt.u32 s0, $0x13870  }
0x1b2: {  	s4 =	sadd.s32 $0x80, s4;
	s6 =	simm.s32 @!p1 $0x200;
	s7 =	sand.u32 @!p1 $0x1FFF8, s0  }
0x1b3: {  	s5 =	sadd.s32 $0x1, s5;
	s0 =	sand.u32 @!p1 $0x7, s0;
	s7 =	sadd.s32 @!p1 s1, s7  }
0x1b4: {  	[hbm4b:s7+s0] =	stream.linear.scatter @!p1 [tilespmem:s4], [sflag:$0x5], $0x80, $0x38;
	[tilespmem:$0x1F6E8] =	vst v63  }
.LBB2_35:
0x1b5: {  	s0 =	sadd.s32 s3, s6  }
0x1b6: {  	s3 =	sshrl.u32 s0, $0x2  }
.LBB2_36:
0x1b7: {  	s0 =	simm.s32 $0x5  }
0x1b8: {  	_ =	swait.ge [sflag:s0], s3  }
0x1b9: {  	s1 =	ssub.s32 $0x0, s3;
	[sflag:s0] =	ssyncset.done $0x0  }
0x1ba: {  	[sflag:s0] =	ssyncadd.s32 s1  }
0x1bb: {  	[sflag:s0] =	ssyncpa.u1 $0x1  }
0x1bc: {  	s30 =	simm.s32 $0x1;
	_ =	sfence  }
0x1bd: {  	[sflag:s30] =	ssyncpa.u1 $0x1  }
0x1be: {  	_ =	strace $0x9000005C  }
0x1bf: {  	[bflag:$0x2] =	sbarrier.arrive $0xFFFF  }
0x1c0: {  	s31 =	rddreg [dreg:$0x2]  }
0x1c1: {  	s0 =	sadd.s32 $0x100000, s31  }
0x1c2: {  	[sflag:s0] =	ssyncadd.tile.s32 $0x1;
	_ =	shalt  }
.Lfunc_end2:
_tile_overlayer_lowered:
.L_overlay_start_2:
0x1c3: {  	(tag) =	ssettag $0x2  }
0x1c4: {  	s0 =	rddreg [dreg:$0x0];
	s2 =	stileid.u32  }
0x1c5: {  	s1 =	rddreg [dreg:$0x1];
	p0 =	sne.s32 s2, $0x0  }
0x1c6: {  	s3 =	rddreg [dreg:$0x2];
	[bflag:$0x3] =	sbarrier.arrive $0xFFFF;
	s2 =	simm.s32 @!p0 $0x1C01  }
0x1c7: {  	[timem:s3], [sflag:s2] =	dma.local @!p0 [hbm:s0], s1  }
0x1c8: {  	s0 =	simm.s32 @!p0 $0x1  }
0x1c9: {  	_ =	swait.ge @!p0 [sflag:s0], s1  }
0x1ca: {  	s1 =	ssub.s32 @!p0 $0x0, s1;
	[sflag:s0] =	ssyncset.done @!p0 $0x0  }
0x1cb: {  	[sflag:s0] =	ssyncadd.s32 @!p0 s1  }
0x1cc: {  	[bflag:$0x3] =	sbarrier.arrive $0xFFFF  }
0x1cd: {  	_ =	shalt  }

// kernel: scatter_offload_async_start
scs
__scs_entry_jumppad:
0x0: {  	(pc) =	sbr.rel $0x88, $3  }
0x1: {  	(tag) =	ssettag $0x0;
	lr =	simm.s32 $0x1  }
0x2: {  	[smem:$0x3F96] =	sst lr;
	_ =	strace $0xD0000000  }
0x3: {  	_ = 	snop  }
0x4: {  	_ = 	snop  }
0x5: {  	_ = 	snop  }
0x6: {  	_ = 	snop  }
0x7: {  	_ = 	snop  }
__scs_overlays_trampoline_lowered:
0x8: {  	[smem:$0x3FA5] =	sst s0  }
0x9: {  	[smem:$0x3FA6] =	sst s1  }
0xa: {  	[smem:$0x3FA7] =	sst s2  }
0xb: {  	[smem:$0x3FA8] =	sst s3  }
0xc: {  	[smem:$0x3FA9] =	sst s4  }
0xd: {  	[smem:$0x3FAA] =	sst s5  }
0xe: {  	[smem:$0x3FAB] =	sst s6  }
0xf: {  	[smem:$0x3FAC] =	sst s7  }
0x10: {  	[smem:$0x3FAD] =	sst s8  }
0x11: {  	[smem:$0x3FAE] =	sst s9;
	s0 =	simm.s32 @!p0 $0x0  }
0x12: {  	s1 =	sld [smem:$0x3F94];
	s0 =	simm.s32 @p0 $0x1  }
0x13: {  	[smem:$0x3FAF] =	sst s0;
	s0 =	simm.s32 @!p1 $0x0  }
0x14: {  	s2 =	sld [smem:$0x3F93];
	s0 =	simm.s32 @p1 $0x1  }
0x15: {  	[smem:$0x3FB0] =	sst s0;
	s0 =	simm.s32 @!p2 $0x0  }
0x16: {  	s3 =	sld [smem:$0x3FDB];
	s0 =	simm.s32 @p2 $0x1  }
0x17: {  	s4 =	simm.s32 $0x1BF5;
	[smem:$0x3FB2] =	sst s0  }
0x18: {  	s0 =	sld [smem:$0x3F95];
	_ =	swait.ge [sflag:s4], $0x0  }
0x19: {  	s7 =	sld [smem:$0x3F96]  }
0x1a: {  	s8 =	sadd.s32 $0xFFFFE003, lr  }
0x1b: {  	s9 =	sadd.s32 $0xFFFFFEF7, lr;
	s5 =	simm.s32 $0xFFFFFFFF;
	p2 =	slt.u32 s8, $0xFFFFF086  }
0x1c: {  	p1 =	slt.u32 s9, $0xF7A;
	s5 =	simm.s32 @!p2 $0x0  }
0x1d: {  	s5 =	simm.s32 @p1 $0x1;
	p0 =	seq.s32 s7, s2  }
0x1e: {  	s7 =	smul.u32 @!p0 $0xF7A, s2;
	p2 =	seq.s32 @!p0 s5, $0x0  }
0x1f: {  	s9 =	smul.u32 $0xF7A, s1;
	s8 =	simm.s32 @!p0 $0x1BF5;
	p2 =	por !p2, p0  }
0x20: {  	[sflag:s8] =	ssyncset.s32 @!p0 $0xFFFFF086;
	s6 =	sadd.s32 @!p0 s3, s7;
	s7 =	simm.s32 @!p0 $0x108  }
0x21: {  	s3 =	sadd.s32 s3, s9;
	s6 =	sadd.s32 @!p0 $0x88, s6;
	s7 =	simm.s32 @p2 $0x1082  }
0x22: {  	[simem:s7], [sflag:s8] =	dma.local @!p0 [hbm:s6], $0xF7A  }
0x23: {  	s9 =	sor.u32 $0xD0000000, s2;
	s6 =	simm.s32 $0x108;
	_ =	swait.ge @!p0 [sflag:s8], $0x0  }
0x24: {  	s3 =	sadd.s32 $0x88, s3;
	s6 =	simm.s32 @!p1 $0x1082;
	[sflag:s4] =	ssyncset.s32 $0xFFFFF086  }
0x25: {  	[simem:s6], [sflag:s4] =	dma.local [hbm:s3], $0xF7A  }
0x26: {  	[smem:$0x3F96] =	sst s1;
	(tag) =	ssettag s2;
	_ =	strace s9  }
0x27: {  	s1 =	sld [smem:$0x3FA6]  }
0x28: {  	s2 =	sld [smem:$0x3FA7]  }
0x29: {  	s4 =	sld [smem:$0x3FA9]  }
0x2a: {  	p0 =	seq.s32 s5, $0x0;
	s5 =	sld [smem:$0x3FAA]  }
0x2b: {  	s6 =	sld [smem:$0x3FAB]  }
0x2c: {  	s7 =	sld [smem:$0x3FAC]  }
0x2d: {  	s3 =	simm.s32 $0x108;
	s8 =	sld [smem:$0x3FAD]  }
0x2e: {  	s3 =	simm.s32 @!p0 $0x1082;
	s9 =	sld [smem:$0x3FAE]  }
0x2f: {  	lr =	sadd.s32 s0, s3;
	s0 =	sld [smem:$0x3FA5]  }
0x30: {  	s3 =	sld [smem:$0x3FA8]  }
0x31: {  	[smem:$0x3FB1] =	sst s10  }
0x32: {  	s10 =	sld [smem:$0x3FAF];
	_ =	sdelay $0x3  }
0x33: {  	p0 =	seq.s32 s10, $0x1;
	s10 =	sld [smem:$0x3FB1];
	_ =	sdelay $0x3  }
0x34: {  	[smem:$0x3FB1] =	sst s10  }
0x35: {  	s10 =	sld [smem:$0x3FB0];
	_ =	sdelay $0x3  }
0x36: {  	p1 =	seq.s32 s10, $0x1;
	s10 =	sld [smem:$0x3FB1];
	_ =	sdelay $0x3  }
0x37: {  	[smem:$0x3FB1] =	sst s10  }
0x38: {  	s10 =	sld [smem:$0x3FB2]  }
0x39: {  	_ = 	snop;
	(pc) =	sbr.ind lr, $3  }
0x3a: {  	_ = 	snop  }
0x3b: {  	_ = 	snop  }
0x3c: {  	p2 =	seq.s32 s10, $0x1;
	s10 =	sld [smem:$0x3FB1]  }
0x3d: {  	_ =	shalt  }
0x3e: {  	_ =	shalt  }
0x3f: {  	_ =	shalt  }
0x40: {  	_ =	shalt  }
0x41: {  	_ =	shalt  }
0x42: {  	_ =	shalt  }
0x43: {  	_ =	shalt  }
0x44: {  	_ =	shalt  }
0x45: {  	_ =	shalt  }
0x46: {  	_ =	shalt  }
0x47: {  	_ =	shalt  }
0x48: {  	_ =	shalt  }
0x49: {  	_ =	shalt  }
0x4a: {  	_ =	shalt  }
0x4b: {  	_ =	shalt  }
0x4c: {  	_ =	shalt  }
0x4d: {  	_ =	shalt  }
0x4e: {  	_ =	shalt  }
0x4f: {  	_ =	shalt  }
0x50: {  	_ =	shalt  }
0x51: {  	_ =	shalt  }
0x52: {  	_ =	shalt  }
0x53: {  	_ =	shalt  }
0x54: {  	_ =	shalt  }
0x55: {  	_ =	shalt  }
0x56: {  	_ =	shalt  }
0x57: {  	_ =	shalt  }
0x58: {  	_ =	shalt  }
0x59: {  	_ =	shalt  }
0x5a: {  	_ =	shalt  }
0x5b: {  	_ =	shalt  }
0x5c: {  	_ =	shalt  }
0x5d: {  	_ =	shalt  }
0x5e: {  	_ =	shalt  }
0x5f: {  	_ =	shalt  }
0x60: {  	_ =	shalt  }
0x61: {  	_ =	shalt  }
0x62: {  	_ =	shalt  }
0x63: {  	_ =	shalt  }
0x64: {  	_ =	shalt  }
0x65: {  	_ =	shalt  }
0x66: {  	_ =	shalt  }
0x67: {  	_ =	shalt  }
0x68: {  	_ =	shalt  }
0x69: {  	_ =	shalt  }
0x6a: {  	_ =	shalt  }
0x6b: {  	_ =	shalt  }
0x6c: {  	_ =	shalt  }
0x6d: {  	_ =	shalt  }
0x6e: {  	_ =	shalt  }
0x6f: {  	_ =	shalt  }
0x70: {  	_ =	shalt  }
0x71: {  	_ =	shalt  }
0x72: {  	_ =	shalt  }
0x73: {  	_ =	shalt  }
0x74: {  	_ =	shalt  }
0x75: {  	_ =	shalt  }
0x76: {  	_ =	shalt  }
0x77: {  	_ =	shalt  }
0x78: {  	_ =	shalt  }
0x79: {  	_ =	shalt  }
0x7a: {  	_ =	shalt  }
0x7b: {  	_ =	shalt  }
0x7c: {  	_ =	shalt  }
0x7d: {  	_ =	shalt  }
0x7e: {  	_ =	shalt  }
0x7f: {  	_ =	shalt  }
0x80: {  	_ =	shalt  }
0x81: {  	_ =	shalt  }
0x82: {  	_ =	shalt  }
0x83: {  	_ =	shalt  }
0x84: {  	_ =	shalt  }
0x85: {  	_ =	shalt  }
0x86: {  	_ =	shalt  }
0x87: {  	_ =	shalt  }
.Lfunc_end0:
.L_simem_size_0:
called_computation_lowered:
.L_overlay_start_0:
0x88: {  	s0 =	sld [smem:$0x3FD9]  }
0x89: {  	s1 =	sld [smem:$0x3FFE];
	_ =	sdelay $0x3  }
0x8a: {  	s0 =	sadd.s32 s1, s0  }
0x8b: {  	[smem:$0x3FBD] =	sst s0  }
0x8c: {  	_ = 	snop  }
0x8d: {  	s0 =	sld [smem:$0x3FD0];
	_ =	sdelay $0x2  }
0x8e: {  	s13 =	simm.s32 $0xB;
	s2 =	simm.s32 $0x10  }
0x8f: {  	[smem:s2], [sflag:s13] =	dma.local [hbm:s0], $0x1  }
0x90: {  	_ =	swait.eq [sflag:s13], $0x1  }
0x91: {  	s14 =	sld [smem:$0x10];
	[sflag:s13] =	ssyncset.done $0x0  }
0x92: {  	s15 =	sld [smem:$0x12];
	[sflag:s13] =	ssyncadd.s32 $0xFFFFFFFF  }
0x93: {  	s16 =	sld [smem:$0x13];
	(tm) =	ssettm $0x1  }
0x94: {  	s3 =	sld [smem:$0x3FFB];
	_ =	sdelay $0x3  }
0x95: {  	_ =	strace s3  }
0x96: {  	s3 =	sld [smem:$0x3FFC];
	_ =	sdelay $0x3  }
0x97: {  	_ =	strace s3  }
0x98: {  	s3 =	sld [smem:$0x3FFD];
	_ =	sdelay $0x3  }
0x99: {  	_ =	strace s3  }
0x9a: {  	_ =	strace $0x8FFFFFFF  }
0x9b: {  	s17 =	sld [smem:$0x3FDB];
	_ =	sdelay $0x1  }
0x9c: {  	s4 =	simm.s32 $_scs_section_size  }
0x9d: {  	s5 =	simm.s32 $_size__tile_overlayer_lowered;
	s6 =	simm.s32 $_tile_overlayer_lowered  }
0x9e: {  	s20 =	simm.s32 $0x1BFF;
	s19 =	sshll.u32 s6, $0x1;
	s3 =	sadd.s32 s4, s17  }
0x9f: {  	s7 =	simm.s32 $0x0;
	s18 =	sshll.u32 s5, $0x1;
	s5 =	sadd.s32 s19, s3  }
0xa0: {  	[timem:s7], [sflag:s20] =	dma.local [hbm:s5], s18  }
0xa1: {  	_ =	swait.ge [sflag:s20], s18  }
0xa2: {  	s4 =	ssub.s32 $0x0, s18;
	[sflag:s20] =	ssyncset.done $0x0  }
0xa3: {  	[sflag:s20] =	ssyncadd.s32 s4;
	_ =	sdelay $0x1  }
0xa4: {  	s21 =	simm.s32 $0x1B8B  }
0xa5: {  	_ =	swait.ge [sflag:s21], $0x1  }
0xa6: {  	[sflag:s21] =	ssyncset.done $0x0  }
0xa7: {  	s23 =	simm.s32 $0x1B8E;
	s22 =	sld [smem:$0x3FFE];
	[sflag:s21] =	ssyncadd.s32 $0xFFFFFFFF  }
0xa8: {  	s24 =	simm.s32 $execute0_lowered;
	[smem:$0x3FD2] =	sst s23  }
0xa9: {  	s5 =	sshll.u32 s24, $0x1;
	_ =	strace $0x8000004C;
	[dreg:$0x1] =	wrdreg $0xFFFFFFFF  }
0xaa: {  	s25 =	simm.s32 $_size_execute0_lowered;
	s3 =	sadd.s32 s3, s5;
	[dreg:$0x0] =	wrdreg $0x0  }
0xab: {  	s5 =	sshll.u32 s25, $0x1;
	[dreg:$0x2] =	wrdreg s3  }
0xac: {  	[dreg:$0x3] =	wrdreg s5  }
0xad: {  	[dreg:$0x4] =	wrdreg $0xC0  }
0xae: {  	_ =	task [dreg:s7], $0x5FFFF  }
0xaf: {  	[dreg:$0x1] =	wrdreg $0xFFFFFFFF  }
0xb0: {  	[dreg:$0x0] =	wrdreg $0x60  }
0xb1: {  	[dreg:$0x2] =	wrdreg s14  }
0xb2: {  	[dreg:$0x3] =	wrdreg s16  }
0xb3: {  	[dreg:$0x4] =	wrdreg s15  }
0xb4: {  	[dreg:$0x5] =	wrdreg s22  }
0xb5: {  	[dreg:$0x6] =	wrdreg $0x9  }
0xb6: {  	_ =	task.clear_ibuf [dreg:s7], $0x7FFFF;
	_ =	strace $0x9000004C  }
0xb7: {  	s26 =	simm.s32 $0x9;
	_ =	strace $0x8000004E  }
0xb8: {  	_ =	swait.ge [sflag:s26], $0x1  }
0xb9: {  	[sflag:s26] =	ssyncadd.s32 $0xFFFFFFFF  }
0xba: {  	_ =	strace $0x9000004E  }
0xbb: {  	_ =	sfence  }
0xbc: {  	s28 =	sld [smem:$0x0];
	_ =	sdelay $0x1  }
0xbd: {  	s29 =	srdreg.scid  }
0xbe: {  	s30 =	sshll.u32 s29, $0xD;
	s31 =	sshrl.u32 s29, $0x2  }
0xbf: {  	s1 =	sand.u32 $0x1, s29;
	s2 =	sand.u32 $0x4000, s30;
	s0 =	sadd.s32 s31, s28  }
0xc0: {  	s1 =	sor.u32 s2, s1;
	s0 =	sshll.u32 s0, $0x11  }
0xc1: {  	s0 =	sor.u32 s0, s1  }
0xc2: {  	s0 =	sadd.s32 $0x8F2B, s0  }
0xc3: {  	[sflag:s0] =	ssyncadd.remote.s32 $0x1  }
0xc4: {  	_ =	sfence.sel $0xFFFF  }
0xc5: {  	[dreg:$0x0] =	wrdreg $0xFFFFFFFF;
	(pc) =	sbr.abs _section_cstart, $3  }
0xc6: {  	[dreg:$0x1] =	wrdreg $0xFFFFFFFF  }
0xc7: {  	_ =	task.clear_ibuf [dreg:s7], $0x2FFFF;
	_ =	strace $0x9FFFFFFF  }
0xc8: {  	(tm) =	ssettm $0x7FFFFFFF  }
0xc9: {  	_ =	shalt  }
tec
execute0_lowered:
.L_overlay_start_1:
0x0: {  	(tag) =	ssettag $0x1  }
0x1: {  	s1 =	rddreg [dreg:$0x0]  }
0x2: {  	s29 =	rddreg [dreg:$0x1]  }
0x3: {  	s4 =	rddreg [dreg:$0x2]  }
0x4: {  	s0 =	rddreg [dreg:$0x3];
	_ =	strace $0x8000004D;
	s2 =	simm.s32 $0x1  }
0x5: {  	s8 =	simm.s32 $0x108;
	v0 =	vimm.s32 $0x0;
	[sflag:s2] =	ssyncpa.u1 $0x0  }
0x6: {  	[tilespmem:s8+$0x70] =	vst v0  }
0x7: {  	[tilespmem:s8+$0x60] =	vst v0  }
0x8: {  	[tilespmem:s8+$0x50] =	vst v0  }
0x9: {  	[tilespmem:s8+$0x40] =	vst v0  }
0xa: {  	[tilespmem:s8+$0x30] =	vst v0  }
0xb: {  	[tilespmem:s8+$0x20] =	vst v0  }
0xc: {  	s5 =	sadd.s32 $0x16400, s0;
	s2 =	simm.s32 $0x40;
	[tilespmem:s8+$0x10] =	vst v0  }
.LBB2_1:
0xd: {  	s2 =	sadd.s32 $0x40, s2;
	[tilespmem:s8+$0x0] =	vst v0;
	s8 =	sadd.s32 $0x80, s8  }
0xe: {  	p0 =	slt.u32 s2, $0x3C40;
	[tilespmem:s8+$0x70] =	vst v0  }
0xf: {  	[tilespmem:s8+$0x60] =	vst v0  }
.Ltmp0:
0x10: {  	[tilespmem:s8+$0x50] =	vst v0;
	(pc) =	sbr.rel @p0 .LBB2_1-.Ltmp0, $4  }
0x11: {  	[tilespmem:s8+$0x40] =	vst v0  }
0x12: {  	[tilespmem:s8+$0x30] =	vst v0  }
0x13: {  	[tilespmem:s8+$0x20] =	vst v0  }
0x14: {  	[tilespmem:s8+$0x10] =	vst v0  }
0x15: {  	s3 =	stileid.u32  }
0x16: {  	s0 =	smul.u32 $0x29, s3  }
0x17: {  	s2 =	smin.u32 s3, $0xB  }
0x18: {  	s0 =	sadd.s32 s2, s0  }
0x19: {  	p0 =	slt.u32 s3, $0xB;
	s6 =	smul.u32 $0xF0, s0;
	s0 =	simm.s32 $0x2760  }
0x1a: {  	s0 =	simm.s32 @!p0 $0x2670  }
0x1b: {  	s0 =	sadd.s32 s0, s6  }
0x1c: {  	s7 =	smin.u32 s0, $0x27101  }
0x1d: {  	s0 =	ssub.s32 s7, s6  }
0x1e: {  	p0 =	sgt.s32 s0, $0x0  }
0x1f: {  	s0 =	simm.s32 @!p0 $0x0  }
0x20: {  	s31 =	smulhi.u32 $0x88888889, s0  }
0x21: {  	s30 =	simm.s32 $0x2;
	s9 =	simm.s32 $0x7;
	s10 =	simm.s32 $0x8  }
0x22: {  	s19 =	simm.s32 $0x0;
	s15 =	simm.s32 $0xA;
	s2 =	sshrl.u32 s31, $0x7  }
0x23: {  	s17 =	simm.s32 $0x0;
	s18 =	simm.s32 $0x0;
	s11 =	smul.u32 $0xF0, s2  }
.Ltmp1:
0x24: {  	[tilespmem:s8+$0x0] =	vst v0;
	v0 =	vimm.s32 $0xFFFFFFFF;
	[sflag:s30] =	ssyncpa.u1 $0x0;
	s13 =	sshll.u32 s3, $0x8;
	(pc) =	sbr.rel .LBB2_3-.Ltmp1, $4  }
0x25: {  	[tilespmem:$0xF208] =	vst v0;
	[sflag:s9] =	ssyncpa.u1 $0x0;
	p0 =	sne.s32 s0, s11;
	s0 =	simm.s32 $0x1  }
0x26: {  	[sflag:s10] =	ssyncpa.u1 $0x0;
	s10 =	simm.s32 $0x9;
	s0 =	simm.s32 @!p0 $0x0  }
0x27: {  	[sflag:s10] =	ssyncpa.u1 $0x0;
	s16 =	smov.u32 s6;
	s12 =	sadd.s32 s0, s2  }
0x28: {  	v0 =	vlaneseq.u32;
	s11 =	simm.s32 $0x1;
	p0 =	por $0x0, $0x0;
	s14 =	sadd.s32 $0x1, s12  }
.LBB2_18:
0x29: {  	s0 =	sshrl.u32 s28, $0x2  }
.LBB2_20:
0x2a: {  	_ =	swait.ge [sflag:s15], s0  }
0x2b: {  	s31 =	ssub.s32 $0x0, s0;
	v1 =	vmov s21;
	vm0 =	veq.s32 v0, $0x0;
	[sflag:s15] =	ssyncset.done $0x0  }
0x2c: {  	vm15 =	veq.s32 v0, $0x2;
	v1 =	vsel vm0, s26, v1;
	[sflag:s15] =	ssyncadd.s32 s31  }
0x2d: {  	v1 =	vsel vm15, s19, v1;
	[sflag:s15] =	ssyncpa.u1 $0x1  }
0x2e: {  	[tilespmem:$0xF208] =	vst v1  }
.LBB2_21:
0x2f: {  	s0 =	sadd.s32 $0xF0, s16  }
0x30: {  	s2 =	smov.u32 s6;
	p1 =	slt.s32 s0, s7  }
0x31: {  	s2 =	smov.u32 @p1 s0;
	p1 =	sne.s32 s18, s14  }
.Ltmp2:
0x32: {  	_ = 	snop;
	(pc) =	sbr.rel @!p1 .LBB2_22-.Ltmp2, $3  }
0x33: {  	_ =	sdelay $0x1  }
0x34: {  	s19 =	smov.u32 s17;
	s31 =	sadd.s32 $0x1, s18;
	s17 =	smov.u32 s16  }
0x35: {  	p0 =	por !p0, !p0;
	s18 =	smov.u32 s31;
	s16 =	smov.u32 s2  }
.LBB2_3:
0x36: {  	p1 =	sge.u32 s18, s12  }
0x37: {  	s0 =	smulhi.u32 @!p1 $0xAAAAAAAB, s18  }
0x38: {  	s2 =	smov.u32 s16;
	p2 =	sgt.s32 @!p1 s16, $0x27011  }
0x39: {  	s20 =	sshra.s32 @!p1 s16, $0x1F;
	p2 =	por !p2, p1;
	s0 =	sshrl.u32 @!p1 s0, $0x1  }
0x3a: {  	s20 =	sand.u32 @!p1 s20, s16;
	s2 =	simm.s32 @p2 $0x27011;
	s0 =	smul.u32 @!p1 $0x3, s0  }
0x3b: {  	s2 =	ssub.s32 @!p1 s2, s20  }
0x3c: {  	s2 =	sadd.s32 @!p1 $0xFFFD8FEF, s2;
	s0 =	ssub.s32 @!p1 s18, s0  }
0x3d: {  	s20 =	sshll.u32 @!p1 s2, $0x2;
	p2 =	sgt.s32 @!p1 s2, $0xEF;
	s0 =	smul.u32 @!p1 $0x3C0, s0  }
0x3e: {  	s21 =	sand.u32 @!p1 $0x7, s16;
	s2 =	ssub.s32 @!p1 $0x3C0, s20;
	p2 =	por !p2, p1  }
0x3f: {  	s20 =	sshrl.u32 @!p1 s16, $0x3;
	s2 =	sshrl.u32 @!p1 s2, $0x2;
	s0 =	sshrl.u32 @!p1 s0, $0x2  }
0x40: {  	s20 =	sadd.s32 @!p1 s5, s20;
	s2 =	simm.s32 @!p2 $0x0;
	s0 =	sadd.s32 @!p1 $0x10238, s0  }
0x41: {  	[tilespmem:s0], [sflag:$0x8] =	stream.linear.gather @!p1 [hbm4b:s20+s21], s2, $0x38;
	[tilespmem:$0x1F6E8] =	vst v63  }
0x42: {  	s0 =	sadd.s32 $0xFFFFFFFF, s18  }
0x43: {  	p1 =	sge.u32 s0, s12  }
0x44: {  	p2 =	sgt.s32 @!p1 s17, $0x27011  }
0x45: {  	s2 =	smov.u32 s17;
	s20 =	sshra.s32 @!p1 s17, $0x1F;
	p2 =	por !p2, p1  }
0x46: {  	s20 =	sand.u32 @!p1 s20, s17;
	s2 =	simm.s32 @p2 $0x27011  }
0x47: {  	s2 =	ssub.s32 @!p1 s2, s20  }
0x48: {  	s2 =	sadd.s32 @!p1 $0xFFFD8FEF, s2  }
0x49: {  	s21 =	sand.u32 @!p1 $0x1, s0;
	s20 =	sshll.u32 @!p1 s2, $0x2  }
0x4a: {  	p2 =	sgt.s32 @!p1 s2, $0xEF;
	s2 =	ssub.s32 @!p1 $0x3C0, s20;
	s20 =	smulhi.u32 @!p1 $0xAAAAAAAB, s0  }
0x4b: {  	s23 =	smul.u32 @!p1 $0x3C0, s21;
	p2 =	por !p2, p1;
	s2 =	sshrl.u32 @!p1 s2, $0x2  }
0x4c: {  	s22 =	simm.s32 @!p1 $0x8;
	s2 =	simm.s32 @!p2 $0x0;
	s20 =	sshrl.u32 @!p1 s20, $0x1  }
0x4d: {  	s23 =	sshrl.u32 @!p1 s23, $0x2;
	_ =	swait.ge @!p1 [sflag:s22], s2;
	s20 =	smul.u32 @!p1 $0x3, s20  }
0x4e: {  	s23 =	sor.u32 @!p1 $0x10508, s23;
	s24 =	ssub.s32 @!p1 $0x0, s2;
	[sflag:s22] =	ssyncset.done @!p1 $0x0  }
0x4f: {  	[sflag:s22] =	ssyncadd.s32 @!p1 s24;
	s22 =	sshrl.u32 @!p1 s17, $0x3;
	s0 =	ssub.s32 @!p1 s0, s20  }
0x50: {  	s24 =	sand.u32 @!p1 $0x7, s17;
	s22 =	sadd.s32 @!p1 s29, s22;
	s0 =	smul.u32 @!p1 $0x3C0, s0  }
0x51: {  	[tilespmem:s23], [sflag:$0x9] =	stream.linear.gather @!p1 [hbm4b:s22+s24], s2, $0x38;
	[tilespmem:$0x1F6E8] =	vst v63  }
0x52: {  	s20 =	ssub.s32 @!p1 $0x27101, s17;
	s2 =	smul.u32 @!p1 $0x1E000, s21  }
0x53: {  	p2 =	slt.s32 @!p1 s20, $0xF0  }
0x54: {  	p2 =	por !p2, p1;
	s0 =	sshrl.u32 @!p1 s0, $0x2;
	s2 =	sshrl.u32 @!p1 s2, $0x2  }
0x55: {  	s20 =	simm.s32 @p2 $0xF0;
	s0 =	sadd.s32 @!p1 $0x10238, s0;
	s2 =	sor.u32 @!p1 $0x106E8, s2  }
0x56: {  	[tilespmem:s2], [sflag:$0x7] =	stream.indirect.gather @!p1 [hbm4b:s4+s20], $0x80, s0, s20, $0xb8;
	[tilespmem:$0x1F6E8] =	vst v63  }
0x57: {  	p1 =	slt.u32 s18, $0x2  }
.Ltmp3:
0x58: {  	_ = 	snop;
	(pc) =	sbr.rel @p1 .LBB2_21-.Ltmp3, $1  }
0x59: {  	_ =	sdelay $0x3  }
0x5a: {  	p1 =	sgt.s32 s19, $0x27011;
	s0 =	smov.u32 s19  }
0x5b: {  	s2 =	sshra.s32 s19, $0x1F;
	s20 =	ssub.s32 $0x27101, s19;
	s0 =	simm.s32 @!p1 $0x27011  }
0x5c: {  	s2 =	sand.u32 s2, s19;
	p1 =	slt.s32 s20, $0xF0;
	s21 =	smov.u32 s20  }
0x5d: {  	s0 =	ssub.s32 s0, s2;
	s21 =	simm.s32 @!p1 $0xF0  }
0x5e: {  	s0 =	sadd.s32 $0xFFFD8FEF, s0;
	s26 =	sshll.u32 s21, $0x7  }
0x5f: {  	s28 =	sshll.u32 s0, $0x2;
	s2 =	sand.u32 $0x3FFFFF80, s26  }
0x60: {  	p1 =	sgt.s32 s0, $0xEF;
	s30 =	ssub.s32 $0x3C0, s28;
	_ =	swait.ge [sflag:s9], s2  }
0x61: {  	s2 =	ssub.s32 $0x0, s2;
	[sflag:s9] =	ssyncset.done $0x0;
	s0 =	sshrl.u32 s30, $0x2  }
0x62: {  	[sflag:s9] =	ssyncadd.s32 s2;
	s0 =	simm.s32 @p1 $0x0  }
0x63: {  	_ =	swait.ge [sflag:s10], s0  }
0x64: {  	s0 =	ssub.s32 $0x0, s0;
	[sflag:s10] =	ssyncset.done $0x0  }
0x65: {  	[sflag:s10] =	ssyncadd.s32 s0  }
0x66: {  	v1 =	vld [tilespmem:$0xF208];
	_ =	sdelay $0x4  }
0x67: {  	(v2sf) =	vpush v1, $0x0  }
0x68: {  	(v2sf) =	vpush v1, $0x1  }
0x69: {  	(v2sf) =	vpush v1, $0x2;
	_ =	sdelay $0x3  }
0x6a: {  	s0 =	sadd.s32 $0xF0, s19  }
0x6b: {  	p1 =	slt.s32 s7, s0  }
0x6c: {  	s0 =	smov.u32 @p1 s7;
	p1 =	sgt.s32 s20, $0x0  }
0x6d: {  	s23 =	ssub.s32 s0, s19;
	s20 =	simm.s32 @!p1 $0x0  }
0x6e: {  	p1 =	slt.s32 s20, s23  }
0x6f: {  	s23 =	smov.u32 @p1 s20  }
0x70: {  	s22 =	simm.s32 $0x1;
	p1 =	slt.s32 s23, $0x1  }
.Ltmp4:
0x71: {  	s22 =	simm.s32 @!p0 $0x0;
	(pc) =	sbr.rel @p1 .LBB2_8-.Ltmp4, $4  }
0x72: {  	s31 =	smul.u32 $0x3C0, s22  }
0x73: {  	s24 =	spop (v2sf)  }
0x74: {  	s0 =	sshrl.u32 s31, $0x2;
	s26 =	spop (v2sf)  }
0x75: {  	s20 =	sor.u32 $0x10508, s0;
	s19 =	spop (v2sf)  }
0x76: {  	s0 =	smin.u32 s23, $0x10  }
0x77: {  	v1 =	vmov s0  }
0x78: {  	p2 =	sgt.s32 s23, $0x10;
	vm1 =	vgt.u32 v1, v0  }
.Ltmp5:
0x79: {  	_ = 	snop;
	(pc) =	sbr.rel @!p2 .LBB2_7-.Ltmp5, $2  }
0x7a: {  	_ =	sdelay $0x2  }
0x7b: {  	s25 =	simm.s32 $0x10;
	s28 =	sadd.s32 $0xFFFFFFF0, s23;
	s21 =	smov.u32 s20;
	vm0 =	vmmov vm1  }
.LBB2_6:
0x7c: {  	s0 =	smin.u32 s28, $0x10;
	s25 =	sadd.s32 $0x10, s25;
	v1 =	vld.msk [tilespmem:s21+$0x0 ss:$0x1], vm1  }
0x7d: {  	v2 =	vmov s0;
	p2 =	slt.s32 s25, s23  }
0x7e: {  	vm1 =	vgt.u32 v2, v0  }
.Ltmp6:
0x7f: {  	(pc) =	sbr.rel @p2 .LBB2_6-.Ltmp6, $3  }
0x80: {  	_ =	sdelay $0x1  }
0x81: {  	v1 =	vshll.u32 v1, $0x4  }
0x82: {  	s28 =	sadd.s32 $0xFFFFFFF0, s28;
	[tilespmem:s21+$0x0] =	vst.msk vm0, v1;
	s21 =	sadd.s32 $0x10, s21;
	vm0 =	vmmov vm1  }
.LBB2_7:
0x83: {  	_ =	sdelay $0x4  }
0x84: {  	v1 =	vld.msk [tilespmem:s21+$0x0 ss:$0x1], vm1;
	_ =	sdelay $0x4  }
0x85: {  	v1 =	vshll.u32 v1, $0x4  }
0x86: {  	[tilespmem:s21+$0x0] =	vst.msk vm0, v1  }
.LBB2_8:
0x87: {  	s0 =	sand.u32 $0x1, s18  }
0x88: {  	s0 =	smul.u32 $0xF0, s0  }
0x89: {  	p2 =	sne.s32 s26, $0xFFFFFFFF  }
0x8a: {  	v1 =	vld.msk @!p2 [tilespmem:s0+$0x10508], $0x1;
	_ =	sdelay $0x4  }
0x8b: {  	(v2sf) =	vpush @!p2 v1, $0x0;
	_ =	sdelay $0xc  }
.Ltmp7:
0x8c: {  	_ = 	snop;
	(pc) =	sbr.rel @p1 .LBB2_19-.Ltmp7, $4  }
0x8d: {  	_ = 	snop  }
0x8e: {  	s25 =	spop @!p2 (v2sf)  }
0x8f: {  	s19 =	simm.s32 @!p2 $0x0;
	s21 =	smov.u32 s25  }
0x90: {  	[sflag:s15] =	ssyncpa.u1 $0x0;
	s25 =	smov.u32 @p2 s24;
	s21 =	smov.u32 @p2 s26  }
0x91: {  	v1 =	vld.msk [tilespmem:s20+$0x0], $0x1;
	_ =	sdelay $0x4  }
0x92: {  	(v2sf) =	vpush v1, $0x0;
	_ =	sdelay $0xd  }
0x93: {  	s8 =	smov.u32 s4  }
0x94: {  	s4 =	smov.u32 s29;
	s0 =	smul.u32 $0x1E000, s22;
	s29 =	spop (v2sf)  }
0x95: {  	s23 =	ssub.s32 $0x0, s23;
	p1 =	seq.s32 s25, s29  }
0x96: {  	s26 =	sadd.s32 $0x1, s23;
	s0 =	sshrl.u32 s0, $0x2;
	p2 =	sgt.s32 @!p1 s25, $0x0  }
0x97: {  	s22 =	sor.u32 $0x10728, s0;
	s0 =	smov.u32 s25;
	p2 =	por !p2, p1  }
0x98: {  	s0 =	simm.s32 @p2 $0x0;
	p2 =	seq.s32 s26, $0x0  }
.Ltmp8:
0x99: {  	_ = 	snop;
	(pc) =	sbr.rel @p2 .LBB2_11-.Ltmp8, $4  }
0x9a: {  	_ = 	snop  }
0x9b: {  	s24 =	simm.s32 $0x0;
	s28 =	sadd.s32 $0x1, s20;
	s0 =	smin.u32 @!p1 s0, $0x270F0  }
0x9c: {  	s30 =	simm.s32 @!p1 $0x1;
	s31 =	simm.s32 @!p1 $0x7988;
	s2 =	sand.u32 @!p1 $0x3FFF8, s0  }
0x9d: {  	s30 =	smov.u32 @p1 s24;
	s0 =	sand.u32 @!p1 $0x7, s0;
	s2 =	sadd.s32 @!p1 s1, s2  }
.LBB2_10:
0x9e: {  	s3 =	smov.u32 s30  }
0x9f: {  	[tilespmem:s31], [sflag:$0x2] =	stream.linear.gather @!p1 [hbm4b:s2+s0], $0x80, $0x38;
	[tilespmem:$0x1F6E8] =	vst v63  }
0xa0: {  	s26 =	sadd.s32 $0x1, s26;
	s0 =	smov.u32 s29;
	v1 =	vld.msk [tilespmem:s28+$0x0], $0x1  }
0xa1: {  	p2 =	seq.s32 s26, $0x0;
	_ =	sdelay $0x3  }
0xa2: {  	(v2sf) =	vpush v1, $0x0;
	_ =	sdelay $0xe  }
0xa3: {  	s29 =	spop (v2sf)  }
0xa4: {  	p1 =	seq.s32 s0, s29  }
0xa5: {  	p3 =	sgt.s32 @!p1 s0, $0x0;
	s2 =	sshll.u32 @!p1 s30, $0x9;
	s30 =	sadd.s32 @!p1 $0x1, s30  }
.Ltmp9:
0xa6: {  	p3 =	por !p3, p1;
	s2 =	sshra.s32 @!p1 s2, $0x2;
	(pc) =	sbr.rel @!p2 .LBB2_10-.Ltmp9, $4  }
0xa7: {  	s30 =	smov.u32 @p1 s3;
	s0 =	simm.s32 @p3 $0x0;
	s31 =	sadd.s32 @!p1 $0x7988, s2  }
0xa8: {  	s0 =	smin.u32 @!p1 s0, $0x270F0  }
0xa9: {  	s2 =	sand.u32 @!p1 $0x3FFF8, s0;
	s0 =	sand.u32 @!p1 $0x7, s0  }
0xaa: {  	s28 =	sadd.s32 $0x1, s28;
	s2 =	sadd.s32 @!p1 s1, s2  }
.LBB2_11:
0xab: {  	[tilespmem:s31], [sflag:$0x2] =	stream.linear.gather @!p1 [hbm4b:s2+s0], $0x80, $0x38;
	[tilespmem:$0x1F6E8] =	vst v63  }
.Ltmp10:
0xac: {  	s30 =	sshll.u32 s30, $0x7;
	(pc) =	sbr.rel .LBB2_12-.Ltmp10, $4  }
0xad: {  	s31 =	simm.s32 $0x2;
	s0 =	sand.u32 $0x3FFFFF80, s30  }
0xae: {  	_ =	swait.ge [sflag:s31], s0  }
0xaf: {  	s28 =	simm.s32 $0x0;
	s0 =	ssub.s32 $0x0, s0;
	[sflag:s31] =	ssyncset.done $0x0  }
0xb0: {  	s29 =	smov.u32 s4;
	s4 =	smov.u32 s8;
	[sflag:s31] =	ssyncadd.s32 s0  }
.LBB2_13:
0xb1: {  	v1 =	vld [tilespmem:s22+$0xFFFFFFC0];
	_ =	sdelay $0x3  }
0xb2: {  	s0 =	sshra.s32 s0, $0x2  }
0xb3: {  	[tilespmem:s0+$0x108] =	vst.add.f32.msk $0xffff, v1  }
0xb4: {  	v1 =	vld [tilespmem:s22+$0xFFFFFFD0];
	_ =	sdelay $0x4  }
0xb5: {  	[tilespmem:s0+$0x118] =	vst.add.f32.msk $0xffff, v1  }
0xb6: {  	v1 =	vld [tilespmem:s22+$0xFFFFFFE0];
	_ =	sdelay $0x4  }
0xb7: {  	[tilespmem:s0+$0x128] =	vst.add.f32.msk $0xffff, v1  }
0xb8: {  	v1 =	vld [tilespmem:s22+$0xFFFFFFF0];
	_ =	sdelay $0x4  }
0xb9: {  	[tilespmem:s0+$0x138] =	vst.add.f32.msk $0xffff, v1  }
0xba: {  	v1 =	vld [tilespmem:s22+$0x0];
	_ =	sdelay $0x4  }
0xbb: {  	[tilespmem:s0+$0x148] =	vst.add.f32.msk $0xffff, v1  }
0xbc: {  	v1 =	vld [tilespmem:s22+$0x10];
	_ =	sdelay $0x4  }
0xbd: {  	[tilespmem:s0+$0x158] =	vst.add.f32.msk $0xffff, v1  }
0xbe: {  	v1 =	vld [tilespmem:s22+$0x20];
	_ =	sdelay $0x4  }
0xbf: {  	[tilespmem:s0+$0x168] =	vst.add.f32.msk $0xffff, v1  }
0xc0: {  	v1 =	vld [tilespmem:s22+$0x30];
	_ =	sdelay $0x4  }
0xc1: {  	[tilespmem:s0+$0x178] =	vst.add.f32.msk $0xffff, v1  }
.LBB2_17:
0xc2: {  	s23 =	sadd.s32 $0x1, s23  }
0xc3: {  	p1 =	seq.s32 s23, $0x0  }
.Ltmp11:
0xc4: {  	_ = 	snop;
	(pc) =	sbr.rel @p1 .LBB2_18-.Ltmp11, $2  }
0xc5: {  	_ =	sdelay $0x2  }
0xc6: {  	s20 =	sadd.s32 $0x1, s20;
	s22 =	sadd.s32 $0x80, s22;
	s25 =	smov.u32 s26  }
.LBB2_12:
0xc7: {  	v1 =	vld.msk [tilespmem:s20+$0x0], $0x1;
	_ =	sdelay $0x4  }
0xc8: {  	(v2sf) =	vpush v1, $0x0;
	_ =	sdelay $0xe  }
0xc9: {  	s26 =	spop (v2sf)  }
0xca: {  	p1 =	sne.s32 s25, s26  }
.Ltmp12:
0xcb: {  	_ = 	snop;
	(pc) =	sbr.rel @!p1 .LBB2_13-.Ltmp12, $2  }
0xcc: {  	_ =	sdelay $0x2  }
0xcd: {  	s0 =	sshll.u32 s19, $0x9  }
0xce: {  	p1 =	seq.s32 s25, s21  }
.Ltmp13:
0xcf: {  	_ = 	snop;
	(pc) =	sbr.rel @!p1 .LBB2_15-.Ltmp13, $1  }
0xd0: {  	_ =	sdelay $0x3  }
0xd1: {  	s0 =	sshra.s32 s0, $0x2  }
.Ltmp14:
0xd2: {  	s0 =	sadd.s32 $0x108, s0;
	(pc) =	sbr.rel .LBB2_16-.Ltmp14, $4  }
0xd3: {  	[spmem:s13] =	stream.linear.scatter [tilespmem:s0], [sflag:$0x1], $0x80, $0x38;
	[tilespmem:$0x1F6E8] =	vst v63  }
0xd4: {  	_ =	swait.ge [sflag:s11], $0x80  }
0xd5: {  	[sflag:s11] =	ssyncset.done $0x0  }
0xd6: {  	[sflag:s11] =	ssyncadd.s32 $0xFFFFFF80  }
.LBB2_15:
0xd7: {  	s2 =	sshll.u32 s24, $0x9  }
0xd8: {  	s2 =	sshra.s32 s2, $0x2  }
0xd9: {  	v1 =	vld [tilespmem:s2+$0x7988];
	_ =	sdelay $0x3  }
0xda: {  	s0 =	sshra.s32 s0, $0x2  }
0xdb: {  	[tilespmem:s0+$0x108] =	vst.add.f32.msk $0xffff, v1  }
0xdc: {  	v1 =	vld [tilespmem:s2+$0x7998];
	_ =	sdelay $0x4  }
0xdd: {  	[tilespmem:s0+$0x118] =	vst.add.f32.msk $0xffff, v1  }
0xde: {  	v1 =	vld [tilespmem:s2+$0x79A8];
	_ =	sdelay $0x4  }
0xdf: {  	[tilespmem:s0+$0x128] =	vst.add.f32.msk $0xffff, v1  }
0xe0: {  	v1 =	vld [tilespmem:s2+$0x79B8];
	_ =	sdelay $0x4  }
0xe1: {  	[tilespmem:s0+$0x138] =	vst.add.f32.msk $0xffff, v1  }
0xe2: {  	v1 =	vld [tilespmem:s2+$0x79C8];
	_ =	sdelay $0x4  }
0xe3: {  	[tilespmem:s0+$0x148] =	vst.add.f32.msk $0xffff, v1  }
0xe4: {  	v1 =	vld [tilespmem:s2+$0x79D8];
	_ =	sdelay $0x4  }
0xe5: {  	[tilespmem:s0+$0x158] =	vst.add.f32.msk $0xffff, v1  }
0xe6: {  	v1 =	vld [tilespmem:s2+$0x79E8];
	_ =	sdelay $0x4  }
0xe7: {  	[tilespmem:s0+$0x168] =	vst.add.f32.msk $0xffff, v1  }
0xe8: {  	v1 =	vld [tilespmem:s2+$0x79F8];
	_ =	sdelay $0x2  }
0xe9: {  	p1 =	sgt.u32 s25, $0x270F0  }
0xea: {  	s2 =	sand.u32 @!p1 $0x3FFF8, s25  }
0xeb: {  	s3 =	sadd.s32 $0x108, s0;
	[tilespmem:s0+$0x178] =	vst.add.f32.msk $0xffff, v1;
	s0 =	sadd.s32 @!p1 s1, s2;
	s2 =	sand.u32 @!p1 $0x7, s25  }
0xec: {  	[hbm4b:s0+s2] =	stream.linear.scatter @!p1 [tilespmem:s3], [sflag:$0xA], $0x80, $0x38;
	[tilespmem:$0x1F6E8] =	vst v63  }
0xed: {  	s0 =	simm.s32 $0x0  }
0xee: {  	s0 =	simm.s32 @!p1 $0x200  }
0xef: {  	s28 =	sadd.s32 s0, s28  }
.LBB2_16:
0xf0: {  	s0 =	sadd.s32 $0x1, s19  }
0xf1: {  	s2 =	smulhi.u32 $0x88888889, s0;
	_ =	sdelay $0x1  }
0xf2: {  	v1 =	vld [tilespmem:s22+$0xFFFFFFC0];
	s2 =	sshrl.u32 s2, $0x7  }
0xf3: {  	s2 =	smul.u32 $0xF0, s2;
	_ =	sdelay $0x1  }
0xf4: {  	s19 =	ssub.s32 s0, s2  }
0xf5: {  	s0 =	sshll.u32 s19, $0x7  }
0xf6: {  	[tilespmem:s0+$0x108] =	vst v1  }
0xf7: {  	v1 =	vld [tilespmem:s22+$0xFFFFFFD0];
	_ =	sdelay $0x4  }
0xf8: {  	[tilespmem:s0+$0x118] =	vst v1  }
0xf9: {  	v1 =	vld [tilespmem:s22+$0xFFFFFFE0];
	_ =	sdelay $0x4  }
0xfa: {  	[tilespmem:s0+$0x128] =	vst v1  }
0xfb: {  	v1 =	vld [tilespmem:s22+$0xFFFFFFF0];
	_ =	sdelay $0x4  }
0xfc: {  	[tilespmem:s0+$0x138] =	vst v1  }
0xfd: {  	v1 =	vld [tilespmem:s22+$0x0];
	_ =	sdelay $0x4  }
0xfe: {  	[tilespmem:s0+$0x148] =	vst v1  }
0xff: {  	v1 =	vld [tilespmem:s22+$0x10];
	_ =	sdelay $0x4  }
0x100: {  	[tilespmem:s0+$0x158] =	vst v1  }
0x101: {  	v1 =	vld [tilespmem:s22+$0x20];
	_ =	sdelay $0x4  }
0x102: {  	[tilespmem:s0+$0x168] =	vst v1  }
0x103: {  	v1 =	vld [tilespmem:s22+$0x30]  }
.Ltmp15:
0x104: {  	_ = 	snop;
	(pc) =	sbr.rel .LBB2_17-.Ltmp15, $2  }
0x105: {  	_ =	sdelay $0x2  }
0x106: {  	s24 =	sadd.s32 $0x1, s24;
	[tilespmem:s0+$0x178] =	vst v1  }
.LBB2_19:
.Ltmp16:
0x107: {  	(pc) =	sbr.rel .LBB2_20-.Ltmp16, $4  }
0x108: {  	_ = 	snop  }
0x109: {  	s0 =	simm.s32 $0x2  }
0x10a: {  	_ =	swait.ge [sflag:s0], $0x0  }
0x10b: {  	s26 =	smov.u32 s25;
	[sflag:s0] =	ssyncset.done $0x0;
	s0 =	simm.s32 $0x0  }
.LBB2_22:
0x10c: {  	_ =	sfence.sel $0x180000  }
0x10d: {  	s0 =	simm.s32 $0x7;
	[bflag:$0x0] =	sbarrier.arrive $0xFFFF  }
0x10e: {  	s25 =	simm.s32 $0x8;
	[sflag:s0] =	ssyncpa.u1 $0x1  }
0x10f: {  	s26 =	simm.s32 $0x9;
	[sflag:s25] =	ssyncpa.u1 $0x1  }
0x110: {  	s28 =	simm.s32 $0x2;
	[sflag:s26] =	ssyncpa.u1 $0x1  }
0x111: {  	[sflag:s28] =	ssyncpa.u1 $0x1  }
0x112: {  	v0 =	vld [tilespmem:$0xF208];
	_ =	sdelay $0x4  }
0x113: {  	(v2sf) =	vpush v0, $0x0  }
0x114: {  	(v2sf) =	vpush v0, $0x1;
	_ =	sdelay $0x1  }
0x115: {  	(v2sf) =	vpush v0, $0x2;
	_ =	sdelay $0xb  }
0x116: {  	s0 =	spop (v2sf)  }
0x117: {  	s2 =	spop (v2sf)  }
0x118: {  	s3 =	smov.u32 s0;
	p0 =	sne.s32 s0, s2  }
0x119: {  	s4 =	spop (v2sf);
	s3 =	simm.s32 @!p0 $0xFFFFFFFF  }
0x11a: {  	v2 =	vimm.s32 $0x1;
	v3 =	vlaneseq.u32;
	p0 =	seq.s32 s4, $0xFFFFFFFF;
	v1 =	vmov s3  }
0x11b: {  	s7 =	stileid.u32;
	v0 =	vperm.xlane v0, v2;
	p1 =	sne.s32 @!p0 s0, s2;
	v1 =	vperm.xlane v1, v3  }
0x11c: {  	vm0 =	vcmask $0x3F04;
	s6 =	simm.s32 $0xF208;
	s0 =	simm.s32 @!p0 $0x1;
	p1 =	por !p1, p0  }
0x11d: {  	s3 =	sshll.u32 s7, $0x1;
	s2 =	sshll.u32 @!p0 s4, $0x9;
	s0 =	simm.s32 @p1 $0x0;
	v0 =	vsel vm0, v1, v0  }
0x11e: {  	s5 =	sor.u32 $0x1000, s3;
	s2 =	sshra.s32 @!p0 s2, $0x2;
	s0 =	sor.u32 @!p0 s0, s3;
	[tilespmem:$0xF208] =	vst v0  }
0x11f: {  	[spmem:s5] =	stream.linear.scatter [tilespmem:s6], [sflag:$0x1], $0x2, $0x38;
	[tilespmem:$0x1F6E8] =	vst v63  }
0x120: {  	s2 =	sadd.s32 @!p0 $0x108, s2;
	s0 =	sshll.u32 @!p0 s0, $0x7  }
0x121: {  	[spmem:s0] =	stream.linear.scatter @!p0 [tilespmem:s2], [sflag:$0x1], $0x80, $0x38;
	[tilespmem:$0x1F6E8] =	vst v63  }
0x122: {  	s0 =	simm.s32 @!p0 $0x82  }
0x123: {  	s3 =	simm.s32 $0x1;
	s0 =	simm.s32 @p0 $0x2  }
0x124: {  	_ =	swait.ge [sflag:s3], s0  }
0x125: {  	s0 =	ssub.s32 $0x0, s0;
	[sflag:s3] =	ssyncset.done $0x0  }
0x126: {  	[sflag:s3] =	ssyncadd.s32 s0  }
0x127: {  	_ =	sfence.stream.spmem  }
0x128: {  	s29 =	simm.s32 $0x3;
	[bflag:$0x0] =	sbarrier.arrive $0xFFFF  }
0x129: {  	s30 =	simm.s32 $0x4;
	[sflag:s29] =	ssyncpa.u1 $0x1  }
0x12a: {  	s31 =	simm.s32 $0x3C;
	[sflag:s30] =	ssyncpa.u1 $0x1  }
0x12b: {  	p0 =	sne.s32 s7, $0x0;
	[sflag:s31] =	ssyncpa.u1 $0x1  }
0x12c: {  	_ =	sfence @p0  }
0x12d: {  	[sflag:s3] =	ssyncpa.u1 @p0 $0x1  }
0x12e: {  	_ =	strace @p0 $0x9000004D  }
0x12f: {  	[bflag:$0x2] =	sbarrier.arrive @p0 $0xFFFF  }
0x130: {  	_ =	shalt @p0  }
.LBB2_23:
0x131: {  	_ =	sfence.stream.spmem;
	s0 =	simm.s32 $0x5  }
0x132: {  	s2 =	simm.s32 $0x1000;
	s3 =	simm.s32 $0xF218;
	[sflag:s0] =	ssyncpa.u1 $0x0  }
0x133: {  	[tilespmem:s3], [sflag:$0x5] =	stream.linear.gather [spmem:s2], $0x20, $0x38;
	[tilespmem:$0x1F6E8] =	vst v63  }
0x134: {  	s30 =	simm.s32 $0xF238;
	s2 =	simm.s32 $0x0  }
0x135: {  	[tilespmem:s30], [sflag:$0x5] =	stream.linear.gather [spmem:s2], $0x1000, $0x38;
	[tilespmem:$0x1F6E8] =	vst v63  }
.Ltmp17:
0x136: {  	_ = 	snop;
	(pc) =	sbr.rel .LBB2_24-.Ltmp17, $4  }
0x137: {  	_ =	swait.ge [sflag:s0], $0x1020  }
0x138: {  	[sflag:s0] =	ssyncset.done $0x0  }
0x139: {  	s31 =	simm.s32 $0x6;
	[sflag:s0] =	ssyncadd.s32 $0xFFFFEFE0  }
0x13a: {  	s3 =	simm.s32 $0x0;
	[sflag:s31] =	ssyncpa.u1 $0x0  }
.LBB2_30:
0x13b: {  	p0 =	slt.u32 s4, $0x270F1  }
0x13c: {  	s0 =	sand.u32 @p0 $0x3FFF8, s4  }
0x13d: {  	s4 =	sand.u32 @p0 $0x7, s4;
	s5 =	simm.s32 @p0 $0xF188;
	s0 =	sadd.s32 @p0 s1, s0  }
0x13e: {  	[tilespmem:s5], [sflag:$0x6] =	stream.linear.gather @p0 [hbm4b:s0+s4], $0x80, $0x38;
	[tilespmem:$0x1F6E8] =	vst v63  }
0x13f: {  	s0 =	simm.s32 @p0 $0x6  }
0x140: {  	_ =	swait.ge @p0 [sflag:s0], $0x80  }
0x141: {  	[sflag:s0] =	ssyncset.done @p0 $0x0  }
0x142: {  	[sflag:s0] =	ssyncadd.s32 @p0 $0xFFFFFF80  }
0x143: {  	v1 =	vld @p0 [tilespmem:$0xF188];
	_ =	sdelay $0x2  }
0x144: {  	s0 =	sshll.u32 @p0 s3, $0x9  }
0x145: {  	s4 =	sshrl.u32 @p0 s0, $0x2  }
0x146: {  	[tilespmem:s4+$0xF238] =	vst.add.f32.msk @p0 $0xffff, v1  }
0x147: {  	v1 =	vld @p0 [tilespmem:$0xF198];
	_ =	sdelay $0x4  }
0x148: {  	[tilespmem:s4+$0xF248] =	vst.add.f32.msk @p0 $0xffff, v1  }
0x149: {  	v1 =	vld @p0 [tilespmem:$0xF1A8];
	_ =	sdelay $0x4  }
0x14a: {  	[tilespmem:s4+$0xF258] =	vst.add.f32.msk @p0 $0xffff, v1  }
0x14b: {  	v1 =	vld @p0 [tilespmem:$0xF1B8];
	_ =	sdelay $0x4  }
0x14c: {  	[tilespmem:s4+$0xF268] =	vst.add.f32.msk @p0 $0xffff, v1  }
0x14d: {  	v1 =	vld @p0 [tilespmem:$0xF1C8];
	_ =	sdelay $0x4  }
0x14e: {  	[tilespmem:s4+$0xF278] =	vst.add.f32.msk @p0 $0xffff, v1  }
0x14f: {  	v1 =	vld @p0 [tilespmem:$0xF1D8];
	_ =	sdelay $0x4  }
0x150: {  	[tilespmem:s4+$0xF288] =	vst.add.f32.msk @p0 $0xffff, v1  }
0x151: {  	v1 =	vld @p0 [tilespmem:$0xF1E8];
	_ =	sdelay $0x4  }
0x152: {  	[tilespmem:s4+$0xF298] =	vst.add.f32.msk @p0 $0xffff, v1  }
0x153: {  	v1 =	vld @p0 [tilespmem:$0xF1F8];
	_ =	sdelay $0x3  }
0x154: {  	s5 =	sshll.u32 @!p0 s3, $0x9  }
0x155: {  	s5 =	smov.u32 @p0 s0;
	[tilespmem:s4+$0xF2A8] =	vst.add.f32.msk @p0 $0xffff, v1  }
0x156: {  	s0 =	sshrl.u32 s5, $0x2;
	[tilespmem:s2+$0xF218] =	vst.msk $0x1, v0  }
0x157: {  	v0 =	vld [tilespmem:s0+$0xF238];
	_ =	sdelay $0x2  }
0x158: {  	s31 =	sshll.u32 s2, $0x9  }
0x159: {  	s4 =	sshra.s32 s31, $0x2  }
0x15a: {  	[tilespmem:s4+$0xF238] =	vst v0  }
0x15b: {  	v0 =	vld [tilespmem:s0+$0xF248];
	_ =	sdelay $0x4  }
0x15c: {  	[tilespmem:s4+$0xF248] =	vst v0  }
0x15d: {  	v0 =	vld [tilespmem:s0+$0xF258];
	_ =	sdelay $0x4  }
0x15e: {  	[tilespmem:s4+$0xF258] =	vst v0  }
0x15f: {  	v0 =	vld [tilespmem:s0+$0xF268];
	_ =	sdelay $0x4  }
0x160: {  	[tilespmem:s4+$0xF268] =	vst v0  }
0x161: {  	v0 =	vld [tilespmem:s0+$0xF278];
	_ =	sdelay $0x4  }
0x162: {  	[tilespmem:s4+$0xF278] =	vst v0  }
0x163: {  	v0 =	vld [tilespmem:s0+$0xF288];
	_ =	sdelay $0x4  }
0x164: {  	[tilespmem:s4+$0xF288] =	vst v0  }
0x165: {  	v0 =	vld [tilespmem:s0+$0xF298];
	_ =	sdelay $0x4  }
0x166: {  	[tilespmem:s4+$0xF298] =	vst v0  }
0x167: {  	v0 =	vld [tilespmem:s0+$0xF2A8];
	_ =	sdelay $0x4  }
0x168: {  	s2 =	sadd.s32 $0x1, s2;
	[tilespmem:s4+$0xF2A8] =	vst v0  }
.LBB2_31:
0x169: {  	s3 =	sadd.s32 $0x1, s3  }
0x16a: {  	p0 =	sne.s32 s3, $0x20  }
.Ltmp18:
0x16b: {  	_ = 	snop;
	(pc) =	sbr.rel @!p0 .LBB2_32-.Ltmp18, $1  }
0x16c: {  	_ =	sdelay $0x3  }
.LBB2_24:
0x16d: {  	v0 =	vld.msk [tilespmem:s3+$0xF218], $0x1;
	_ =	sdelay $0x4  }
0x16e: {  	(v2sf) =	vpush v0, $0x0;
	_ =	sdelay $0xe  }
0x16f: {  	s4 =	spop (v2sf)  }
0x170: {  	p0 =	seq.s32 s4, $0xFFFFFFFF  }
.Ltmp19:
0x171: {  	_ = 	snop;
	(pc) =	sbr.rel @p0 .LBB2_31-.Ltmp19, $1  }
0x172: {  	_ =	sdelay $0x3  }
0x173: {  	p0 =	slt.s32 s2, $0x1  }
.Ltmp20:
0x174: {  	_ = 	snop;
	(pc) =	sbr.rel @p0 .LBB2_30-.Ltmp20, $1  }
0x175: {  	_ =	sdelay $0x3  }
0x176: {  	s5 =	simm.s32 $0xF218;
	p0 =	por $0x0, $0x0  }
0x177: {  	v1 =	vld.msk @!p0 [tilespmem:s5+$0x0], $0x1;
	_ =	sdelay $0x4  }
0x178: {  	(v2sf) =	vpush @!p0 v1, $0x0;
	_ =	sdelay $0xd  }
0x179: {  	p2 =	sne.s32 s2, $0x1  }
.Ltmp21:
0x17a: {  	s0 =	spop @!p0 (v2sf);
	(pc) =	sbr.rel @!p2 .LBB2_28-.Ltmp21, $4  }
0x17b: {  	p1 =	seq.s32 @!p0 s4, s0  }
0x17c: {  	s6 =	simm.s32 $0x0;
	p1 =	por !p1, p0  }
0x17d: {  	s0 =	simm.s32 $0xFFFFFFFF;
	s6 =	simm.s32 @p1 $0xFFFFFFFF  }
0x17e: {  	s7 =	simm.s32 $0x1;
	s6 =	smov.u32 @p0 s0  }
.LBB2_27:
0x17f: {  	s0 =	smov.u32 s6;
	p0 =	sne.s32 s6, $0xFFFFFFFF  }
0x180: {  	s5 =	sadd.s32 $0x1, s5;
	s6 =	smov.u32 s7;
	s7 =	sadd.s32 $0x1, s7  }
0x181: {  	p1 =	sne.s32 s2, s7;
	v1 =	vld.msk @!p0 [tilespmem:s5+$0x0], $0x1;
	_ =	sdelay $0x4  }
0x182: {  	(v2sf) =	vpush @!p0 v1, $0x0;
	_ =	sdelay $0xe  }
.Ltmp22:
0x183: {  	s8 =	spop @!p0 (v2sf);
	(pc) =	sbr.rel @p1 .LBB2_27-.Ltmp22, $4  }
0x184: {  	p2 =	seq.s32 @!p0 s4, s8  }
0x185: {  	p2 =	por !p2, p0  }
0x186: {  	s6 =	simm.s32 @p2 $0xFFFFFFFF  }
0x187: {  	s6 =	smov.u32 @p0 s0  }
.LBB2_28:
0x188: {  	p0 =	seq.s32 s6, $0xFFFFFFFF  }
.Ltmp23:
0x189: {  	_ = 	snop;
	(pc) =	sbr.rel @p0 .LBB2_30-.Ltmp23, $1  }
0x18a: {  	_ =	sdelay $0x3  }
0x18b: {  	s0 =	sshll.u32 s3, $0x7  }
0x18c: {  	s0 =	sand.u32 $0x3FFFFF80, s0  }
0x18d: {  	v0 =	vld [tilespmem:s0+$0xF238];
	_ =	sdelay $0x2  }
0x18e: {  	s4 =	sshll.u32 s6, $0x9  }
0x18f: {  	s4 =	sshra.s32 s4, $0x2  }
0x190: {  	[tilespmem:s4+$0xF238] =	vst.add.f32.msk $0xffff, v0  }
0x191: {  	v0 =	vld [tilespmem:s0+$0xF248];
	_ =	sdelay $0x4  }
0x192: {  	[tilespmem:s4+$0xF248] =	vst.add.f32.msk $0xffff, v0  }
0x193: {  	v0 =	vld [tilespmem:s0+$0xF258];
	_ =	sdelay $0x4  }
0x194: {  	[tilespmem:s4+$0xF258] =	vst.add.f32.msk $0xffff, v0  }
0x195: {  	v0 =	vld [tilespmem:s0+$0xF268];
	_ =	sdelay $0x4  }
0x196: {  	[tilespmem:s4+$0xF268] =	vst.add.f32.msk $0xffff, v0  }
0x197: {  	v0 =	vld [tilespmem:s0+$0xF278];
	_ =	sdelay $0x4  }
0x198: {  	[tilespmem:s4+$0xF278] =	vst.add.f32.msk $0xffff, v0  }
0x199: {  	v0 =	vld [tilespmem:s0+$0xF288];
	_ =	sdelay $0x4  }
0x19a: {  	[tilespmem:s4+$0xF288] =	vst.add.f32.msk $0xffff, v0  }
0x19b: {  	v0 =	vld [tilespmem:s0+$0xF298];
	_ =	sdelay $0x4  }
0x19c: {  	[tilespmem:s4+$0xF298] =	vst.add.f32.msk $0xffff, v0  }
0x19d: {  	v0 =	vld [tilespmem:s0+$0xF2A8]  }
.Ltmp24:
0x19e: {  	_ = 	snop;
	(pc) =	sbr.rel .LBB2_31-.Ltmp24, $2  }
0x19f: {  	_ =	sdelay $0x2  }
0x1a0: {  	[tilespmem:s4+$0xF2A8] =	vst.add.f32.msk $0xffff, v0  }
.LBB2_32:
0x1a1: {  	p0 =	slt.s32 s2, $0x1  }
.Ltmp25:
0x1a2: {  	_ = 	snop;
	(pc) =	sbr.rel @p0 .LBB2_36-.Ltmp25, $3  }
0x1a3: {  	_ =	sdelay $0x1  }
0x1a4: {  	s0 =	simm.s32 $0x6  }
0x1a5: {  	s3 =	simm.s32 $0x0;
	[sflag:s0] =	ssyncpa.u1 $0x1  }
0x1a6: {  	s0 =	simm.s32 $0xF218  }
0x1a7: {  	v0 =	vld.msk [tilespmem:s0+$0x0], $0x1;
	_ =	sdelay $0x4  }
0x1a8: {  	(v2sf) =	vpush v0, $0x0;
	_ =	sdelay $0xd  }
0x1a9: {  	s2 =	sadd.s32 $0xFFFFFFFF, s2  }
0x1aa: {  	p1 =	sne.s32 s2, $0x0;
	s0 =	spop (v2sf)  }
.Ltmp26:
0x1ab: {  	p0 =	sgt.u32 s0, $0x270F0;
	(pc) =	sbr.rel @!p1 .LBB2_35-.Ltmp26, $4  }
0x1ac: {  	s4 =	simm.s32 $0xF238;
	s5 =	sand.u32 @!p0 $0x3FFF8, s0  }
0x1ad: {  	s6 =	simm.s32 $0x0;
	s0 =	sand.u32 @!p0 $0x7, s0;
	s5 =	sadd.s32 @!p0 s1, s5  }
0x1ae: {  	[hbm4b:s5+s0] =	stream.linear.scatter @!p0 [tilespmem:s4], [sflag:$0x5], $0x80, $0x38;
	[tilespmem:$0x1F6E8] =	vst v63  }
0x1af: {  	s6 =	simm.s32 @!p0 $0x200;
	s5 =	simm.s32 $0xF219  }
.LBB2_34:
0x1b0: {  	v0 =	vld.msk [tilespmem:s5+$0x0], $0x1;
	s2 =	sadd.s32 $0xFFFFFFFF, s2;
	s3 =	sadd.s32 s3, s6  }
0x1b1: {  	p0 =	sne.s32 s2, $0x0;
	_ =	sdelay $0x3  }
0x1b2: {  	(v2sf) =	vpush v0, $0x0;
	_ =	sdelay $0xe  }
.Ltmp27:
0x1b3: {  	s0 =	spop (v2sf);
	(pc) =	sbr.rel @p0 .LBB2_34-.Ltmp27, $4  }
0x1b4: {  	s6 =	simm.s32 $0x0;
	p1 =	sgt.u32 s0, $0x270F0  }
0x1b5: {  	s4 =	sadd.s32 $0x80, s4;
	s6 =	simm.s32 @!p1 $0x200;
	s7 =	sand.u32 @!p1 $0x3FFF8, s0  }
0x1b6: {  	s5 =	sadd.s32 $0x1, s5;
	s0 =	sand.u32 @!p1 $0x7, s0;
	s7 =	sadd.s32 @!p1 s1, s7  }
0x1b7: {  	[hbm4b:s7+s0] =	stream.linear.scatter @!p1 [tilespmem:s4], [sflag:$0x5], $0x80, $0x38;
	[tilespmem:$0x1F6E8] =	vst v63  }
.LBB2_35:
0x1b8: {  	s0 =	sadd.s32 s3, s6  }
0x1b9: {  	s3 =	sshrl.u32 s0, $0x2  }
.LBB2_36:
0x1ba: {  	s0 =	simm.s32 $0x5  }
0x1bb: {  	_ =	swait.ge [sflag:s0], s3  }
0x1bc: {  	s1 =	ssub.s32 $0x0, s3;
	[sflag:s0] =	ssyncset.done $0x0  }
0x1bd: {  	[sflag:s0] =	ssyncadd.s32 s1  }
0x1be: {  	[sflag:s0] =	ssyncpa.u1 $0x1  }
0x1bf: {  	s30 =	simm.s32 $0x1;
	_ =	sfence  }
0x1c0: {  	[sflag:s30] =	ssyncpa.u1 $0x1  }
0x1c1: {  	_ =	strace $0x9000004D  }
0x1c2: {  	[bflag:$0x2] =	sbarrier.arrive $0xFFFF  }
0x1c3: {  	s31 =	rddreg [dreg:$0x4]  }
0x1c4: {  	s0 =	sadd.s32 $0x100000, s31  }
0x1c5: {  	[sflag:s0] =	ssyncadd.tile.s32 $0x1;
	_ =	shalt  }
.Lfunc_end2:
_tile_overlayer_lowered:
.L_overlay_start_2:
0x1c6: {  	(tag) =	ssettag $0x2  }
0x1c7: {  	s0 =	rddreg [dreg:$0x0];
	s2 =	stileid.u32  }
0x1c8: {  	s1 =	rddreg [dreg:$0x1];
	p0 =	sne.s32 s2, $0x0  }
0x1c9: {  	s3 =	rddreg [dreg:$0x2];
	[bflag:$0x3] =	sbarrier.arrive $0xFFFF;
	s2 =	simm.s32 @!p0 $0x1C01  }
0x1ca: {  	[timem:s3], [sflag:s2] =	dma.local @!p0 [hbm:s0], s1  }
0x1cb: {  	s0 =	simm.s32 @!p0 $0x1  }
0x1cc: {  	_ =	swait.ge @!p0 [sflag:s0], s1  }
0x1cd: {  	s1 =	ssub.s32 @!p0 $0x0, s1;
	[sflag:s0] =	ssyncset.done @!p0 $0x0  }
0x1ce: {  	[sflag:s0] =	ssyncadd.s32 @!p0 s1  }
0x1cf: {  	[bflag:$0x3] =	sbarrier.arrive $0xFFFF  }
0x1d0: {  	_ =	shalt  }

</sc_bundles>
